<compile_context>
chip_gen: v7x
topology: tpu7x:2x2x1
jax: 0.10.2.dev20260603
libtpu: 0.0.44.dev20260713+nightly
codegen_flags: <defaults>
</compile_context>

<pallas_src>
import functools

import jax
import jax.numpy as jnp
from jax import lax
from jax.experimental import pallas as pl
from jax.experimental.pallas import tpu as pltpu
from jax.experimental.pallas import tpu_sc as plsc

NC, NS = 2, 16
NW = NC * NS
CSZ = 100
NBUF = 6
GLEAD = 3
RU = 5


def _make_embed(BL, D, L, n_chunks):
    mesh = plsc.VectorSubcoreMesh(
        core_axis_name="c", subcore_axis_name="s", num_cores=NC, num_subcores=NS
    )
    rows_per_w = BL // NW
    nvec = D // 16

    @functools.partial(
        pl.kernel,
        out_type=jax.ShapeDtypeStruct((BL, D), jnp.float32),
        mesh=mesh,
        scratch_types=[
            pltpu.VMEM((n_chunks, CSZ), jnp.int32),
            pltpu.VMEM((L, D), jnp.float32),
            pltpu.VMEM((NBUF, CSZ, D), jnp.float32),
            pltpu.SemaphoreType.DMA((NBUF,)),
            pltpu.SemaphoreType.DMA((NBUF,)),
        ],
        compiler_params=pltpu.CompilerParams(use_tc_tiling_on_sc=False),
    )
    def k(idx_hbm, word_hbm, pos_hbm, out_hbm, idx_v, pos_v, bufs, gsem, osem):
        wid = lax.axis_index("s") * NC + lax.axis_index("c")
        base = wid * rows_per_w
        pltpu.sync_copy(idx_hbm.at[wid], idx_v)

        def issue_g(c, b):
            pltpu.async_copy(word_hbm.at[idx_v.at[c]], bufs.at[b], gsem.at[b])

        def wait_g(b):
            pltpu.make_async_copy(
                word_hbm.at[idx_v.at[0]], bufs.at[b], gsem.at[b]
            ).wait()

        def issue_o(c, b):
            pltpu.async_copy(
                bufs.at[b], out_hbm.at[pl.ds(base + c * CSZ, CSZ)], osem.at[b]
            )

        def wait_o(b):
            pltpu.make_async_copy(
                bufs.at[b], out_hbm.at[pl.ds(base, CSZ)], osem.at[b]
            ).wait()

        def add_pos(c, b):
            off = (c * CSZ) % L

            def row(r0, _):
                for u in range(RU):
                    r = r0 * RU + u
                    for j in range(nvec):
                        x = pos_v[off + r, pl.ds(j * 16, 16)]
                        plsc.addupdate(bufs.at[b, r, pl.ds(j * 16, 16)], x)
                return 0

            lax.fori_loop(0, CSZ // RU, row, 0)

        for b in range(GLEAD):
            issue_g(b, b)
        pltpu.sync_copy(pos_hbm, pos_v)

        def chunk(c, b):
            wait_g(b)
            add_pos(c, b)
            issue_o(c, b)
            b2 = (b + GLEAD) % NBUF

            @pl.when(jnp.logical_and(c >= NBUF - GLEAD, c + GLEAD < n_chunks))
            def _():
                wait_o(b2)

            @pl.when(c + GLEAD < n_chunks)
            def _():
                issue_g(c + GLEAD, b2)

        n_iters = -(-n_chunks // NBUF)

        def body(h, _):
            for r in range(NBUF):
                c = h * NBUF + r

                @pl.when(c < n_chunks)
                def _():
                    chunk(c, r)

            return 0

        lax.fori_loop(0, n_iters, body, 0)
        for b in range(NBUF):
            wait_o(b)

    return k


def kernel(sequence, sequence_char, word_table, pos_table):
    del sequence_char
    B, L = sequence.shape
    D = word_table.shape[1]
    BL = B * L
    rows_per_w = BL // NW
    n_chunks = rows_per_w // CSZ
    idx = sequence.astype(jnp.int32).reshape(NW, n_chunks, CSZ)
    out = _make_embed(BL, D, L, n_chunks)(
        idx, word_table, pos_table[:L].astype(jnp.float32)
    )
    return out.reshape(B, L, D)

# --- scband reference (transcript-rebuilt; emitter-appended) ---
"""Pipeline reference for scband-embedder-50611894616651 (READ-ONLY COPY).

The authoritative reference and input builder live on the scoring server;
editing this copy changes nothing except your own understanding.
"""

import jax, jax.numpy as jnp
import numpy as np

B, L, V, D, MAX_SRC_LEN = 1024, 200, 100000, 128, 200

def setup_inputs(seed: int = 0) -> dict:
    key = jax.random.key(seed)
    k1, k2, k3, k4 = jax.random.split(key, 4)
    sequence = jax.random.randint(k1, (B, L), 0, V)
    sequence_char = jax.random.randint(k2, (B, L, 16), 0, 100)
    word_table = jax.random.normal(k3, (V, D), dtype=jnp.float32) * 0.02
    pos_table = jax.random.normal(k4, (MAX_SRC_LEN, D), dtype=jnp.float32) * 0.02
    return {"sequence": sequence, "sequence_char": sequence_char, "word_table": word_table, "pos_table": pos_table}

def reference(sequence, sequence_char, word_table, pos_table):
    # use_src_word path: Embeddings over [B, L, 1] features -> sum over single feature == plain gather
    word_rep = jnp.take(word_table, sequence, axis=0)  # [B, L, D]
    # src_pos_emb with no relative positions: absolute learned positional embedding
    pos_enc = jnp.arange(word_rep.shape[1])
    pos_rep = jnp.take(pos_table, pos_enc, axis=0)  # [L, D]
    word_rep = word_rep + pos_rep[None, :, :]
    # dropout_emb = 0.0 -> identity in eval semantics
    return word_rep

if __name__ == "__main__":
    import jax
    _d = setup_inputs()
    print(jax.jit(kernel)(*tuple(_d.values())))

</pallas_src>

<mosaic_0001>
#map = affine_map<(d0, d1) -> (0, 0, 0)>
#map1 = affine_map<(d0, d1) -> (0, 0)>
module attributes {stable_mosaic.version = 14 : i64} {
  func.func @k(%arg0: i32, %arg1: i32, %arg2: memref<32x64x100xi32, #tpu.memory_space<hbm>>, %arg3: memref<100000x128xf32, #tpu.memory_space<hbm>>, %arg4: memref<200x128xf32, #tpu.memory_space<hbm>>, %arg5: memref<204800x128xf32, #tpu.memory_space<hbm>>, %arg6: memref<64x100xi32, #tpu.memory_space<vmem>>, %arg7: memref<200x128xf32, #tpu.memory_space<vmem>>, %arg8: memref<6x100x128xf32, #tpu.memory_space<vmem>>, %arg9: memref<6x!tpu.dma_semaphore, #tpu.memory_space<semaphore_mem>>, %arg10: memref<6x!tpu.dma_semaphore, #tpu.memory_space<semaphore_mem>>) attributes {dimension_semantics = [#tpu.dimension_semantics<core_parallel>, #tpu.dimension_semantics<subcore_parallel>], iteration_bounds = array<i64: 2, 16>, scalar_prefetch = 0 : i64, scratch_operands = 5 : i64, tpu.core_type = #tpu.core_type<sc_vector_subcore>, window_params = [{transform_indices = #map}, {transform_indices = #map1}, {transform_indices = #map1}, {transform_indices = #map1}]} {
    %mul3A = arith.constant 2 : i32
    %mul3A_0 = arith.muli %arg1, %mul3A : i32
    %add3A = arith.addi %mul3A_0, %arg0 : i32
    %mul3A_1 = arith.constant 6400 : i32
    %mul3A_2 = arith.muli %add3A, %mul3A_1 : i32
    "tpu.region"() ({
      %run_scoped3A = tpu.sem_alloc : memref<!tpu.dma_semaphore, #tpu.memory_space<semaphore_mem>>
      %dma_start3A_148 = arith.constant 0 : i32
      %dma_start3A_149 = arith.constant 0 : i32
      %dma_start3A_150 = tpu.memref_slice %arg2[%add3A, %dma_start3A_148, %dma_start3A_149] : memref<32x64x100xi32, #tpu.memory_space<hbm>> -> memref<1x64x100xi32, #tpu.memory_space<hbm>>
      %dma_start3A_151 = tpu.memref_squeeze %dma_start3A_150 : memref<1x64x100xi32, #tpu.memory_space<hbm>> -> memref<64x100xi32, #tpu.memory_space<hbm>>
      %dma_start3A_152 = arith.constant 0 : i32
      %dma_start3A_153 = arith.constant 0 : i32
      %dma_start3A_154 = tpu.memref_slice %arg2[%add3A, %dma_start3A_152, %dma_start3A_153] : memref<32x64x100xi32, #tpu.memory_space<hbm>> -> memref<1x64x100xi32, #tpu.memory_space<hbm>>
      %dma_start3A_155 = tpu.memref_squeeze %dma_start3A_154 : memref<1x64x100xi32, #tpu.memory_space<hbm>> -> memref<64x100xi32, #tpu.memory_space<hbm>>
      tpu.enqueue_dma source(%dma_start3A_155 : memref<64x100xi32, #tpu.memory_space<hbm>>) target(%arg6 : memref<64x100xi32, #tpu.memory_space<vmem>>) target_semaphore(%run_scoped3A : memref<!tpu.dma_semaphore, #tpu.memory_space<semaphore_mem>>)
      %dma_wait3A_156 = arith.constant 0 : i32
      %dma_wait3A_157 = arith.constant 0 : i32
      %dma_wait3A_158 = tpu.memref_slice %arg2[%add3A, %dma_wait3A_156, %dma_wait3A_157] : memref<32x64x100xi32, #tpu.memory_space<hbm>> -> memref<1x64x100xi32, #tpu.memory_space<hbm>>
      %dma_wait3A_159 = tpu.memref_squeeze %dma_wait3A_158 : memref<1x64x100xi32, #tpu.memory_space<hbm>> -> memref<64x100xi32, #tpu.memory_space<hbm>>
      %dma_wait3A_160 = arith.constant 0 : i32
      %dma_wait3A_161 = arith.constant 0 : i32
      %dma_wait3A_162 = tpu.memref_slice %arg2[%add3A, %dma_wait3A_160, %dma_wait3A_161] : memref<32x64x100xi32, #tpu.memory_space<hbm>> -> memref<1x64x100xi32, #tpu.memory_space<hbm>>
      %dma_wait3A_163 = tpu.memref_squeeze %dma_wait3A_162 : memref<1x64x100xi32, #tpu.memory_space<hbm>> -> memref<64x100xi32, #tpu.memory_space<hbm>>
      tpu.wait_dma2 semaphore(%run_scoped3A : memref<!tpu.dma_semaphore, #tpu.memory_space<semaphore_mem>>) src(%dma_wait3A_163 : memref<64x100xi32, #tpu.memory_space<hbm>>) dst(%arg6 : memref<64x100xi32, #tpu.memory_space<vmem>>)
      tpu.yield
    }) : () -> ()
    %dma_start3A = arith.constant 0 : i32
    %dma_start3A_3 = arith.constant 0 : i32
    %dma_start3A_4 = arith.constant 0 : i32
    %dma_start3A_5 = arith.constant 0 : i32
    %dma_start3A_6 = arith.constant 0 : i32
    %dma_start3A_7 = tpu.memref_slice %arg8[%dma_start3A_3, %dma_start3A_5, %dma_start3A_6] : memref<6x100x128xf32, #tpu.memory_space<vmem>> -> memref<1x100x128xf32, #tpu.memory_space<vmem>>
    %dma_start3A_8 = tpu.memref_squeeze %dma_start3A_7 : memref<1x100x128xf32, #tpu.memory_space<vmem>> -> memref<100x128xf32, #tpu.memory_space<vmem>>
    %dma_start3A_9 = arith.constant 0 : i32
    %dma_start3A_10 = tpu.memref_slice %arg6[%dma_start3A, %dma_start3A_9] : memref<64x100xi32, #tpu.memory_space<vmem>> -> memref<1x100xi32, #tpu.memory_space<vmem>>
    %dma_start3A_11 = tpu.memref_squeeze %dma_start3A_10 : memref<1x100xi32, #tpu.memory_space<vmem>> -> memref<100xi32, #tpu.memory_space<vmem>>
    %dma_start3A_12 = arith.constant 0 : i32
    %dma_start3A_13 = arith.constant 0 : i32
    %dma_start3A_14 = tpu.memref_slice %arg3[%dma_start3A_12, %dma_start3A_13] : memref<100000x128xf32, #tpu.memory_space<hbm>> -> memref<100000x128xf32, #tpu.memory_space<hbm>>
    %dma_start3A_15 = tpu.memref_slice %arg9[%dma_start3A_4] : memref<6x!tpu.dma_semaphore, #tpu.memory_space<semaphore_mem>> -> memref<1x!tpu.dma_semaphore, #tpu.memory_space<semaphore_mem>>
    %dma_start3A_16 = tpu.memref_squeeze %dma_start3A_15 : memref<1x!tpu.dma_semaphore, #tpu.memory_space<semaphore_mem>> -> memref<!tpu.dma_semaphore, #tpu.memory_space<semaphore_mem>>
    tpu.enqueue_indirect_dma source(%dma_start3A_14 : memref<100000x128xf32, #tpu.memory_space<hbm>>) target(%dma_start3A_8 : memref<100x128xf32, #tpu.memory_space<vmem>>) offsets(%dma_start3A_11 : memref<100xi32, #tpu.memory_space<vmem>>) semaphore(%dma_start3A_16 : memref<!tpu.dma_semaphore, #tpu.memory_space<semaphore_mem>>)
    %dma_start3A_17 = arith.constant 1 : i32
    %dma_start3A_18 = arith.constant 1 : i32
    %dma_start3A_19 = arith.constant 1 : i32
    %dma_start3A_20 = arith.constant 0 : i32
    %dma_start3A_21 = arith.constant 0 : i32
    %dma_start3A_22 = tpu.memref_slice %arg8[%dma_start3A_18, %dma_start3A_20, %dma_start3A_21] : memref<6x100x128xf32, #tpu.memory_space<vmem>> -> memref<1x100x128xf32, #tpu.memory_space<vmem>>
    %dma_start3A_23 = tpu.memref_squeeze %dma_start3A_22 : memref<1x100x128xf32, #tpu.memory_space<vmem>> -> memref<100x128xf32, #tpu.memory_space<vmem>>
    %dma_start3A_24 = arith.constant 0 : i32
    %dma_start3A_25 = tpu.memref_slice %arg6[%dma_start3A_17, %dma_start3A_24] : memref<64x100xi32, #tpu.memory_space<vmem>> -> memref<1x100xi32, #tpu.memory_space<vmem>>
    %dma_start3A_26 = tpu.memref_squeeze %dma_start3A_25 : memref<1x100xi32, #tpu.memory_space<vmem>> -> memref<100xi32, #tpu.memory_space<vmem>>
    %dma_start3A_27 = arith.constant 0 : i32
    %dma_start3A_28 = arith.constant 0 : i32
    %dma_start3A_29 = tpu.memref_slice %arg3[%dma_start3A_27, %dma_start3A_28] : memref<100000x128xf32, #tpu.memory_space<hbm>> -> memref<100000x128xf32, #tpu.memory_space<hbm>>
    %dma_start3A_30 = tpu.memref_slice %arg9[%dma_start3A_19] : memref<6x!tpu.dma_semaphore, #tpu.memory_space<semaphore_mem>> -> memref<1x!tpu.dma_semaphore, #tpu.memory_space<semaphore_mem>>
    %dma_start3A_31 = tpu.memref_squeeze %dma_start3A_30 : memref<1x!tpu.dma_semaphore, #tpu.memory_space<semaphore_mem>> -> memref<!tpu.dma_semaphore, #tpu.memory_space<semaphore_mem>>
    tpu.enqueue_indirect_dma source(%dma_start3A_29 : memref<100000x128xf32, #tpu.memory_space<hbm>>) target(%dma_start3A_23 : memref<100x128xf32, #tpu.memory_space<vmem>>) offsets(%dma_start3A_26 : memref<100xi32, #tpu.memory_space<vmem>>) semaphore(%dma_start3A_31 : memref<!tpu.dma_semaphore, #tpu.memory_space<semaphore_mem>>)
    %dma_start3A_32 = arith.constant 2 : i32
    %dma_start3A_33 = arith.constant 2 : i32
    %dma_start3A_34 = arith.constant 2 : i32
    %dma_start3A_35 = arith.constant 0 : i32
    %dma_start3A_36 = arith.constant 0 : i32
    %dma_start3A_37 = tpu.memref_slice %arg8[%dma_start3A_33, %dma_start3A_35, %dma_start3A_36] : memref<6x100x128xf32, #tpu.memory_space<vmem>> -> memref<1x100x128xf32, #tpu.memory_space<vmem>>
    %dma_start3A_38 = tpu.memref_squeeze %dma_start3A_37 : memref<1x100x128xf32, #tpu.memory_space<vmem>> -> memref<100x128xf32, #tpu.memory_space<vmem>>
    %dma_start3A_39 = arith.constant 0 : i32
    %dma_start3A_40 = tpu.memref_slice %arg6[%dma_start3A_32, %dma_start3A_39] : memref<64x100xi32, #tpu.memory_space<vmem>> -> memref<1x100xi32, #tpu.memory_space<vmem>>
    %dma_start3A_41 = tpu.memref_squeeze %dma_start3A_40 : memref<1x100xi32, #tpu.memory_space<vmem>> -> memref<100xi32, #tpu.memory_space<vmem>>
    %dma_start3A_42 = arith.constant 0 : i32
    %dma_start3A_43 = arith.constant 0 : i32
    %dma_start3A_44 = tpu.memref_slice %arg3[%dma_start3A_42, %dma_start3A_43] : memref<100000x128xf32, #tpu.memory_space<hbm>> -> memref<100000x128xf32, #tpu.memory_space<hbm>>
    %dma_start3A_45 = tpu.memref_slice %arg9[%dma_start3A_34] : memref<6x!tpu.dma_semaphore, #tpu.memory_space<semaphore_mem>> -> memref<1x!tpu.dma_semaphore, #tpu.memory_space<semaphore_mem>>
    %dma_start3A_46 = tpu.memref_squeeze %dma_start3A_45 : memref<1x!tpu.dma_semaphore, #tpu.memory_space<semaphore_mem>> -> memref<!tpu.dma_semaphore, #tpu.memory_space<semaphore_mem>>
    tpu.enqueue_indirect_dma source(%dma_start3A_44 : memref<100000x128xf32, #tpu.memory_space<hbm>>) target(%dma_start3A_38 : memref<100x128xf32, #tpu.memory_space<vmem>>) offsets(%dma_start3A_41 : memref<100xi32, #tpu.memory_space<vmem>>) semaphore(%dma_start3A_46 : memref<!tpu.dma_semaphore, #tpu.memory_space<semaphore_mem>>)
    "tpu.region"() ({
      %run_scoped3A = tpu.sem_alloc : memref<!tpu.dma_semaphore, #tpu.memory_space<semaphore_mem>>
      tpu.enqueue_dma source(%arg4 : memref<200x128xf32, #tpu.memory_space<hbm>>) target(%arg7 : memref<200x128xf32, #tpu.memory_space<vmem>>) target_semaphore(%run_scoped3A : memref<!tpu.dma_semaphore, #tpu.memory_space<semaphore_mem>>)
      tpu.wait_dma2 semaphore(%run_scoped3A : memref<!tpu.dma_semaphore, #tpu.memory_space<semaphore_mem>>) src(%arg4 : memref<200x128xf32, #tpu.memory_space<hbm>>) dst(%arg7 : memref<200x128xf32, #tpu.memory_space<vmem>>)
      tpu.yield
    }) : () -> ()
    %scan3A = arith.constant 0 : i32
    %scan3A_47 = arith.constant 0 : i32
    %scan3A_48 = arith.constant 11 : i32
    %scan3A_49 = arith.addi %scan3A_47, %scan3A_48 : i32
    %scan3A_50 = arith.constant 1 : i32
    %scan3A_51 = scf.for %scan3A_148 = %scan3A_47 to %scan3A_49 step %scan3A_50 iter_args(%scan3A_149 = %scan3A) -> (i32)  : i32 {
      %mul3A_150 = arith.constant 6 : i32
      %mul3A_151 = arith.muli %scan3A_148, %mul3A_150 : i32
      %add3A_152 = arith.constant 0 : i32
      %add3A_153 = arith.addi %mul3A_151, %add3A_152 : i32
      %lt3A = arith.constant 64 : i32
      %lt3A_154 = arith.cmpi slt, %add3A_153, %lt3A : i32
      %convert_element_type3A = arith.extui %lt3A_154 : i1 to i32
      %cond3A = arith.constant 0 : i32
      %cond3A_155 = arith.cmpi ne, %convert_element_type3A, %cond3A : i32
      scf.if %cond3A_155 {
        %dma_wait3A_202 = arith.constant 0 : i32
        %dma_wait3A_203 = arith.constant 0 : i32
        %dma_wait3A_204 = arith.constant 0 : i32
        %dma_wait3A_205 = arith.constant 0 : i32
        %dma_wait3A_206 = arith.constant 0 : i32
        %dma_wait3A_207 = tpu.memref_slice %arg8[%dma_wait3A_203, %dma_wait3A_205, %dma_wait3A_206] : memref<6x100x128xf32, #tpu.memory_space<vmem>> -> memref<1x100x128xf32, #tpu.memory_space<vmem>>
        %dma_wait3A_208 = tpu.memref_squeeze %dma_wait3A_207 : memref<1x100x128xf32, #tpu.memory_space<vmem>> -> memref<100x128xf32, #tpu.memory_space<vmem>>
        %dma_wait3A_209 = arith.constant 0 : i32
        %dma_wait3A_210 = tpu.memref_slice %arg6[%dma_wait3A_202, %dma_wait3A_209] : memref<64x100xi32, #tpu.memory_space<vmem>> -> memref<1x100xi32, #tpu.memory_space<vmem>>
        %dma_wait3A_211 = tpu.memref_squeeze %dma_wait3A_210 : memref<1x100xi32, #tpu.memory_space<vmem>> -> memref<100xi32, #tpu.memory_space<vmem>>
        %dma_wait3A_212 = arith.constant 0 : i32
        %dma_wait3A_213 = arith.constant 0 : i32
        %dma_wait3A_214 = tpu.memref_slice %arg3[%dma_wait3A_212, %dma_wait3A_213] : memref<100000x128xf32, #tpu.memory_space<hbm>> -> memref<100000x128xf32, #tpu.memory_space<hbm>>
        %dma_wait3A_215 = tpu.memref_slice %arg9[%dma_wait3A_204] : memref<6x!tpu.dma_semaphore, #tpu.memory_space<semaphore_mem>> -> memref<1x!tpu.dma_semaphore, #tpu.memory_space<semaphore_mem>>
        %dma_wait3A_216 = tpu.memref_squeeze %dma_wait3A_215 : memref<1x!tpu.dma_semaphore, #tpu.memory_space<semaphore_mem>> -> memref<!tpu.dma_semaphore, #tpu.memory_space<semaphore_mem>>
        tpu.wait_indirect_dma semaphore(%dma_wait3A_216 : memref<!tpu.dma_semaphore, #tpu.memory_space<semaphore_mem>>) src(%dma_wait3A_214 : memref<100000x128xf32, #tpu.memory_space<hbm>>) dst(%dma_wait3A_208 : memref<100x128xf32, #tpu.memory_space<vmem>>)
        %mul3A_217 = arith.constant 100 : i32
        %mul3A_218 = arith.muli %add3A_153, %mul3A_217 : i32
        %jit3A = arith.constant 200 : i32
        %eq3A = arith.constant 0 : i32
        %eq3A_219 = arith.cmpi eq, %jit3A, %eq3A : i32
        %jit3A_220 = arith.constant 1 : i32
        %select_n3A = arith.select %eq3A_219, %jit3A_220, %jit3A : i32
        %rem3A = arith.remsi %mul3A_218, %select_n3A : i32
        %ne3A = arith.constant 0 : i32
        %ne3A_221 = arith.cmpi ne, %rem3A, %ne3A : i32
        %lt3A_222 = arith.constant 0 : i32
        %lt3A_223 = arith.cmpi slt, %rem3A, %lt3A_222 : i32
        %lt3A_224 = arith.constant 0 : i32
        %lt3A_225 = arith.cmpi slt, %select_n3A, %lt3A_224 : i32
        %ne3A_226 = arith.xori %lt3A_223, %lt3A_225 : i1
        %and3A = arith.andi %ne3A_226, %ne3A_221 : i1
        %add3A_227 = arith.addi %rem3A, %select_n3A : i32
        %select_n3A_228 = arith.select %and3A, %add3A_227, %rem3A : i32
        %scan3A_229 = arith.constant 0 : i32
        %scan3A_230 = arith.constant 0 : i32
        %scan3A_231 = arith.constant 20 : i32
        %scan3A_232 = arith.addi %scan3A_230, %scan3A_231 : i32
        %scan3A_233 = arith.constant 1 : i32
        %scan3A_234 = scf.for %scan3A_271 = %scan3A_230 to %scan3A_232 step %scan3A_233 iter_args(%scan3A_272 = %scan3A_229) -> (i32)  : i32 {
          %mul3A_273 = arith.constant 5 : i32
          %mul3A_274 = arith.muli %scan3A_271, %mul3A_273 : i32
          %add3A_275 = arith.constant 0 : i32
          %add3A_276 = arith.addi %mul3A_274, %add3A_275 : i32
          %add3A_277 = arith.addi %select_n3A_228, %add3A_276 : i32
          %get3A = arith.index_cast %add3A_277 : i32 to index
          %get3A_278 = arith.constant 0 : index
          %get3A_279 = tpu.vector_load %arg7[%get3A, %get3A_278] {strides = array<i32>} : memref<200x128xf32, #tpu.memory_space<vmem>>, vector<1x16xf32>,
          %get3A_280 = vector.shape_cast %get3A_279 : vector<1x16xf32> to vector<16xf32>
          %swap3A = arith.constant 0 : i32
          %swap3A_281 = arith.index_cast %swap3A : i32 to index
          %swap3A_282 = arith.index_cast %add3A_276 : i32 to index
          %swap3A_283 = arith.constant 0 : index
          %swap3A_284 = tpu.vector_load %arg8[%swap3A_281, %swap3A_282, %swap3A_283] {strides = array<i32>} : memref<6x100x128xf32, #tpu.memory_space<vmem>>, vector<1x1x16xf32>,
          %swap3A_285 = vector.shape_cast %swap3A_284 : vector<1x1x16xf32> to vector<16xf32>
          %swap3A_286 = vector.shape_cast %get3A_280 : vector<16xf32> to vector<1x1x16xf32>
          tpu.vector_store %arg8[%swap3A_281, %swap3A_282, %swap3A_283], %swap3A_286 {add = true, strides = array<i32>} : memref<6x100x128xf32, #tpu.memory_space<vmem>>, vector<1x1x16xf32>,
          %add3A_287 = arith.addi %select_n3A_228, %add3A_276 : i32
          %get3A_288 = arith.index_cast %add3A_287 : i32 to index
          %get3A_289 = arith.constant 16 : index
          %get3A_290 = tpu.vector_load %arg7[%get3A_288, %get3A_289] {strides = array<i32>} : memref<200x128xf32, #tpu.memory_space<vmem>>, vector<1x16xf32>,
          %get3A_291 = vector.shape_cast %get3A_290 : vector<1x16xf32> to vector<16xf32>
          %swap3A_292 = arith.constant 0 : i32
          %swap3A_293 = arith.index_cast %swap3A_292 : i32 to index
          %swap3A_294 = arith.index_cast %add3A_276 : i32 to index
          %swap3A_295 = arith.constant 16 : index
          %swap3A_296 = tpu.vector_load %arg8[%swap3A_293, %swap3A_294, %swap3A_295] {strides = array<i32>} : memref<6x100x128xf32, #tpu.memory_space<vmem>>, vector<1x1x16xf32>,
          %swap3A_297 = vector.shape_cast %swap3A_296 : vector<1x1x16xf32> to vector<16xf32>
          %swap3A_298 = vector.shape_cast %get3A_291 : vector<16xf32> to vector<1x1x16xf32>
          tpu.vector_store %arg8[%swap3A_293, %swap3A_294, %swap3A_295], %swap3A_298 {add = true, strides = array<i32>} : memref<6x100x128xf32, #tpu.memory_space<vmem>>, vector<1x1x16xf32>,
          %add3A_299 = arith.addi %select_n3A_228, %add3A_276 : i32
          %get3A_300 = arith.index_cast %add3A_299 : i32 to index
          %get3A_301 = arith.constant 32 : index
          %get3A_302 = tpu.vector_load %arg7[%get3A_300, %get3A_301] {strides = array<i32>} : memref<200x128xf32, #tpu.memory_space<vmem>>, vector<1x16xf32>,
          %get3A_303 = vector.shape_cast %get3A_302 : vector<1x16xf32> to vector<16xf32>
          %swap3A_304 = arith.constant 0 : i32
          %swap3A_305 = arith.index_cast %swap3A_304 : i32 to index
          %swap3A_306 = arith.index_cast %add3A_276 : i32 to index
          %swap3A_307 = arith.constant 32 : index
          %swap3A_308 = tpu.vector_load %arg8[%swap3A_305, %swap3A_306, %swap3A_307] {strides = array<i32>} : memref<6x100x128xf32, #tpu.memory_space<vmem>>, vector<1x1x16xf32>,
          %swap3A_309 = vector.shape_cast %swap3A_308 : vector<1x1x16xf32> to vector<16xf32>
          %swap3A_310 = vector.shape_cast %get3A_303 : vector<16xf32> to vector<1x1x16xf32>
          tpu.vector_store %arg8[%swap3A_305, %swap3A_306, %swap3A_307], %swap3A_310 {add = true, strides = array<i32>} : memref<6x100x128xf32, #tpu.memory_space<vmem>>, vector<1x1x16xf32>,
          %add3A_311 = arith.addi %select_n3A_228, %add3A_276 : i32
          %get3A_312 = arith.index_cast %add3A_311 : i32 to index
          %get3A_313 = arith.constant 48 : index
          %get3A_314 = tpu.vector_load %arg7[%get3A_312, %get3A_313] {strides = array<i32>} : memref<200x128xf32, #tpu.memory_space<vmem>>, vector<1x16xf32>,
          %get3A_315 = vector.shape_cast %get3A_314 : vector<1x16xf32> to vector<16xf32>
          %swap3A_316 = arith.constant 0 : i32
          %swap3A_317 = arith.index_cast %swap3A_316 : i32 to index
          %swap3A_318 = arith.index_cast %add3A_276 : i32 to index
          %swap3A_319 = arith.constant 48 : index
          %swap3A_320 = tpu.vector_load %arg8[%swap3A_317, %swap3A_318, %swap3A_319] {strides = array<i32>} : memref<6x100x128xf32, #tpu.memory_space<vmem>>, vector<1x1x16xf32>,
          %swap3A_321 = vector.shape_cast %swap3A_320 : vector<1x1x16xf32> to vector<16xf32>
          %swap3A_322 = vector.shape_cast %get3A_315 : vector<16xf32> to vector<1x1x16xf32>
          tpu.vector_store %arg8[%swap3A_317, %swap3A_318, %swap3A_319], %swap3A_322 {add = true, strides = array<i32>} : memref<6x100x128xf32, #tpu.memory_space<vmem>>, vector<1x1x16xf32>,
          %add3A_323 = arith.addi %select_n3A_228, %add3A_276 : i32
          %get3A_324 = arith.index_cast %add3A_323 : i32 to index
          %get3A_325 = arith.constant 64 : index
          %get3A_326 = tpu.vector_load %arg7[%get3A_324, %get3A_325] {strides = array<i32>} : memref<200x128xf32, #tpu.memory_space<vmem>>, vector<1x16xf32>,
          %get3A_327 = vector.shape_cast %get3A_326 : vector<1x16xf32> to vector<16xf32>
          %swap3A_328 = arith.constant 0 : i32
          %swap3A_329 = arith.index_cast %swap3A_328 : i32 to index
          %swap3A_330 = arith.index_cast %add3A_276 : i32 to index
          %swap3A_331 = arith.constant 64 : index
          %swap3A_332 = tpu.vector_load %arg8[%swap3A_329, %swap3A_330, %swap3A_331] {strides = array<i32>} : memref<6x100x128xf32, #tpu.memory_space<vmem>>, vector<1x1x16xf32>,
          %swap3A_333 = vector.shape_cast %swap3A_332 : vector<1x1x16xf32> to vector<16xf32>
          %swap3A_334 = vector.shape_cast %get3A_327 : vector<16xf32> to vector<1x1x16xf32>
          tpu.vector_store %arg8[%swap3A_329, %swap3A_330, %swap3A_331], %swap3A_334 {add = true, strides = array<i32>} : memref<6x100x128xf32, #tpu.memory_space<vmem>>, vector<1x1x16xf32>,
          %add3A_335 = arith.addi %select_n3A_228, %add3A_276 : i32
          %get3A_336 = arith.index_cast %add3A_335 : i32 to index
          %get3A_337 = arith.constant 80 : index
          %get3A_338 = tpu.vector_load %arg7[%get3A_336, %get3A_337] {strides = array<i32>} : memref<200x128xf32, #tpu.memory_space<vmem>>, vector<1x16xf32>,
          %get3A_339 = vector.shape_cast %get3A_338 : vector<1x16xf32> to vector<16xf32>
          %swap3A_340 = arith.constant 0 : i32
          %swap3A_341 = arith.index_cast %swap3A_340 : i32 to index
          %swap3A_342 = arith.index_cast %add3A_276 : i32 to index
          %swap3A_343 = arith.constant 80 : index
          %swap3A_344 = tpu.vector_load %arg8[%swap3A_341, %swap3A_342, %swap3A_343] {strides = array<i32>} : memref<6x100x128xf32, #tpu.memory_space<vmem>>, vector<1x1x16xf32>,
          %swap3A_345 = vector.shape_cast %swap3A_344 : vector<1x1x16xf32> to vector<16xf32>
          %swap3A_346 = vector.shape_cast %get3A_339 : vector<16xf32> to vector<1x1x16xf32>
          tpu.vector_store %arg8[%swap3A_341, %swap3A_342, %swap3A_343], %swap3A_346 {add = true, strides = array<i32>} : memref<6x100x128xf32, #tpu.memory_space<vmem>>, vector<1x1x16xf32>,
          %add3A_347 = arith.addi %select_n3A_228, %add3A_276 : i32
          %get3A_348 = arith.index_cast %add3A_347 : i32 to index
          %get3A_349 = arith.constant 96 : index
          %get3A_350 = tpu.vector_load %arg7[%get3A_348, %get3A_349] {strides = array<i32>} : memref<200x128xf32, #tpu.memory_space<vmem>>, vector<1x16xf32>,
          %get3A_351 = vector.shape_cast %get3A_350 : vector<1x16xf32> to vector<16xf32>
          %swap3A_352 = arith.constant 0 : i32
          %swap3A_353 = arith.index_cast %swap3A_352 : i32 to index
          %swap3A_354 = arith.index_cast %add3A_276 : i32 to index
          %swap3A_355 = arith.constant 96 : index
          %swap3A_356 = tpu.vector_load %arg8[%swap3A_353, %swap3A_354, %swap3A_355] {strides = array<i32>} : memref<6x100x128xf32, #tpu.memory_space<vmem>>, vector<1x1x16xf32>,
          %swap3A_357 = vector.shape_cast %swap3A_356 : vector<1x1x16xf32> to vector<16xf32>
          %swap3A_358 = vector.shape_cast %get3A_351 : vector<16xf32> to vector<1x1x16xf32>
          tpu.vector_store %arg8[%swap3A_353, %swap3A_354, %swap3A_355], %swap3A_358 {add = true, strides = array<i32>} : memref<6x100x128xf32, #tpu.memory_space<vmem>>, vector<1x1x16xf32>,
          %add3A_359 = arith.addi %select_n3A_228, %add3A_276 : i32
          %get3A_360 = arith.index_cast %add3A_359 : i32 to index
          %get3A_361 = arith.constant 112 : index
          %get3A_362 = tpu.vector_load %arg7[%get3A_360, %get3A_361] {strides = array<i32>} : memref<200x128xf32, #tpu.memory_space<vmem>>, vector<1x16xf32>,
          %get3A_363 = vector.shape_cast %get3A_362 : vector<1x16xf32> to vector<16xf32>
          %swap3A_364 = arith.constant 0 : i32
          %swap3A_365 = arith.index_cast %swap3A_364 : i32 to index
          %swap3A_366 = arith.index_cast %add3A_276 : i32 to index
          %swap3A_367 = arith.constant 112 : index
          %swap3A_368 = tpu.vector_load %arg8[%swap3A_365, %swap3A_366, %swap3A_367] {strides = array<i32>} : memref<6x100x128xf32, #tpu.memory_space<vmem>>, vector<1x1x16xf32>,
          %swap3A_369 = vector.shape_cast %swap3A_368 : vector<1x1x16xf32> to vector<16xf32>
          %swap3A_370 = vector.shape_cast %get3A_363 : vector<16xf32> to vector<1x1x16xf32>
          tpu.vector_store %arg8[%swap3A_365, %swap3A_366, %swap3A_367], %swap3A_370 {add = true, strides = array<i32>} : memref<6x100x128xf32, #tpu.memory_space<vmem>>, vector<1x1x16xf32>,
          %mul3A_371 = arith.constant 5 : i32
          %mul3A_372 = arith.muli %scan3A_271, %mul3A_371 : i32
          %add3A_373 = arith.constant 1 : i32
          %add3A_374 = arith.addi %mul3A_372, %add3A_373 : i32
          %add3A_375 = arith.addi %select_n3A_228, %add3A_374 : i32
          %get3A_376 = arith.index_cast %add3A_375 : i32 to index
          %get3A_377 = arith.constant 0 : index
          %get3A_378 = tpu.vector_load %arg7[%get3A_376, %get3A_377] {strides = array<i32>} : memref<200x128xf32, #tpu.memory_space<vmem>>, vector<1x16xf32>,
          %get3A_379 = vector.shape_cast %get3A_378 : vector<1x16xf32> to vector<16xf32>
          %swap3A_380 = arith.constant 0 : i32
          %swap3A_381 = arith.index_cast %swap3A_380 : i32 to index
          %swap3A_382 = arith.index_cast %add3A_374 : i32 to index
          %swap3A_383 = arith.constant 0 : index
          %swap3A_384 = tpu.vector_load %arg8[%swap3A_381, %swap3A_382, %swap3A_383] {strides = array<i32>} : memref<6x100x128xf32, #tpu.memory_space<vmem>>, vector<1x1x16xf32>,
          %swap3A_385 = vector.shape_cast %swap3A_384 : vector<1x1x16xf32> to vector<16xf32>
          %swap3A_386 = vector.shape_cast %get3A_379 : vector<16xf32> to vector<1x1x16xf32>
          tpu.vector_store %arg8[%swap3A_381, %swap3A_382, %swap3A_383], %swap3A_386 {add = true, strides = array<i32>} : memref<6x100x128xf32, #tpu.memory_space<vmem>>, vector<1x1x16xf32>,
          %add3A_387 = arith.addi %select_n3A_228, %add3A_374 : i32
          %get3A_388 = arith.index_cast %add3A_387 : i32 to index
          %get3A_389 = arith.constant 16 : index
          %get3A_390 = tpu.vector_load %arg7[%get3A_388, %get3A_389] {strides = array<i32>} : memref<200x128xf32, #tpu.memory_space<vmem>>, vector<1x16xf32>,
          %get3A_391 = vector.shape_cast %get3A_390 : vector<1x16xf32> to vector<16xf32>
          %swap3A_392 = arith.constant 0 : i32
          %swap3A_393 = arith.index_cast %swap3A_392 : i32 to index
          %swap3A_394 = arith.index_cast %add3A_374 : i32 to index
          %swap3A_395 = arith.constant 16 : index
          %swap3A_396 = tpu.vector_load %arg8[%swap3A_393, %swap3A_394, %swap3A_395] {strides = array<i32>} : memref<6x100x128xf32, #tpu.memory_space<vmem>>, vector<1x1x16xf32>,
          %swap3A_397 = vector.shape_cast %swap3A_396 : vector<1x1x16xf32> to vector<16xf32>
          %swap3A_398 = vector.shape_cast %get3A_391 : vector<16xf32> to vector<1x1x16xf32>
          tpu.vector_store %arg8[%swap3A_393, %swap3A_394, %swap3A_395], %swap3A_398 {add = true, strides = array<i32>} : memref<6x100x128xf32, #tpu.memory_space<vmem>>, vector<1x1x16xf32>,
          %add3A_399 = arith.addi %select_n3A_228, %add3A_374 : i32
          %get3A_400 = arith.index_cast %add3A_399 : i32 to index
          %get3A_401 = arith.constant 32 : index
          %get3A_402 = tpu.vector_load %arg7[%get3A_400, %get3A_401] {strides = array<i32>} : memref<200x128xf32, #tpu.memory_space<vmem>>, vector<1x16xf32>,
          %get3A_403 = vector.shape_cast %get3A_402 : vector<1x16xf32> to vector<16xf32>
          %swap3A_404 = arith.constant 0 : i32
          %swap3A_405 = arith.index_cast %swap3A_404 : i32 to index
          %swap3A_406 = arith.index_cast %add3A_374 : i32 to index
          %swap3A_407 = arith.constant 32 : index
          %swap3A_408 = tpu.vector_load %arg8[%swap3A_405, %swap3A_406, %swap3A_407] {strides = array<i32>} : memref<6x100x128xf32, #tpu.memory_space<vmem>>, vector<1x1x16xf32>,
          %swap3A_409 = vector.shape_cast %swap3A_408 : vector<1x1x16xf32> to vector<16xf32>
          %swap3A_410 = vector.shape_cast %get3A_403 : vector<16xf32> to vector<1x1x16xf32>
          tpu.vector_store %arg8[%swap3A_405, %swap3A_406, %swap3A_407], %swap3A_410 {add = true, strides = array<i32>} : memref<6x100x128xf32, #tpu.memory_space<vmem>>, vector<1x1x16xf32>,
          %add3A_411 = arith.addi %select_n3A_228, %add3A_374 : i32
          %get3A_412 = arith.index_cast %add3A_411 : i32 to index
          %get3A_413 = arith.constant 48 : index
          %get3A_414 = tpu.vector_load %arg7[%get3A_412, %get3A_413] {strides = array<i32>} : memref<200x128xf32, #tpu.memory_space<vmem>>, vector<1x16xf32>,
          %get3A_415 = vector.shape_cast %get3A_414 : vector<1x16xf32> to vector<16xf32>
          %swap3A_416 = arith.constant 0 : i32
          %swap3A_417 = arith.index_cast %swap3A_416 : i32 to index
          %swap3A_418 = arith.index_cast %add3A_374 : i32 to index
          %swap3A_419 = arith.constant 48 : index
          %swap3A_420 = tpu.vector_load %arg8[%swap3A_417, %swap3A_418, %swap3A_419] {strides = array<i32>} : memref<6x100x128xf32, #tpu.memory_space<vmem>>, vector<1x1x16xf32>,
          %swap3A_421 = vector.shape_cast %swap3A_420 : vector<1x1x16xf32> to vector<16xf32>
          %swap3A_422 = vector.shape_cast %get3A_415 : vector<16xf32> to vector<1x1x16xf32>
          tpu.vector_store %arg8[%swap3A_417, %swap3A_418, %swap3A_419], %swap3A_422 {add = true, strides = array<i32>} : memref<6x100x128xf32, #tpu.memory_space<vmem>>, vector<1x1x16xf32>,
          %add3A_423 = arith.addi %select_n3A_228, %add3A_374 : i32
          %get3A_424 = arith.index_cast %add3A_423 : i32 to index
          %get3A_425 = arith.constant 64 : index
          %get3A_426 = tpu.vector_load %arg7[%get3A_424, %get3A_425] {strides = array<i32>} : memref<200x128xf32, #tpu.memory_space<vmem>>, vector<1x16xf32>,
          %get3A_427 = vector.shape_cast %get3A_426 : vector<1x16xf32> to vector<16xf32>
          %swap3A_428 = arith.constant 0 : i32
          %swap3A_429 = arith.index_cast %swap3A_428 : i32 to index
          %swap3A_430 = arith.index_cast %add3A_374 : i32 to index
          %swap3A_431 = arith.constant 64 : index
          %swap3A_432 = tpu.vector_load %arg8[%swap3A_429, %swap3A_430, %swap3A_431] {strides = array<i32>} : memref<6x100x128xf32, #tpu.memory_space<vmem>>, vector<1x1x16xf32>,
          %swap3A_433 = vector.shape_cast %swap3A_432 : vector<1x1x16xf32> to vector<16xf32>
          %swap3A_434 = vector.shape_cast %get3A_427 : vector<16xf32> to vector<1x1x16xf32>
          tpu.vector_store %arg8[%swap3A_429, %swap3A_430, %swap3A_431], %swap3A_434 {add = true, strides = array<i32>} : memref<6x100x128xf32, #tpu.memory_space<vmem>>, vector<1x1x16xf32>,
          %add3A_435 = arith.addi %select_n3A_228, %add3A_374 : i32
          %get3A_436 = arith.index_cast %add3A_435 : i32 to index
          %get3A_437 = arith.constant 80 : index
          %get3A_438 = tpu.vector_load %arg7[%get3A_436, %get3A_437] {strides = array<i32>} : memref<200x128xf32, #tpu.memory_space<vmem>>, vector<1x16xf32>,
          %get3A_439 = vector.shape_cast %get3A_438 : vector<1x16xf32> to vector<16xf32>
          %swap3A_440 = arith.constant 0 : i32
          %swap3A_441 = arith.index_cast %swap3A_440 : i32 to index
          %swap3A_442 = arith.index_cast %add3A_374 : i32 to index
          %swap3A_443 = arith.constant 80 : index
          %swap3A_444 = tpu.vector_load %arg8[%swap3A_441, %swap3A_442, %swap3A_443] {strides = array<i32>} : memref<6x100x128xf32, #tpu.memory_space<vmem>>, vector<1x1x16xf32>,
          %swap3A_445 = vector.shape_cast %swap3A_444 : vector<1x1x16xf32> to vector<16xf32>
          %swap3A_446 = vector.shape_cast %get3A_439 : vector<16xf32> to vector<1x1x16xf32>
          tpu.vector_store %arg8[%swap3A_441, %swap3A_442, %swap3A_443], %swap3A_446 {add = true, strides = array<i32>} : memref<6x100x128xf32, #tpu.memory_space<vmem>>, vector<1x1x16xf32>,
          %add3A_447 = arith.addi %select_n3A_228, %add3A_374 : i32
          %get3A_448 = arith.index_cast %add3A_447 : i32 to index
          %get3A_449 = arith.constant 96 : index
          %get3A_450 = tpu.vector_load %arg7[%get3A_448, %get3A_449] {strides = array<i32>} : memref<200x128xf32, #tpu.memory_space<vmem>>, vector<1x16xf32>,
          %get3A_451 = vector.shape_cast %get3A_450 : vector<1x16xf32> to vector<16xf32>
          %swap3A_452 = arith.constant 0 : i32
          %swap3A_453 = arith.index_cast %swap3A_452 : i32 to index
          %swap3A_454 = arith.index_cast %add3A_374 : i32 to index
          %swap3A_455 = arith.constant 96 : index
          %swap3A_456 = tpu.vector_load %arg8[%swap3A_453, %swap3A_454, %swap3A_455] {strides = array<i32>} : memref<6x100x128xf32, #tpu.memory_space<vmem>>, vector<1x1x16xf32>,
          %swap3A_457 = vector.shape_cast %swap3A_456 : vector<1x1x16xf32> to vector<16xf32>
          %swap3A_458 = vector.shape_cast %get3A_451 : vector<16xf32> to vector<1x1x16xf32>
          tpu.vector_store %arg8[%swap3A_453, %swap3A_454, %swap3A_455], %swap3A_458 {add = true, strides = array<i32>} : memref<6x100x128xf32, #tpu.memory_space<vmem>>, vector<1x1x16xf32>,
          %add3A_459 = arith.addi %select_n3A_228, %add3A_374 : i32
          %get3A_460 = arith.index_cast %add3A_459 : i32 to index
          %get3A_461 = arith.constant 112 : index
          %get3A_462 = tpu.vector_load %arg7[%get3A_460, %get3A_461] {strides = array<i32>} : memref<200x128xf32, #tpu.memory_space<vmem>>, vector<1x16xf32>,
          %get3A_463 = vector.shape_cast %get3A_462 : vector<1x16xf32> to vector<16xf32>
          %swap3A_464 = arith.constant 0 : i32
          %swap3A_465 = arith.index_cast %swap3A_464 : i32 to index
          %swap3A_466 = arith.index_cast %add3A_374 : i32 to index
          %swap3A_467 = arith.constant 112 : index
          %swap3A_468 = tpu.vector_load %arg8[%swap3A_465, %swap3A_466, %swap3A_467] {strides = array<i32>} : memref<6x100x128xf32, #tpu.memory_space<vmem>>, vector<1x1x16xf32>,
          %swap3A_469 = vector.shape_cast %swap3A_468 : vector<1x1x16xf32> to vector<16xf32>
          %swap3A_470 = vector.shape_cast %get3A_463 : vector<16xf32> to vector<1x1x16xf32>
          tpu.vector_store %arg8[%swap3A_465, %swap3A_466, %swap3A_467], %swap3A_470 {add = true, strides = array<i32>} : memref<6x100x128xf32, #tpu.memory_space<vmem>>, vector<1x1x16xf32>,
          %mul3A_471 = arith.constant 5 : i32
          %mul3A_472 = arith.muli %scan3A_271, %mul3A_471 : i32
          %add3A_473 = arith.constant 2 : i32
          %add3A_474 = arith.addi %mul3A_472, %add3A_473 : i32
          %add3A_475 = arith.addi %select_n3A_228, %add3A_474 : i32
          %get3A_476 = arith.index_cast %add3A_475 : i32 to index
          %get3A_477 = arith.constant 0 : index
          %get3A_478 = tpu.vector_load %arg7[%get3A_476, %get3A_477] {strides = array<i32>} : memref<200x128xf32, #tpu.memory_space<vmem>>, vector<1x16xf32>,
          %get3A_479 = vector.shape_cast %get3A_478 : vector<1x16xf32> to vector<16xf32>
          %swap3A_480 = arith.constant 0 : i32
          %swap3A_481 = arith.index_cast %swap3A_480 : i32 to index
          %swap3A_482 = arith.index_cast %add3A_474 : i32 to index
          %swap3A_483 = arith.constant 0 : index
          %swap3A_484 = tpu.vector_load %arg8[%swap3A_481, %swap3A_482, %swap3A_483] {strides = array<i32>} : memref<6x100x128xf32, #tpu.memory_space<vmem>>, vector<1x1x16xf32>,
          %swap3A_485 = vector.shape_cast %swap3A_484 : vector<1x1x16xf32> to vector<16xf32>
          %swap3A_486 = vector.shape_cast %get3A_479 : vector<16xf32> to vector<1x1x16xf32>
          tpu.vector_store %arg8[%swap3A_481, %swap3A_482, %swap3A_483], %swap3A_486 {add = true, strides = array<i32>} : memref<6x100x128xf32, #tpu.memory_space<vmem>>, vector<1x1x16xf32>,
          %add3A_487 = arith.addi %select_n3A_228, %add3A_474 : i32
          %get3A_488 = arith.index_cast %add3A_487 : i32 to index
          %get3A_489 = arith.constant 16 : index
          %get3A_490 = tpu.vector_load %arg7[%get3A_488, %get3A_489] {strides = array<i32>} : memref<200x128xf32, #tpu.memory_space<vmem>>, vector<1x16xf32>,
          %get3A_491 = vector.shape_cast %get3A_490 : vector<1x16xf32> to vector<16xf32>
          %swap3A_492 = arith.constant 0 : i32
          %swap3A_493 = arith.index_cast %swap3A_492 : i32 to index
          %swap3A_494 = arith.index_cast %add3A_474 : i32 to index
          %swap3A_495 = arith.constant 16 : index
          %swap3A_496 = tpu.vector_load %arg8[%swap3A_493, %swap3A_494, %swap3A_495] {strides = array<i32>} : memref<6x100x128xf32, #tpu.memory_space<vmem>>, vector<1x1x16xf32>,
          %swap3A_497 = vector.shape_cast %swap3A_496 : vector<1x1x16xf32> to vector<16xf32>
          %swap3A_498 = vector.shape_cast %get3A_491 : vector<16xf32> to vector<1x1x16xf32>
          tpu.vector_store %arg8[%swap3A_493, %swap3A_494, %swap3A_495], %swap3A_498 {add = true, strides = array<i32>} : memref<6x100x128xf32, #tpu.memory_space<vmem>>, vector<1x1x16xf32>,
          %add3A_499 = arith.addi %select_n3A_228, %add3A_474 : i32
          %get3A_500 = arith.index_cast %add3A_499 : i32 to index
          %get3A_501 = arith.constant 32 : index
          %get3A_502 = tpu.vector_load %arg7[%get3A_500, %get3A_501] {strides = array<i32>} : memref<200x128xf32, #tpu.memory_space<vmem>>, vector<1x16xf32>,
          %get3A_503 = vector.shape_cast %get3A_502 : vector<1x16xf32> to vector<16xf32>
          %swap3A_504 = arith.constant 0 : i32
          %swap3A_505 = arith.index_cast %swap3A_504 : i32 to index
          %swap3A_506 = arith.index_cast %add3A_474 : i32 to index
          %swap3A_507 = arith.constant 32 : index
          %swap3A_508 = tpu.vector_load %arg8[%swap3A_505, %swap3A_506, %swap3A_507] {strides = array<i32>} : memref<6x100x128xf32, #tpu.memory_space<vmem>>, vector<1x1x16xf32>,
          %swap3A_509 = vector.shape_cast %swap3A_508 : vector<1x1x16xf32> to vector<16xf32>
          %swap3A_510 = vector.shape_cast %get3A_503 : vector<16xf32> to vector<1x1x16xf32>
          tpu.vector_store %arg8[%swap3A_505, %swap3A_506, %swap3A_507], %swap3A_510 {add = true, strides = array<i32>} : memref<6x100x128xf32, #tpu.memory_space<vmem>>, vector<1x1x16xf32>,
          %add3A_511 = arith.addi %select_n3A_228, %add3A_474 : i32
          %get3A_512 = arith.index_cast %add3A_511 : i32 to index
          %get3A_513 = arith.constant 48 : index
          %get3A_514 = tpu.vector_load %arg7[%get3A_512, %get3A_513] {strides = array<i32>} : memref<200x128xf32, #tpu.memory_space<vmem>>, vector<1x16xf32>,
          %get3A_515 = vector.shape_cast %get3A_514 : vector<1x16xf32> to vector<16xf32>
          %swap3A_516 = arith.constant 0 : i32
          %swap3A_517 = arith.index_cast %swap3A_516 : i32 to index
          %swap3A_518 = arith.index_cast %add3A_474 : i32 to index
          %swap3A_519 = arith.constant 48 : index
          %swap3A_520 = tpu.vector_load %arg8[%swap3A_517, %swap3A_518, %swap3A_519] {strides = array<i32>} : memref<6x100x128xf32, #tpu.memory_space<vmem>>, vector<1x1x16xf32>,
          %swap3A_521 = vector.shape_cast %swap3A_520 : vector<1x1x16xf32> to vector<16xf32>
          %swap3A_522 = vector.shape_cast %get3A_515 : vector<16xf32> to vector<1x1x16xf32>
          tpu.vector_store %arg8[%swap3A_517, %swap3A_518, %swap3A_519], %swap3A_522 {add = true, strides = array<i32>} : memref<6x100x128xf32, #tpu.memory_space<vmem>>, vector<1x1x16xf32>,
          %add3A_523 = arith.addi %select_n3A_228, %add3A_474 : i32
          %get3A_524 = arith.index_cast %add3A_523 : i32 to index
          %get3A_525 = arith.constant 64 : index
          %get3A_526 = tpu.vector_load %arg7[%get3A_524, %get3A_525] {strides = array<i32>} : memref<200x128xf32, #tpu.memory_space<vmem>>, vector<1x16xf32>,
          %get3A_527 = vector.shape_cast %get3A_526 : vector<1x16xf32> to vector<16xf32>
          %swap3A_528 = arith.constant 0 : i32
          %swap3A_529 = arith.index_cast %swap3A_528 : i32 to index
          %swap3A_530 = arith.index_cast %add3A_474 : i32 to index
          %swap3A_531 = arith.constant 64 : index
          %swap3A_532 = tpu.vector_load %arg8[%swap3A_529, %swap3A_530, %swap3A_531] {strides = array<i32>} : memref<6x100x128xf32, #tpu.memory_space<vmem>>, vector<1x1x16xf32>,
          %swap3A_533 = vector.shape_cast %swap3A_532 : vector<1x1x16xf32> to vector<16xf32>
          %swap3A_534 = vector.shape_cast %get3A_527 : vector<16xf32> to vector<1x1x16xf32>
          tpu.vector_store %arg8[%swap3A_529, %swap3A_530, %swap3A_531], %swap3A_534 {add = true, strides = array<i32>} : memref<6x100x128xf32, #tpu.memory_space<vmem>>, vector<1x1x16xf32>,
          %add3A_535 = arith.addi %select_n3A_228, %add3A_474 : i32
          %get3A_536 = arith.index_cast %add3A_535 : i32 to index
          %get3A_537 = arith.constant 80 : index
          %get3A_538 = tpu.vector_load %arg7[%get3A_536, %get3A_537] {strides = array<i32>} : memref<200x128xf32, #tpu.memory_space<vmem>>, vector<1x16xf32>,
          %get3A_539 = vector.shape_cast %get3A_538 : vector<1x16xf32> to vector<16xf32>
          %swap3A_540 = arith.constant 0 : i32
          %swap3A_541 = arith.index_cast %swap3A_540 : i32 to index
          %swap3A_542 = arith.index_cast %add3A_474 : i32 to index
          %swap3A_543 = arith.constant 80 : index
          %swap3A_544 = tpu.vector_load %arg8[%swap3A_541, %swap3A_542, %swap3A_543] {strides = array<i32>} : memref<6x100x128xf32, #tpu.memory_space<vmem>>, vector<1x1x16xf32>,
          %swap3A_545 = vector.shape_cast %swap3A_544 : vector<1x1x16xf32> to vector<16xf32>
          %swap3A_546 = vector.shape_cast %get3A_539 : vector<16xf32> to vector<1x1x16xf32>
          tpu.vector_store %arg8[%swap3A_541, %swap3A_542, %swap3A_543], %swap3A_546 {add = true, strides = array<i32>} : memref<6x100x128xf32, #tpu.memory_space<vmem>>, vector<1x1x16xf32>,
          %add3A_547 = arith.addi %select_n3A_228, %add3A_474 : i32
          %get3A_548 = arith.index_cast %add3A_547 : i32 to index
          %get3A_549 = arith.constant 96 : index
          %get3A_550 = tpu.vector_load %arg7[%get3A_548, %get3A_549] {strides = array<i32>} : memref<200x128xf32, #tpu.memory_space<vmem>>, vector<1x16xf32>,
          %get3A_551 = vector.shape_cast %get3A_550 : vector<1x16xf32> to vector<16xf32>
          %swap3A_552 = arith.constant 0 : i32
          %swap3A_553 = arith.index_cast %swap3A_552 : i32 to index
          %swap3A_554 = arith.index_cast %add3A_474 : i32 to index
          %swap3A_555 = arith.constant 96 : index
          %swap3A_556 = tpu.vector_load %arg8[%swap3A_553, %swap3A_554, %swap3A_555] {strides = array<i32>} : memref<6x100x128xf32, #tpu.memory_space<vmem>>, vector<1x1x16xf32>,
          %swap3A_557 = vector.shape_cast %swap3A_556 : vector<1x1x16xf32> to vector<16xf32>
          %swap3A_558 = vector.shape_cast %get3A_551 : vector<16xf32> to vector<1x1x16xf32>
          tpu.vector_store %arg8[%swap3A_553, %swap3A_554, %swap3A_555], %swap3A_558 {add = true, strides = array<i32>} : memref<6x100x128xf32, #tpu.memory_space<vmem>>, vector<1x1x16xf32>,
          %add3A_559 = arith.addi %select_n3A_228, %add3A_474 : i32
          %get3A_560 = arith.index_cast %add3A_559 : i32 to index
          %get3A_561 = arith.constant 112 : index
          %get3A_562 = tpu.vector_load %arg7[%get3A_560, %get3A_561] {strides = array<i32>} : memref<200x128xf32, #tpu.memory_space<vmem>>, vector<1x16xf32>,
          %get3A_563 = vector.shape_cast %get3A_562 : vector<1x16xf32> to vector<16xf32>
          %swap3A_564 = arith.constant 0 : i32
          %swap3A_565 = arith.index_cast %swap3A_564 : i32 to index
          %swap3A_566 = arith.index_cast %add3A_474 : i32 to index
          %swap3A_567 = arith.constant 112 : index
          %swap3A_568 = tpu.vector_load %arg8[%swap3A_565, %swap3A_566, %swap3A_567] {strides = array<i32>} : memref<6x100x128xf32, #tpu.memory_space<vmem>>, vector<1x1x16xf32>,
          %swap3A_569 = vector.shape_cast %swap3A_568 : vector<1x1x16xf32> to vector<16xf32>
          %swap3A_570 = vector.shape_cast %get3A_563 : vector<16xf32> to vector<1x1x16xf32>
          tpu.vector_store %arg8[%swap3A_565, %swap3A_566, %swap3A_567], %swap3A_570 {add = true, strides = array<i32>} : memref<6x100x128xf32, #tpu.memory_space<vmem>>, vector<1x1x16xf32>,
          %mul3A_571 = arith.constant 5 : i32
          %mul3A_572 = arith.muli %scan3A_271, %mul3A_571 : i32
          %add3A_573 = arith.constant 3 : i32
          %add3A_574 = arith.addi %mul3A_572, %add3A_573 : i32
          %add3A_575 = arith.addi %select_n3A_228, %add3A_574 : i32
          %get3A_576 = arith.index_cast %add3A_575 : i32 to index
          %get3A_577 = arith.constant 0 : index
          %get3A_578 = tpu.vector_load %arg7[%get3A_576, %get3A_577] {strides = array<i32>} : memref<200x128xf32, #tpu.memory_space<vmem>>, vector<1x16xf32>,
          %get3A_579 = vector.shape_cast %get3A_578 : vector<1x16xf32> to vector<16xf32>
          %swap3A_580 = arith.constant 0 : i32
          %swap3A_581 = arith.index_cast %swap3A_580 : i32 to index
          %swap3A_582 = arith.index_cast %add3A_574 : i32 to index
          %swap3A_583 = arith.constant 0 : index
          %swap3A_584 = tpu.vector_load %arg8[%swap3A_581, %swap3A_582, %swap3A_583] {strides = array<i32>} : memref<6x100x128xf32, #tpu.memory_space<vmem>>, vector<1x1x16xf32>,
          %swap3A_585 = vector.shape_cast %swap3A_584 : vector<1x1x16xf32> to vector<16xf32>
          %swap3A_586 = vector.shape_cast %get3A_579 : vector<16xf32> to vector<1x1x16xf32>
          tpu.vector_store %arg8[%swap3A_581, %swap3A_582, %swap3A_583], %swap3A_586 {add = true, strides = array<i32>} : memref<6x100x128xf32, #tpu.memory_space<vmem>>, vector<1x1x16xf32>,
          %add3A_587 = arith.addi %select_n3A_228, %add3A_574 : i32
          %get3A_588 = arith.index_cast %add3A_587 : i32 to index
          %get3A_589 = arith.constant 16 : index
          %get3A_590 = tpu.vector_load %arg7[%get3A_588, %get3A_589] {strides = array<i32>} : memref<200x128xf32, #tpu.memory_space<vmem>>, vector<1x16xf32>,
          %get3A_591 = vector.shape_cast %get3A_590 : vector<1x16xf32> to vector<16xf32>
          %swap3A_592 = arith.constant 0 : i32
          %swap3A_593 = arith.index_cast %swap3A_592 : i32 to index
          %swap3A_594 = arith.index_cast %add3A_574 : i32 to index
          %swap3A_595 = arith.constant 16 : index
          %swap3A_596 = tpu.vector_load %arg8[%swap3A_593, %swap3A_594, %swap3A_595] {strides = array<i32>} : memref<6x100x128xf32, #tpu.memory_space<vmem>>, vector<1x1x16xf32>,
          %swap3A_597 = vector.shape_cast %swap3A_596 : vector<1x1x16xf32> to vector<16xf32>
          %swap3A_598 = vector.shape_cast %get3A_591 : vector<16xf32> to vector<1x1x16xf32>
          tpu.vector_store %arg8[%swap3A_593, %swap3A_594, %swap3A_595], %swap3A_598 {add = true, strides = array<i32>} : memref<6x100x128xf32, #tpu.memory_space<vmem>>, vector<1x1x16xf32>,
          %add3A_599 = arith.addi %select_n3A_228, %add3A_574 : i32
          %get3A_600 = arith.index_cast %add3A_599 : i32 to index
          %get3A_601 = arith.constant 32 : index
          %get3A_602 = tpu.vector_load %arg7[%get3A_600, %get3A_601] {strides = array<i32>} : memref<200x128xf32, #tpu.memory_space<vmem>>, vector<1x16xf32>,
          %get3A_603 = vector.shape_cast %get3A_602 : vector<1x16xf32> to vector<16xf32>
          %swap3A_604 = arith.constant 0 : i32
          %swap3A_605 = arith.index_cast %swap3A_604 : i32 to index
          %swap3A_606 = arith.index_cast %add3A_574 : i32 to index
          %swap3A_607 = arith.constant 32 : index
          %swap3A_608 = tpu.vector_load %arg8[%swap3A_605, %swap3A_606, %swap3A_607] {strides = array<i32>} : memref<6x100x128xf32, #tpu.memory_space<vmem>>, vector<1x1x16xf32>,
          %swap3A_609 = vector.shape_cast %swap3A_608 : vector<1x1x16xf32> to vector<16xf32>
          %swap3A_610 = vector.shape_cast %get3A_603 : vector<16xf32> to vector<1x1x16xf32>
          tpu.vector_store %arg8[%swap3A_605, %swap3A_606, %swap3A_607], %swap3A_610 {add = true, strides = array<i32>} : memref<6x100x128xf32, #tpu.memory_space<vmem>>, vector<1x1x16xf32>,
          %add3A_611 = arith.addi %select_n3A_228, %add3A_574 : i32
          %get3A_612 = arith.index_cast %add3A_611 : i32 to index
          %get3A_613 = arith.constant 48 : index
          %get3A_614 = tpu.vector_load %arg7[%get3A_612, %get3A_613] {strides = array<i32>} : memref<200x128xf32, #tpu.memory_space<vmem>>, vector<1x16xf32>,
          %get3A_615 = vector.shape_cast %get3A_614 : vector<1x16xf32> to vector<16xf32>
          %swap3A_616 = arith.constant 0 : i32
          %swap3A_617 = arith.index_cast %swap3A_616 : i32 to index
          %swap3A_618 = arith.index_cast %add3A_574 : i32 to index
          %swap3A_619 = arith.constant 48 : index
          %swap3A_620 = tpu.vector_load %arg8[%swap3A_617, %swap3A_618, %swap3A_619] {strides = array<i32>} : memref<6x100x128xf32, #tpu.memory_space<vmem>>, vector<1x1x16xf32>,
          %swap3A_621 = vector.shape_cast %swap3A_620 : vector<1x1x16xf32> to vector<16xf32>
          %swap3A_622 = vector.shape_cast %get3A_615 : vector<16xf32> to vector<1x1x16xf32>
          tpu.vector_store %arg8[%swap3A_617, %swap3A_618, %swap3A_619], %swap3A_622 {add = true, strides = array<i32>} : memref<6x100x128xf32, #tpu.memory_space<vmem>>, vector<1x1x16xf32>,
          %add3A_623 = arith.addi %select_n3A_228, %add3A_574 : i32
          %get3A_624 = arith.index_cast %add3A_623 : i32 to index
          %get3A_625 = arith.constant 64 : index
          %get3A_626 = tpu.vector_load %arg7[%get3A_624, %get3A_625] {strides = array<i32>} : memref<200x128xf32, #tpu.memory_space<vmem>>, vector<1x16xf32>,
          %get3A_627 = vector.shape_cast %get3A_626 : vector<1x16xf32> to vector<16xf32>
          %swap3A_628 = arith.constant 0 : i32
          %swap3A_629 = arith.index_cast %swap3A_628 : i32 to index
          %swap3A_630 = arith.index_cast %add3A_574 : i32 to index
          %swap3A_631 = arith.constant 64 : index
          %swap3A_632 = tpu.vector_load %arg8[%swap3A_629, %swap3A_630, %swap3A_631] {strides = array<i32>} : memref<6x100x128xf32, #tpu.memory_space<vmem>>, vector<1x1x16xf32>,
          %swap3A_633 = vector.shape_cast %swap3A_632 : vector<1x1x16xf32> to vector<16xf32>
          %swap3A_634 = vector.shape_cast %get3A_627 : vector<16xf32> to vector<1x1x16xf32>
          tpu.vector_store %arg8[%swap3A_629, %swap3A_630, %swap3A_631], %swap3A_634 {add = true, strides = array<i32>} : memref<6x100x128xf32, #tpu.memory_space<vmem>>, vector<1x1x16xf32>,
          %add3A_635 = arith.addi %select_n3A_228, %add3A_574 : i32
          %get3A_636 = arith.index_cast %add3A_635 : i32 to index
          %get3A_637 = arith.constant 80 : index
          %get3A_638 = tpu.vector_load %arg7[%get3A_636, %get3A_637] {strides = array<i32>} : memref<200x128xf32, #tpu.memory_space<vmem>>, vector<1x16xf32>,
          %get3A_639 = vector.shape_cast %get3A_638 : vector<1x16xf32> to vector<16xf32>
          %swap3A_640 = arith.constant 0 : i32
          %swap3A_641 = arith.index_cast %swap3A_640 : i32 to index
          %swap3A_642 = arith.index_cast %add3A_574 : i32 to index
          %swap3A_643 = arith.constant 80 : index
          %swap3A_644 = tpu.vector_load %arg8[%swap3A_641, %swap3A_642, %swap3A_643] {strides = array<i32>} : memref<6x100x128xf32, #tpu.memory_space<vmem>>, vector<1x1x16xf32>,
          %swap3A_645 = vector.shape_cast %swap3A_644 : vector<1x1x16xf32> to vector<16xf32>
          %swap3A_646 = vector.shape_cast %get3A_639 : vector<16xf32> to vector<1x1x16xf32>
          tpu.vector_store %arg8[%swap3A_641, %swap3A_642, %swap3A_643], %swap3A_646 {add = true, strides = array<i32>} : memref<6x100x128xf32, #tpu.memory_space<vmem>>, vector<1x1x16xf32>,
          %add3A_647 = arith.addi %select_n3A_228, %add3A_574 : i32
          %get3A_648 = arith.index_cast %add3A_647 : i32 to index
          %get3A_649 = arith.constant 96 : index
          %get3A_650 = tpu.vector_load %arg7[%get3A_648, %get3A_649] {strides = array<i32>} : memref<200x128xf32, #tpu.memory_space<vmem>>, vector<1x16xf32>,
          %get3A_651 = vector.shape_cast %get3A_650 : vector<1x16xf32> to vector<16xf32>
          %swap3A_652 = arith.constant 0 : i32
          %swap3A_653 = arith.index_cast %swap3A_652 : i32 to index
          %swap3A_654 = arith.index_cast %add3A_574 : i32 to index
          %swap3A_655 = arith.constant 96 : index
          %swap3A_656 = tpu.vector_load %arg8[%swap3A_653, %swap3A_654, %swap3A_655] {strides = array<i32>} : memref<6x100x128xf32, #tpu.memory_space<vmem>>, vector<1x1x16xf32>,
          %swap3A_657 = vector.shape_cast %swap3A_656 : vector<1x1x16xf32> to vector<16xf32>
          %swap3A_658 = vector.shape_cast %get3A_651 : vector<16xf32> to vector<1x1x16xf32>
          tpu.vector_store %arg8[%swap3A_653, %swap3A_654, %swap3A_655], %swap3A_658 {add = true, strides = array<i32>} : memref<6x100x128xf32, #tpu.memory_space<vmem>>, vector<1x1x16xf32>,
          %add3A_659 = arith.addi %select_n3A_228, %add3A_574 : i32
          %get3A_660 = arith.index_cast %add3A_659 : i32 to index
          %get3A_661 = arith.constant 112 : index
          %get3A_662 = tpu.vector_load %arg7[%get3A_660, %get3A_661] {strides = array<i32>} : memref<200x128xf32, #tpu.memory_space<vmem>>, vector<1x16xf32>,
          %get3A_663 = vector.shape_cast %get3A_662 : vector<1x16xf32> to vector<16xf32>
          %swap3A_664 = arith.constant 0 : i32
          %swap3A_665 = arith.index_cast %swap3A_664 : i32 to index
          %swap3A_666 = arith.index_cast %add3A_574 : i32 to index
          %swap3A_667 = arith.constant 112 : index
          %swap3A_668 = tpu.vector_load %arg8[%swap3A_665, %swap3A_666, %swap3A_667] {strides = array<i32>} : memref<6x100x128xf32, #tpu.memory_space<vmem>>, vector<1x1x16xf32>,
          %swap3A_669 = vector.shape_cast %swap3A_668 : vector<1x1x16xf32> to vector<16xf32>
          %swap3A_670 = vector.shape_cast %get3A_663 : vector<16xf32> to vector<1x1x16xf32>
          tpu.vector_store %arg8[%swap3A_665, %swap3A_666, %swap3A_667], %swap3A_670 {add = true, strides = array<i32>} : memref<6x100x128xf32, #tpu.memory_space<vmem>>, vector<1x1x16xf32>,
          %mul3A_671 = arith.constant 5 : i32
          %mul3A_672 = arith.muli %scan3A_271, %mul3A_671 : i32
          %add3A_673 = arith.constant 4 : i32
          %add3A_674 = arith.addi %mul3A_672, %add3A_673 : i32
          %add3A_675 = arith.addi %select_n3A_228, %add3A_674 : i32
          %get3A_676 = arith.index_cast %add3A_675 : i32 to index
          %get3A_677 = arith.constant 0 : index
          %get3A_678 = tpu.vector_load %arg7[%get3A_676, %get3A_677] {strides = array<i32>} : memref<200x128xf32, #tpu.memory_space<vmem>>, vector<1x16xf32>,
          %get3A_679 = vector.shape_cast %get3A_678 : vector<1x16xf32> to vector<16xf32>
          %swap3A_680 = arith.constant 0 : i32
          %swap3A_681 = arith.index_cast %swap3A_680 : i32 to index
          %swap3A_682 = arith.index_cast %add3A_674 : i32 to index
          %swap3A_683 = arith.constant 0 : index
          %swap3A_684 = tpu.vector_load %arg8[%swap3A_681, %swap3A_682, %swap3A_683] {strides = array<i32>} : memref<6x100x128xf32, #tpu.memory_space<vmem>>, vector<1x1x16xf32>,
          %swap3A_685 = vector.shape_cast %swap3A_684 : vector<1x1x16xf32> to vector<16xf32>
          %swap3A_686 = vector.shape_cast %get3A_679 : vector<16xf32> to vector<1x1x16xf32>
          tpu.vector_store %arg8[%swap3A_681, %swap3A_682, %swap3A_683], %swap3A_686 {add = true, strides = array<i32>} : memref<6x100x128xf32, #tpu.memory_space<vmem>>, vector<1x1x16xf32>,
          %add3A_687 = arith.addi %select_n3A_228, %add3A_674 : i32
          %get3A_688 = arith.index_cast %add3A_687 : i32 to index
          %get3A_689 = arith.constant 16 : index
          %get3A_690 = tpu.vector_load %arg7[%get3A_688, %get3A_689] {strides = array<i32>} : memref<200x128xf32, #tpu.memory_space<vmem>>, vector<1x16xf32>,
          %get3A_691 = vector.shape_cast %get3A_690 : vector<1x16xf32> to vector<16xf32>
          %swap3A_692 = arith.constant 0 : i32
          %swap3A_693 = arith.index_cast %swap3A_692 : i32 to index
          %swap3A_694 = arith.index_cast %add3A_674 : i32 to index
          %swap3A_695 = arith.constant 16 : index
          %swap3A_696 = tpu.vector_load %arg8[%swap3A_693, %swap3A_694, %swap3A_695] {strides = array<i32>} : memref<6x100x128xf32, #tpu.memory_space<vmem>>, vector<1x1x16xf32>,
          %swap3A_697 = vector.shape_cast %swap3A_696 : vector<1x1x16xf32> to vector<16xf32>
          %swap3A_698 = vector.shape_cast %get3A_691 : vector<16xf32> to vector<1x1x16xf32>
          tpu.vector_store %arg8[%swap3A_693, %swap3A_694, %swap3A_695], %swap3A_698 {add = true, strides = array<i32>} : memref<6x100x128xf32, #tpu.memory_space<vmem>>, vector<1x1x16xf32>,
          %add3A_699 = arith.addi %select_n3A_228, %add3A_674 : i32
          %get3A_700 = arith.index_cast %add3A_699 : i32 to index
          %get3A_701 = arith.constant 32 : index
          %get3A_702 = tpu.vector_load %arg7[%get3A_700, %get3A_701] {strides = array<i32>} : memref<200x128xf32, #tpu.memory_space<vmem>>, vector<1x16xf32>,
          %get3A_703 = vector.shape_cast %get3A_702 : vector<1x16xf32> to vector<16xf32>
          %swap3A_704 = arith.constant 0 : i32
          %swap3A_705 = arith.index_cast %swap3A_704 : i32 to index
          %swap3A_706 = arith.index_cast %add3A_674 : i32 to index
          %swap3A_707 = arith.constant 32 : index
          %swap3A_708 = tpu.vector_load %arg8[%swap3A_705, %swap3A_706, %swap3A_707] {strides = array<i32>} : memref<6x100x128xf32, #tpu.memory_space<vmem>>, vector<1x1x16xf32>,
          %swap3A_709 = vector.shape_cast %swap3A_708 : vector<1x1x16xf32> to vector<16xf32>
          %swap3A_710 = vector.shape_cast %get3A_703 : vector<16xf32> to vector<1x1x16xf32>
          tpu.vector_store %arg8[%swap3A_705, %swap3A_706, %swap3A_707], %swap3A_710 {add = true, strides = array<i32>} : memref<6x100x128xf32, #tpu.memory_space<vmem>>, vector<1x1x16xf32>,
          %add3A_711 = arith.addi %select_n3A_228, %add3A_674 : i32
          %get3A_712 = arith.index_cast %add3A_711 : i32 to index
          %get3A_713 = arith.constant 48 : index
          %get3A_714 = tpu.vector_load %arg7[%get3A_712, %get3A_713] {strides = array<i32>} : memref<200x128xf32, #tpu.memory_space<vmem>>, vector<1x16xf32>,
          %get3A_715 = vector.shape_cast %get3A_714 : vector<1x16xf32> to vector<16xf32>
          %swap3A_716 = arith.constant 0 : i32
          %swap3A_717 = arith.index_cast %swap3A_716 : i32 to index
          %swap3A_718 = arith.index_cast %add3A_674 : i32 to index
          %swap3A_719 = arith.constant 48 : index
          %swap3A_720 = tpu.vector_load %arg8[%swap3A_717, %swap3A_718, %swap3A_719] {strides = array<i32>} : memref<6x100x128xf32, #tpu.memory_space<vmem>>, vector<1x1x16xf32>,
          %swap3A_721 = vector.shape_cast %swap3A_720 : vector<1x1x16xf32> to vector<16xf32>
          %swap3A_722 = vector.shape_cast %get3A_715 : vector<16xf32> to vector<1x1x16xf32>
          tpu.vector_store %arg8[%swap3A_717, %swap3A_718, %swap3A_719], %swap3A_722 {add = true, strides = array<i32>} : memref<6x100x128xf32, #tpu.memory_space<vmem>>, vector<1x1x16xf32>,
          %add3A_723 = arith.addi %select_n3A_228, %add3A_674 : i32
          %get3A_724 = arith.index_cast %add3A_723 : i32 to index
          %get3A_725 = arith.constant 64 : index
          %get3A_726 = tpu.vector_load %arg7[%get3A_724, %get3A_725] {strides = array<i32>} : memref<200x128xf32, #tpu.memory_space<vmem>>, vector<1x16xf32>,
          %get3A_727 = vector.shape_cast %get3A_726 : vector<1x16xf32> to vector<16xf32>
          %swap3A_728 = arith.constant 0 : i32
          %swap3A_729 = arith.index_cast %swap3A_728 : i32 to index
          %swap3A_730 = arith.index_cast %add3A_674 : i32 to index
          %swap3A_731 = arith.constant 64 : index
          %swap3A_732 = tpu.vector_load %arg8[%swap3A_729, %swap3A_730, %swap3A_731] {strides = array<i32>} : memref<6x100x128xf32, #tpu.memory_space<vmem>>, vector<1x1x16xf32>,
          %swap3A_733 = vector.shape_cast %swap3A_732 : vector<1x1x16xf32> to vector<16xf32>
          %swap3A_734 = vector.shape_cast %get3A_727 : vector<16xf32> to vector<1x1x16xf32>
          tpu.vector_store %arg8[%swap3A_729, %swap3A_730, %swap3A_731], %swap3A_734 {add = true, strides = array<i32>} : memref<6x100x128xf32, #tpu.memory_space<vmem>>, vector<1x1x16xf32>,
          %add3A_735 = arith.addi %select_n3A_228, %add3A_674 : i32
          %get3A_736 = arith.index_cast %add3A_735 : i32 to index
          %get3A_737 = arith.constant 80 : index
          %get3A_738 = tpu.vector_load %arg7[%get3A_736, %get3A_737] {strides = array<i32>} : memref<200x128xf32, #tpu.memory_space<vmem>>, vector<1x16xf32>,
          %get3A_739 = vector.shape_cast %get3A_738 : vector<1x16xf32> to vector<16xf32>
          %swap3A_740 = arith.constant 0 : i32
          %swap3A_741 = arith.index_cast %swap3A_740 : i32 to index
          %swap3A_742 = arith.index_cast %add3A_674 : i32 to index
          %swap3A_743 = arith.constant 80 : index
          %swap3A_744 = tpu.vector_load %arg8[%swap3A_741, %swap3A_742, %swap3A_743] {strides = array<i32>} : memref<6x100x128xf32, #tpu.memory_space<vmem>>, vector<1x1x16xf32>,
          %swap3A_745 = vector.shape_cast %swap3A_744 : vector<1x1x16xf32> to vector<16xf32>
          %swap3A_746 = vector.shape_cast %get3A_739 : vector<16xf32> to vector<1x1x16xf32>
          tpu.vector_store %arg8[%swap3A_741, %swap3A_742, %swap3A_743], %swap3A_746 {add = true, strides = array<i32>} : memref<6x100x128xf32, #tpu.memory_space<vmem>>, vector<1x1x16xf32>,
          %add3A_747 = arith.addi %select_n3A_228, %add3A_674 : i32
          %get3A_748 = arith.index_cast %add3A_747 : i32 to index
          %get3A_749 = arith.constant 96 : index
          %get3A_750 = tpu.vector_load %arg7[%get3A_748, %get3A_749] {strides = array<i32>} : memref<200x128xf32, #tpu.memory_space<vmem>>, vector<1x16xf32>,
          %get3A_751 = vector.shape_cast %get3A_750 : vector<1x16xf32> to vector<16xf32>
          %swap3A_752 = arith.constant 0 : i32
          %swap3A_753 = arith.index_cast %swap3A_752 : i32 to index
          %swap3A_754 = arith.index_cast %add3A_674 : i32 to index
          %swap3A_755 = arith.constant 96 : index
          %swap3A_756 = tpu.vector_load %arg8[%swap3A_753, %swap3A_754, %swap3A_755] {strides = array<i32>} : memref<6x100x128xf32, #tpu.memory_space<vmem>>, vector<1x1x16xf32>,
          %swap3A_757 = vector.shape_cast %swap3A_756 : vector<1x1x16xf32> to vector<16xf32>
          %swap3A_758 = vector.shape_cast %get3A_751 : vector<16xf32> to vector<1x1x16xf32>
          tpu.vector_store %arg8[%swap3A_753, %swap3A_754, %swap3A_755], %swap3A_758 {add = true, strides = array<i32>} : memref<6x100x128xf32, #tpu.memory_space<vmem>>, vector<1x1x16xf32>,
          %add3A_759 = arith.addi %select_n3A_228, %add3A_674 : i32
          %get3A_760 = arith.index_cast %add3A_759 : i32 to index
          %get3A_761 = arith.constant 112 : index
          %get3A_762 = tpu.vector_load %arg7[%get3A_760, %get3A_761] {strides = array<i32>} : memref<200x128xf32, #tpu.memory_space<vmem>>, vector<1x16xf32>,
          %get3A_763 = vector.shape_cast %get3A_762 : vector<1x16xf32> to vector<16xf32>
          %swap3A_764 = arith.constant 0 : i32
          %swap3A_765 = arith.index_cast %swap3A_764 : i32 to index
          %swap3A_766 = arith.index_cast %add3A_674 : i32 to index
          %swap3A_767 = arith.constant 112 : index
          %swap3A_768 = tpu.vector_load %arg8[%swap3A_765, %swap3A_766, %swap3A_767] {strides = array<i32>} : memref<6x100x128xf32, #tpu.memory_space<vmem>>, vector<1x1x16xf32>,
          %swap3A_769 = vector.shape_cast %swap3A_768 : vector<1x1x16xf32> to vector<16xf32>
          %swap3A_770 = vector.shape_cast %get3A_763 : vector<16xf32> to vector<1x1x16xf32>
          tpu.vector_store %arg8[%swap3A_765, %swap3A_766, %swap3A_767], %swap3A_770 {add = true, strides = array<i32>} : memref<6x100x128xf32, #tpu.memory_space<vmem>>, vector<1x1x16xf32>,
          %scan3A_771 = arith.constant 0 : i32
          scf.yield %scan3A_771 : i32
        }
        %scan3A_235 = arith.constant 20 : i32
        %mul3A_236 = arith.constant 100 : i32
        %mul3A_237 = arith.muli %add3A_153, %mul3A_236 : i32
        %add3A_238 = arith.addi %mul3A_2, %mul3A_237 : i32
        %dma_start3A_239 = arith.constant 0 : i32
        %dma_start3A_240 = arith.constant 0 : i32
        %dma_start3A_241 = arith.constant 0 : i32
        %dma_start3A_242 = arith.constant 0 : i32
        %dma_start3A_243 = tpu.memref_slice %arg8[%dma_start3A_239, %dma_start3A_241, %dma_start3A_242] : memref<6x100x128xf32, #tpu.memory_space<vmem>> -> memref<1x100x128xf32, #tpu.memory_space<vmem>>
        %dma_start3A_244 = tpu.memref_squeeze %dma_start3A_243 : memref<1x100x128xf32, #tpu.memory_space<vmem>> -> memref<100x128xf32, #tpu.memory_space<vmem>>
        %dma_start3A_245 = arith.constant 0 : i32
        %dma_start3A_246 = tpu.memref_slice %arg5[%add3A_238, %dma_start3A_245] : memref<204800x128xf32, #tpu.memory_space<hbm>> -> memref<100x128xf32, #tpu.memory_space<hbm>>
        %dma_start3A_247 = tpu.memref_slice %arg10[%dma_start3A_240] : memref<6x!tpu.dma_semaphore, #tpu.memory_space<semaphore_mem>> -> memref<1x!tpu.dma_semaphore, #tpu.memory_space<semaphore_mem>>
        %dma_start3A_248 = tpu.memref_squeeze %dma_start3A_247 : memref<1x!tpu.dma_semaphore, #tpu.memory_space<semaphore_mem>> -> memref<!tpu.dma_semaphore, #tpu.memory_space<semaphore_mem>>
        %dma_start3A_249 = arith.constant 0 : i32
        %dma_start3A_250 = tpu.memref_slice %arg5[%add3A_238, %dma_start3A_249] : memref<204800x128xf32, #tpu.memory_space<hbm>> -> memref<100x128xf32, #tpu.memory_space<hbm>>
        %dma_start3A_251 = arith.constant 0 : i32
        %dma_start3A_252 = arith.constant 0 : i32
        %dma_start3A_253 = tpu.memref_slice %arg8[%dma_start3A_239, %dma_start3A_251, %dma_start3A_252] : memref<6x100x128xf32, #tpu.memory_space<vmem>> -> memref<1x100x128xf32, #tpu.memory_space<vmem>>
        %dma_start3A_254 = tpu.memref_squeeze %dma_start3A_253 : memref<1x100x128xf32, #tpu.memory_space<vmem>> -> memref<100x128xf32, #tpu.memory_space<vmem>>
        tpu.enqueue_dma source(%dma_start3A_254 : memref<100x128xf32, #tpu.memory_space<vmem>>) target(%dma_start3A_250 : memref<100x128xf32, #tpu.memory_space<hbm>>) target_semaphore(%dma_start3A_248 : memref<!tpu.dma_semaphore, #tpu.memory_space<semaphore_mem>>)
        %ge3A = arith.constant 3 : i32
        %ge3A_255 = arith.cmpi sge, %add3A_153, %ge3A : i32
        %add3A_256 = arith.constant 3 : i32
        %add3A_257 = arith.addi %add3A_153, %add3A_256 : i32
        %lt3A_258 = arith.constant 64 : i32
        %lt3A_259 = arith.cmpi slt, %add3A_257, %lt3A_258 : i32
        %and3A_260 = arith.andi %ge3A_255, %lt3A_259 : i1
        %convert_element_type3A_261 = arith.extui %and3A_260 : i1 to i32
        %cond3A_262 = arith.constant 0 : i32
        %cond3A_263 = arith.cmpi ne, %convert_element_type3A_261, %cond3A_262 : i32
        scf.if %cond3A_263 {
          %dma_wait3A_271 = arith.constant 3 : i32
          %dma_wait3A_272 = arith.constant 3 : i32
          %dma_wait3A_273 = arith.constant 0 : i32
          %dma_wait3A_274 = arith.constant 0 : i32
          %dma_wait3A_275 = tpu.memref_slice %arg8[%dma_wait3A_271, %dma_wait3A_273, %dma_wait3A_274] : memref<6x100x128xf32, #tpu.memory_space<vmem>> -> memref<1x100x128xf32, #tpu.memory_space<vmem>>
          %dma_wait3A_276 = tpu.memref_squeeze %dma_wait3A_275 : memref<1x100x128xf32, #tpu.memory_space<vmem>> -> memref<100x128xf32, #tpu.memory_space<vmem>>
          %dma_wait3A_277 = arith.constant 0 : i32
          %dma_wait3A_278 = tpu.memref_slice %arg5[%mul3A_2, %dma_wait3A_277] : memref<204800x128xf32, #tpu.memory_space<hbm>> -> memref<100x128xf32, #tpu.memory_space<hbm>>
          %dma_wait3A_279 = tpu.memref_slice %arg10[%dma_wait3A_272] : memref<6x!tpu.dma_semaphore, #tpu.memory_space<semaphore_mem>> -> memref<1x!tpu.dma_semaphore, #tpu.memory_space<semaphore_mem>>
          %dma_wait3A_280 = tpu.memref_squeeze %dma_wait3A_279 : memref<1x!tpu.dma_semaphore, #tpu.memory_space<semaphore_mem>> -> memref<!tpu.dma_semaphore, #tpu.memory_space<semaphore_mem>>
          %dma_wait3A_281 = arith.constant 0 : i32
          %dma_wait3A_282 = tpu.memref_slice %arg5[%mul3A_2, %dma_wait3A_281] : memref<204800x128xf32, #tpu.memory_space<hbm>> -> memref<100x128xf32, #tpu.memory_space<hbm>>
          %dma_wait3A_283 = arith.constant 0 : i32
          %dma_wait3A_284 = arith.constant 0 : i32
          %dma_wait3A_285 = tpu.memref_slice %arg8[%dma_wait3A_271, %dma_wait3A_283, %dma_wait3A_284] : memref<6x100x128xf32, #tpu.memory_space<vmem>> -> memref<1x100x128xf32, #tpu.memory_space<vmem>>
          %dma_wait3A_286 = tpu.memref_squeeze %dma_wait3A_285 : memref<1x100x128xf32, #tpu.memory_space<vmem>> -> memref<100x128xf32, #tpu.memory_space<vmem>>
          tpu.wait_dma2 semaphore(%dma_wait3A_280 : memref<!tpu.dma_semaphore, #tpu.memory_space<semaphore_mem>>) src(%dma_wait3A_286 : memref<100x128xf32, #tpu.memory_space<vmem>>) dst(%dma_wait3A_282 : memref<100x128xf32, #tpu.memory_space<hbm>>)
        } else {
        }
        %add3A_264 = arith.constant 3 : i32
        %add3A_265 = arith.addi %add3A_153, %add3A_264 : i32
        %lt3A_266 = arith.constant 64 : i32
        %lt3A_267 = arith.cmpi slt, %add3A_265, %lt3A_266 : i32
        %convert_element_type3A_268 = arith.extui %lt3A_267 : i1 to i32
        %cond3A_269 = arith.constant 0 : i32
        %cond3A_270 = arith.cmpi ne, %convert_element_type3A_268, %cond3A_269 : i32
        scf.if %cond3A_270 {
          %add3A_271 = arith.constant 3 : i32
          %add3A_272 = arith.addi %add3A_153, %add3A_271 : i32
          %dma_start3A_273 = arith.constant 3 : i32
          %dma_start3A_274 = arith.constant 3 : i32
          %dma_start3A_275 = arith.constant 0 : i32
          %dma_start3A_276 = arith.constant 0 : i32
          %dma_start3A_277 = tpu.memref_slice %arg8[%dma_start3A_273, %dma_start3A_275, %dma_start3A_276] : memref<6x100x128xf32, #tpu.memory_space<vmem>> -> memref<1x100x128xf32, #tpu.memory_space<vmem>>
          %dma_start3A_278 = tpu.memref_squeeze %dma_start3A_277 : memref<1x100x128xf32, #tpu.memory_space<vmem>> -> memref<100x128xf32, #tpu.memory_space<vmem>>
          %dma_start3A_279 = arith.constant 0 : i32
          %dma_start3A_280 = tpu.memref_slice %arg6[%add3A_272, %dma_start3A_279] : memref<64x100xi32, #tpu.memory_space<vmem>> -> memref<1x100xi32, #tpu.memory_space<vmem>>
          %dma_start3A_281 = tpu.memref_squeeze %dma_start3A_280 : memref<1x100xi32, #tpu.memory_space<vmem>> -> memref<100xi32, #tpu.memory_space<vmem>>
          %dma_start3A_282 = arith.constant 0 : i32
          %dma_start3A_283 = arith.constant 0 : i32
          %dma_start3A_284 = tpu.memref_slice %arg3[%dma_start3A_282, %dma_start3A_283] : memref<100000x128xf32, #tpu.memory_space<hbm>> -> memref<100000x128xf32, #tpu.memory_space<hbm>>
          %dma_start3A_285 = tpu.memref_slice %arg9[%dma_start3A_274] : memref<6x!tpu.dma_semaphore, #tpu.memory_space<semaphore_mem>> -> memref<1x!tpu.dma_semaphore, #tpu.memory_space<semaphore_mem>>
          %dma_start3A_286 = tpu.memref_squeeze %dma_start3A_285 : memref<1x!tpu.dma_semaphore, #tpu.memory_space<semaphore_mem>> -> memref<!tpu.dma_semaphore, #tpu.memory_space<semaphore_mem>>
          tpu.enqueue_indirect_dma source(%dma_start3A_284 : memref<100000x128xf32, #tpu.memory_space<hbm>>) target(%dma_start3A_278 : memref<100x128xf32, #tpu.memory_space<vmem>>) offsets(%dma_start3A_281 : memref<100xi32, #tpu.memory_space<vmem>>) semaphore(%dma_start3A_286 : memref<!tpu.dma_semaphore, #tpu.memory_space<semaphore_mem>>)
        } else {
        }
      } else {
      }
      %mul3A_156 = arith.constant 6 : i32
      %mul3A_157 = arith.muli %scan3A_148, %mul3A_156 : i32
      %add3A_158 = arith.constant 1 : i32
      %add3A_159 = arith.addi %mul3A_157, %add3A_158 : i32
      %lt3A_160 = arith.constant 64 : i32
      %lt3A_161 = arith.cmpi slt, %add3A_159, %lt3A_160 : i32
      %convert_element_type3A_162 = arith.extui %lt3A_161 : i1 to i32
      %cond3A_163 = arith.constant 0 : i32
      %cond3A_164 = arith.cmpi ne, %convert_element_type3A_162, %cond3A_163 : i32
      scf.if %cond3A_164 {
        %dma_wait3A_202 = arith.constant 0 : i32
        %dma_wait3A_203 = arith.constant 1 : i32
        %dma_wait3A_204 = arith.constant 1 : i32
        %dma_wait3A_205 = arith.constant 0 : i32
        %dma_wait3A_206 = arith.constant 0 : i32
        %dma_wait3A_207 = tpu.memref_slice %arg8[%dma_wait3A_203, %dma_wait3A_205, %dma_wait3A_206] : memref<6x100x128xf32, #tpu.memory_space<vmem>> -> memref<1x100x128xf32, #tpu.memory_space<vmem>>
        %dma_wait3A_208 = tpu.memref_squeeze %dma_wait3A_207 : memref<1x100x128xf32, #tpu.memory_space<vmem>> -> memref<100x128xf32, #tpu.memory_space<vmem>>
        %dma_wait3A_209 = arith.constant 0 : i32
        %dma_wait3A_210 = tpu.memref_slice %arg6[%dma_wait3A_202, %dma_wait3A_209] : memref<64x100xi32, #tpu.memory_space<vmem>> -> memref<1x100xi32, #tpu.memory_space<vmem>>
        %dma_wait3A_211 = tpu.memref_squeeze %dma_wait3A_210 : memref<1x100xi32, #tpu.memory_space<vmem>> -> memref<100xi32, #tpu.memory_space<vmem>>
        %dma_wait3A_212 = arith.constant 0 : i32
        %dma_wait3A_213 = arith.constant 0 : i32
        %dma_wait3A_214 = tpu.memref_slice %arg3[%dma_wait3A_212, %dma_wait3A_213] : memref<100000x128xf32, #tpu.memory_space<hbm>> -> memref<100000x128xf32, #tpu.memory_space<hbm>>
        %dma_wait3A_215 = tpu.memref_slice %arg9[%dma_wait3A_204] : memref<6x!tpu.dma_semaphore, #tpu.memory_space<semaphore_mem>> -> memref<1x!tpu.dma_semaphore, #tpu.memory_space<semaphore_mem>>
        %dma_wait3A_216 = tpu.memref_squeeze %dma_wait3A_215 : memref<1x!tpu.dma_semaphore, #tpu.memory_space<semaphore_mem>> -> memref<!tpu.dma_semaphore, #tpu.memory_space<semaphore_mem>>
        tpu.wait_indirect_dma semaphore(%dma_wait3A_216 : memref<!tpu.dma_semaphore, #tpu.memory_space<semaphore_mem>>) src(%dma_wait3A_214 : memref<100000x128xf32, #tpu.memory_space<hbm>>) dst(%dma_wait3A_208 : memref<100x128xf32, #tpu.memory_space<vmem>>)
        %mul3A_217 = arith.constant 100 : i32
        %mul3A_218 = arith.muli %add3A_159, %mul3A_217 : i32
        %jit3A = arith.constant 200 : i32
        %eq3A = arith.constant 0 : i32
        %eq3A_219 = arith.cmpi eq, %jit3A, %eq3A : i32
        %jit3A_220 = arith.constant 1 : i32
        %select_n3A = arith.select %eq3A_219, %jit3A_220, %jit3A : i32
        %rem3A = arith.remsi %mul3A_218, %select_n3A : i32
        %ne3A = arith.constant 0 : i32
        %ne3A_221 = arith.cmpi ne, %rem3A, %ne3A : i32
        %lt3A_222 = arith.constant 0 : i32
        %lt3A_223 = arith.cmpi slt, %rem3A, %lt3A_222 : i32
        %lt3A_224 = arith.constant 0 : i32
        %lt3A_225 = arith.cmpi slt, %select_n3A, %lt3A_224 : i32
        %ne3A_226 = arith.xori %lt3A_223, %lt3A_225 : i1
        %and3A = arith.andi %ne3A_226, %ne3A_221 : i1
        %add3A_227 = arith.addi %rem3A, %select_n3A : i32
        %select_n3A_228 = arith.select %and3A, %add3A_227, %rem3A : i32
        %scan3A_229 = arith.constant 0 : i32
        %scan3A_230 = arith.constant 0 : i32
        %scan3A_231 = arith.constant 20 : i32
        %scan3A_232 = arith.addi %scan3A_230, %scan3A_231 : i32
        %scan3A_233 = arith.constant 1 : i32
        %scan3A_234 = scf.for %scan3A_271 = %scan3A_230 to %scan3A_232 step %scan3A_233 iter_args(%scan3A_272 = %scan3A_229) -> (i32)  : i32 {
          %mul3A_273 = arith.constant 5 : i32
          %mul3A_274 = arith.muli %scan3A_271, %mul3A_273 : i32
          %add3A_275 = arith.constant 0 : i32
          %add3A_276 = arith.addi %mul3A_274, %add3A_275 : i32
          %add3A_277 = arith.addi %select_n3A_228, %add3A_276 : i32
          %get3A = arith.index_cast %add3A_277 : i32 to index
          %get3A_278 = arith.constant 0 : index
          %get3A_279 = tpu.vector_load %arg7[%get3A, %get3A_278] {strides = array<i32>} : memref<200x128xf32, #tpu.memory_space<vmem>>, vector<1x16xf32>,
          %get3A_280 = vector.shape_cast %get3A_279 : vector<1x16xf32> to vector<16xf32>
          %swap3A = arith.constant 1 : i32
          %swap3A_281 = arith.index_cast %swap3A : i32 to index
          %swap3A_282 = arith.index_cast %add3A_276 : i32 to index
          %swap3A_283 = arith.constant 0 : index
          %swap3A_284 = tpu.vector_load %arg8[%swap3A_281, %swap3A_282, %swap3A_283] {strides = array<i32>} : memref<6x100x128xf32, #tpu.memory_space<vmem>>, vector<1x1x16xf32>,
          %swap3A_285 = vector.shape_cast %swap3A_284 : vector<1x1x16xf32> to vector<16xf32>
          %swap3A_286 = vector.shape_cast %get3A_280 : vector<16xf32> to vector<1x1x16xf32>
          tpu.vector_store %arg8[%swap3A_281, %swap3A_282, %swap3A_283], %swap3A_286 {add = true, strides = array<i32>} : memref<6x100x128xf32, #tpu.memory_space<vmem>>, vector<1x1x16xf32>,
          %add3A_287 = arith.addi %select_n3A_228, %add3A_276 : i32
          %get3A_288 = arith.index_cast %add3A_287 : i32 to index
          %get3A_289 = arith.constant 16 : index
          %get3A_290 = tpu.vector_load %arg7[%get3A_288, %get3A_289] {strides = array<i32>} : memref<200x128xf32, #tpu.memory_space<vmem>>, vector<1x16xf32>,
          %get3A_291 = vector.shape_cast %get3A_290 : vector<1x16xf32> to vector<16xf32>
          %swap3A_292 = arith.constant 1 : i32
          %swap3A_293 = arith.index_cast %swap3A_292 : i32 to index
          %swap3A_294 = arith.index_cast %add3A_276 : i32 to index
          %swap3A_295 = arith.constant 16 : index
          %swap3A_296 = tpu.vector_load %arg8[%swap3A_293, %swap3A_294, %swap3A_295] {strides = array<i32>} : memref<6x100x128xf32, #tpu.memory_space<vmem>>, vector<1x1x16xf32>,
          %swap3A_297 = vector.shape_cast %swap3A_296 : vector<1x1x16xf32> to vector<16xf32>
          %swap3A_298 = vector.shape_cast %get3A_291 : vector<16xf32> to vector<1x1x16xf32>
          tpu.vector_store %arg8[%swap3A_293, %swap3A_294, %swap3A_295], %swap3A_298 {add = true, strides = array<i32>} : memref<6x100x128xf32, #tpu.memory_space<vmem>>, vector<1x1x16xf32>,
          %add3A_299 = arith.addi %select_n3A_228, %add3A_276 : i32
          %get3A_300 = arith.index_cast %add3A_299 : i32 to index
          %get3A_301 = arith.constant 32 : index
          %get3A_302 = tpu.vector_load %arg7[%get3A_300, %get3A_301] {strides = array<i32>} : memref<200x128xf32, #tpu.memory_space<vmem>>, vector<1x16xf32>,
          %get3A_303 = vector.shape_cast %get3A_302 : vector<1x16xf32> to vector<16xf32>
          %swap3A_304 = arith.constant 1 : i32
          %swap3A_305 = arith.index_cast %swap3A_304 : i32 to index
          %swap3A_306 = arith.index_cast %add3A_276 : i32 to index
          %swap3A_307 = arith.constant 32 : index
          %swap3A_308 = tpu.vector_load %arg8[%swap3A_305, %swap3A_306, %swap3A_307] {strides = array<i32>} : memref<6x100x128xf32, #tpu.memory_space<vmem>>, vector<1x1x16xf32>,
          %swap3A_309 = vector.shape_cast %swap3A_308 : vector<1x1x16xf32> to vector<16xf32>
          %swap3A_310 = vector.shape_cast %get3A_303 : vector<16xf32> to vector<1x1x16xf32>
          tpu.vector_store %arg8[%swap3A_305, %swap3A_306, %swap3A_307], %swap3A_310 {add = true, strides = array<i32>} : memref<6x100x128xf32, #tpu.memory_space<vmem>>, vector<1x1x16xf32>,
          %add3A_311 = arith.addi %select_n3A_228, %add3A_276 : i32
          %get3A_312 = arith.index_cast %add3A_311 : i32 to index
          %get3A_313 = arith.constant 48 : index
          %get3A_314 = tpu.vector_load %arg7[%get3A_312, %get3A_313] {strides = array<i32>} : memref<200x128xf32, #tpu.memory_space<vmem>>, vector<1x16xf32>,
          %get3A_315 = vector.shape_cast %get3A_314 : vector<1x16xf32> to vector<16xf32>
          %swap3A_316 = arith.constant 1 : i32
          %swap3A_317 = arith.index_cast %swap3A_316 : i32 to index
          %swap3A_318 = arith.index_cast %add3A_276 : i32 to index
          %swap3A_319 = arith.constant 48 : index
          %swap3A_320 = tpu.vector_load %arg8[%swap3A_317, %swap3A_318, %swap3A_319] {strides = array<i32>} : memref<6x100x128xf32, #tpu.memory_space<vmem>>, vector<1x1x16xf32>,
          %swap3A_321 = vector.shape_cast %swap3A_320 : vector<1x1x16xf32> to vector<16xf32>
          %swap3A_322 = vector.shape_cast %get3A_315 : vector<16xf32> to vector<1x1x16xf32>
          tpu.vector_store %arg8[%swap3A_317, %swap3A_318, %swap3A_319], %swap3A_322 {add = true, strides = array<i32>} : memref<6x100x128xf32, #tpu.memory_space<vmem>>, vector<1x1x16xf32>,
          %add3A_323 = arith.addi %select_n3A_228, %add3A_276 : i32
          %get3A_324 = arith.index_cast %add3A_323 : i32 to index
          %get3A_325 = arith.constant 64 : index
          %get3A_326 = tpu.vector_load %arg7[%get3A_324, %get3A_325] {strides = array<i32>} : memref<200x128xf32, #tpu.memory_space<vmem>>, vector<1x16xf32>,
          %get3A_327 = vector.shape_cast %get3A_326 : vector<1x16xf32> to vector<16xf32>
          %swap3A_328 = arith.constant 1 : i32
          %swap3A_329 = arith.index_cast %swap3A_328 : i32 to index
          %swap3A_330 = arith.index_cast %add3A_276 : i32 to index
          %swap3A_331 = arith.constant 64 : index
          %swap3A_332 = tpu.vector_load %arg8[%swap3A_329, %swap3A_330, %swap3A_331] {strides = array<i32>} : memref<6x100x128xf32, #tpu.memory_space<vmem>>, vector<1x1x16xf32>,
          %swap3A_333 = vector.shape_cast %swap3A_332 : vector<1x1x16xf32> to vector<16xf32>
          %swap3A_334 = vector.shape_cast %get3A_327 : vector<16xf32> to vector<1x1x16xf32>
          tpu.vector_store %arg8[%swap3A_329, %swap3A_330, %swap3A_331], %swap3A_334 {add = true, strides = array<i32>} : memref<6x100x128xf32, #tpu.memory_space<vmem>>, vector<1x1x16xf32>,
          %add3A_335 = arith.addi %select_n3A_228, %add3A_276 : i32
          %get3A_336 = arith.index_cast %add3A_335 : i32 to index
          %get3A_337 = arith.constant 80 : index
          %get3A_338 = tpu.vector_load %arg7[%get3A_336, %get3A_337] {strides = array<i32>} : memref<200x128xf32, #tpu.memory_space<vmem>>, vector<1x16xf32>,
          %get3A_339 = vector.shape_cast %get3A_338 : vector<1x16xf32> to vector<16xf32>
          %swap3A_340 = arith.constant 1 : i32
          %swap3A_341 = arith.index_cast %swap3A_340 : i32 to index
          %swap3A_342 = arith.index_cast %add3A_276 : i32 to index
          %swap3A_343 = arith.constant 80 : index
          %swap3A_344 = tpu.vector_load %arg8[%swap3A_341, %swap3A_342, %swap3A_343] {strides = array<i32>} : memref<6x100x128xf32, #tpu.memory_space<vmem>>, vector<1x1x16xf32>,
          %swap3A_345 = vector.shape_cast %swap3A_344 : vector<1x1x16xf32> to vector<16xf32>
          %swap3A_346 = vector.shape_cast %get3A_339 : vector<16xf32> to vector<1x1x16xf32>
          tpu.vector_store %arg8[%swap3A_341, %swap3A_342, %swap3A_343], %swap3A_346 {add = true, strides = array<i32>} : memref<6x100x128xf32, #tpu.memory_space<vmem>>, vector<1x1x16xf32>,
          %add3A_347 = arith.addi %select_n3A_228, %add3A_276 : i32
          %get3A_348 = arith.index_cast %add3A_347 : i32 to index
          %get3A_349 = arith.constant 96 : index
          %get3A_350 = tpu.vector_load %arg7[%get3A_348, %get3A_349] {strides = array<i32>} : memref<200x128xf32, #tpu.memory_space<vmem>>, vector<1x16xf32>,
          %get3A_351 = vector.shape_cast %get3A_350 : vector<1x16xf32> to vector<16xf32>
          %swap3A_352 = arith.constant 1 : i32
          %swap3A_353 = arith.index_cast %swap3A_352 : i32 to index
          %swap3A_354 = arith.index_cast %add3A_276 : i32 to index
          %swap3A_355 = arith.constant 96 : index
          %swap3A_356 = tpu.vector_load %arg8[%swap3A_353, %swap3A_354, %swap3A_355] {strides = array<i32>} : memref<6x100x128xf32, #tpu.memory_space<vmem>>, vector<1x1x16xf32>,
          %swap3A_357 = vector.shape_cast %swap3A_356 : vector<1x1x16xf32> to vector<16xf32>
          %swap3A_358 = vector.shape_cast %get3A_351 : vector<16xf32> to vector<1x1x16xf32>
          tpu.vector_store %arg8[%swap3A_353, %swap3A_354, %swap3A_355], %swap3A_358 {add = true, strides = array<i32>} : memref<6x100x128xf32, #tpu.memory_space<vmem>>, vector<1x1x16xf32>,
          %add3A_359 = arith.addi %select_n3A_228, %add3A_276 : i32
          %get3A_360 = arith.index_cast %add3A_359 : i32 to index
          %get3A_361 = arith.constant 112 : index
          %get3A_362 = tpu.vector_load %arg7[%get3A_360, %get3A_361] {strides = array<i32>} : memref<200x128xf32, #tpu.memory_space<vmem>>, vector<1x16xf32>,
          %get3A_363 = vector.shape_cast %get3A_362 : vector<1x16xf32> to vector<16xf32>
          %swap3A_364 = arith.constant 1 : i32
          %swap3A_365 = arith.index_cast %swap3A_364 : i32 to index
          %swap3A_366 = arith.index_cast %add3A_276 : i32 to index
          %swap3A_367 = arith.constant 112 : index
          %swap3A_368 = tpu.vector_load %arg8[%swap3A_365, %swap3A_366, %swap3A_367] {strides = array<i32>} : memref<6x100x128xf32, #tpu.memory_space<vmem>>, vector<1x1x16xf32>,
          %swap3A_369 = vector.shape_cast %swap3A_368 : vector<1x1x16xf32> to vector<16xf32>
          %swap3A_370 = vector.shape_cast %get3A_363 : vector<16xf32> to vector<1x1x16xf32>
          tpu.vector_store %arg8[%swap3A_365, %swap3A_366, %swap3A_367], %swap3A_370 {add = true, strides = array<i32>} : memref<6x100x128xf32, #tpu.memory_space<vmem>>, vector<1x1x16xf32>,
          %mul3A_371 = arith.constant 5 : i32
          %mul3A_372 = arith.muli %scan3A_271, %mul3A_371 : i32
          %add3A_373 = arith.constant 1 : i32
          %add3A_374 = arith.addi %mul3A_372, %add3A_373 : i32
          %add3A_375 = arith.addi %select_n3A_228, %add3A_374 : i32
          %get3A_376 = arith.index_cast %add3A_375 : i32 to index
          %get3A_377 = arith.constant 0 : index
          %get3A_378 = tpu.vector_load %arg7[%get3A_376, %get3A_377] {strides = array<i32>} : memref<200x128xf32, #tpu.memory_space<vmem>>, vector<1x16xf32>,
          %get3A_379 = vector.shape_cast %get3A_378 : vector<1x16xf32> to vector<16xf32>
          %swap3A_380 = arith.constant 1 : i32
          %swap3A_381 = arith.index_cast %swap3A_380 : i32 to index
          %swap3A_382 = arith.index_cast %add3A_374 : i32 to index
          %swap3A_383 = arith.constant 0 : index
          %swap3A_384 = tpu.vector_load %arg8[%swap3A_381, %swap3A_382, %swap3A_383] {strides = array<i32>} : memref<6x100x128xf32, #tpu.memory_space<vmem>>, vector<1x1x16xf32>,
          %swap3A_385 = vector.shape_cast %swap3A_384 : vector<1x1x16xf32> to vector<16xf32>
          %swap3A_386 = vector.shape_cast %get3A_379 : vector<16xf32> to vector<1x1x16xf32>
          tpu.vector_store %arg8[%swap3A_381, %swap3A_382, %swap3A_383], %swap3A_386 {add = true, strides = array<i32>} : memref<6x100x128xf32, #tpu.memory_space<vmem>>, vector<1x1x16xf32>,
          %add3A_387 = arith.addi %select_n3A_228, %add3A_374 : i32
          %get3A_388 = arith.index_cast %add3A_387 : i32 to index
          %get3A_389 = arith.constant 16 : index
          %get3A_390 = tpu.vector_load %arg7[%get3A_388, %get3A_389] {strides = array<i32>} : memref<200x128xf32, #tpu.memory_space<vmem>>, vector<1x16xf32>,
          %get3A_391 = vector.shape_cast %get3A_390 : vector<1x16xf32> to vector<16xf32>
          %swap3A_392 = arith.constant 1 : i32
          %swap3A_393 = arith.index_cast %swap3A_392 : i32 to index
          %swap3A_394 = arith.index_cast %add3A_374 : i32 to index
          %swap3A_395 = arith.constant 16 : index
          %swap3A_396 = tpu.vector_load %arg8[%swap3A_393, %swap3A_394, %swap3A_395] {strides = array<i32>} : memref<6x100x128xf32, #tpu.memory_space<vmem>>, vector<1x1x16xf32>,
          %swap3A_397 = vector.shape_cast %swap3A_396 : vector<1x1x16xf32> to vector<16xf32>
          %swap3A_398 = vector.shape_cast %get3A_391 : vector<16xf32> to vector<1x1x16xf32>
          tpu.vector_store %arg8[%swap3A_393, %swap3A_394, %swap3A_395], %swap3A_398 {add = true, strides = array<i32>} : memref<6x100x128xf32, #tpu.memory_space<vmem>>, vector<1x1x16xf32>,
          %add3A_399 = arith.addi %select_n3A_228, %add3A_374 : i32
          %get3A_400 = arith.index_cast %add3A_399 : i32 to index
          %get3A_401 = arith.constant 32 : index
          %get3A_402 = tpu.vector_load %arg7[%get3A_400, %get3A_401] {strides = array<i32>} : memref<200x128xf32, #tpu.memory_space<vmem>>, vector<1x16xf32>,
          %get3A_403 = vector.shape_cast %get3A_402 : vector<1x16xf32> to vector<16xf32>
          %swap3A_404 = arith.constant 1 : i32
          %swap3A_405 = arith.index_cast %swap3A_404 : i32 to index
          %swap3A_406 = arith.index_cast %add3A_374 : i32 to index
          %swap3A_407 = arith.constant 32 : index
          %swap3A_408 = tpu.vector_load %arg8[%swap3A_405, %swap3A_406, %swap3A_407] {strides = array<i32>} : memref<6x100x128xf32, #tpu.memory_space<vmem>>, vector<1x1x16xf32>,
          %swap3A_409 = vector.shape_cast %swap3A_408 : vector<1x1x16xf32> to vector<16xf32>
          %swap3A_410 = vector.shape_cast %get3A_403 : vector<16xf32> to vector<1x1x16xf32>
          tpu.vector_store %arg8[%swap3A_405, %swap3A_406, %swap3A_407], %swap3A_410 {add = true, strides = array<i32>} : memref<6x100x128xf32, #tpu.memory_space<vmem>>, vector<1x1x16xf32>,
          %add3A_411 = arith.addi %select_n3A_228, %add3A_374 : i32
          %get3A_412 = arith.index_cast %add3A_411 : i32 to index
          %get3A_413 = arith.constant 48 : index
          %get3A_414 = tpu.vector_load %arg7[%get3A_412, %get3A_413] {strides = array<i32>} : memref<200x128xf32, #tpu.memory_space<vmem>>, vector<1x16xf32>,
          %get3A_415 = vector.shape_cast %get3A_414 : vector<1x16xf32> to vector<16xf32>
          %swap3A_416 = arith.constant 1 : i32
          %swap3A_417 = arith.index_cast %swap3A_416 : i32 to index
          %swap3A_418 = arith.index_cast %add3A_374 : i32 to index
          %swap3A_419 = arith.constant 48 : index
          %swap3A_420 = tpu.vector_load %arg8[%swap3A_417, %swap3A_418, %swap3A_419] {strides = array<i32>} : memref<6x100x128xf32, #tpu.memory_space<vmem>>, vector<1x1x16xf32>,
          %swap3A_421 = vector.shape_cast %swap3A_420 : vector<1x1x16xf32> to vector<16xf32>
          %swap3A_422 = vector.shape_cast %get3A_415 : vector<16xf32> to vector<1x1x16xf32>
          tpu.vector_store %arg8[%swap3A_417, %swap3A_418, %swap3A_419], %swap3A_422 {add = true, strides = array<i32>} : memref<6x100x128xf32, #tpu.memory_space<vmem>>, vector<1x1x16xf32>,
          %add3A_423 = arith.addi %select_n3A_228, %add3A_374 : i32
          %get3A_424 = arith.index_cast %add3A_423 : i32 to index
          %get3A_425 = arith.constant 64 : index
          %get3A_426 = tpu.vector_load %arg7[%get3A_424, %get3A_425] {strides = array<i32>} : memref<200x128xf32, #tpu.memory_space<vmem>>, vector<1x16xf32>,
          %get3A_427 = vector.shape_cast %get3A_426 : vector<1x16xf32> to vector<16xf32>
          %swap3A_428 = arith.constant 1 : i32
          %swap3A_429 = arith.index_cast %swap3A_428 : i32 to index
          %swap3A_430 = arith.index_cast %add3A_374 : i32 to index
          %swap3A_431 = arith.constant 64 : index
          %swap3A_432 = tpu.vector_load %arg8[%swap3A_429, %swap3A_430, %swap3A_431] {strides = array<i32>} : memref<6x100x128xf32, #tpu.memory_space<vmem>>, vector<1x1x16xf32>,
          %swap3A_433 = vector.shape_cast %swap3A_432 : vector<1x1x16xf32> to vector<16xf32>
          %swap3A_434 = vector.shape_cast %get3A_427 : vector<16xf32> to vector<1x1x16xf32>
          tpu.vector_store %arg8[%swap3A_429, %swap3A_430, %swap3A_431], %swap3A_434 {add = true, strides = array<i32>} : memref<6x100x128xf32, #tpu.memory_space<vmem>>, vector<1x1x16xf32>,
          %add3A_435 = arith.addi %select_n3A_228, %add3A_374 : i32
          %get3A_436 = arith.index_cast %add3A_435 : i32 to index
          %get3A_437 = arith.constant 80 : index
          %get3A_438 = tpu.vector_load %arg7[%get3A_436, %get3A_437] {strides = array<i32>} : memref<200x128xf32, #tpu.memory_space<vmem>>, vector<1x16xf32>,
          %get3A_439 = vector.shape_cast %get3A_438 : vector<1x16xf32> to vector<16xf32>
          %swap3A_440 = arith.constant 1 : i32
          %swap3A_441 = arith.index_cast %swap3A_440 : i32 to index
          %swap3A_442 = arith.index_cast %add3A_374 : i32 to index
          %swap3A_443 = arith.constant 80 : index
          %swap3A_444 = tpu.vector_load %arg8[%swap3A_441, %swap3A_442, %swap3A_443] {strides = array<i32>} : memref<6x100x128xf32, #tpu.memory_space<vmem>>, vector<1x1x16xf32>,
          %swap3A_445 = vector.shape_cast %swap3A_444 : vector<1x1x16xf32> to vector<16xf32>
          %swap3A_446 = vector.shape_cast %get3A_439 : vector<16xf32> to vector<1x1x16xf32>
          tpu.vector_store %arg8[%swap3A_441, %swap3A_442, %swap3A_443], %swap3A_446 {add = true, strides = array<i32>} : memref<6x100x128xf32, #tpu.memory_space<vmem>>, vector<1x1x16xf32>,
          %add3A_447 = arith.addi %select_n3A_228, %add3A_374 : i32
          %get3A_448 = arith.index_cast %add3A_447 : i32 to index
          %get3A_449 = arith.constant 96 : index
          %get3A_450 = tpu.vector_load %arg7[%get3A_448, %get3A_449] {strides = array<i32>} : memref<200x128xf32, #tpu.memory_space<vmem>>, vector<1x16xf32>,
          %get3A_451 = vector.shape_cast %get3A_450 : vector<1x16xf32> to vector<16xf32>
          %swap3A_452 = arith.constant 1 : i32
          %swap3A_453 = arith.index_cast %swap3A_452 : i32 to index
          %swap3A_454 = arith.index_cast %add3A_374 : i32 to index
          %swap3A_455 = arith.constant 96 : index
          %swap3A_456 = tpu.vector_load %arg8[%swap3A_453, %swap3A_454, %swap3A_455] {strides = array<i32>} : memref<6x100x128xf32, #tpu.memory_space<vmem>>, vector<1x1x16xf32>,
          %swap3A_457 = vector.shape_cast %swap3A_456 : vector<1x1x16xf32> to vector<16xf32>
          %swap3A_458 = vector.shape_cast %get3A_451 : vector<16xf32> to vector<1x1x16xf32>
          tpu.vector_store %arg8[%swap3A_453, %swap3A_454, %swap3A_455], %swap3A_458 {add = true, strides = array<i32>} : memref<6x100x128xf32, #tpu.memory_space<vmem>>, vector<1x1x16xf32>,
          %add3A_459 = arith.addi %select_n3A_228, %add3A_374 : i32
          %get3A_460 = arith.index_cast %add3A_459 : i32 to index
          %get3A_461 = arith.constant 112 : index
          %get3A_462 = tpu.vector_load %arg7[%get3A_460, %get3A_461] {strides = array<i32>} : memref<200x128xf32, #tpu.memory_space<vmem>>, vector<1x16xf32>,
          %get3A_463 = vector.shape_cast %get3A_462 : vector<1x16xf32> to vector<16xf32>
          %swap3A_464 = arith.constant 1 : i32
          %swap3A_465 = arith.index_cast %swap3A_464 : i32 to index
          %swap3A_466 = arith.index_cast %add3A_374 : i32 to index
          %swap3A_467 = arith.constant 112 : index
          %swap3A_468 = tpu.vector_load %arg8[%swap3A_465, %swap3A_466, %swap3A_467] {strides = array<i32>} : memref<6x100x128xf32, #tpu.memory_space<vmem>>, vector<1x1x16xf32>,
          %swap3A_469 = vector.shape_cast %swap3A_468 : vector<1x1x16xf32> to vector<16xf32>
          %swap3A_470 = vector.shape_cast %get3A_463 : vector<16xf32> to vector<1x1x16xf32>
          tpu.vector_store %arg8[%swap3A_465, %swap3A_466, %swap3A_467], %swap3A_470 {add = true, strides = array<i32>} : memref<6x100x128xf32, #tpu.memory_space<vmem>>, vector<1x1x16xf32>,
          %mul3A_471 = arith.constant 5 : i32
          %mul3A_472 = arith.muli %scan3A_271, %mul3A_471 : i32
          %add3A_473 = arith.constant 2 : i32
          %add3A_474 = arith.addi %mul3A_472, %add3A_473 : i32
          %add3A_475 = arith.addi %select_n3A_228, %add3A_474 : i32
          %get3A_476 = arith.index_cast %add3A_475 : i32 to index
          %get3A_477 = arith.constant 0 : index
          %get3A_478 = tpu.vector_load %arg7[%get3A_476, %get3A_477] {strides = array<i32>} : memref<200x128xf32, #tpu.memory_space<vmem>>, vector<1x16xf32>,
          %get3A_479 = vector.shape_cast %get3A_478 : vector<1x16xf32> to vector<16xf32>
          %swap3A_480 = arith.constant 1 : i32
          %swap3A_481 = arith.index_cast %swap3A_480 : i32 to index
          %swap3A_482 = arith.index_cast %add3A_474 : i32 to index
          %swap3A_483 = arith.constant 0 : index
          %swap3A_484 = tpu.vector_load %arg8[%swap3A_481, %swap3A_482, %swap3A_483] {strides = array<i32>} : memref<6x100x128xf32, #tpu.memory_space<vmem>>, vector<1x1x16xf32>,
          %swap3A_485 = vector.shape_cast %swap3A_484 : vector<1x1x16xf32> to vector<16xf32>
          %swap3A_486 = vector.shape_cast %get3A_479 : vector<16xf32> to vector<1x1x16xf32>
          tpu.vector_store %arg8[%swap3A_481, %swap3A_482, %swap3A_483], %swap3A_486 {add = true, strides = array<i32>} : memref<6x100x128xf32, #tpu.memory_space<vmem>>, vector<1x1x16xf32>,
          %add3A_487 = arith.addi %select_n3A_228, %add3A_474 : i32
          %get3A_488 = arith.index_cast %add3A_487 : i32 to index
          %get3A_489 = arith.constant 16 : index
          %get3A_490 = tpu.vector_load %arg7[%get3A_488, %get3A_489] {strides = array<i32>} : memref<200x128xf32, #tpu.memory_space<vmem>>, vector<1x16xf32>,
          %get3A_491 = vector.shape_cast %get3A_490 : vector<1x16xf32> to vector<16xf32>
          %swap3A_492 = arith.constant 1 : i32
          %swap3A_493 = arith.index_cast %swap3A_492 : i32 to index
          %swap3A_494 = arith.index_cast %add3A_474 : i32 to index
          %swap3A_495 = arith.constant 16 : index
          %swap3A_496 = tpu.vector_load %arg8[%swap3A_493, %swap3A_494, %swap3A_495] {strides = array<i32>} : memref<6x100x128xf32, #tpu.memory_space<vmem>>, vector<1x1x16xf32>,
          %swap3A_497 = vector.shape_cast %swap3A_496 : vector<1x1x16xf32> to vector<16xf32>
          %swap3A_498 = vector.shape_cast %get3A_491 : vector<16xf32> to vector<1x1x16xf32>
          tpu.vector_store %arg8[%swap3A_493, %swap3A_494, %swap3A_495], %swap3A_498 {add = true, strides = array<i32>} : memref<6x100x128xf32, #tpu.memory_space<vmem>>, vector<1x1x16xf32>,
          %add3A_499 = arith.addi %select_n3A_228, %add3A_474 : i32
          %get3A_500 = arith.index_cast %add3A_499 : i32 to index
          %get3A_501 = arith.constant 32 : index
          %get3A_502 = tpu.vector_load %arg7[%get3A_500, %get3A_501] {strides = array<i32>} : memref<200x128xf32, #tpu.memory_space<vmem>>, vector<1x16xf32>,
          %get3A_503 = vector.shape_cast %get3A_502 : vector<1x16xf32> to vector<16xf32>
          %swap3A_504 = arith.constant 1 : i32
          %swap3A_505 = arith.index_cast %swap3A_504 : i32 to index
          %swap3A_506 = arith.index_cast %add3A_474 : i32 to index
          %swap3A_507 = arith.constant 32 : index
          %swap3A_508 = tpu.vector_load %arg8[%swap3A_505, %swap3A_506, %swap3A_507] {strides = array<i32>} : memref<6x100x128xf32, #tpu.memory_space<vmem>>, vector<1x1x16xf32>,
          %swap3A_509 = vector.shape_cast %swap3A_508 : vector<1x1x16xf32> to vector<16xf32>
          %swap3A_510 = vector.shape_cast %get3A_503 : vector<16xf32> to vector<1x1x16xf32>
          tpu.vector_store %arg8[%swap3A_505, %swap3A_506, %swap3A_507], %swap3A_510 {add = true, strides = array<i32>} : memref<6x100x128xf32, #tpu.memory_space<vmem>>, vector<1x1x16xf32>,
          %add3A_511 = arith.addi %select_n3A_228, %add3A_474 : i32
          %get3A_512 = arith.index_cast %add3A_511 : i32 to index
          %get3A_513 = arith.constant 48 : index
          %get3A_514 = tpu.vector_load %arg7[%get3A_512, %get3A_513] {strides = array<i32>} : memref<200x128xf32, #tpu.memory_space<vmem>>, vector<1x16xf32>,
          %get3A_515 = vector.shape_cast %get3A_514 : vector<1x16xf32> to vector<16xf32>
          %swap3A_516 = arith.constant 1 : i32
          %swap3A_517 = arith.index_cast %swap3A_516 : i32 to index
          %swap3A_518 = arith.index_cast %add3A_474 : i32 to index
          %swap3A_519 = arith.constant 48 : index
          %swap3A_520 = tpu.vector_load %arg8[%swap3A_517, %swap3A_518, %swap3A_519] {strides = array<i32>} : memref<6x100x128xf32, #tpu.memory_space<vmem>>, vector<1x1x16xf32>,
          %swap3A_521 = vector.shape_cast %swap3A_520 : vector<1x1x16xf32> to vector<16xf32>
          %swap3A_522 = vector.shape_cast %get3A_515 : vector<16xf32> to vector<1x1x16xf32>
          tpu.vector_store %arg8[%swap3A_517, %swap3A_518, %swap3A_519], %swap3A_522 {add = true, strides = array<i32>} : memref<6x100x128xf32, #tpu.memory_space<vmem>>, vector<1x1x16xf32>,
          %add3A_523 = arith.addi %select_n3A_228, %add3A_474 : i32
          %get3A_524 = arith.index_cast %add3A_523 : i32 to index
          %get3A_525 = arith.constant 64 : index
          %get3A_526 = tpu.vector_load %arg7[%get3A_524, %get3A_525] {strides = array<i32>} : memref<200x128xf32, #tpu.memory_space<vmem>>, vector<1x16xf32>,
          %get3A_527 = vector.shape_cast %get3A_526 : vector<1x16xf32> to vector<16xf32>
          %swap3A_528 = arith.constant 1 : i32
          %swap3A_529 = arith.index_cast %swap3A_528 : i32 to index
          %swap3A_530 = arith.index_cast %add3A_474 : i32 to index
          %swap3A_531 = arith.constant 64 : index
          %swap3A_532 = tpu.vector_load %arg8[%swap3A_529, %swap3A_530, %swap3A_531] {strides = array<i32>} : memref<6x100x128xf32, #tpu.memory_space<vmem>>, vector<1x1x16xf32>,
          %swap3A_533 = vector.shape_cast %swap3A_532 : vector<1x1x16xf32> to vector<16xf32>
          %swap3A_534 = vector.shape_cast %get3A_527 : vector<16xf32> to vector<1x1x16xf32>
          tpu.vector_store %arg8[%swap3A_529, %swap3A_530, %swap3A_531], %swap3A_534 {add = true, strides = array<i32>} : memref<6x100x128xf32, #tpu.memory_space<vmem>>, vector<1x1x16xf32>,
          %add3A_535 = arith.addi %select_n3A_228, %add3A_474 : i32
          %get3A_536 = arith.index_cast %add3A_535 : i32 to index
          %get3A_537 = arith.constant 80 : index
          %get3A_538 = tpu.vector_load %arg7[%get3A_536, %get3A_537] {strides = array<i32>} : memref<200x128xf32, #tpu.memory_space<vmem>>, vector<1x16xf32>,
          %get3A_539 = vector.shape_cast %get3A_538 : vector<1x16xf32> to vector<16xf32>
          %swap3A_540 = arith.constant 1 : i32
          %swap3A_541 = arith.index_cast %swap3A_540 : i32 to index
          %swap3A_542 = arith.index_cast %add3A_474 : i32 to index
          %swap3A_543 = arith.constant 80 : index
          %swap3A_544 = tpu.vector_load %arg8[%swap3A_541, %swap3A_542, %swap3A_543] {strides = array<i32>} : memref<6x100x128xf32, #tpu.memory_space<vmem>>, vector<1x1x16xf32>,
          %swap3A_545 = vector.shape_cast %swap3A_544 : vector<1x1x16xf32> to vector<16xf32>
          %swap3A_546 = vector.shape_cast %get3A_539 : vector<16xf32> to vector<1x1x16xf32>
          tpu.vector_store %arg8[%swap3A_541, %swap3A_542, %swap3A_543], %swap3A_546 {add = true, strides = array<i32>} : memref<6x100x128xf32, #tpu.memory_space<vmem>>, vector<1x1x16xf32>,
          %add3A_547 = arith.addi %select_n3A_228, %add3A_474 : i32
          %get3A_548 = arith.index_cast %add3A_547 : i32 to index
          %get3A_549 = arith.constant 96 : index
          %get3A_550 = tpu.vector_load %arg7[%get3A_548, %get3A_549] {strides = array<i32>} : memref<200x128xf32, #tpu.memory_space<vmem>>, vector<1x16xf32>,
          %get3A_551 = vector.shape_cast %get3A_550 : vector<1x16xf32> to vector<16xf32>
          %swap3A_552 = arith.constant 1 : i32
          %swap3A_553 = arith.index_cast %swap3A_552 : i32 to index
          %swap3A_554 = arith.index_cast %add3A_474 : i32 to index
          %swap3A_555 = arith.constant 96 : index
          %swap3A_556 = tpu.vector_load %arg8[%swap3A_553, %swap3A_554, %swap3A_555] {strides = array<i32>} : memref<6x100x128xf32, #tpu.memory_space<vmem>>, vector<1x1x16xf32>,
          %swap3A_557 = vector.shape_cast %swap3A_556 : vector<1x1x16xf32> to vector<16xf32>
          %swap3A_558 = vector.shape_cast %get3A_551 : vector<16xf32> to vector<1x1x16xf32>
          tpu.vector_store %arg8[%swap3A_553, %swap3A_554, %swap3A_555], %swap3A_558 {add = true, strides = array<i32>} : memref<6x100x128xf32, #tpu.memory_space<vmem>>, vector<1x1x16xf32>,
          %add3A_559 = arith.addi %select_n3A_228, %add3A_474 : i32
          %get3A_560 = arith.index_cast %add3A_559 : i32 to index
          %get3A_561 = arith.constant 112 : index
          %get3A_562 = tpu.vector_load %arg7[%get3A_560, %get3A_561] {strides = array<i32>} : memref<200x128xf32, #tpu.memory_space<vmem>>, vector<1x16xf32>,
          %get3A_563 = vector.shape_cast %get3A_562 : vector<1x16xf32> to vector<16xf32>
          %swap3A_564 = arith.constant 1 : i32
          %swap3A_565 = arith.index_cast %swap3A_564 : i32 to index
          %swap3A_566 = arith.index_cast %add3A_474 : i32 to index
          %swap3A_567 = arith.constant 112 : index
          %swap3A_568 = tpu.vector_load %arg8[%swap3A_565, %swap3A_566, %swap3A_567] {strides = array<i32>} : memref<6x100x128xf32, #tpu.memory_space<vmem>>, vector<1x1x16xf32>,
          %swap3A_569 = vector.shape_cast %swap3A_568 : vector<1x1x16xf32> to vector<16xf32>
          %swap3A_570 = vector.shape_cast %get3A_563 : vector<16xf32> to vector<1x1x16xf32>
          tpu.vector_store %arg8[%swap3A_565, %swap3A_566, %swap3A_567], %swap3A_570 {add = true, strides = array<i32>} : memref<6x100x128xf32, #tpu.memory_space<vmem>>, vector<1x1x16xf32>,
          %mul3A_571 = arith.constant 5 : i32
          %mul3A_572 = arith.muli %scan3A_271, %mul3A_571 : i32
          %add3A_573 = arith.constant 3 : i32
          %add3A_574 = arith.addi %mul3A_572, %add3A_573 : i32
          %add3A_575 = arith.addi %select_n3A_228, %add3A_574 : i32
          %get3A_576 = arith.index_cast %add3A_575 : i32 to index
          %get3A_577 = arith.constant 0 : index
          %get3A_578 = tpu.vector_load %arg7[%get3A_576, %get3A_577] {strides = array<i32>} : memref<200x128xf32, #tpu.memory_space<vmem>>, vector<1x16xf32>,
          %get3A_579 = vector.shape_cast %get3A_578 : vector<1x16xf32> to vector<16xf32>
          %swap3A_580 = arith.constant 1 : i32
          %swap3A_581 = arith.index_cast %swap3A_580 : i32 to index
          %swap3A_582 = arith.index_cast %add3A_574 : i32 to index
          %swap3A_583 = arith.constant 0 : index
          %swap3A_584 = tpu.vector_load %arg8[%swap3A_581, %swap3A_582, %swap3A_583] {strides = array<i32>} : memref<6x100x128xf32, #tpu.memory_space<vmem>>, vector<1x1x16xf32>,
          %swap3A_585 = vector.shape_cast %swap3A_584 : vector<1x1x16xf32> to vector<16xf32>
          %swap3A_586 = vector.shape_cast %get3A_579 : vector<16xf32> to vector<1x1x16xf32>
          tpu.vector_store %arg8[%swap3A_581, %swap3A_582, %swap3A_583], %swap3A_586 {add = true, strides = array<i32>} : memref<6x100x128xf32, #tpu.memory_space<vmem>>, vector<1x1x16xf32>,
          %add3A_587 = arith.addi %select_n3A_228, %add3A_574 : i32
          %get3A_588 = arith.index_cast %add3A_587 : i32 to index
          %get3A_589 = arith.constant 16 : index
          %get3A_590 = tpu.vector_load %arg7[%get3A_588, %get3A_589] {strides = array<i32>} : memref<200x128xf32, #tpu.memory_space<vmem>>, vector<1x16xf32>,
          %get3A_591 = vector.shape_cast %get3A_590 : vector<1x16xf32> to vector<16xf32>
          %swap3A_592 = arith.constant 1 : i32
          %swap3A_593 = arith.index_cast %swap3A_592 : i32 to index
          %swap3A_594 = arith.index_cast %add3A_574 : i32 to index
          %swap3A_595 = arith.constant 16 : index
          %swap3A_596 = tpu.vector_load %arg8[%swap3A_593, %swap3A_594, %swap3A_595] {strides = array<i32>} : memref<6x100x128xf32, #tpu.memory_space<vmem>>, vector<1x1x16xf32>,
          %swap3A_597 = vector.shape_cast %swap3A_596 : vector<1x1x16xf32> to vector<16xf32>
          %swap3A_598 = vector.shape_cast %get3A_591 : vector<16xf32> to vector<1x1x16xf32>
          tpu.vector_store %arg8[%swap3A_593, %swap3A_594, %swap3A_595], %swap3A_598 {add = true, strides = array<i32>} : memref<6x100x128xf32, #tpu.memory_space<vmem>>, vector<1x1x16xf32>,
          %add3A_599 = arith.addi %select_n3A_228, %add3A_574 : i32
          %get3A_600 = arith.index_cast %add3A_599 : i32 to index
          %get3A_601 = arith.constant 32 : index
          %get3A_602 = tpu.vector_load %arg7[%get3A_600, %get3A_601] {strides = array<i32>} : memref<200x128xf32, #tpu.memory_space<vmem>>, vector<1x16xf32>,
          %get3A_603 = vector.shape_cast %get3A_602 : vector<1x16xf32> to vector<16xf32>
          %swap3A_604 = arith.constant 1 : i32
          %swap3A_605 = arith.index_cast %swap3A_604 : i32 to index
          %swap3A_606 = arith.index_cast %add3A_574 : i32 to index
          %swap3A_607 = arith.constant 32 : index
          %swap3A_608 = tpu.vector_load %arg8[%swap3A_605, %swap3A_606, %swap3A_607] {strides = array<i32>} : memref<6x100x128xf32, #tpu.memory_space<vmem>>, vector<1x1x16xf32>,
          %swap3A_609 = vector.shape_cast %swap3A_608 : vector<1x1x16xf32> to vector<16xf32>
          %swap3A_610 = vector.shape_cast %get3A_603 : vector<16xf32> to vector<1x1x16xf32>
          tpu.vector_store %arg8[%swap3A_605, %swap3A_606, %swap3A_607], %swap3A_610 {add = true, strides = array<i32>} : memref<6x100x128xf32, #tpu.memory_space<vmem>>, vector<1x1x16xf32>,
          %add3A_611 = arith.addi %select_n3A_228, %add3A_574 : i32
          %get3A_612 = arith.index_cast %add3A_611 : i32 to index
          %get3A_613 = arith.constant 48 : index
          %get3A_614 = tpu.vector_load %arg7[%get3A_612, %get3A_613] {strides = array<i32>} : memref<200x128xf32, #tpu.memory_space<vmem>>, vector<1x16xf32>,
          %get3A_615 = vector.shape_cast %get3A_614 : vector<1x16xf32> to vector<16xf32>
          %swap3A_616 = arith.constant 1 : i32
          %swap3A_617 = arith.index_cast %swap3A_616 : i32 to index
          %swap3A_618 = arith.index_cast %add3A_574 : i32 to index
          %swap3A_619 = arith.constant 48 : index
          %swap3A_620 = tpu.vector_load %arg8[%swap3A_617, %swap3A_618, %swap3A_619] {strides = array<i32>} : memref<6x100x128xf32, #tpu.memory_space<vmem>>, vector<1x1x16xf32>,
          %swap3A_621 = vector.shape_cast %swap3A_620 : vector<1x1x16xf32> to vector<16xf32>
          %swap3A_622 = vector.shape_cast %get3A_615 : vector<16xf32> to vector<1x1x16xf32>
          tpu.vector_store %arg8[%swap3A_617, %swap3A_618, %swap3A_619], %swap3A_622 {add = true, strides = array<i32>} : memref<6x100x128xf32, #tpu.memory_space<vmem>>, vector<1x1x16xf32>,
          %add3A_623 = arith.addi %select_n3A_228, %add3A_574 : i32
          %get3A_624 = arith.index_cast %add3A_623 : i32 to index
          %get3A_625 = arith.constant 64 : index
          %get3A_626 = tpu.vector_load %arg7[%get3A_624, %get3A_625] {strides = array<i32>} : memref<200x128xf32, #tpu.memory_space<vmem>>, vector<1x16xf32>,
          %get3A_627 = vector.shape_cast %get3A_626 : vector<1x16xf32> to vector<16xf32>
          %swap3A_628 = arith.constant 1 : i32
          %swap3A_629 = arith.index_cast %swap3A_628 : i32 to index
          %swap3A_630 = arith.index_cast %add3A_574 : i32 to index
          %swap3A_631 = arith.constant 64 : index
          %swap3A_632 = tpu.vector_load %arg8[%swap3A_629, %swap3A_630, %swap3A_631] {strides = array<i32>} : memref<6x100x128xf32, #tpu.memory_space<vmem>>, vector<1x1x16xf32>,
          %swap3A_633 = vector.shape_cast %swap3A_632 : vector<1x1x16xf32> to vector<16xf32>
          %swap3A_634 = vector.shape_cast %get3A_627 : vector<16xf32> to vector<1x1x16xf32>
          tpu.vector_store %arg8[%swap3A_629, %swap3A_630, %swap3A_631], %swap3A_634 {add = true, strides = array<i32>} : memref<6x100x128xf32, #tpu.memory_space<vmem>>, vector<1x1x16xf32>,
          %add3A_635 = arith.addi %select_n3A_228, %add3A_574 : i32
          %get3A_636 = arith.index_cast %add3A_635 : i32 to index
          %get3A_637 = arith.constant 80 : index
          %get3A_638 = tpu.vector_load %arg7[%get3A_636, %get3A_637] {strides = array<i32>} : memref<200x128xf32, #tpu.memory_space<vmem>>, vector<1x16xf32>,
          %get3A_639 = vector.shape_cast %get3A_638 : vector<1x16xf32> to vector<16xf32>
          %swap3A_640 = arith.constant 1 : i32
          %swap3A_641 = arith.index_cast %swap3A_640 : i32 to index
          %swap3A_642 = arith.index_cast %add3A_574 : i32 to index
          %swap3A_643 = arith.constant 80 : index
          %swap3A_644 = tpu.vector_load %arg8[%swap3A_641, %swap3A_642, %swap3A_643] {strides = array<i32>} : memref<6x100x128xf32, #tpu.memory_space<vmem>>, vector<1x1x16xf32>,
          %swap3A_645 = vector.shape_cast %swap3A_644 : vector<1x1x16xf32> to vector<16xf32>
          %swap3A_646 = vector.shape_cast %get3A_639 : vector<16xf32> to vector<1x1x16xf32>
          tpu.vector_store %arg8[%swap3A_641, %swap3A_642, %swap3A_643], %swap3A_646 {add = true, strides = array<i32>} : memref<6x100x128xf32, #tpu.memory_space<vmem>>, vector<1x1x16xf32>,
          %add3A_647 = arith.addi %select_n3A_228, %add3A_574 : i32
          %get3A_648 = arith.index_cast %add3A_647 : i32 to index
          %get3A_649 = arith.constant 96 : index
          %get3A_650 = tpu.vector_load %arg7[%get3A_648, %get3A_649] {strides = array<i32>} : memref<200x128xf32, #tpu.memory_space<vmem>>, vector<1x16xf32>,
          %get3A_651 = vector.shape_cast %get3A_650 : vector<1x16xf32> to vector<16xf32>
          %swap3A_652 = arith.constant 1 : i32
          %swap3A_653 = arith.index_cast %swap3A_652 : i32 to index
          %swap3A_654 = arith.index_cast %add3A_574 : i32 to index
          %swap3A_655 = arith.constant 96 : index
          %swap3A_656 = tpu.vector_load %arg8[%swap3A_653, %swap3A_654, %swap3A_655] {strides = array<i32>} : memref<6x100x128xf32, #tpu.memory_space<vmem>>, vector<1x1x16xf32>,
          %swap3A_657 = vector.shape_cast %swap3A_656 : vector<1x1x16xf32> to vector<16xf32>
          %swap3A_658 = vector.shape_cast %get3A_651 : vector<16xf32> to vector<1x1x16xf32>
          tpu.vector_store %arg8[%swap3A_653, %swap3A_654, %swap3A_655], %swap3A_658 {add = true, strides = array<i32>} : memref<6x100x128xf32, #tpu.memory_space<vmem>>, vector<1x1x16xf32>,
          %add3A_659 = arith.addi %select_n3A_228, %add3A_574 : i32
          %get3A_660 = arith.index_cast %add3A_659 : i32 to index
          %get3A_661 = arith.constant 112 : index
          %get3A_662 = tpu.vector_load %arg7[%get3A_660, %get3A_661] {strides = array<i32>} : memref<200x128xf32, #tpu.memory_space<vmem>>, vector<1x16xf32>,
          %get3A_663 = vector.shape_cast %get3A_662 : vector<1x16xf32> to vector<16xf32>
          %swap3A_664 = arith.constant 1 : i32
          %swap3A_665 = arith.index_cast %swap3A_664 : i32 to index
          %swap3A_666 = arith.index_cast %add3A_574 : i32 to index
          %swap3A_667 = arith.constant 112 : index
          %swap3A_668 = tpu.vector_load %arg8[%swap3A_665, %swap3A_666, %swap3A_667] {strides = array<i32>} : memref<6x100x128xf32, #tpu.memory_space<vmem>>, vector<1x1x16xf32>,
          %swap3A_669 = vector.shape_cast %swap3A_668 : vector<1x1x16xf32> to vector<16xf32>
          %swap3A_670 = vector.shape_cast %get3A_663 : vector<16xf32> to vector<1x1x16xf32>
          tpu.vector_store %arg8[%swap3A_665, %swap3A_666, %swap3A_667], %swap3A_670 {add = true, strides = array<i32>} : memref<6x100x128xf32, #tpu.memory_space<vmem>>, vector<1x1x16xf32>,
          %mul3A_671 = arith.constant 5 : i32
          %mul3A_672 = arith.muli %scan3A_271, %mul3A_671 : i32
          %add3A_673 = arith.constant 4 : i32
          %add3A_674 = arith.addi %mul3A_672, %add3A_673 : i32
          %add3A_675 = arith.addi %select_n3A_228, %add3A_674 : i32
          %get3A_676 = arith.index_cast %add3A_675 : i32 to index
          %get3A_677 = arith.constant 0 : index
          %get3A_678 = tpu.vector_load %arg7[%get3A_676, %get3A_677] {strides = array<i32>} : memref<200x128xf32, #tpu.memory_space<vmem>>, vector<1x16xf32>,
          %get3A_679 = vector.shape_cast %get3A_678 : vector<1x16xf32> to vector<16xf32>
          %swap3A_680 = arith.constant 1 : i32
          %swap3A_681 = arith.index_cast %swap3A_680 : i32 to index
          %swap3A_682 = arith.index_cast %add3A_674 : i32 to index
          %swap3A_683 = arith.constant 0 : index
          %swap3A_684 = tpu.vector_load %arg8[%swap3A_681, %swap3A_682, %swap3A_683] {strides = array<i32>} : memref<6x100x128xf32, #tpu.memory_space<vmem>>, vector<1x1x16xf32>,
          %swap3A_685 = vector.shape_cast %swap3A_684 : vector<1x1x16xf32> to vector<16xf32>
          %swap3A_686 = vector.shape_cast %get3A_679 : vector<16xf32> to vector<1x1x16xf32>
          tpu.vector_store %arg8[%swap3A_681, %swap3A_682, %swap3A_683], %swap3A_686 {add = true, strides = array<i32>} : memref<6x100x128xf32, #tpu.memory_space<vmem>>, vector<1x1x16xf32>,
          %add3A_687 = arith.addi %select_n3A_228, %add3A_674 : i32
          %get3A_688 = arith.index_cast %add3A_687 : i32 to index
          %get3A_689 = arith.constant 16 : index
          %get3A_690 = tpu.vector_load %arg7[%get3A_688, %get3A_689] {strides = array<i32>} : memref<200x128xf32, #tpu.memory_space<vmem>>, vector<1x16xf32>,
          %get3A_691 = vector.shape_cast %get3A_690 : vector<1x16xf32> to vector<16xf32>
          %swap3A_692 = arith.constant 1 : i32
          %swap3A_693 = arith.index_cast %swap3A_692 : i32 to index
          %swap3A_694 = arith.index_cast %add3A_674 : i32 to index
          %swap3A_695 = arith.constant 16 : index
          %swap3A_696 = tpu.vector_load %arg8[%swap3A_693, %swap3A_694, %swap3A_695] {strides = array<i32>} : memref<6x100x128xf32, #tpu.memory_space<vmem>>, vector<1x1x16xf32>,
          %swap3A_697 = vector.shape_cast %swap3A_696 : vector<1x1x16xf32> to vector<16xf32>
          %swap3A_698 = vector.shape_cast %get3A_691 : vector<16xf32> to vector<1x1x16xf32>
          tpu.vector_store %arg8[%swap3A_693, %swap3A_694, %swap3A_695], %swap3A_698 {add = true, strides = array<i32>} : memref<6x100x128xf32, #tpu.memory_space<vmem>>, vector<1x1x16xf32>,
          %add3A_699 = arith.addi %select_n3A_228, %add3A_674 : i32
          %get3A_700 = arith.index_cast %add3A_699 : i32 to index
          %get3A_701 = arith.constant 32 : index
          %get3A_702 = tpu.vector_load %arg7[%get3A_700, %get3A_701] {strides = array<i32>} : memref<200x128xf32, #tpu.memory_space<vmem>>, vector<1x16xf32>,
          %get3A_703 = vector.shape_cast %get3A_702 : vector<1x16xf32> to vector<16xf32>
          %swap3A_704 = arith.constant 1 : i32
          %swap3A_705 = arith.index_cast %swap3A_704 : i32 to index
          %swap3A_706 = arith.index_cast %add3A_674 : i32 to index
          %swap3A_707 = arith.constant 32 : index
          %swap3A_708 = tpu.vector_load %arg8[%swap3A_705, %swap3A_706, %swap3A_707] {strides = array<i32>} : memref<6x100x128xf32, #tpu.memory_space<vmem>>, vector<1x1x16xf32>,
          %swap3A_709 = vector.shape_cast %swap3A_708 : vector<1x1x16xf32> to vector<16xf32>
          %swap3A_710 = vector.shape_cast %get3A_703 : vector<16xf32> to vector<1x1x16xf32>
          tpu.vector_store %arg8[%swap3A_705, %swap3A_706, %swap3A_707], %swap3A_710 {add = true, strides = array<i32>} : memref<6x100x128xf32, #tpu.memory_space<vmem>>, vector<1x1x16xf32>,
          %add3A_711 = arith.addi %select_n3A_228, %add3A_674 : i32
          %get3A_712 = arith.index_cast %add3A_711 : i32 to index
          %get3A_713 = arith.constant 48 : index
          %get3A_714 = tpu.vector_load %arg7[%get3A_712, %get3A_713] {strides = array<i32>} : memref<200x128xf32, #tpu.memory_space<vmem>>, vector<1x16xf32>,
          %get3A_715 = vector.shape_cast %get3A_714 : vector<1x16xf32> to vector<16xf32>
          %swap3A_716 = arith.constant 1 : i32
          %swap3A_717 = arith.index_cast %swap3A_716 : i32 to index
          %swap3A_718 = arith.index_cast %add3A_674 : i32 to index
          %swap3A_719 = arith.constant 48 : index
          %swap3A_720 = tpu.vector_load %arg8[%swap3A_717, %swap3A_718, %swap3A_719] {strides = array<i32>} : memref<6x100x128xf32, #tpu.memory_space<vmem>>, vector<1x1x16xf32>,
          %swap3A_721 = vector.shape_cast %swap3A_720 : vector<1x1x16xf32> to vector<16xf32>
          %swap3A_722 = vector.shape_cast %get3A_715 : vector<16xf32> to vector<1x1x16xf32>
          tpu.vector_store %arg8[%swap3A_717, %swap3A_718, %swap3A_719], %swap3A_722 {add = true, strides = array<i32>} : memref<6x100x128xf32, #tpu.memory_space<vmem>>, vector<1x1x16xf32>,
          %add3A_723 = arith.addi %select_n3A_228, %add3A_674 : i32
          %get3A_724 = arith.index_cast %add3A_723 : i32 to index
          %get3A_725 = arith.constant 64 : index
          %get3A_726 = tpu.vector_load %arg7[%get3A_724, %get3A_725] {strides = array<i32>} : memref<200x128xf32, #tpu.memory_space<vmem>>, vector<1x16xf32>,
          %get3A_727 = vector.shape_cast %get3A_726 : vector<1x16xf32> to vector<16xf32>
          %swap3A_728 = arith.constant 1 : i32
          %swap3A_729 = arith.index_cast %swap3A_728 : i32 to index
          %swap3A_730 = arith.index_cast %add3A_674 : i32 to index
          %swap3A_731 = arith.constant 64 : index
          %swap3A_732 = tpu.vector_load %arg8[%swap3A_729, %swap3A_730, %swap3A_731] {strides = array<i32>} : memref<6x100x128xf32, #tpu.memory_space<vmem>>, vector<1x1x16xf32>,
          %swap3A_733 = vector.shape_cast %swap3A_732 : vector<1x1x16xf32> to vector<16xf32>
          %swap3A_734 = vector.shape_cast %get3A_727 : vector<16xf32> to vector<1x1x16xf32>
          tpu.vector_store %arg8[%swap3A_729, %swap3A_730, %swap3A_731], %swap3A_734 {add = true, strides = array<i32>} : memref<6x100x128xf32, #tpu.memory_space<vmem>>, vector<1x1x16xf32>,
          %add3A_735 = arith.addi %select_n3A_228, %add3A_674 : i32
          %get3A_736 = arith.index_cast %add3A_735 : i32 to index
          %get3A_737 = arith.constant 80 : index
          %get3A_738 = tpu.vector_load %arg7[%get3A_736, %get3A_737] {strides = array<i32>} : memref<200x128xf32, #tpu.memory_space<vmem>>, vector<1x16xf32>,
          %get3A_739 = vector.shape_cast %get3A_738 : vector<1x16xf32> to vector<16xf32>
          %swap3A_740 = arith.constant 1 : i32
          %swap3A_741 = arith.index_cast %swap3A_740 : i32 to index
          %swap3A_742 = arith.index_cast %add3A_674 : i32 to index
          %swap3A_743 = arith.constant 80 : index
          %swap3A_744 = tpu.vector_load %arg8[%swap3A_741, %swap3A_742, %swap3A_743] {strides = array<i32>} : memref<6x100x128xf32, #tpu.memory_space<vmem>>, vector<1x1x16xf32>,
          %swap3A_745 = vector.shape_cast %swap3A_744 : vector<1x1x16xf32> to vector<16xf32>
          %swap3A_746 = vector.shape_cast %get3A_739 : vector<16xf32> to vector<1x1x16xf32>
          tpu.vector_store %arg8[%swap3A_741, %swap3A_742, %swap3A_743], %swap3A_746 {add = true, strides = array<i32>} : memref<6x100x128xf32, #tpu.memory_space<vmem>>, vector<1x1x16xf32>,
          %add3A_747 = arith.addi %select_n3A_228, %add3A_674 : i32
          %get3A_748 = arith.index_cast %add3A_747 : i32 to index
          %get3A_749 = arith.constant 96 : index
          %get3A_750 = tpu.vector_load %arg7[%get3A_748, %get3A_749] {strides = array<i32>} : memref<200x128xf32, #tpu.memory_space<vmem>>, vector<1x16xf32>,
          %get3A_751 = vector.shape_cast %get3A_750 : vector<1x16xf32> to vector<16xf32>
          %swap3A_752 = arith.constant 1 : i32
          %swap3A_753 = arith.index_cast %swap3A_752 : i32 to index
          %swap3A_754 = arith.index_cast %add3A_674 : i32 to index
          %swap3A_755 = arith.constant 96 : index
          %swap3A_756 = tpu.vector_load %arg8[%swap3A_753, %swap3A_754, %swap3A_755] {strides = array<i32>} : memref<6x100x128xf32, #tpu.memory_space<vmem>>, vector<1x1x16xf32>,
          %swap3A_757 = vector.shape_cast %swap3A_756 : vector<1x1x16xf32> to vector<16xf32>
          %swap3A_758 = vector.shape_cast %get3A_751 : vector<16xf32> to vector<1x1x16xf32>
          tpu.vector_store %arg8[%swap3A_753, %swap3A_754, %swap3A_755], %swap3A_758 {add = true, strides = array<i32>} : memref<6x100x128xf32, #tpu.memory_space<vmem>>, vector<1x1x16xf32>,
          %add3A_759 = arith.addi %select_n3A_228, %add3A_674 : i32
          %get3A_760 = arith.index_cast %add3A_759 : i32 to index
          %get3A_761 = arith.constant 112 : index
          %get3A_762 = tpu.vector_load %arg7[%get3A_760, %get3A_761] {strides = array<i32>} : memref<200x128xf32, #tpu.memory_space<vmem>>, vector<1x16xf32>,
          %get3A_763 = vector.shape_cast %get3A_762 : vector<1x16xf32> to vector<16xf32>
          %swap3A_764 = arith.constant 1 : i32
          %swap3A_765 = arith.index_cast %swap3A_764 : i32 to index
          %swap3A_766 = arith.index_cast %add3A_674 : i32 to index
          %swap3A_767 = arith.constant 112 : index
          %swap3A_768 = tpu.vector_load %arg8[%swap3A_765, %swap3A_766, %swap3A_767] {strides = array<i32>} : memref<6x100x128xf32, #tpu.memory_space<vmem>>, vector<1x1x16xf32>,
          %swap3A_769 = vector.shape_cast %swap3A_768 : vector<1x1x16xf32> to vector<16xf32>
          %swap3A_770 = vector.shape_cast %get3A_763 : vector<16xf32> to vector<1x1x16xf32>
          tpu.vector_store %arg8[%swap3A_765, %swap3A_766, %swap3A_767], %swap3A_770 {add = true, strides = array<i32>} : memref<6x100x128xf32, #tpu.memory_space<vmem>>, vector<1x1x16xf32>,
          %scan3A_771 = arith.constant 0 : i32
          scf.yield %scan3A_771 : i32
        }
        %scan3A_235 = arith.constant 20 : i32
        %mul3A_236 = arith.constant 100 : i32
        %mul3A_237 = arith.muli %add3A_159, %mul3A_236 : i32
        %add3A_238 = arith.addi %mul3A_2, %mul3A_237 : i32
        %dma_start3A_239 = arith.constant 1 : i32
        %dma_start3A_240 = arith.constant 1 : i32
        %dma_start3A_241 = arith.constant 0 : i32
        %dma_start3A_242 = arith.constant 0 : i32
        %dma_start3A_243 = tpu.memref_slice %arg8[%dma_start3A_239, %dma_start3A_241, %dma_start3A_242] : memref<6x100x128xf32, #tpu.memory_space<vmem>> -> memref<1x100x128xf32, #tpu.memory_space<vmem>>
        %dma_start3A_244 = tpu.memref_squeeze %dma_start3A_243 : memref<1x100x128xf32, #tpu.memory_space<vmem>> -> memref<100x128xf32, #tpu.memory_space<vmem>>
        %dma_start3A_245 = arith.constant 0 : i32
        %dma_start3A_246 = tpu.memref_slice %arg5[%add3A_238, %dma_start3A_245] : memref<204800x128xf32, #tpu.memory_space<hbm>> -> memref<100x128xf32, #tpu.memory_space<hbm>>
        %dma_start3A_247 = tpu.memref_slice %arg10[%dma_start3A_240] : memref<6x!tpu.dma_semaphore, #tpu.memory_space<semaphore_mem>> -> memref<1x!tpu.dma_semaphore, #tpu.memory_space<semaphore_mem>>
        %dma_start3A_248 = tpu.memref_squeeze %dma_start3A_247 : memref<1x!tpu.dma_semaphore, #tpu.memory_space<semaphore_mem>> -> memref<!tpu.dma_semaphore, #tpu.memory_space<semaphore_mem>>
        %dma_start3A_249 = arith.constant 0 : i32
        %dma_start3A_250 = tpu.memref_slice %arg5[%add3A_238, %dma_start3A_249] : memref<204800x128xf32, #tpu.memory_space<hbm>> -> memref<100x128xf32, #tpu.memory_space<hbm>>
        %dma_start3A_251 = arith.constant 0 : i32
        %dma_start3A_252 = arith.constant 0 : i32
        %dma_start3A_253 = tpu.memref_slice %arg8[%dma_start3A_239, %dma_start3A_251, %dma_start3A_252] : memref<6x100x128xf32, #tpu.memory_space<vmem>> -> memref<1x100x128xf32, #tpu.memory_space<vmem>>
        %dma_start3A_254 = tpu.memref_squeeze %dma_start3A_253 : memref<1x100x128xf32, #tpu.memory_space<vmem>> -> memref<100x128xf32, #tpu.memory_space<vmem>>
        tpu.enqueue_dma source(%dma_start3A_254 : memref<100x128xf32, #tpu.memory_space<vmem>>) target(%dma_start3A_250 : memref<100x128xf32, #tpu.memory_space<hbm>>) target_semaphore(%dma_start3A_248 : memref<!tpu.dma_semaphore, #tpu.memory_space<semaphore_mem>>)
        %ge3A = arith.constant 3 : i32
        %ge3A_255 = arith.cmpi sge, %add3A_159, %ge3A : i32
        %add3A_256 = arith.constant 3 : i32
        %add3A_257 = arith.addi %add3A_159, %add3A_256 : i32
        %lt3A_258 = arith.constant 64 : i32
        %lt3A_259 = arith.cmpi slt, %add3A_257, %lt3A_258 : i32
        %and3A_260 = arith.andi %ge3A_255, %lt3A_259 : i1
        %convert_element_type3A_261 = arith.extui %and3A_260 : i1 to i32
        %cond3A_262 = arith.constant 0 : i32
        %cond3A_263 = arith.cmpi ne, %convert_element_type3A_261, %cond3A_262 : i32
        scf.if %cond3A_263 {
          %dma_wait3A_271 = arith.constant 4 : i32
          %dma_wait3A_272 = arith.constant 4 : i32
          %dma_wait3A_273 = arith.constant 0 : i32
          %dma_wait3A_274 = arith.constant 0 : i32
          %dma_wait3A_275 = tpu.memref_slice %arg8[%dma_wait3A_271, %dma_wait3A_273, %dma_wait3A_274] : memref<6x100x128xf32, #tpu.memory_space<vmem>> -> memref<1x100x128xf32, #tpu.memory_space<vmem>>
          %dma_wait3A_276 = tpu.memref_squeeze %dma_wait3A_275 : memref<1x100x128xf32, #tpu.memory_space<vmem>> -> memref<100x128xf32, #tpu.memory_space<vmem>>
          %dma_wait3A_277 = arith.constant 0 : i32
          %dma_wait3A_278 = tpu.memref_slice %arg5[%mul3A_2, %dma_wait3A_277] : memref<204800x128xf32, #tpu.memory_space<hbm>> -> memref<100x128xf32, #tpu.memory_space<hbm>>
          %dma_wait3A_279 = tpu.memref_slice %arg10[%dma_wait3A_272] : memref<6x!tpu.dma_semaphore, #tpu.memory_space<semaphore_mem>> -> memref<1x!tpu.dma_semaphore, #tpu.memory_space<semaphore_mem>>
          %dma_wait3A_280 = tpu.memref_squeeze %dma_wait3A_279 : memref<1x!tpu.dma_semaphore, #tpu.memory_space<semaphore_mem>> -> memref<!tpu.dma_semaphore, #tpu.memory_space<semaphore_mem>>
          %dma_wait3A_281 = arith.constant 0 : i32
          %dma_wait3A_282 = tpu.memref_slice %arg5[%mul3A_2, %dma_wait3A_281] : memref<204800x128xf32, #tpu.memory_space<hbm>> -> memref<100x128xf32, #tpu.memory_space<hbm>>
          %dma_wait3A_283 = arith.constant 0 : i32
          %dma_wait3A_284 = arith.constant 0 : i32
          %dma_wait3A_285 = tpu.memref_slice %arg8[%dma_wait3A_271, %dma_wait3A_283, %dma_wait3A_284] : memref<6x100x128xf32, #tpu.memory_space<vmem>> -> memref<1x100x128xf32, #tpu.memory_space<vmem>>
          %dma_wait3A_286 = tpu.memref_squeeze %dma_wait3A_285 : memref<1x100x128xf32, #tpu.memory_space<vmem>> -> memref<100x128xf32, #tpu.memory_space<vmem>>
          tpu.wait_dma2 semaphore(%dma_wait3A_280 : memref<!tpu.dma_semaphore, #tpu.memory_space<semaphore_mem>>) src(%dma_wait3A_286 : memref<100x128xf32, #tpu.memory_space<vmem>>) dst(%dma_wait3A_282 : memref<100x128xf32, #tpu.memory_space<hbm>>)
        } else {
        }
        %add3A_264 = arith.constant 3 : i32
        %add3A_265 = arith.addi %add3A_159, %add3A_264 : i32
        %lt3A_266 = arith.constant 64 : i32
        %lt3A_267 = arith.cmpi slt, %add3A_265, %lt3A_266 : i32
        %convert_element_type3A_268 = arith.extui %lt3A_267 : i1 to i32
        %cond3A_269 = arith.constant 0 : i32
        %cond3A_270 = arith.cmpi ne, %convert_element_type3A_268, %cond3A_269 : i32
        scf.if %cond3A_270 {
          %add3A_271 = arith.constant 3 : i32
          %add3A_272 = arith.addi %add3A_159, %add3A_271 : i32
          %dma_start3A_273 = arith.constant 4 : i32
          %dma_start3A_274 = arith.constant 4 : i32
          %dma_start3A_275 = arith.constant 0 : i32
          %dma_start3A_276 = arith.constant 0 : i32
          %dma_start3A_277 = tpu.memref_slice %arg8[%dma_start3A_273, %dma_start3A_275, %dma_start3A_276] : memref<6x100x128xf32, #tpu.memory_space<vmem>> -> memref<1x100x128xf32, #tpu.memory_space<vmem>>
          %dma_start3A_278 = tpu.memref_squeeze %dma_start3A_277 : memref<1x100x128xf32, #tpu.memory_space<vmem>> -> memref<100x128xf32, #tpu.memory_space<vmem>>
          %dma_start3A_279 = arith.constant 0 : i32
          %dma_start3A_280 = tpu.memref_slice %arg6[%add3A_272, %dma_start3A_279] : memref<64x100xi32, #tpu.memory_space<vmem>> -> memref<1x100xi32, #tpu.memory_space<vmem>>
          %dma_start3A_281 = tpu.memref_squeeze %dma_start3A_280 : memref<1x100xi32, #tpu.memory_space<vmem>> -> memref<100xi32, #tpu.memory_space<vmem>>
          %dma_start3A_282 = arith.constant 0 : i32
          %dma_start3A_283 = arith.constant 0 : i32
          %dma_start3A_284 = tpu.memref_slice %arg3[%dma_start3A_282, %dma_start3A_283] : memref<100000x128xf32, #tpu.memory_space<hbm>> -> memref<100000x128xf32, #tpu.memory_space<hbm>>
          %dma_start3A_285 = tpu.memref_slice %arg9[%dma_start3A_274] : memref<6x!tpu.dma_semaphore, #tpu.memory_space<semaphore_mem>> -> memref<1x!tpu.dma_semaphore, #tpu.memory_space<semaphore_mem>>
          %dma_start3A_286 = tpu.memref_squeeze %dma_start3A_285 : memref<1x!tpu.dma_semaphore, #tpu.memory_space<semaphore_mem>> -> memref<!tpu.dma_semaphore, #tpu.memory_space<semaphore_mem>>
          tpu.enqueue_indirect_dma source(%dma_start3A_284 : memref<100000x128xf32, #tpu.memory_space<hbm>>) target(%dma_start3A_278 : memref<100x128xf32, #tpu.memory_space<vmem>>) offsets(%dma_start3A_281 : memref<100xi32, #tpu.memory_space<vmem>>) semaphore(%dma_start3A_286 : memref<!tpu.dma_semaphore, #tpu.memory_space<semaphore_mem>>)
        } else {
        }
      } else {
      }
      %mul3A_165 = arith.constant 6 : i32
      %mul3A_166 = arith.muli %scan3A_148, %mul3A_165 : i32
      %add3A_167 = arith.constant 2 : i32
      %add3A_168 = arith.addi %mul3A_166, %add3A_167 : i32
      %lt3A_169 = arith.constant 64 : i32
      %lt3A_170 = arith.cmpi slt, %add3A_168, %lt3A_169 : i32
      %convert_element_type3A_171 = arith.extui %lt3A_170 : i1 to i32
      %cond3A_172 = arith.constant 0 : i32
      %cond3A_173 = arith.cmpi ne, %convert_element_type3A_171, %cond3A_172 : i32
      scf.if %cond3A_173 {
        %dma_wait3A_202 = arith.constant 0 : i32
        %dma_wait3A_203 = arith.constant 2 : i32
        %dma_wait3A_204 = arith.constant 2 : i32
        %dma_wait3A_205 = arith.constant 0 : i32
        %dma_wait3A_206 = arith.constant 0 : i32
        %dma_wait3A_207 = tpu.memref_slice %arg8[%dma_wait3A_203, %dma_wait3A_205, %dma_wait3A_206] : memref<6x100x128xf32, #tpu.memory_space<vmem>> -> memref<1x100x128xf32, #tpu.memory_space<vmem>>
        %dma_wait3A_208 = tpu.memref_squeeze %dma_wait3A_207 : memref<1x100x128xf32, #tpu.memory_space<vmem>> -> memref<100x128xf32, #tpu.memory_space<vmem>>
        %dma_wait3A_209 = arith.constant 0 : i32
        %dma_wait3A_210 = tpu.memref_slice %arg6[%dma_wait3A_202, %dma_wait3A_209] : memref<64x100xi32, #tpu.memory_space<vmem>> -> memref<1x100xi32, #tpu.memory_space<vmem>>
        %dma_wait3A_211 = tpu.memref_squeeze %dma_wait3A_210 : memref<1x100xi32, #tpu.memory_space<vmem>> -> memref<100xi32, #tpu.memory_space<vmem>>
        %dma_wait3A_212 = arith.constant 0 : i32
        %dma_wait3A_213 = arith.constant 0 : i32
        %dma_wait3A_214 = tpu.memref_slice %arg3[%dma_wait3A_212, %dma_wait3A_213] : memref<100000x128xf32, #tpu.memory_space<hbm>> -> memref<100000x128xf32, #tpu.memory_space<hbm>>
        %dma_wait3A_215 = tpu.memref_slice %arg9[%dma_wait3A_204] : memref<6x!tpu.dma_semaphore, #tpu.memory_space<semaphore_mem>> -> memref<1x!tpu.dma_semaphore, #tpu.memory_space<semaphore_mem>>
        %dma_wait3A_216 = tpu.memref_squeeze %dma_wait3A_215 : memref<1x!tpu.dma_semaphore, #tpu.memory_space<semaphore_mem>> -> memref<!tpu.dma_semaphore, #tpu.memory_space<semaphore_mem>>
        tpu.wait_indirect_dma semaphore(%dma_wait3A_216 : memref<!tpu.dma_semaphore, #tpu.memory_space<semaphore_mem>>) src(%dma_wait3A_214 : memref<100000x128xf32, #tpu.memory_space<hbm>>) dst(%dma_wait3A_208 : memref<100x128xf32, #tpu.memory_space<vmem>>)
        %mul3A_217 = arith.constant 100 : i32
        %mul3A_218 = arith.muli %add3A_168, %mul3A_217 : i32
        %jit3A = arith.constant 200 : i32
        %eq3A = arith.constant 0 : i32
        %eq3A_219 = arith.cmpi eq, %jit3A, %eq3A : i32
        %jit3A_220 = arith.constant 1 : i32
        %select_n3A = arith.select %eq3A_219, %jit3A_220, %jit3A : i32
        %rem3A = arith.remsi %mul3A_218, %select_n3A : i32
        %ne3A = arith.constant 0 : i32
        %ne3A_221 = arith.cmpi ne, %rem3A, %ne3A : i32
        %lt3A_222 = arith.constant 0 : i32
        %lt3A_223 = arith.cmpi slt, %rem3A, %lt3A_222 : i32
        %lt3A_224 = arith.constant 0 : i32
        %lt3A_225 = arith.cmpi slt, %select_n3A, %lt3A_224 : i32
        %ne3A_226 = arith.xori %lt3A_223, %lt3A_225 : i1
        %and3A = arith.andi %ne3A_226, %ne3A_221 : i1
        %add3A_227 = arith.addi %rem3A, %select_n3A : i32
        %select_n3A_228 = arith.select %and3A, %add3A_227, %rem3A : i32
        %scan3A_229 = arith.constant 0 : i32
        %scan3A_230 = arith.constant 0 : i32
        %scan3A_231 = arith.constant 20 : i32
        %scan3A_232 = arith.addi %scan3A_230, %scan3A_231 : i32
        %scan3A_233 = arith.constant 1 : i32
        %scan3A_234 = scf.for %scan3A_271 = %scan3A_230 to %scan3A_232 step %scan3A_233 iter_args(%scan3A_272 = %scan3A_229) -> (i32)  : i32 {
          %mul3A_273 = arith.constant 5 : i32
          %mul3A_274 = arith.muli %scan3A_271, %mul3A_273 : i32
          %add3A_275 = arith.constant 0 : i32
          %add3A_276 = arith.addi %mul3A_274, %add3A_275 : i32
          %add3A_277 = arith.addi %select_n3A_228, %add3A_276 : i32
          %get3A = arith.index_cast %add3A_277 : i32 to index
          %get3A_278 = arith.constant 0 : index
          %get3A_279 = tpu.vector_load %arg7[%get3A, %get3A_278] {strides = array<i32>} : memref<200x128xf32, #tpu.memory_space<vmem>>, vector<1x16xf32>,
          %get3A_280 = vector.shape_cast %get3A_279 : vector<1x16xf32> to vector<16xf32>
          %swap3A = arith.constant 2 : i32
          %swap3A_281 = arith.index_cast %swap3A : i32 to index
          %swap3A_282 = arith.index_cast %add3A_276 : i32 to index
          %swap3A_283 = arith.constant 0 : index
          %swap3A_284 = tpu.vector_load %arg8[%swap3A_281, %swap3A_282, %swap3A_283] {strides = array<i32>} : memref<6x100x128xf32, #tpu.memory_space<vmem>>, vector<1x1x16xf32>,
          %swap3A_285 = vector.shape_cast %swap3A_284 : vector<1x1x16xf32> to vector<16xf32>
          %swap3A_286 = vector.shape_cast %get3A_280 : vector<16xf32> to vector<1x1x16xf32>
          tpu.vector_store %arg8[%swap3A_281, %swap3A_282, %swap3A_283], %swap3A_286 {add = true, strides = array<i32>} : memref<6x100x128xf32, #tpu.memory_space<vmem>>, vector<1x1x16xf32>,
          %add3A_287 = arith.addi %select_n3A_228, %add3A_276 : i32
          %get3A_288 = arith.index_cast %add3A_287 : i32 to index
          %get3A_289 = arith.constant 16 : index
          %get3A_290 = tpu.vector_load %arg7[%get3A_288, %get3A_289] {strides = array<i32>} : memref<200x128xf32, #tpu.memory_space<vmem>>, vector<1x16xf32>,
          %get3A_291 = vector.shape_cast %get3A_290 : vector<1x16xf32> to vector<16xf32>
          %swap3A_292 = arith.constant 2 : i32
          %swap3A_293 = arith.index_cast %swap3A_292 : i32 to index
          %swap3A_294 = arith.index_cast %add3A_276 : i32 to index
          %swap3A_295 = arith.constant 16 : index
          %swap3A_296 = tpu.vector_load %arg8[%swap3A_293, %swap3A_294, %swap3A_295] {strides = array<i32>} : memref<6x100x128xf32, #tpu.memory_space<vmem>>, vector<1x1x16xf32>,
          %swap3A_297 = vector.shape_cast %swap3A_296 : vector<1x1x16xf32> to vector<16xf32>
          %swap3A_298 = vector.shape_cast %get3A_291 : vector<16xf32> to vector<1x1x16xf32>
          tpu.vector_store %arg8[%swap3A_293, %swap3A_294, %swap3A_295], %swap3A_298 {add = true, strides = array<i32>} : memref<6x100x128xf32, #tpu.memory_space<vmem>>, vector<1x1x16xf32>,
          %add3A_299 = arith.addi %select_n3A_228, %add3A_276 : i32
          %get3A_300 = arith.index_cast %add3A_299 : i32 to index
          %get3A_301 = arith.constant 32 : index
          %get3A_302 = tpu.vector_load %arg7[%get3A_300, %get3A_301] {strides = array<i32>} : memref<200x128xf32, #tpu.memory_space<vmem>>, vector<1x16xf32>,
          %get3A_303 = vector.shape_cast %get3A_302 : vector<1x16xf32> to vector<16xf32>
          %swap3A_304 = arith.constant 2 : i32
          %swap3A_305 = arith.index_cast %swap3A_304 : i32 to index
          %swap3A_306 = arith.index_cast %add3A_276 : i32 to index
          %swap3A_307 = arith.constant 32 : index
          %swap3A_308 = tpu.vector_load %arg8[%swap3A_305, %swap3A_306, %swap3A_307] {strides = array<i32>} : memref<6x100x128xf32, #tpu.memory_space<vmem>>, vector<1x1x16xf32>,
          %swap3A_309 = vector.shape_cast %swap3A_308 : vector<1x1x16xf32> to vector<16xf32>
          %swap3A_310 = vector.shape_cast %get3A_303 : vector<16xf32> to vector<1x1x16xf32>
          tpu.vector_store %arg8[%swap3A_305, %swap3A_306, %swap3A_307], %swap3A_310 {add = true, strides = array<i32>} : memref<6x100x128xf32, #tpu.memory_space<vmem>>, vector<1x1x16xf32>,
          %add3A_311 = arith.addi %select_n3A_228, %add3A_276 : i32
          %get3A_312 = arith.index_cast %add3A_311 : i32 to index
          %get3A_313 = arith.constant 48 : index
          %get3A_314 = tpu.vector_load %arg7[%get3A_312, %get3A_313] {strides = array<i32>} : memref<200x128xf32, #tpu.memory_space<vmem>>, vector<1x16xf32>,
          %get3A_315 = vector.shape_cast %get3A_314 : vector<1x16xf32> to vector<16xf32>
          %swap3A_316 = arith.constant 2 : i32
          %swap3A_317 = arith.index_cast %swap3A_316 : i32 to index
          %swap3A_318 = arith.index_cast %add3A_276 : i32 to index
          %swap3A_319 = arith.constant 48 : index
          %swap3A_320 = tpu.vector_load %arg8[%swap3A_317, %swap3A_318, %swap3A_319] {strides = array<i32>} : memref<6x100x128xf32, #tpu.memory_space<vmem>>, vector<1x1x16xf32>,
          %swap3A_321 = vector.shape_cast %swap3A_320 : vector<1x1x16xf32> to vector<16xf32>
          %swap3A_322 = vector.shape_cast %get3A_315 : vector<16xf32> to vector<1x1x16xf32>
          tpu.vector_store %arg8[%swap3A_317, %swap3A_318, %swap3A_319], %swap3A_322 {add = true, strides = array<i32>} : memref<6x100x128xf32, #tpu.memory_space<vmem>>, vector<1x1x16xf32>,
          %add3A_323 = arith.addi %select_n3A_228, %add3A_276 : i32
          %get3A_324 = arith.index_cast %add3A_323 : i32 to index
          %get3A_325 = arith.constant 64 : index
          %get3A_326 = tpu.vector_load %arg7[%get3A_324, %get3A_325] {strides = array<i32>} : memref<200x128xf32, #tpu.memory_space<vmem>>, vector<1x16xf32>,
          %get3A_327 = vector.shape_cast %get3A_326 : vector<1x16xf32> to vector<16xf32>
          %swap3A_328 = arith.constant 2 : i32
          %swap3A_329 = arith.index_cast %swap3A_328 : i32 to index
          %swap3A_330 = arith.index_cast %add3A_276 : i32 to index
          %swap3A_331 = arith.constant 64 : index
          %swap3A_332 = tpu.vector_load %arg8[%swap3A_329, %swap3A_330, %swap3A_331] {strides = array<i32>} : memref<6x100x128xf32, #tpu.memory_space<vmem>>, vector<1x1x16xf32>,
          %swap3A_333 = vector.shape_cast %swap3A_332 : vector<1x1x16xf32> to vector<16xf32>
          %swap3A_334 = vector.shape_cast %get3A_327 : vector<16xf32> to vector<1x1x16xf32>
          tpu.vector_store %arg8[%swap3A_329, %swap3A_330, %swap3A_331], %swap3A_334 {add = true, strides = array<i32>} : memref<6x100x128xf32, #tpu.memory_space<vmem>>, vector<1x1x16xf32>,
          %add3A_335 = arith.addi %select_n3A_228, %add3A_276 : i32
          %get3A_336 = arith.index_cast %add3A_335 : i32 to index
          %get3A_337 = arith.constant 80 : index
          %get3A_338 = tpu.vector_load %arg7[%get3A_336, %get3A_337] {strides = array<i32>} : memref<200x128xf32, #tpu.memory_space<vmem>>, vector<1x16xf32>,
          %get3A_339 = vector.shape_cast %get3A_338 : vector<1x16xf32> to vector<16xf32>
          %swap3A_340 = arith.constant 2 : i32
          %swap3A_341 = arith.index_cast %swap3A_340 : i32 to index
          %swap3A_342 = arith.index_cast %add3A_276 : i32 to index
          %swap3A_343 = arith.constant 80 : index
          %swap3A_344 = tpu.vector_load %arg8[%swap3A_341, %swap3A_342, %swap3A_343] {strides = array<i32>} : memref<6x100x128xf32, #tpu.memory_space<vmem>>, vector<1x1x16xf32>,
          %swap3A_345 = vector.shape_cast %swap3A_344 : vector<1x1x16xf32> to vector<16xf32>
          %swap3A_346 = vector.shape_cast %get3A_339 : vector<16xf32> to vector<1x1x16xf32>
          tpu.vector_store %arg8[%swap3A_341, %swap3A_342, %swap3A_343], %swap3A_346 {add = true, strides = array<i32>} : memref<6x100x128xf32, #tpu.memory_space<vmem>>, vector<1x1x16xf32>,
          %add3A_347 = arith.addi %select_n3A_228, %add3A_276 : i32
          %get3A_348 = arith.index_cast %add3A_347 : i32 to index
          %get3A_349 = arith.constant 96 : index
          %get3A_350 = tpu.vector_load %arg7[%get3A_348, %get3A_349] {strides = array<i32>} : memref<200x128xf32, #tpu.memory_space<vmem>>, vector<1x16xf32>,
          %get3A_351 = vector.shape_cast %get3A_350 : vector<1x16xf32> to vector<16xf32>
          %swap3A_352 = arith.constant 2 : i32
          %swap3A_353 = arith.index_cast %swap3A_352 : i32 to index
          %swap3A_354 = arith.index_cast %add3A_276 : i32 to index
          %swap3A_355 = arith.constant 96 : index
          %swap3A_356 = tpu.vector_load %arg8[%swap3A_353, %swap3A_354, %swap3A_355] {strides = array<i32>} : memref<6x100x128xf32, #tpu.memory_space<vmem>>, vector<1x1x16xf32>,
          %swap3A_357 = vector.shape_cast %swap3A_356 : vector<1x1x16xf32> to vector<16xf32>
          %swap3A_358 = vector.shape_cast %get3A_351 : vector<16xf32> to vector<1x1x16xf32>
          tpu.vector_store %arg8[%swap3A_353, %swap3A_354, %swap3A_355], %swap3A_358 {add = true, strides = array<i32>} : memref<6x100x128xf32, #tpu.memory_space<vmem>>, vector<1x1x16xf32>,
          %add3A_359 = arith.addi %select_n3A_228, %add3A_276 : i32
          %get3A_360 = arith.index_cast %add3A_359 : i32 to index
          %get3A_361 = arith.constant 112 : index
          %get3A_362 = tpu.vector_load %arg7[%get3A_360, %get3A_361] {strides = array<i32>} : memref<200x128xf32, #tpu.memory_space<vmem>>, vector<1x16xf32>,
          %get3A_363 = vector.shape_cast %get3A_362 : vector<1x16xf32> to vector<16xf32>
          %swap3A_364 = arith.constant 2 : i32
          %swap3A_365 = arith.index_cast %swap3A_364 : i32 to index
          %swap3A_366 = arith.index_cast %add3A_276 : i32 to index
          %swap3A_367 = arith.constant 112 : index
          %swap3A_368 = tpu.vector_load %arg8[%swap3A_365, %swap3A_366, %swap3A_367] {strides = array<i32>} : memref<6x100x128xf32, #tpu.memory_space<vmem>>, vector<1x1x16xf32>,
          %swap3A_369 = vector.shape_cast %swap3A_368 : vector<1x1x16xf32> to vector<16xf32>
          %swap3A_370 = vector.shape_cast %get3A_363 : vector<16xf32> to vector<1x1x16xf32>
          tpu.vector_store %arg8[%swap3A_365, %swap3A_366, %swap3A_367], %swap3A_370 {add = true, strides = array<i32>} : memref<6x100x128xf32, #tpu.memory_space<vmem>>, vector<1x1x16xf32>,
          %mul3A_371 = arith.constant 5 : i32
          %mul3A_372 = arith.muli %scan3A_271, %mul3A_371 : i32
          %add3A_373 = arith.constant 1 : i32
          %add3A_374 = arith.addi %mul3A_372, %add3A_373 : i32
          %add3A_375 = arith.addi %select_n3A_228, %add3A_374 : i32
          %get3A_376 = arith.index_cast %add3A_375 : i32 to index
          %get3A_377 = arith.constant 0 : index
          %get3A_378 = tpu.vector_load %arg7[%get3A_376, %get3A_377] {strides = array<i32>} : memref<200x128xf32, #tpu.memory_space<vmem>>, vector<1x16xf32>,
          %get3A_379 = vector.shape_cast %get3A_378 : vector<1x16xf32> to vector<16xf32>
          %swap3A_380 = arith.constant 2 : i32
          %swap3A_381 = arith.index_cast %swap3A_380 : i32 to index
          %swap3A_382 = arith.index_cast %add3A_374 : i32 to index
          %swap3A_383 = arith.constant 0 : index
          %swap3A_384 = tpu.vector_load %arg8[%swap3A_381, %swap3A_382, %swap3A_383] {strides = array<i32>} : memref<6x100x128xf32, #tpu.memory_space<vmem>>, vector<1x1x16xf32>,
          %swap3A_385 = vector.shape_cast %swap3A_384 : vector<1x1x16xf32> to vector<16xf32>
          %swap3A_386 = vector.shape_cast %get3A_379 : vector<16xf32> to vector<1x1x16xf32>
          tpu.vector_store %arg8[%swap3A_381, %swap3A_382, %swap3A_383], %swap3A_386 {add = true, strides = array<i32>} : memref<6x100x128xf32, #tpu.memory_space<vmem>>, vector<1x1x16xf32>,
          %add3A_387 = arith.addi %select_n3A_228, %add3A_374 : i32
          %get3A_388 = arith.index_cast %add3A_387 : i32 to index
          %get3A_389 = arith.constant 16 : index
          %get3A_390 = tpu.vector_load %arg7[%get3A_388, %get3A_389] {strides = array<i32>} : memref<200x128xf32, #tpu.memory_space<vmem>>, vector<1x16xf32>,
          %get3A_391 = vector.shape_cast %get3A_390 : vector<1x16xf32> to vector<16xf32>
          %swap3A_392 = arith.constant 2 : i32
          %swap3A_393 = arith.index_cast %swap3A_392 : i32 to index
          %swap3A_394 = arith.index_cast %add3A_374 : i32 to index
          %swap3A_395 = arith.constant 16 : index
          %swap3A_396 = tpu.vector_load %arg8[%swap3A_393, %swap3A_394, %swap3A_395] {strides = array<i32>} : memref<6x100x128xf32, #tpu.memory_space<vmem>>, vector<1x1x16xf32>,
          %swap3A_397 = vector.shape_cast %swap3A_396 : vector<1x1x16xf32> to vector<16xf32>
          %swap3A_398 = vector.shape_cast %get3A_391 : vector<16xf32> to vector<1x1x16xf32>
          tpu.vector_store %arg8[%swap3A_393, %swap3A_394, %swap3A_395], %swap3A_398 {add = true, strides = array<i32>} : memref<6x100x128xf32, #tpu.memory_space<vmem>>, vector<1x1x16xf32>,
          %add3A_399 = arith.addi %select_n3A_228, %add3A_374 : i32
          %get3A_400 = arith.index_cast %add3A_399 : i32 to index
          %get3A_401 = arith.constant 32 : index
          %get3A_402 = tpu.vector_load %arg7[%get3A_400, %get3A_401] {strides = array<i32>} : memref<200x128xf32, #tpu.memory_space<vmem>>, vector<1x16xf32>,
          %get3A_403 = vector.shape_cast %get3A_402 : vector<1x16xf32> to vector<16xf32>
          %swap3A_404 = arith.constant 2 : i32
          %swap3A_405 = arith.index_cast %swap3A_404 : i32 to index
          %swap3A_406 = arith.index_cast %add3A_374 : i32 to index
          %swap3A_407 = arith.constant 32 : index
          %swap3A_408 = tpu.vector_load %arg8[%swap3A_405, %swap3A_406, %swap3A_407] {strides = array<i32>} : memref<6x100x128xf32, #tpu.memory_space<vmem>>, vector<1x1x16xf32>,
          %swap3A_409 = vector.shape_cast %swap3A_408 : vector<1x1x16xf32> to vector<16xf32>
          %swap3A_410 = vector.shape_cast %get3A_403 : vector<16xf32> to vector<1x1x16xf32>
          tpu.vector_store %arg8[%swap3A_405, %swap3A_406, %swap3A_407], %swap3A_410 {add = true, strides = array<i32>} : memref<6x100x128xf32, #tpu.memory_space<vmem>>, vector<1x1x16xf32>,
          %add3A_411 = arith.addi %select_n3A_228, %add3A_374 : i32
          %get3A_412 = arith.index_cast %add3A_411 : i32 to index
          %get3A_413 = arith.constant 48 : index
          %get3A_414 = tpu.vector_load %arg7[%get3A_412, %get3A_413] {strides = array<i32>} : memref<200x128xf32, #tpu.memory_space<vmem>>, vector<1x16xf32>,
          %get3A_415 = vector.shape_cast %get3A_414 : vector<1x16xf32> to vector<16xf32>
          %swap3A_416 = arith.constant 2 : i32
          %swap3A_417 = arith.index_cast %swap3A_416 : i32 to index
          %swap3A_418 = arith.index_cast %add3A_374 : i32 to index
          %swap3A_419 = arith.constant 48 : index
          %swap3A_420 = tpu.vector_load %arg8[%swap3A_417, %swap3A_418, %swap3A_419] {strides = array<i32>} : memref<6x100x128xf32, #tpu.memory_space<vmem>>, vector<1x1x16xf32>,
          %swap3A_421 = vector.shape_cast %swap3A_420 : vector<1x1x16xf32> to vector<16xf32>
          %swap3A_422 = vector.shape_cast %get3A_415 : vector<16xf32> to vector<1x1x16xf32>
          tpu.vector_store %arg8[%swap3A_417, %swap3A_418, %swap3A_419], %swap3A_422 {add = true, strides = array<i32>} : memref<6x100x128xf32, #tpu.memory_space<vmem>>, vector<1x1x16xf32>,
          %add3A_423 = arith.addi %select_n3A_228, %add3A_374 : i32
          %get3A_424 = arith.index_cast %add3A_423 : i32 to index
          %get3A_425 = arith.constant 64 : index
          %get3A_426 = tpu.vector_load %arg7[%get3A_424, %get3A_425] {strides = array<i32>} : memref<200x128xf32, #tpu.memory_space<vmem>>, vector<1x16xf32>,
          %get3A_427 = vector.shape_cast %get3A_426 : vector<1x16xf32> to vector<16xf32>
          %swap3A_428 = arith.constant 2 : i32
          %swap3A_429 = arith.index_cast %swap3A_428 : i32 to index
          %swap3A_430 = arith.index_cast %add3A_374 : i32 to index
          %swap3A_431 = arith.constant 64 : index
          %swap3A_432 = tpu.vector_load %arg8[%swap3A_429, %swap3A_430, %swap3A_431] {strides = array<i32>} : memref<6x100x128xf32, #tpu.memory_space<vmem>>, vector<1x1x16xf32>,
          %swap3A_433 = vector.shape_cast %swap3A_432 : vector<1x1x16xf32> to vector<16xf32>
          %swap3A_434 = vector.shape_cast %get3A_427 : vector<16xf32> to vector<1x1x16xf32>
          tpu.vector_store %arg8[%swap3A_429, %swap3A_430, %swap3A_431], %swap3A_434 {add = true, strides = array<i32>} : memref<6x100x128xf32, #tpu.memory_space<vmem>>, vector<1x1x16xf32>,
          %add3A_435 = arith.addi %select_n3A_228, %add3A_374 : i32
          %get3A_436 = arith.index_cast %add3A_435 : i32 to index
          %get3A_437 = arith.constant 80 : index
          %get3A_438 = tpu.vector_load %arg7[%get3A_436, %get3A_437] {strides = array<i32>} : memref<200x128xf32, #tpu.memory_space<vmem>>, vector<1x16xf32>,
          %get3A_439 = vector.shape_cast %get3A_438 : vector<1x16xf32> to vector<16xf32>
          %swap3A_440 = arith.constant 2 : i32
          %swap3A_441 = arith.index_cast %swap3A_440 : i32 to index
          %swap3A_442 = arith.index_cast %add3A_374 : i32 to index
          %swap3A_443 = arith.constant 80 : index
          %swap3A_444 = tpu.vector_load %arg8[%swap3A_441, %swap3A_442, %swap3A_443] {strides = array<i32>} : memref<6x100x128xf32, #tpu.memory_space<vmem>>, vector<1x1x16xf32>,
          %swap3A_445 = vector.shape_cast %swap3A_444 : vector<1x1x16xf32> to vector<16xf32>
          %swap3A_446 = vector.shape_cast %get3A_439 : vector<16xf32> to vector<1x1x16xf32>
          tpu.vector_store %arg8[%swap3A_441, %swap3A_442, %swap3A_443], %swap3A_446 {add = true, strides = array<i32>} : memref<6x100x128xf32, #tpu.memory_space<vmem>>, vector<1x1x16xf32>,
          %add3A_447 = arith.addi %select_n3A_228, %add3A_374 : i32
          %get3A_448 = arith.index_cast %add3A_447 : i32 to index
          %get3A_449 = arith.constant 96 : index
          %get3A_450 = tpu.vector_load %arg7[%get3A_448, %get3A_449] {strides = array<i32>} : memref<200x128xf32, #tpu.memory_space<vmem>>, vector<1x16xf32>,
          %get3A_451 = vector.shape_cast %get3A_450 : vector<1x16xf32> to vector<16xf32>
          %swap3A_452 = arith.constant 2 : i32
          %swap3A_453 = arith.index_cast %swap3A_452 : i32 to index
          %swap3A_454 = arith.index_cast %add3A_374 : i32 to index
          %swap3A_455 = arith.constant 96 : index
          %swap3A_456 = tpu.vector_load %arg8[%swap3A_453, %swap3A_454, %swap3A_455] {strides = array<i32>} : memref<6x100x128xf32, #tpu.memory_space<vmem>>, vector<1x1x16xf32>,
          %swap3A_457 = vector.shape_cast %swap3A_456 : vector<1x1x16xf32> to vector<16xf32>
          %swap3A_458 = vector.shape_cast %get3A_451 : vector<16xf32> to vector<1x1x16xf32>
          tpu.vector_store %arg8[%swap3A_453, %swap3A_454, %swap3A_455], %swap3A_458 {add = true, strides = array<i32>} : memref<6x100x128xf32, #tpu.memory_space<vmem>>, vector<1x1x16xf32>,
          %add3A_459 = arith.addi %select_n3A_228, %add3A_374 : i32
          %get3A_460 = arith.index_cast %add3A_459 : i32 to index
          %get3A_461 = arith.constant 112 : index
          %get3A_462 = tpu.vector_load %arg7[%get3A_460, %get3A_461] {strides = array<i32>} : memref<200x128xf32, #tpu.memory_space<vmem>>, vector<1x16xf32>,
          %get3A_463 = vector.shape_cast %get3A_462 : vector<1x16xf32> to vector<16xf32>
          %swap3A_464 = arith.constant 2 : i32
          %swap3A_465 = arith.index_cast %swap3A_464 : i32 to index
          %swap3A_466 = arith.index_cast %add3A_374 : i32 to index
          %swap3A_467 = arith.constant 112 : index
          %swap3A_468 = tpu.vector_load %arg8[%swap3A_465, %swap3A_466, %swap3A_467] {strides = array<i32>} : memref<6x100x128xf32, #tpu.memory_space<vmem>>, vector<1x1x16xf32>,
          %swap3A_469 = vector.shape_cast %swap3A_468 : vector<1x1x16xf32> to vector<16xf32>
          %swap3A_470 = vector.shape_cast %get3A_463 : vector<16xf32> to vector<1x1x16xf32>
          tpu.vector_store %arg8[%swap3A_465, %swap3A_466, %swap3A_467], %swap3A_470 {add = true, strides = array<i32>} : memref<6x100x128xf32, #tpu.memory_space<vmem>>, vector<1x1x16xf32>,
          %mul3A_471 = arith.constant 5 : i32
          %mul3A_472 = arith.muli %scan3A_271, %mul3A_471 : i32
          %add3A_473 = arith.constant 2 : i32
          %add3A_474 = arith.addi %mul3A_472, %add3A_473 : i32
          %add3A_475 = arith.addi %select_n3A_228, %add3A_474 : i32
          %get3A_476 = arith.index_cast %add3A_475 : i32 to index
          %get3A_477 = arith.constant 0 : index
          %get3A_478 = tpu.vector_load %arg7[%get3A_476, %get3A_477] {strides = array<i32>} : memref<200x128xf32, #tpu.memory_space<vmem>>, vector<1x16xf32>,
          %get3A_479 = vector.shape_cast %get3A_478 : vector<1x16xf32> to vector<16xf32>
          %swap3A_480 = arith.constant 2 : i32
          %swap3A_481 = arith.index_cast %swap3A_480 : i32 to index
          %swap3A_482 = arith.index_cast %add3A_474 : i32 to index
          %swap3A_483 = arith.constant 0 : index
          %swap3A_484 = tpu.vector_load %arg8[%swap3A_481, %swap3A_482, %swap3A_483] {strides = array<i32>} : memref<6x100x128xf32, #tpu.memory_space<vmem>>, vector<1x1x16xf32>,
          %swap3A_485 = vector.shape_cast %swap3A_484 : vector<1x1x16xf32> to vector<16xf32>
          %swap3A_486 = vector.shape_cast %get3A_479 : vector<16xf32> to vector<1x1x16xf32>
          tpu.vector_store %arg8[%swap3A_481, %swap3A_482, %swap3A_483], %swap3A_486 {add = true, strides = array<i32>} : memref<6x100x128xf32, #tpu.memory_space<vmem>>, vector<1x1x16xf32>,
          %add3A_487 = arith.addi %select_n3A_228, %add3A_474 : i32
          %get3A_488 = arith.index_cast %add3A_487 : i32 to index
          %get3A_489 = arith.constant 16 : index
          %get3A_490 = tpu.vector_load %arg7[%get3A_488, %get3A_489] {strides = array<i32>} : memref<200x128xf32, #tpu.memory_space<vmem>>, vector<1x16xf32>,
          %get3A_491 = vector.shape_cast %get3A_490 : vector<1x16xf32> to vector<16xf32>
          %swap3A_492 = arith.constant 2 : i32
          %swap3A_493 = arith.index_cast %swap3A_492 : i32 to index
          %swap3A_494 = arith.index_cast %add3A_474 : i32 to index
          %swap3A_495 = arith.constant 16 : index
          %swap3A_496 = tpu.vector_load %arg8[%swap3A_493, %swap3A_494, %swap3A_495] {strides = array<i32>} : memref<6x100x128xf32, #tpu.memory_space<vmem>>, vector<1x1x16xf32>,
          %swap3A_497 = vector.shape_cast %swap3A_496 : vector<1x1x16xf32> to vector<16xf32>
          %swap3A_498 = vector.shape_cast %get3A_491 : vector<16xf32> to vector<1x1x16xf32>
          tpu.vector_store %arg8[%swap3A_493, %swap3A_494, %swap3A_495], %swap3A_498 {add = true, strides = array<i32>} : memref<6x100x128xf32, #tpu.memory_space<vmem>>, vector<1x1x16xf32>,
          %add3A_499 = arith.addi %select_n3A_228, %add3A_474 : i32
          %get3A_500 = arith.index_cast %add3A_499 : i32 to index
          %get3A_501 = arith.constant 32 : index
          %get3A_502 = tpu.vector_load %arg7[%get3A_500, %get3A_501] {strides = array<i32>} : memref<200x128xf32, #tpu.memory_space<vmem>>, vector<1x16xf32>,
          %get3A_503 = vector.shape_cast %get3A_502 : vector<1x16xf32> to vector<16xf32>
          %swap3A_504 = arith.constant 2 : i32
          %swap3A_505 = arith.index_cast %swap3A_504 : i32 to index
          %swap3A_506 = arith.index_cast %add3A_474 : i32 to index
          %swap3A_507 = arith.constant 32 : index
          %swap3A_508 = tpu.vector_load %arg8[%swap3A_505, %swap3A_506, %swap3A_507] {strides = array<i32>} : memref<6x100x128xf32, #tpu.memory_space<vmem>>, vector<1x1x16xf32>,
          %swap3A_509 = vector.shape_cast %swap3A_508 : vector<1x1x16xf32> to vector<16xf32>
          %swap3A_510 = vector.shape_cast %get3A_503 : vector<16xf32> to vector<1x1x16xf32>
          tpu.vector_store %arg8[%swap3A_505, %swap3A_506, %swap3A_507], %swap3A_510 {add = true, strides = array<i32>} : memref<6x100x128xf32, #tpu.memory_space<vmem>>, vector<1x1x16xf32>,
          %add3A_511 = arith.addi %select_n3A_228, %add3A_474 : i32
          %get3A_512 = arith.index_cast %add3A_511 : i32 to index
          %get3A_513 = arith.constant 48 : index
          %get3A_514 = tpu.vector_load %arg7[%get3A_512, %get3A_513] {strides = array<i32>} : memref<200x128xf32, #tpu.memory_space<vmem>>, vector<1x16xf32>,
          %get3A_515 = vector.shape_cast %get3A_514 : vector<1x16xf32> to vector<16xf32>
          %swap3A_516 = arith.constant 2 : i32
          %swap3A_517 = arith.index_cast %swap3A_516 : i32 to index
          %swap3A_518 = arith.index_cast %add3A_474 : i32 to index
          %swap3A_519 = arith.constant 48 : index
          %swap3A_520 = tpu.vector_load %arg8[%swap3A_517, %swap3A_518, %swap3A_519] {strides = array<i32>} : memref<6x100x128xf32, #tpu.memory_space<vmem>>, vector<1x1x16xf32>,
          %swap3A_521 = vector.shape_cast %swap3A_520 : vector<1x1x16xf32> to vector<16xf32>
          %swap3A_522 = vector.shape_cast %get3A_515 : vector<16xf32> to vector<1x1x16xf32>
          tpu.vector_store %arg8[%swap3A_517, %swap3A_518, %swap3A_519], %swap3A_522 {add = true, strides = array<i32>} : memref<6x100x128xf32, #tpu.memory_space<vmem>>, vector<1x1x16xf32>,
          %add3A_523 = arith.addi %select_n3A_228, %add3A_474 : i32
          %get3A_524 = arith.index_cast %add3A_523 : i32 to index
          %get3A_525 = arith.constant 64 : index
          %get3A_526 = tpu.vector_load %arg7[%get3A_524, %get3A_525] {strides = array<i32>} : memref<200x128xf32, #tpu.memory_space<vmem>>, vector<1x16xf32>,
          %get3A_527 = vector.shape_cast %get3A_526 : vector<1x16xf32> to vector<16xf32>
          %swap3A_528 = arith.constant 2 : i32
          %swap3A_529 = arith.index_cast %swap3A_528 : i32 to index
          %swap3A_530 = arith.index_cast %add3A_474 : i32 to index
          %swap3A_531 = arith.constant 64 : index
          %swap3A_532 = tpu.vector_load %arg8[%swap3A_529, %swap3A_530, %swap3A_531] {strides = array<i32>} : memref<6x100x128xf32, #tpu.memory_space<vmem>>, vector<1x1x16xf32>,
          %swap3A_533 = vector.shape_cast %swap3A_532 : vector<1x1x16xf32> to vector<16xf32>
          %swap3A_534 = vector.shape_cast %get3A_527 : vector<16xf32> to vector<1x1x16xf32>
          tpu.vector_store %arg8[%swap3A_529, %swap3A_530, %swap3A_531], %swap3A_534 {add = true, strides = array<i32>} : memref<6x100x128xf32, #tpu.memory_space<vmem>>, vector<1x1x16xf32>,
          %add3A_535 = arith.addi %select_n3A_228, %add3A_474 : i32
          %get3A_536 = arith.index_cast %add3A_535 : i32 to index
          %get3A_537 = arith.constant 80 : index
          %get3A_538 = tpu.vector_load %arg7[%get3A_536, %get3A_537] {strides = array<i32>} : memref<200x128xf32, #tpu.memory_space<vmem>>, vector<1x16xf32>,
          %get3A_539 = vector.shape_cast %get3A_538 : vector<1x16xf32> to vector<16xf32>
          %swap3A_540 = arith.constant 2 : i32
          %swap3A_541 = arith.index_cast %swap3A_540 : i32 to index
          %swap3A_542 = arith.index_cast %add3A_474 : i32 to index
          %swap3A_543 = arith.constant 80 : index
          %swap3A_544 = tpu.vector_load %arg8[%swap3A_541, %swap3A_542, %swap3A_543] {strides = array<i32>} : memref<6x100x128xf32, #tpu.memory_space<vmem>>, vector<1x1x16xf32>,
          %swap3A_545 = vector.shape_cast %swap3A_544 : vector<1x1x16xf32> to vector<16xf32>
          %swap3A_546 = vector.shape_cast %get3A_539 : vector<16xf32> to vector<1x1x16xf32>
          tpu.vector_store %arg8[%swap3A_541, %swap3A_542, %swap3A_543], %swap3A_546 {add = true, strides = array<i32>} : memref<6x100x128xf32, #tpu.memory_space<vmem>>, vector<1x1x16xf32>,
          %add3A_547 = arith.addi %select_n3A_228, %add3A_474 : i32
          %get3A_548 = arith.index_cast %add3A_547 : i32 to index
          %get3A_549 = arith.constant 96 : index
          %get3A_550 = tpu.vector_load %arg7[%get3A_548, %get3A_549] {strides = array<i32>} : memref<200x128xf32, #tpu.memory_space<vmem>>, vector<1x16xf32>,
          %get3A_551 = vector.shape_cast %get3A_550 : vector<1x16xf32> to vector<16xf32>
          %swap3A_552 = arith.constant 2 : i32
          %swap3A_553 = arith.index_cast %swap3A_552 : i32 to index
          %swap3A_554 = arith.index_cast %add3A_474 : i32 to index
          %swap3A_555 = arith.constant 96 : index
          %swap3A_556 = tpu.vector_load %arg8[%swap3A_553, %swap3A_554, %swap3A_555] {strides = array<i32>} : memref<6x100x128xf32, #tpu.memory_space<vmem>>, vector<1x1x16xf32>,
          %swap3A_557 = vector.shape_cast %swap3A_556 : vector<1x1x16xf32> to vector<16xf32>
          %swap3A_558 = vector.shape_cast %get3A_551 : vector<16xf32> to vector<1x1x16xf32>
          tpu.vector_store %arg8[%swap3A_553, %swap3A_554, %swap3A_555], %swap3A_558 {add = true, strides = array<i32>} : memref<6x100x128xf32, #tpu.memory_space<vmem>>, vector<1x1x16xf32>,
          %add3A_559 = arith.addi %select_n3A_228, %add3A_474 : i32
          %get3A_560 = arith.index_cast %add3A_559 : i32 to index
          %get3A_561 = arith.constant 112 : index
          %get3A_562 = tpu.vector_load %arg7[%get3A_560, %get3A_561] {strides = array<i32>} : memref<200x128xf32, #tpu.memory_space<vmem>>, vector<1x16xf32>,
          %get3A_563 = vector.shape_cast %get3A_562 : vector<1x16xf32> to vector<16xf32>
          %swap3A_564 = arith.constant 2 : i32
          %swap3A_565 = arith.index_cast %swap3A_564 : i32 to index
          %swap3A_566 = arith.index_cast %add3A_474 : i32 to index
          %swap3A_567 = arith.constant 112 : index
          %swap3A_568 = tpu.vector_load %arg8[%swap3A_565, %swap3A_566, %swap3A_567] {strides = array<i32>} : memref<6x100x128xf32, #tpu.memory_space<vmem>>, vector<1x1x16xf32>,
          %swap3A_569 = vector.shape_cast %swap3A_568 : vector<1x1x16xf32> to vector<16xf32>
          %swap3A_570 = vector.shape_cast %get3A_563 : vector<16xf32> to vector<1x1x16xf32>
          tpu.vector_store %arg8[%swap3A_565, %swap3A_566, %swap3A_567], %swap3A_570 {add = true, strides = array<i32>} : memref<6x100x128xf32, #tpu.memory_space<vmem>>, vector<1x1x16xf32>,
          %mul3A_571 = arith.constant 5 : i32
          %mul3A_572 = arith.muli %scan3A_271, %mul3A_571 : i32
          %add3A_573 = arith.constant 3 : i32
          %add3A_574 = arith.addi %mul3A_572, %add3A_573 : i32
          %add3A_575 = arith.addi %select_n3A_228, %add3A_574 : i32
          %get3A_576 = arith.index_cast %add3A_575 : i32 to index
          %get3A_577 = arith.constant 0 : index
          %get3A_578 = tpu.vector_load %arg7[%get3A_576, %get3A_577] {strides = array<i32>} : memref<200x128xf32, #tpu.memory_space<vmem>>, vector<1x16xf32>,
          %get3A_579 = vector.shape_cast %get3A_578 : vector<1x16xf32> to vector<16xf32>
          %swap3A_580 = arith.constant 2 : i32
          %swap3A_581 = arith.index_cast %swap3A_580 : i32 to index
          %swap3A_582 = arith.index_cast %add3A_574 : i32 to index
          %swap3A_583 = arith.constant 0 : index
          %swap3A_584 = tpu.vector_load %arg8[%swap3A_581, %swap3A_582, %swap3A_583] {strides = array<i32>} : memref<6x100x128xf32, #tpu.memory_space<vmem>>, vector<1x1x16xf32>,
          %swap3A_585 = vector.shape_cast %swap3A_584 : vector<1x1x16xf32> to vector<16xf32>
          %swap3A_586 = vector.shape_cast %get3A_579 : vector<16xf32> to vector<1x1x16xf32>
          tpu.vector_store %arg8[%swap3A_581, %swap3A_582, %swap3A_583], %swap3A_586 {add = true, strides = array<i32>} : memref<6x100x128xf32, #tpu.memory_space<vmem>>, vector<1x1x16xf32>,
          %add3A_587 = arith.addi %select_n3A_228, %add3A_574 : i32
          %get3A_588 = arith.index_cast %add3A_587 : i32 to index
          %get3A_589 = arith.constant 16 : index
          %get3A_590 = tpu.vector_load %arg7[%get3A_588, %get3A_589] {strides = array<i32>} : memref<200x128xf32, #tpu.memory_space<vmem>>, vector<1x16xf32>,
          %get3A_591 = vector.shape_cast %get3A_590 : vector<1x16xf32> to vector<16xf32>
          %swap3A_592 = arith.constant 2 : i32
          %swap3A_593 = arith.index_cast %swap3A_592 : i32 to index
          %swap3A_594 = arith.index_cast %add3A_574 : i32 to index
          %swap3A_595 = arith.constant 16 : index
          %swap3A_596 = tpu.vector_load %arg8[%swap3A_593, %swap3A_594, %swap3A_595] {strides = array<i32>} : memref<6x100x128xf32, #tpu.memory_space<vmem>>, vector<1x1x16xf32>,
          %swap3A_597 = vector.shape_cast %swap3A_596 : vector<1x1x16xf32> to vector<16xf32>
          %swap3A_598 = vector.shape_cast %get3A_591 : vector<16xf32> to vector<1x1x16xf32>
          tpu.vector_store %arg8[%swap3A_593, %swap3A_594, %swap3A_595], %swap3A_598 {add = true, strides = array<i32>} : memref<6x100x128xf32, #tpu.memory_space<vmem>>, vector<1x1x16xf32>,
          %add3A_599 = arith.addi %select_n3A_228, %add3A_574 : i32
          %get3A_600 = arith.index_cast %add3A_599 : i32 to index
          %get3A_601 = arith.constant 32 : index
          %get3A_602 = tpu.vector_load %arg7[%get3A_600, %get3A_601] {strides = array<i32>} : memref<200x128xf32, #tpu.memory_space<vmem>>, vector<1x16xf32>,
          %get3A_603 = vector.shape_cast %get3A_602 : vector<1x16xf32> to vector<16xf32>
          %swap3A_604 = arith.constant 2 : i32
          %swap3A_605 = arith.index_cast %swap3A_604 : i32 to index
          %swap3A_606 = arith.index_cast %add3A_574 : i32 to index
          %swap3A_607 = arith.constant 32 : index
          %swap3A_608 = tpu.vector_load %arg8[%swap3A_605, %swap3A_606, %swap3A_607] {strides = array<i32>} : memref<6x100x128xf32, #tpu.memory_space<vmem>>, vector<1x1x16xf32>,
          %swap3A_609 = vector.shape_cast %swap3A_608 : vector<1x1x16xf32> to vector<16xf32>
          %swap3A_610 = vector.shape_cast %get3A_603 : vector<16xf32> to vector<1x1x16xf32>
          tpu.vector_store %arg8[%swap3A_605, %swap3A_606, %swap3A_607], %swap3A_610 {add = true, strides = array<i32>} : memref<6x100x128xf32, #tpu.memory_space<vmem>>, vector<1x1x16xf32>,
          %add3A_611 = arith.addi %select_n3A_228, %add3A_574 : i32
          %get3A_612 = arith.index_cast %add3A_611 : i32 to index
          %get3A_613 = arith.constant 48 : index
          %get3A_614 = tpu.vector_load %arg7[%get3A_612, %get3A_613] {strides = array<i32>} : memref<200x128xf32, #tpu.memory_space<vmem>>, vector<1x16xf32>,
          %get3A_615 = vector.shape_cast %get3A_614 : vector<1x16xf32> to vector<16xf32>
          %swap3A_616 = arith.constant 2 : i32
          %swap3A_617 = arith.index_cast %swap3A_616 : i32 to index
          %swap3A_618 = arith.index_cast %add3A_574 : i32 to index
          %swap3A_619 = arith.constant 48 : index
          %swap3A_620 = tpu.vector_load %arg8[%swap3A_617, %swap3A_618, %swap3A_619] {strides = array<i32>} : memref<6x100x128xf32, #tpu.memory_space<vmem>>, vector<1x1x16xf32>,
          %swap3A_621 = vector.shape_cast %swap3A_620 : vector<1x1x16xf32> to vector<16xf32>
          %swap3A_622 = vector.shape_cast %get3A_615 : vector<16xf32> to vector<1x1x16xf32>
          tpu.vector_store %arg8[%swap3A_617, %swap3A_618, %swap3A_619], %swap3A_622 {add = true, strides = array<i32>} : memref<6x100x128xf32, #tpu.memory_space<vmem>>, vector<1x1x16xf32>,
          %add3A_623 = arith.addi %select_n3A_228, %add3A_574 : i32
          %get3A_624 = arith.index_cast %add3A_623 : i32 to index
          %get3A_625 = arith.constant 64 : index
          %get3A_626 = tpu.vector_load %arg7[%get3A_624, %get3A_625] {strides = array<i32>} : memref<200x128xf32, #tpu.memory_space<vmem>>, vector<1x16xf32>,
          %get3A_627 = vector.shape_cast %get3A_626 : vector<1x16xf32> to vector<16xf32>
          %swap3A_628 = arith.constant 2 : i32
          %swap3A_629 = arith.index_cast %swap3A_628 : i32 to index
          %swap3A_630 = arith.index_cast %add3A_574 : i32 to index
          %swap3A_631 = arith.constant 64 : index
          %swap3A_632 = tpu.vector_load %arg8[%swap3A_629, %swap3A_630, %swap3A_631] {strides = array<i32>} : memref<6x100x128xf32, #tpu.memory_space<vmem>>, vector<1x1x16xf32>,
          %swap3A_633 = vector.shape_cast %swap3A_632 : vector<1x1x16xf32> to vector<16xf32>
          %swap3A_634 = vector.shape_cast %get3A_627 : vector<16xf32> to vector<1x1x16xf32>
          tpu.vector_store %arg8[%swap3A_629, %swap3A_630, %swap3A_631], %swap3A_634 {add = true, strides = array<i32>} : memref<6x100x128xf32, #tpu.memory_space<vmem>>, vector<1x1x16xf32>,
          %add3A_635 = arith.addi %select_n3A_228, %add3A_574 : i32
          %get3A_636 = arith.index_cast %add3A_635 : i32 to index
          %get3A_637 = arith.constant 80 : index
          %get3A_638 = tpu.vector_load %arg7[%get3A_636, %get3A_637] {strides = array<i32>} : memref<200x128xf32, #tpu.memory_space<vmem>>, vector<1x16xf32>,
          %get3A_639 = vector.shape_cast %get3A_638 : vector<1x16xf32> to vector<16xf32>
          %swap3A_640 = arith.constant 2 : i32
          %swap3A_641 = arith.index_cast %swap3A_640 : i32 to index
          %swap3A_642 = arith.index_cast %add3A_574 : i32 to index
          %swap3A_643 = arith.constant 80 : index
          %swap3A_644 = tpu.vector_load %arg8[%swap3A_641, %swap3A_642, %swap3A_643] {strides = array<i32>} : memref<6x100x128xf32, #tpu.memory_space<vmem>>, vector<1x1x16xf32>,
          %swap3A_645 = vector.shape_cast %swap3A_644 : vector<1x1x16xf32> to vector<16xf32>
          %swap3A_646 = vector.shape_cast %get3A_639 : vector<16xf32> to vector<1x1x16xf32>
          tpu.vector_store %arg8[%swap3A_641, %swap3A_642, %swap3A_643], %swap3A_646 {add = true, strides = array<i32>} : memref<6x100x128xf32, #tpu.memory_space<vmem>>, vector<1x1x16xf32>,
          %add3A_647 = arith.addi %select_n3A_228, %add3A_574 : i32
          %get3A_648 = arith.index_cast %add3A_647 : i32 to index
          %get3A_649 = arith.constant 96 : index
          %get3A_650 = tpu.vector_load %arg7[%get3A_648, %get3A_649] {strides = array<i32>} : memref<200x128xf32, #tpu.memory_space<vmem>>, vector<1x16xf32>,
          %get3A_651 = vector.shape_cast %get3A_650 : vector<1x16xf32> to vector<16xf32>
          %swap3A_652 = arith.constant 2 : i32
          %swap3A_653 = arith.index_cast %swap3A_652 : i32 to index
          %swap3A_654 = arith.index_cast %add3A_574 : i32 to index
          %swap3A_655 = arith.constant 96 : index
          %swap3A_656 = tpu.vector_load %arg8[%swap3A_653, %swap3A_654, %swap3A_655] {strides = array<i32>} : memref<6x100x128xf32, #tpu.memory_space<vmem>>, vector<1x1x16xf32>,
          %swap3A_657 = vector.shape_cast %swap3A_656 : vector<1x1x16xf32> to vector<16xf32>
          %swap3A_658 = vector.shape_cast %get3A_651 : vector<16xf32> to vector<1x1x16xf32>
          tpu.vector_store %arg8[%swap3A_653, %swap3A_654, %swap3A_655], %swap3A_658 {add = true, strides = array<i32>} : memref<6x100x128xf32, #tpu.memory_space<vmem>>, vector<1x1x16xf32>,
          %add3A_659 = arith.addi %select_n3A_228, %add3A_574 : i32
          %get3A_660 = arith.index_cast %add3A_659 : i32 to index
          %get3A_661 = arith.constant 112 : index
          %get3A_662 = tpu.vector_load %arg7[%get3A_660, %get3A_661] {strides = array<i32>} : memref<200x128xf32, #tpu.memory_space<vmem>>, vector<1x16xf32>,
          %get3A_663 = vector.shape_cast %get3A_662 : vector<1x16xf32> to vector<16xf32>
          %swap3A_664 = arith.constant 2 : i32
          %swap3A_665 = arith.index_cast %swap3A_664 : i32 to index
          %swap3A_666 = arith.index_cast %add3A_574 : i32 to index
          %swap3A_667 = arith.constant 112 : index
          %swap3A_668 = tpu.vector_load %arg8[%swap3A_665, %swap3A_666, %swap3A_667] {strides = array<i32>} : memref<6x100x128xf32, #tpu.memory_space<vmem>>, vector<1x1x16xf32>,
          %swap3A_669 = vector.shape_cast %swap3A_668 : vector<1x1x16xf32> to vector<16xf32>
          %swap3A_670 = vector.shape_cast %get3A_663 : vector<16xf32> to vector<1x1x16xf32>
          tpu.vector_store %arg8[%swap3A_665, %swap3A_666, %swap3A_667], %swap3A_670 {add = true, strides = array<i32>} : memref<6x100x128xf32, #tpu.memory_space<vmem>>, vector<1x1x16xf32>,
          %mul3A_671 = arith.constant 5 : i32
          %mul3A_672 = arith.muli %scan3A_271, %mul3A_671 : i32
          %add3A_673 = arith.constant 4 : i32
          %add3A_674 = arith.addi %mul3A_672, %add3A_673 : i32
          %add3A_675 = arith.addi %select_n3A_228, %add3A_674 : i32
          %get3A_676 = arith.index_cast %add3A_675 : i32 to index
          %get3A_677 = arith.constant 0 : index
          %get3A_678 = tpu.vector_load %arg7[%get3A_676, %get3A_677] {strides = array<i32>} : memref<200x128xf32, #tpu.memory_space<vmem>>, vector<1x16xf32>,
          %get3A_679 = vector.shape_cast %get3A_678 : vector<1x16xf32> to vector<16xf32>
          %swap3A_680 = arith.constant 2 : i32
          %swap3A_681 = arith.index_cast %swap3A_680 : i32 to index
          %swap3A_682 = arith.index_cast %add3A_674 : i32 to index
          %swap3A_683 = arith.constant 0 : index
          %swap3A_684 = tpu.vector_load %arg8[%swap3A_681, %swap3A_682, %swap3A_683] {strides = array<i32>} : memref<6x100x128xf32, #tpu.memory_space<vmem>>, vector<1x1x16xf32>,
          %swap3A_685 = vector.shape_cast %swap3A_684 : vector<1x1x16xf32> to vector<16xf32>
          %swap3A_686 = vector.shape_cast %get3A_679 : vector<16xf32> to vector<1x1x16xf32>
          tpu.vector_store %arg8[%swap3A_681, %swap3A_682, %swap3A_683], %swap3A_686 {add = true, strides = array<i32>} : memref<6x100x128xf32, #tpu.memory_space<vmem>>, vector<1x1x16xf32>,
          %add3A_687 = arith.addi %select_n3A_228, %add3A_674 : i32
          %get3A_688 = arith.index_cast %add3A_687 : i32 to index
          %get3A_689 = arith.constant 16 : index
          %get3A_690 = tpu.vector_load %arg7[%get3A_688, %get3A_689] {strides = array<i32>} : memref<200x128xf32, #tpu.memory_space<vmem>>, vector<1x16xf32>,
          %get3A_691 = vector.shape_cast %get3A_690 : vector<1x16xf32> to vector<16xf32>
          %swap3A_692 = arith.constant 2 : i32
          %swap3A_693 = arith.index_cast %swap3A_692 : i32 to index
          %swap3A_694 = arith.index_cast %add3A_674 : i32 to index
          %swap3A_695 = arith.constant 16 : index
          %swap3A_696 = tpu.vector_load %arg8[%swap3A_693, %swap3A_694, %swap3A_695] {strides = array<i32>} : memref<6x100x128xf32, #tpu.memory_space<vmem>>, vector<1x1x16xf32>,
          %swap3A_697 = vector.shape_cast %swap3A_696 : vector<1x1x16xf32> to vector<16xf32>
          %swap3A_698 = vector.shape_cast %get3A_691 : vector<16xf32> to vector<1x1x16xf32>
          tpu.vector_store %arg8[%swap3A_693, %swap3A_694, %swap3A_695], %swap3A_698 {add = true, strides = array<i32>} : memref<6x100x128xf32, #tpu.memory_space<vmem>>, vector<1x1x16xf32>,
          %add3A_699 = arith.addi %select_n3A_228, %add3A_674 : i32
          %get3A_700 = arith.index_cast %add3A_699 : i32 to index
          %get3A_701 = arith.constant 32 : index
          %get3A_702 = tpu.vector_load %arg7[%get3A_700, %get3A_701] {strides = array<i32>} : memref<200x128xf32, #tpu.memory_space<vmem>>, vector<1x16xf32>,
          %get3A_703 = vector.shape_cast %get3A_702 : vector<1x16xf32> to vector<16xf32>
          %swap3A_704 = arith.constant 2 : i32
          %swap3A_705 = arith.index_cast %swap3A_704 : i32 to index
          %swap3A_706 = arith.index_cast %add3A_674 : i32 to index
          %swap3A_707 = arith.constant 32 : index
          %swap3A_708 = tpu.vector_load %arg8[%swap3A_705, %swap3A_706, %swap3A_707] {strides = array<i32>} : memref<6x100x128xf32, #tpu.memory_space<vmem>>, vector<1x1x16xf32>,
          %swap3A_709 = vector.shape_cast %swap3A_708 : vector<1x1x16xf32> to vector<16xf32>
          %swap3A_710 = vector.shape_cast %get3A_703 : vector<16xf32> to vector<1x1x16xf32>
          tpu.vector_store %arg8[%swap3A_705, %swap3A_706, %swap3A_707], %swap3A_710 {add = true, strides = array<i32>} : memref<6x100x128xf32, #tpu.memory_space<vmem>>, vector<1x1x16xf32>,
          %add3A_711 = arith.addi %select_n3A_228, %add3A_674 : i32
          %get3A_712 = arith.index_cast %add3A_711 : i32 to index
          %get3A_713 = arith.constant 48 : index
          %get3A_714 = tpu.vector_load %arg7[%get3A_712, %get3A_713] {strides = array<i32>} : memref<200x128xf32, #tpu.memory_space<vmem>>, vector<1x16xf32>,
          %get3A_715 = vector.shape_cast %get3A_714 : vector<1x16xf32> to vector<16xf32>
          %swap3A_716 = arith.constant 2 : i32
          %swap3A_717 = arith.index_cast %swap3A_716 : i32 to index
          %swap3A_718 = arith.index_cast %add3A_674 : i32 to index
          %swap3A_719 = arith.constant 48 : index
          %swap3A_720 = tpu.vector_load %arg8[%swap3A_717, %swap3A_718, %swap3A_719] {strides = array<i32>} : memref<6x100x128xf32, #tpu.memory_space<vmem>>, vector<1x1x16xf32>,
          %swap3A_721 = vector.shape_cast %swap3A_720 : vector<1x1x16xf32> to vector<16xf32>
          %swap3A_722 = vector.shape_cast %get3A_715 : vector<16xf32> to vector<1x1x16xf32>
          tpu.vector_store %arg8[%swap3A_717, %swap3A_718, %swap3A_719], %swap3A_722 {add = true, strides = array<i32>} : memref<6x100x128xf32, #tpu.memory_space<vmem>>, vector<1x1x16xf32>,
          %add3A_723 = arith.addi %select_n3A_228, %add3A_674 : i32
          %get3A_724 = arith.index_cast %add3A_723 : i32 to index
          %get3A_725 = arith.constant 64 : index
          %get3A_726 = tpu.vector_load %arg7[%get3A_724, %get3A_725] {strides = array<i32>} : memref<200x128xf32, #tpu.memory_space<vmem>>, vector<1x16xf32>,
          %get3A_727 = vector.shape_cast %get3A_726 : vector<1x16xf32> to vector<16xf32>
          %swap3A_728 = arith.constant 2 : i32
          %swap3A_729 = arith.index_cast %swap3A_728 : i32 to index
          %swap3A_730 = arith.index_cast %add3A_674 : i32 to index
          %swap3A_731 = arith.constant 64 : index
          %swap3A_732 = tpu.vector_load %arg8[%swap3A_729, %swap3A_730, %swap3A_731] {strides = array<i32>} : memref<6x100x128xf32, #tpu.memory_space<vmem>>, vector<1x1x16xf32>,
          %swap3A_733 = vector.shape_cast %swap3A_732 : vector<1x1x16xf32> to vector<16xf32>
          %swap3A_734 = vector.shape_cast %get3A_727 : vector<16xf32> to vector<1x1x16xf32>
          tpu.vector_store %arg8[%swap3A_729, %swap3A_730, %swap3A_731], %swap3A_734 {add = true, strides = array<i32>} : memref<6x100x128xf32, #tpu.memory_space<vmem>>, vector<1x1x16xf32>,
          %add3A_735 = arith.addi %select_n3A_228, %add3A_674 : i32
          %get3A_736 = arith.index_cast %add3A_735 : i32 to index
          %get3A_737 = arith.constant 80 : index
          %get3A_738 = tpu.vector_load %arg7[%get3A_736, %get3A_737] {strides = array<i32>} : memref<200x128xf32, #tpu.memory_space<vmem>>, vector<1x16xf32>,
          %get3A_739 = vector.shape_cast %get3A_738 : vector<1x16xf32> to vector<16xf32>
          %swap3A_740 = arith.constant 2 : i32
          %swap3A_741 = arith.index_cast %swap3A_740 : i32 to index
          %swap3A_742 = arith.index_cast %add3A_674 : i32 to index
          %swap3A_743 = arith.constant 80 : index
          %swap3A_744 = tpu.vector_load %arg8[%swap3A_741, %swap3A_742, %swap3A_743] {strides = array<i32>} : memref<6x100x128xf32, #tpu.memory_space<vmem>>, vector<1x1x16xf32>,
          %swap3A_745 = vector.shape_cast %swap3A_744 : vector<1x1x16xf32> to vector<16xf32>
          %swap3A_746 = vector.shape_cast %get3A_739 : vector<16xf32> to vector<1x1x16xf32>
          tpu.vector_store %arg8[%swap3A_741, %swap3A_742, %swap3A_743], %swap3A_746 {add = true, strides = array<i32>} : memref<6x100x128xf32, #tpu.memory_space<vmem>>, vector<1x1x16xf32>,
          %add3A_747 = arith.addi %select_n3A_228, %add3A_674 : i32
          %get3A_748 = arith.index_cast %add3A_747 : i32 to index
          %get3A_749 = arith.constant 96 : index
          %get3A_750 = tpu.vector_load %arg7[%get3A_748, %get3A_749] {strides = array<i32>} : memref<200x128xf32, #tpu.memory_space<vmem>>, vector<1x16xf32>,
          %get3A_751 = vector.shape_cast %get3A_750 : vector<1x16xf32> to vector<16xf32>
          %swap3A_752 = arith.constant 2 : i32
          %swap3A_753 = arith.index_cast %swap3A_752 : i32 to index
          %swap3A_754 = arith.index_cast %add3A_674 : i32 to index
          %swap3A_755 = arith.constant 96 : index
          %swap3A_756 = tpu.vector_load %arg8[%swap3A_753, %swap3A_754, %swap3A_755] {strides = array<i32>} : memref<6x100x128xf32, #tpu.memory_space<vmem>>, vector<1x1x16xf32>,
          %swap3A_757 = vector.shape_cast %swap3A_756 : vector<1x1x16xf32> to vector<16xf32>
          %swap3A_758 = vector.shape_cast %get3A_751 : vector<16xf32> to vector<1x1x16xf32>
          tpu.vector_store %arg8[%swap3A_753, %swap3A_754, %swap3A_755], %swap3A_758 {add = true, strides = array<i32>} : memref<6x100x128xf32, #tpu.memory_space<vmem>>, vector<1x1x16xf32>,
          %add3A_759 = arith.addi %select_n3A_228, %add3A_674 : i32
          %get3A_760 = arith.index_cast %add3A_759 : i32 to index
          %get3A_761 = arith.constant 112 : index
          %get3A_762 = tpu.vector_load %arg7[%get3A_760, %get3A_761] {strides = array<i32>} : memref<200x128xf32, #tpu.memory_space<vmem>>, vector<1x16xf32>,
          %get3A_763 = vector.shape_cast %get3A_762 : vector<1x16xf32> to vector<16xf32>
          %swap3A_764 = arith.constant 2 : i32
          %swap3A_765 = arith.index_cast %swap3A_764 : i32 to index
          %swap3A_766 = arith.index_cast %add3A_674 : i32 to index
          %swap3A_767 = arith.constant 112 : index
          %swap3A_768 = tpu.vector_load %arg8[%swap3A_765, %swap3A_766, %swap3A_767] {strides = array<i32>} : memref<6x100x128xf32, #tpu.memory_space<vmem>>, vector<1x1x16xf32>,
          %swap3A_769 = vector.shape_cast %swap3A_768 : vector<1x1x16xf32> to vector<16xf32>
          %swap3A_770 = vector.shape_cast %get3A_763 : vector<16xf32> to vector<1x1x16xf32>
          tpu.vector_store %arg8[%swap3A_765, %swap3A_766, %swap3A_767], %swap3A_770 {add = true, strides = array<i32>} : memref<6x100x128xf32, #tpu.memory_space<vmem>>, vector<1x1x16xf32>,
          %scan3A_771 = arith.constant 0 : i32
          scf.yield %scan3A_771 : i32
        }
        %scan3A_235 = arith.constant 20 : i32
        %mul3A_236 = arith.constant 100 : i32
        %mul3A_237 = arith.muli %add3A_168, %mul3A_236 : i32
        %add3A_238 = arith.addi %mul3A_2, %mul3A_237 : i32
        %dma_start3A_239 = arith.constant 2 : i32
        %dma_start3A_240 = arith.constant 2 : i32
        %dma_start3A_241 = arith.constant 0 : i32
        %dma_start3A_242 = arith.constant 0 : i32
        %dma_start3A_243 = tpu.memref_slice %arg8[%dma_start3A_239, %dma_start3A_241, %dma_start3A_242] : memref<6x100x128xf32, #tpu.memory_space<vmem>> -> memref<1x100x128xf32, #tpu.memory_space<vmem>>
        %dma_start3A_244 = tpu.memref_squeeze %dma_start3A_243 : memref<1x100x128xf32, #tpu.memory_space<vmem>> -> memref<100x128xf32, #tpu.memory_space<vmem>>
        %dma_start3A_245 = arith.constant 0 : i32
        %dma_start3A_246 = tpu.memref_slice %arg5[%add3A_238, %dma_start3A_245] : memref<204800x128xf32, #tpu.memory_space<hbm>> -> memref<100x128xf32, #tpu.memory_space<hbm>>
        %dma_start3A_247 = tpu.memref_slice %arg10[%dma_start3A_240] : memref<6x!tpu.dma_semaphore, #tpu.memory_space<semaphore_mem>> -> memref<1x!tpu.dma_semaphore, #tpu.memory_space<semaphore_mem>>
        %dma_start3A_248 = tpu.memref_squeeze %dma_start3A_247 : memref<1x!tpu.dma_semaphore, #tpu.memory_space<semaphore_mem>> -> memref<!tpu.dma_semaphore, #tpu.memory_space<semaphore_mem>>
        %dma_start3A_249 = arith.constant 0 : i32
        %dma_start3A_250 = tpu.memref_slice %arg5[%add3A_238, %dma_start3A_249] : memref<204800x128xf32, #tpu.memory_space<hbm>> -> memref<100x128xf32, #tpu.memory_space<hbm>>
        %dma_start3A_251 = arith.constant 0 : i32
        %dma_start3A_252 = arith.constant 0 : i32
        %dma_start3A_253 = tpu.memref_slice %arg8[%dma_start3A_239, %dma_start3A_251, %dma_start3A_252] : memref<6x100x128xf32, #tpu.memory_space<vmem>> -> memref<1x100x128xf32, #tpu.memory_space<vmem>>
        %dma_start3A_254 = tpu.memref_squeeze %dma_start3A_253 : memref<1x100x128xf32, #tpu.memory_space<vmem>> -> memref<100x128xf32, #tpu.memory_space<vmem>>
        tpu.enqueue_dma source(%dma_start3A_254 : memref<100x128xf32, #tpu.memory_space<vmem>>) target(%dma_start3A_250 : memref<100x128xf32, #tpu.memory_space<hbm>>) target_semaphore(%dma_start3A_248 : memref<!tpu.dma_semaphore, #tpu.memory_space<semaphore_mem>>)
        %ge3A = arith.constant 3 : i32
        %ge3A_255 = arith.cmpi sge, %add3A_168, %ge3A : i32
        %add3A_256 = arith.constant 3 : i32
        %add3A_257 = arith.addi %add3A_168, %add3A_256 : i32
        %lt3A_258 = arith.constant 64 : i32
        %lt3A_259 = arith.cmpi slt, %add3A_257, %lt3A_258 : i32
        %and3A_260 = arith.andi %ge3A_255, %lt3A_259 : i1
        %convert_element_type3A_261 = arith.extui %and3A_260 : i1 to i32
        %cond3A_262 = arith.constant 0 : i32
        %cond3A_263 = arith.cmpi ne, %convert_element_type3A_261, %cond3A_262 : i32
        scf.if %cond3A_263 {
          %dma_wait3A_271 = arith.constant 5 : i32
          %dma_wait3A_272 = arith.constant 5 : i32
          %dma_wait3A_273 = arith.constant 0 : i32
          %dma_wait3A_274 = arith.constant 0 : i32
          %dma_wait3A_275 = tpu.memref_slice %arg8[%dma_wait3A_271, %dma_wait3A_273, %dma_wait3A_274] : memref<6x100x128xf32, #tpu.memory_space<vmem>> -> memref<1x100x128xf32, #tpu.memory_space<vmem>>
          %dma_wait3A_276 = tpu.memref_squeeze %dma_wait3A_275 : memref<1x100x128xf32, #tpu.memory_space<vmem>> -> memref<100x128xf32, #tpu.memory_space<vmem>>
          %dma_wait3A_277 = arith.constant 0 : i32
          %dma_wait3A_278 = tpu.memref_slice %arg5[%mul3A_2, %dma_wait3A_277] : memref<204800x128xf32, #tpu.memory_space<hbm>> -> memref<100x128xf32, #tpu.memory_space<hbm>>
          %dma_wait3A_279 = tpu.memref_slice %arg10[%dma_wait3A_272] : memref<6x!tpu.dma_semaphore, #tpu.memory_space<semaphore_mem>> -> memref<1x!tpu.dma_semaphore, #tpu.memory_space<semaphore_mem>>
          %dma_wait3A_280 = tpu.memref_squeeze %dma_wait3A_279 : memref<1x!tpu.dma_semaphore, #tpu.memory_space<semaphore_mem>> -> memref<!tpu.dma_semaphore, #tpu.memory_space<semaphore_mem>>
          %dma_wait3A_281 = arith.constant 0 : i32
          %dma_wait3A_282 = tpu.memref_slice %arg5[%mul3A_2, %dma_wait3A_281] : memref<204800x128xf32, #tpu.memory_space<hbm>> -> memref<100x128xf32, #tpu.memory_space<hbm>>
          %dma_wait3A_283 = arith.constant 0 : i32
          %dma_wait3A_284 = arith.constant 0 : i32
          %dma_wait3A_285 = tpu.memref_slice %arg8[%dma_wait3A_271, %dma_wait3A_283, %dma_wait3A_284] : memref<6x100x128xf32, #tpu.memory_space<vmem>> -> memref<1x100x128xf32, #tpu.memory_space<vmem>>
          %dma_wait3A_286 = tpu.memref_squeeze %dma_wait3A_285 : memref<1x100x128xf32, #tpu.memory_space<vmem>> -> memref<100x128xf32, #tpu.memory_space<vmem>>
          tpu.wait_dma2 semaphore(%dma_wait3A_280 : memref<!tpu.dma_semaphore, #tpu.memory_space<semaphore_mem>>) src(%dma_wait3A_286 : memref<100x128xf32, #tpu.memory_space<vmem>>) dst(%dma_wait3A_282 : memref<100x128xf32, #tpu.memory_space<hbm>>)
        } else {
        }
        %add3A_264 = arith.constant 3 : i32
        %add3A_265 = arith.addi %add3A_168, %add3A_264 : i32
        %lt3A_266 = arith.constant 64 : i32
        %lt3A_267 = arith.cmpi slt, %add3A_265, %lt3A_266 : i32
        %convert_element_type3A_268 = arith.extui %lt3A_267 : i1 to i32
        %cond3A_269 = arith.constant 0 : i32
        %cond3A_270 = arith.cmpi ne, %convert_element_type3A_268, %cond3A_269 : i32
        scf.if %cond3A_270 {
          %add3A_271 = arith.constant 3 : i32
          %add3A_272 = arith.addi %add3A_168, %add3A_271 : i32
          %dma_start3A_273 = arith.constant 5 : i32
          %dma_start3A_274 = arith.constant 5 : i32
          %dma_start3A_275 = arith.constant 0 : i32
          %dma_start3A_276 = arith.constant 0 : i32
          %dma_start3A_277 = tpu.memref_slice %arg8[%dma_start3A_273, %dma_start3A_275, %dma_start3A_276] : memref<6x100x128xf32, #tpu.memory_space<vmem>> -> memref<1x100x128xf32, #tpu.memory_space<vmem>>
          %dma_start3A_278 = tpu.memref_squeeze %dma_start3A_277 : memref<1x100x128xf32, #tpu.memory_space<vmem>> -> memref<100x128xf32, #tpu.memory_space<vmem>>
          %dma_start3A_279 = arith.constant 0 : i32
          %dma_start3A_280 = tpu.memref_slice %arg6[%add3A_272, %dma_start3A_279] : memref<64x100xi32, #tpu.memory_space<vmem>> -> memref<1x100xi32, #tpu.memory_space<vmem>>
          %dma_start3A_281 = tpu.memref_squeeze %dma_start3A_280 : memref<1x100xi32, #tpu.memory_space<vmem>> -> memref<100xi32, #tpu.memory_space<vmem>>
          %dma_start3A_282 = arith.constant 0 : i32
          %dma_start3A_283 = arith.constant 0 : i32
          %dma_start3A_284 = tpu.memref_slice %arg3[%dma_start3A_282, %dma_start3A_283] : memref<100000x128xf32, #tpu.memory_space<hbm>> -> memref<100000x128xf32, #tpu.memory_space<hbm>>
          %dma_start3A_285 = tpu.memref_slice %arg9[%dma_start3A_274] : memref<6x!tpu.dma_semaphore, #tpu.memory_space<semaphore_mem>> -> memref<1x!tpu.dma_semaphore, #tpu.memory_space<semaphore_mem>>
          %dma_start3A_286 = tpu.memref_squeeze %dma_start3A_285 : memref<1x!tpu.dma_semaphore, #tpu.memory_space<semaphore_mem>> -> memref<!tpu.dma_semaphore, #tpu.memory_space<semaphore_mem>>
          tpu.enqueue_indirect_dma source(%dma_start3A_284 : memref<100000x128xf32, #tpu.memory_space<hbm>>) target(%dma_start3A_278 : memref<100x128xf32, #tpu.memory_space<vmem>>) offsets(%dma_start3A_281 : memref<100xi32, #tpu.memory_space<vmem>>) semaphore(%dma_start3A_286 : memref<!tpu.dma_semaphore, #tpu.memory_space<semaphore_mem>>)
        } else {
        }
      } else {
      }
      %mul3A_174 = arith.constant 6 : i32
      %mul3A_175 = arith.muli %scan3A_148, %mul3A_174 : i32
      %add3A_176 = arith.constant 3 : i32
      %add3A_177 = arith.addi %mul3A_175, %add3A_176 : i32
      %lt3A_178 = arith.constant 64 : i32
      %lt3A_179 = arith.cmpi slt, %add3A_177, %lt3A_178 : i32
      %convert_element_type3A_180 = arith.extui %lt3A_179 : i1 to i32
      %cond3A_181 = arith.constant 0 : i32
      %cond3A_182 = arith.cmpi ne, %convert_element_type3A_180, %cond3A_181 : i32
      scf.if %cond3A_182 {
        %dma_wait3A_202 = arith.constant 0 : i32
        %dma_wait3A_203 = arith.constant 3 : i32
        %dma_wait3A_204 = arith.constant 3 : i32
        %dma_wait3A_205 = arith.constant 0 : i32
        %dma_wait3A_206 = arith.constant 0 : i32
        %dma_wait3A_207 = tpu.memref_slice %arg8[%dma_wait3A_203, %dma_wait3A_205, %dma_wait3A_206] : memref<6x100x128xf32, #tpu.memory_space<vmem>> -> memref<1x100x128xf32, #tpu.memory_space<vmem>>
        %dma_wait3A_208 = tpu.memref_squeeze %dma_wait3A_207 : memref<1x100x128xf32, #tpu.memory_space<vmem>> -> memref<100x128xf32, #tpu.memory_space<vmem>>
        %dma_wait3A_209 = arith.constant 0 : i32
        %dma_wait3A_210 = tpu.memref_slice %arg6[%dma_wait3A_202, %dma_wait3A_209] : memref<64x100xi32, #tpu.memory_space<vmem>> -> memref<1x100xi32, #tpu.memory_space<vmem>>
        %dma_wait3A_211 = tpu.memref_squeeze %dma_wait3A_210 : memref<1x100xi32, #tpu.memory_space<vmem>> -> memref<100xi32, #tpu.memory_space<vmem>>
        %dma_wait3A_212 = arith.constant 0 : i32
        %dma_wait3A_213 = arith.constant 0 : i32
        %dma_wait3A_214 = tpu.memref_slice %arg3[%dma_wait3A_212, %dma_wait3A_213] : memref<100000x128xf32, #tpu.memory_space<hbm>> -> memref<100000x128xf32, #tpu.memory_space<hbm>>
        %dma_wait3A_215 = tpu.memref_slice %arg9[%dma_wait3A_204] : memref<6x!tpu.dma_semaphore, #tpu.memory_space<semaphore_mem>> -> memref<1x!tpu.dma_semaphore, #tpu.memory_space<semaphore_mem>>
        %dma_wait3A_216 = tpu.memref_squeeze %dma_wait3A_215 : memref<1x!tpu.dma_semaphore, #tpu.memory_space<semaphore_mem>> -> memref<!tpu.dma_semaphore, #tpu.memory_space<semaphore_mem>>
        tpu.wait_indirect_dma semaphore(%dma_wait3A_216 : memref<!tpu.dma_semaphore, #tpu.memory_space<semaphore_mem>>) src(%dma_wait3A_214 : memref<100000x128xf32, #tpu.memory_space<hbm>>) dst(%dma_wait3A_208 : memref<100x128xf32, #tpu.memory_space<vmem>>)
        %mul3A_217 = arith.constant 100 : i32
        %mul3A_218 = arith.muli %add3A_177, %mul3A_217 : i32
        %jit3A = arith.constant 200 : i32
        %eq3A = arith.constant 0 : i32
        %eq3A_219 = arith.cmpi eq, %jit3A, %eq3A : i32
        %jit3A_220 = arith.constant 1 : i32
        %select_n3A = arith.select %eq3A_219, %jit3A_220, %jit3A : i32
        %rem3A = arith.remsi %mul3A_218, %select_n3A : i32
        %ne3A = arith.constant 0 : i32
        %ne3A_221 = arith.cmpi ne, %rem3A, %ne3A : i32
        %lt3A_222 = arith.constant 0 : i32
        %lt3A_223 = arith.cmpi slt, %rem3A, %lt3A_222 : i32
        %lt3A_224 = arith.constant 0 : i32
        %lt3A_225 = arith.cmpi slt, %select_n3A, %lt3A_224 : i32
        %ne3A_226 = arith.xori %lt3A_223, %lt3A_225 : i1
        %and3A = arith.andi %ne3A_226, %ne3A_221 : i1
        %add3A_227 = arith.addi %rem3A, %select_n3A : i32
        %select_n3A_228 = arith.select %and3A, %add3A_227, %rem3A : i32
        %scan3A_229 = arith.constant 0 : i32
        %scan3A_230 = arith.constant 0 : i32
        %scan3A_231 = arith.constant 20 : i32
        %scan3A_232 = arith.addi %scan3A_230, %scan3A_231 : i32
        %scan3A_233 = arith.constant 1 : i32
        %scan3A_234 = scf.for %scan3A_271 = %scan3A_230 to %scan3A_232 step %scan3A_233 iter_args(%scan3A_272 = %scan3A_229) -> (i32)  : i32 {
          %mul3A_273 = arith.constant 5 : i32
          %mul3A_274 = arith.muli %scan3A_271, %mul3A_273 : i32
          %add3A_275 = arith.constant 0 : i32
          %add3A_276 = arith.addi %mul3A_274, %add3A_275 : i32
          %add3A_277 = arith.addi %select_n3A_228, %add3A_276 : i32
          %get3A = arith.index_cast %add3A_277 : i32 to index
          %get3A_278 = arith.constant 0 : index
          %get3A_279 = tpu.vector_load %arg7[%get3A, %get3A_278] {strides = array<i32>} : memref<200x128xf32, #tpu.memory_space<vmem>>, vector<1x16xf32>,
          %get3A_280 = vector.shape_cast %get3A_279 : vector<1x16xf32> to vector<16xf32>
          %swap3A = arith.constant 3 : i32
          %swap3A_281 = arith.index_cast %swap3A : i32 to index
          %swap3A_282 = arith.index_cast %add3A_276 : i32 to index
          %swap3A_283 = arith.constant 0 : index
          %swap3A_284 = tpu.vector_load %arg8[%swap3A_281, %swap3A_282, %swap3A_283] {strides = array<i32>} : memref<6x100x128xf32, #tpu.memory_space<vmem>>, vector<1x1x16xf32>,
          %swap3A_285 = vector.shape_cast %swap3A_284 : vector<1x1x16xf32> to vector<16xf32>
          %swap3A_286 = vector.shape_cast %get3A_280 : vector<16xf32> to vector<1x1x16xf32>
          tpu.vector_store %arg8[%swap3A_281, %swap3A_282, %swap3A_283], %swap3A_286 {add = true, strides = array<i32>} : memref<6x100x128xf32, #tpu.memory_space<vmem>>, vector<1x1x16xf32>,
          %add3A_287 = arith.addi %select_n3A_228, %add3A_276 : i32
          %get3A_288 = arith.index_cast %add3A_287 : i32 to index
          %get3A_289 = arith.constant 16 : index
          %get3A_290 = tpu.vector_load %arg7[%get3A_288, %get3A_289] {strides = array<i32>} : memref<200x128xf32, #tpu.memory_space<vmem>>, vector<1x16xf32>,
          %get3A_291 = vector.shape_cast %get3A_290 : vector<1x16xf32> to vector<16xf32>
          %swap3A_292 = arith.constant 3 : i32
          %swap3A_293 = arith.index_cast %swap3A_292 : i32 to index
          %swap3A_294 = arith.index_cast %add3A_276 : i32 to index
          %swap3A_295 = arith.constant 16 : index
          %swap3A_296 = tpu.vector_load %arg8[%swap3A_293, %swap3A_294, %swap3A_295] {strides = array<i32>} : memref<6x100x128xf32, #tpu.memory_space<vmem>>, vector<1x1x16xf32>,
          %swap3A_297 = vector.shape_cast %swap3A_296 : vector<1x1x16xf32> to vector<16xf32>
          %swap3A_298 = vector.shape_cast %get3A_291 : vector<16xf32> to vector<1x1x16xf32>
          tpu.vector_store %arg8[%swap3A_293, %swap3A_294, %swap3A_295], %swap3A_298 {add = true, strides = array<i32>} : memref<6x100x128xf32, #tpu.memory_space<vmem>>, vector<1x1x16xf32>,
          %add3A_299 = arith.addi %select_n3A_228, %add3A_276 : i32
          %get3A_300 = arith.index_cast %add3A_299 : i32 to index
          %get3A_301 = arith.constant 32 : index
          %get3A_302 = tpu.vector_load %arg7[%get3A_300, %get3A_301] {strides = array<i32>} : memref<200x128xf32, #tpu.memory_space<vmem>>, vector<1x16xf32>,
          %get3A_303 = vector.shape_cast %get3A_302 : vector<1x16xf32> to vector<16xf32>
          %swap3A_304 = arith.constant 3 : i32
          %swap3A_305 = arith.index_cast %swap3A_304 : i32 to index
          %swap3A_306 = arith.index_cast %add3A_276 : i32 to index
          %swap3A_307 = arith.constant 32 : index
          %swap3A_308 = tpu.vector_load %arg8[%swap3A_305, %swap3A_306, %swap3A_307] {strides = array<i32>} : memref<6x100x128xf32, #tpu.memory_space<vmem>>, vector<1x1x16xf32>,
          %swap3A_309 = vector.shape_cast %swap3A_308 : vector<1x1x16xf32> to vector<16xf32>
          %swap3A_310 = vector.shape_cast %get3A_303 : vector<16xf32> to vector<1x1x16xf32>
          tpu.vector_store %arg8[%swap3A_305, %swap3A_306, %swap3A_307], %swap3A_310 {add = true, strides = array<i32>} : memref<6x100x128xf32, #tpu.memory_space<vmem>>, vector<1x1x16xf32>,
          %add3A_311 = arith.addi %select_n3A_228, %add3A_276 : i32
          %get3A_312 = arith.index_cast %add3A_311 : i32 to index
          %get3A_313 = arith.constant 48 : index
          %get3A_314 = tpu.vector_load %arg7[%get3A_312, %get3A_313] {strides = array<i32>} : memref<200x128xf32, #tpu.memory_space<vmem>>, vector<1x16xf32>,
          %get3A_315 = vector.shape_cast %get3A_314 : vector<1x16xf32> to vector<16xf32>
          %swap3A_316 = arith.constant 3 : i32
          %swap3A_317 = arith.index_cast %swap3A_316 : i32 to index
          %swap3A_318 = arith.index_cast %add3A_276 : i32 to index
          %swap3A_319 = arith.constant 48 : index
          %swap3A_320 = tpu.vector_load %arg8[%swap3A_317, %swap3A_318, %swap3A_319] {strides = array<i32>} : memref<6x100x128xf32, #tpu.memory_space<vmem>>, vector<1x1x16xf32>,
          %swap3A_321 = vector.shape_cast %swap3A_320 : vector<1x1x16xf32> to vector<16xf32>
          %swap3A_322 = vector.shape_cast %get3A_315 : vector<16xf32> to vector<1x1x16xf32>
          tpu.vector_store %arg8[%swap3A_317, %swap3A_318, %swap3A_319], %swap3A_322 {add = true, strides = array<i32>} : memref<6x100x128xf32, #tpu.memory_space<vmem>>, vector<1x1x16xf32>,
          %add3A_323 = arith.addi %select_n3A_228, %add3A_276 : i32
          %get3A_324 = arith.index_cast %add3A_323 : i32 to index
          %get3A_325 = arith.constant 64 : index
          %get3A_326 = tpu.vector_load %arg7[%get3A_324, %get3A_325] {strides = array<i32>} : memref<200x128xf32, #tpu.memory_space<vmem>>, vector<1x16xf32>,
          %get3A_327 = vector.shape_cast %get3A_326 : vector<1x16xf32> to vector<16xf32>
          %swap3A_328 = arith.constant 3 : i32
          %swap3A_329 = arith.index_cast %swap3A_328 : i32 to index
          %swap3A_330 = arith.index_cast %add3A_276 : i32 to index
          %swap3A_331 = arith.constant 64 : index
          %swap3A_332 = tpu.vector_load %arg8[%swap3A_329, %swap3A_330, %swap3A_331] {strides = array<i32>} : memref<6x100x128xf32, #tpu.memory_space<vmem>>, vector<1x1x16xf32>,
          %swap3A_333 = vector.shape_cast %swap3A_332 : vector<1x1x16xf32> to vector<16xf32>
          %swap3A_334 = vector.shape_cast %get3A_327 : vector<16xf32> to vector<1x1x16xf32>
          tpu.vector_store %arg8[%swap3A_329, %swap3A_330, %swap3A_331], %swap3A_334 {add = true, strides = array<i32>} : memref<6x100x128xf32, #tpu.memory_space<vmem>>, vector<1x1x16xf32>,
          %add3A_335 = arith.addi %select_n3A_228, %add3A_276 : i32
          %get3A_336 = arith.index_cast %add3A_335 : i32 to index
          %get3A_337 = arith.constant 80 : index
          %get3A_338 = tpu.vector_load %arg7[%get3A_336, %get3A_337] {strides = array<i32>} : memref<200x128xf32, #tpu.memory_space<vmem>>, vector<1x16xf32>,
          %get3A_339 = vector.shape_cast %get3A_338 : vector<1x16xf32> to vector<16xf32>
          %swap3A_340 = arith.constant 3 : i32
          %swap3A_341 = arith.index_cast %swap3A_340 : i32 to index
          %swap3A_342 = arith.index_cast %add3A_276 : i32 to index
          %swap3A_343 = arith.constant 80 : index
          %swap3A_344 = tpu.vector_load %arg8[%swap3A_341, %swap3A_342, %swap3A_343] {strides = array<i32>} : memref<6x100x128xf32, #tpu.memory_space<vmem>>, vector<1x1x16xf32>,
          %swap3A_345 = vector.shape_cast %swap3A_344 : vector<1x1x16xf32> to vector<16xf32>
          %swap3A_346 = vector.shape_cast %get3A_339 : vector<16xf32> to vector<1x1x16xf32>
          tpu.vector_store %arg8[%swap3A_341, %swap3A_342, %swap3A_343], %swap3A_346 {add = true, strides = array<i32>} : memref<6x100x128xf32, #tpu.memory_space<vmem>>, vector<1x1x16xf32>,
          %add3A_347 = arith.addi %select_n3A_228, %add3A_276 : i32
          %get3A_348 = arith.index_cast %add3A_347 : i32 to index
          %get3A_349 = arith.constant 96 : index
          %get3A_350 = tpu.vector_load %arg7[%get3A_348, %get3A_349] {strides = array<i32>} : memref<200x128xf32, #tpu.memory_space<vmem>>, vector<1x16xf32>,
          %get3A_351 = vector.shape_cast %get3A_350 : vector<1x16xf32> to vector<16xf32>
          %swap3A_352 = arith.constant 3 : i32
          %swap3A_353 = arith.index_cast %swap3A_352 : i32 to index
          %swap3A_354 = arith.index_cast %add3A_276 : i32 to index
          %swap3A_355 = arith.constant 96 : index
          %swap3A_356 = tpu.vector_load %arg8[%swap3A_353, %swap3A_354, %swap3A_355] {strides = array<i32>} : memref<6x100x128xf32, #tpu.memory_space<vmem>>, vector<1x1x16xf32>,
          %swap3A_357 = vector.shape_cast %swap3A_356 : vector<1x1x16xf32> to vector<16xf32>
          %swap3A_358 = vector.shape_cast %get3A_351 : vector<16xf32> to vector<1x1x16xf32>
          tpu.vector_store %arg8[%swap3A_353, %swap3A_354, %swap3A_355], %swap3A_358 {add = true, strides = array<i32>} : memref<6x100x128xf32, #tpu.memory_space<vmem>>, vector<1x1x16xf32>,
          %add3A_359 = arith.addi %select_n3A_228, %add3A_276 : i32
          %get3A_360 = arith.index_cast %add3A_359 : i32 to index
          %get3A_361 = arith.constant 112 : index
          %get3A_362 = tpu.vector_load %arg7[%get3A_360, %get3A_361] {strides = array<i32>} : memref<200x128xf32, #tpu.memory_space<vmem>>, vector<1x16xf32>,
          %get3A_363 = vector.shape_cast %get3A_362 : vector<1x16xf32> to vector<16xf32>
          %swap3A_364 = arith.constant 3 : i32
          %swap3A_365 = arith.index_cast %swap3A_364 : i32 to index
          %swap3A_366 = arith.index_cast %add3A_276 : i32 to index
          %swap3A_367 = arith.constant 112 : index
          %swap3A_368 = tpu.vector_load %arg8[%swap3A_365, %swap3A_366, %swap3A_367] {strides = array<i32>} : memref<6x100x128xf32, #tpu.memory_space<vmem>>, vector<1x1x16xf32>,
          %swap3A_369 = vector.shape_cast %swap3A_368 : vector<1x1x16xf32> to vector<16xf32>
          %swap3A_370 = vector.shape_cast %get3A_363 : vector<16xf32> to vector<1x1x16xf32>
          tpu.vector_store %arg8[%swap3A_365, %swap3A_366, %swap3A_367], %swap3A_370 {add = true, strides = array<i32>} : memref<6x100x128xf32, #tpu.memory_space<vmem>>, vector<1x1x16xf32>,
          %mul3A_371 = arith.constant 5 : i32
          %mul3A_372 = arith.muli %scan3A_271, %mul3A_371 : i32
          %add3A_373 = arith.constant 1 : i32
          %add3A_374 = arith.addi %mul3A_372, %add3A_373 : i32
          %add3A_375 = arith.addi %select_n3A_228, %add3A_374 : i32
          %get3A_376 = arith.index_cast %add3A_375 : i32 to index
          %get3A_377 = arith.constant 0 : index
          %get3A_378 = tpu.vector_load %arg7[%get3A_376, %get3A_377] {strides = array<i32>} : memref<200x128xf32, #tpu.memory_space<vmem>>, vector<1x16xf32>,
          %get3A_379 = vector.shape_cast %get3A_378 : vector<1x16xf32> to vector<16xf32>
          %swap3A_380 = arith.constant 3 : i32
          %swap3A_381 = arith.index_cast %swap3A_380 : i32 to index
          %swap3A_382 = arith.index_cast %add3A_374 : i32 to index
          %swap3A_383 = arith.constant 0 : index
          %swap3A_384 = tpu.vector_load %arg8[%swap3A_381, %swap3A_382, %swap3A_383] {strides = array<i32>} : memref<6x100x128xf32, #tpu.memory_space<vmem>>, vector<1x1x16xf32>,
          %swap3A_385 = vector.shape_cast %swap3A_384 : vector<1x1x16xf32> to vector<16xf32>
          %swap3A_386 = vector.shape_cast %get3A_379 : vector<16xf32> to vector<1x1x16xf32>
          tpu.vector_store %arg8[%swap3A_381, %swap3A_382, %swap3A_383], %swap3A_386 {add = true, strides = array<i32>} : memref<6x100x128xf32, #tpu.memory_space<vmem>>, vector<1x1x16xf32>,
          %add3A_387 = arith.addi %select_n3A_228, %add3A_374 : i32
          %get3A_388 = arith.index_cast %add3A_387 : i32 to index
          %get3A_389 = arith.constant 16 : index
          %get3A_390 = tpu.vector_load %arg7[%get3A_388, %get3A_389] {strides = array<i32>} : memref<200x128xf32, #tpu.memory_space<vmem>>, vector<1x16xf32>,
          %get3A_391 = vector.shape_cast %get3A_390 : vector<1x16xf32> to vector<16xf32>
          %swap3A_392 = arith.constant 3 : i32
          %swap3A_393 = arith.index_cast %swap3A_392 : i32 to index
          %swap3A_394 = arith.index_cast %add3A_374 : i32 to index
          %swap3A_395 = arith.constant 16 : index
          %swap3A_396 = tpu.vector_load %arg8[%swap3A_393, %swap3A_394, %swap3A_395] {strides = array<i32>} : memref<6x100x128xf32, #tpu.memory_space<vmem>>, vector<1x1x16xf32>,
          %swap3A_397 = vector.shape_cast %swap3A_396 : vector<1x1x16xf32> to vector<16xf32>
          %swap3A_398 = vector.shape_cast %get3A_391 : vector<16xf32> to vector<1x1x16xf32>
          tpu.vector_store %arg8[%swap3A_393, %swap3A_394, %swap3A_395], %swap3A_398 {add = true, strides = array<i32>} : memref<6x100x128xf32, #tpu.memory_space<vmem>>, vector<1x1x16xf32>,
          %add3A_399 = arith.addi %select_n3A_228, %add3A_374 : i32
          %get3A_400 = arith.index_cast %add3A_399 : i32 to index
          %get3A_401 = arith.constant 32 : index
          %get3A_402 = tpu.vector_load %arg7[%get3A_400, %get3A_401] {strides = array<i32>} : memref<200x128xf32, #tpu.memory_space<vmem>>, vector<1x16xf32>,
          %get3A_403 = vector.shape_cast %get3A_402 : vector<1x16xf32> to vector<16xf32>
          %swap3A_404 = arith.constant 3 : i32
          %swap3A_405 = arith.index_cast %swap3A_404 : i32 to index
          %swap3A_406 = arith.index_cast %add3A_374 : i32 to index
          %swap3A_407 = arith.constant 32 : index
          %swap3A_408 = tpu.vector_load %arg8[%swap3A_405, %swap3A_406, %swap3A_407] {strides = array<i32>} : memref<6x100x128xf32, #tpu.memory_space<vmem>>, vector<1x1x16xf32>,
          %swap3A_409 = vector.shape_cast %swap3A_408 : vector<1x1x16xf32> to vector<16xf32>
          %swap3A_410 = vector.shape_cast %get3A_403 : vector<16xf32> to vector<1x1x16xf32>
          tpu.vector_store %arg8[%swap3A_405, %swap3A_406, %swap3A_407], %swap3A_410 {add = true, strides = array<i32>} : memref<6x100x128xf32, #tpu.memory_space<vmem>>, vector<1x1x16xf32>,
          %add3A_411 = arith.addi %select_n3A_228, %add3A_374 : i32
          %get3A_412 = arith.index_cast %add3A_411 : i32 to index
          %get3A_413 = arith.constant 48 : index
          %get3A_414 = tpu.vector_load %arg7[%get3A_412, %get3A_413] {strides = array<i32>} : memref<200x128xf32, #tpu.memory_space<vmem>>, vector<1x16xf32>,
          %get3A_415 = vector.shape_cast %get3A_414 : vector<1x16xf32> to vector<16xf32>
          %swap3A_416 = arith.constant 3 : i32
          %swap3A_417 = arith.index_cast %swap3A_416 : i32 to index
          %swap3A_418 = arith.index_cast %add3A_374 : i32 to index
          %swap3A_419 = arith.constant 48 : index
          %swap3A_420 = tpu.vector_load %arg8[%swap3A_417, %swap3A_418, %swap3A_419] {strides = array<i32>} : memref<6x100x128xf32, #tpu.memory_space<vmem>>, vector<1x1x16xf32>,
          %swap3A_421 = vector.shape_cast %swap3A_420 : vector<1x1x16xf32> to vector<16xf32>
          %swap3A_422 = vector.shape_cast %get3A_415 : vector<16xf32> to vector<1x1x16xf32>
          tpu.vector_store %arg8[%swap3A_417, %swap3A_418, %swap3A_419], %swap3A_422 {add = true, strides = array<i32>} : memref<6x100x128xf32, #tpu.memory_space<vmem>>, vector<1x1x16xf32>,
          %add3A_423 = arith.addi %select_n3A_228, %add3A_374 : i32
          %get3A_424 = arith.index_cast %add3A_423 : i32 to index
          %get3A_425 = arith.constant 64 : index
          %get3A_426 = tpu.vector_load %arg7[%get3A_424, %get3A_425] {strides = array<i32>} : memref<200x128xf32, #tpu.memory_space<vmem>>, vector<1x16xf32>,
          %get3A_427 = vector.shape_cast %get3A_426 : vector<1x16xf32> to vector<16xf32>
          %swap3A_428 = arith.constant 3 : i32
          %swap3A_429 = arith.index_cast %swap3A_428 : i32 to index
          %swap3A_430 = arith.index_cast %add3A_374 : i32 to index
          %swap3A_431 = arith.constant 64 : index
          %swap3A_432 = tpu.vector_load %arg8[%swap3A_429, %swap3A_430, %swap3A_431] {strides = array<i32>} : memref<6x100x128xf32, #tpu.memory_space<vmem>>, vector<1x1x16xf32>,
          %swap3A_433 = vector.shape_cast %swap3A_432 : vector<1x1x16xf32> to vector<16xf32>
          %swap3A_434 = vector.shape_cast %get3A_427 : vector<16xf32> to vector<1x1x16xf32>
          tpu.vector_store %arg8[%swap3A_429, %swap3A_430, %swap3A_431], %swap3A_434 {add = true, strides = array<i32>} : memref<6x100x128xf32, #tpu.memory_space<vmem>>, vector<1x1x16xf32>,
          %add3A_435 = arith.addi %select_n3A_228, %add3A_374 : i32
          %get3A_436 = arith.index_cast %add3A_435 : i32 to index
          %get3A_437 = arith.constant 80 : index
          %get3A_438 = tpu.vector_load %arg7[%get3A_436, %get3A_437] {strides = array<i32>} : memref<200x128xf32, #tpu.memory_space<vmem>>, vector<1x16xf32>,
          %get3A_439 = vector.shape_cast %get3A_438 : vector<1x16xf32> to vector<16xf32>
          %swap3A_440 = arith.constant 3 : i32
          %swap3A_441 = arith.index_cast %swap3A_440 : i32 to index
          %swap3A_442 = arith.index_cast %add3A_374 : i32 to index
          %swap3A_443 = arith.constant 80 : index
          %swap3A_444 = tpu.vector_load %arg8[%swap3A_441, %swap3A_442, %swap3A_443] {strides = array<i32>} : memref<6x100x128xf32, #tpu.memory_space<vmem>>, vector<1x1x16xf32>,
          %swap3A_445 = vector.shape_cast %swap3A_444 : vector<1x1x16xf32> to vector<16xf32>
          %swap3A_446 = vector.shape_cast %get3A_439 : vector<16xf32> to vector<1x1x16xf32>
          tpu.vector_store %arg8[%swap3A_441, %swap3A_442, %swap3A_443], %swap3A_446 {add = true, strides = array<i32>} : memref<6x100x128xf32, #tpu.memory_space<vmem>>, vector<1x1x16xf32>,
          %add3A_447 = arith.addi %select_n3A_228, %add3A_374 : i32
          %get3A_448 = arith.index_cast %add3A_447 : i32 to index
          %get3A_449 = arith.constant 96 : index
          %get3A_450 = tpu.vector_load %arg7[%get3A_448, %get3A_449] {strides = array<i32>} : memref<200x128xf32, #tpu.memory_space<vmem>>, vector<1x16xf32>,
          %get3A_451 = vector.shape_cast %get3A_450 : vector<1x16xf32> to vector<16xf32>
          %swap3A_452 = arith.constant 3 : i32
          %swap3A_453 = arith.index_cast %swap3A_452 : i32 to index
          %swap3A_454 = arith.index_cast %add3A_374 : i32 to index
          %swap3A_455 = arith.constant 96 : index
          %swap3A_456 = tpu.vector_load %arg8[%swap3A_453, %swap3A_454, %swap3A_455] {strides = array<i32>} : memref<6x100x128xf32, #tpu.memory_space<vmem>>, vector<1x1x16xf32>,
          %swap3A_457 = vector.shape_cast %swap3A_456 : vector<1x1x16xf32> to vector<16xf32>
          %swap3A_458 = vector.shape_cast %get3A_451 : vector<16xf32> to vector<1x1x16xf32>
          tpu.vector_store %arg8[%swap3A_453, %swap3A_454, %swap3A_455], %swap3A_458 {add = true, strides = array<i32>} : memref<6x100x128xf32, #tpu.memory_space<vmem>>, vector<1x1x16xf32>,
          %add3A_459 = arith.addi %select_n3A_228, %add3A_374 : i32
          %get3A_460 = arith.index_cast %add3A_459 : i32 to index
          %get3A_461 = arith.constant 112 : index
          %get3A_462 = tpu.vector_load %arg7[%get3A_460, %get3A_461] {strides = array<i32>} : memref<200x128xf32, #tpu.memory_space<vmem>>, vector<1x16xf32>,
          %get3A_463 = vector.shape_cast %get3A_462 : vector<1x16xf32> to vector<16xf32>
          %swap3A_464 = arith.constant 3 : i32
          %swap3A_465 = arith.index_cast %swap3A_464 : i32 to index
          %swap3A_466 = arith.index_cast %add3A_374 : i32 to index
          %swap3A_467 = arith.constant 112 : index
          %swap3A_468 = tpu.vector_load %arg8[%swap3A_465, %swap3A_466, %swap3A_467] {strides = array<i32>} : memref<6x100x128xf32, #tpu.memory_space<vmem>>, vector<1x1x16xf32>,
          %swap3A_469 = vector.shape_cast %swap3A_468 : vector<1x1x16xf32> to vector<16xf32>
          %swap3A_470 = vector.shape_cast %get3A_463 : vector<16xf32> to vector<1x1x16xf32>
          tpu.vector_store %arg8[%swap3A_465, %swap3A_466, %swap3A_467], %swap3A_470 {add = true, strides = array<i32>} : memref<6x100x128xf32, #tpu.memory_space<vmem>>, vector<1x1x16xf32>,
          %mul3A_471 = arith.constant 5 : i32
          %mul3A_472 = arith.muli %scan3A_271, %mul3A_471 : i32
          %add3A_473 = arith.constant 2 : i32
          %add3A_474 = arith.addi %mul3A_472, %add3A_473 : i32
          %add3A_475 = arith.addi %select_n3A_228, %add3A_474 : i32
          %get3A_476 = arith.index_cast %add3A_475 : i32 to index
          %get3A_477 = arith.constant 0 : index
          %get3A_478 = tpu.vector_load %arg7[%get3A_476, %get3A_477] {strides = array<i32>} : memref<200x128xf32, #tpu.memory_space<vmem>>, vector<1x16xf32>,
          %get3A_479 = vector.shape_cast %get3A_478 : vector<1x16xf32> to vector<16xf32>
          %swap3A_480 = arith.constant 3 : i32
          %swap3A_481 = arith.index_cast %swap3A_480 : i32 to index
          %swap3A_482 = arith.index_cast %add3A_474 : i32 to index
          %swap3A_483 = arith.constant 0 : index
          %swap3A_484 = tpu.vector_load %arg8[%swap3A_481, %swap3A_482, %swap3A_483] {strides = array<i32>} : memref<6x100x128xf32, #tpu.memory_space<vmem>>, vector<1x1x16xf32>,
          %swap3A_485 = vector.shape_cast %swap3A_484 : vector<1x1x16xf32> to vector<16xf32>
          %swap3A_486 = vector.shape_cast %get3A_479 : vector<16xf32> to vector<1x1x16xf32>
          tpu.vector_store %arg8[%swap3A_481, %swap3A_482, %swap3A_483], %swap3A_486 {add = true, strides = array<i32>} : memref<6x100x128xf32, #tpu.memory_space<vmem>>, vector<1x1x16xf32>,
          %add3A_487 = arith.addi %select_n3A_228, %add3A_474 : i32
          %get3A_488 = arith.index_cast %add3A_487 : i32 to index
          %get3A_489 = arith.constant 16 : index
          %get3A_490 = tpu.vector_load %arg7[%get3A_488, %get3A_489] {strides = array<i32>} : memref<200x128xf32, #tpu.memory_space<vmem>>, vector<1x16xf32>,
          %get3A_491 = vector.shape_cast %get3A_490 : vector<1x16xf32> to vector<16xf32>
          %swap3A_492 = arith.constant 3 : i32
          %swap3A_493 = arith.index_cast %swap3A_492 : i32 to index
          %swap3A_494 = arith.index_cast %add3A_474 : i32 to index
          %swap3A_495 = arith.constant 16 : index
          %swap3A_496 = tpu.vector_load %arg8[%swap3A_493, %swap3A_494, %swap3A_495] {strides = array<i32>} : memref<6x100x128xf32, #tpu.memory_space<vmem>>, vector<1x1x16xf32>,
          %swap3A_497 = vector.shape_cast %swap3A_496 : vector<1x1x16xf32> to vector<16xf32>
          %swap3A_498 = vector.shape_cast %get3A_491 : vector<16xf32> to vector<1x1x16xf32>
          tpu.vector_store %arg8[%swap3A_493, %swap3A_494, %swap3A_495], %swap3A_498 {add = true, strides = array<i32>} : memref<6x100x128xf32, #tpu.memory_space<vmem>>, vector<1x1x16xf32>,
          %add3A_499 = arith.addi %select_n3A_228, %add3A_474 : i32
          %get3A_500 = arith.index_cast %add3A_499 : i32 to index
          %get3A_501 = arith.constant 32 : index
          %get3A_502 = tpu.vector_load %arg7[%get3A_500, %get3A_501] {strides = array<i32>} : memref<200x128xf32, #tpu.memory_space<vmem>>, vector<1x16xf32>,
          %get3A_503 = vector.shape_cast %get3A_502 : vector<1x16xf32> to vector<16xf32>
          %swap3A_504 = arith.constant 3 : i32
          %swap3A_505 = arith.index_cast %swap3A_504 : i32 to index
          %swap3A_506 = arith.index_cast %add3A_474 : i32 to index
          %swap3A_507 = arith.constant 32 : index
          %swap3A_508 = tpu.vector_load %arg8[%swap3A_505, %swap3A_506, %swap3A_507] {strides = array<i32>} : memref<6x100x128xf32, #tpu.memory_space<vmem>>, vector<1x1x16xf32>,
          %swap3A_509 = vector.shape_cast %swap3A_508 : vector<1x1x16xf32> to vector<16xf32>
          %swap3A_510 = vector.shape_cast %get3A_503 : vector<16xf32> to vector<1x1x16xf32>
          tpu.vector_store %arg8[%swap3A_505, %swap3A_506, %swap3A_507], %swap3A_510 {add = true, strides = array<i32>} : memref<6x100x128xf32, #tpu.memory_space<vmem>>, vector<1x1x16xf32>,
          %add3A_511 = arith.addi %select_n3A_228, %add3A_474 : i32
          %get3A_512 = arith.index_cast %add3A_511 : i32 to index
          %get3A_513 = arith.constant 48 : index
          %get3A_514 = tpu.vector_load %arg7[%get3A_512, %get3A_513] {strides = array<i32>} : memref<200x128xf32, #tpu.memory_space<vmem>>, vector<1x16xf32>,
          %get3A_515 = vector.shape_cast %get3A_514 : vector<1x16xf32> to vector<16xf32>
          %swap3A_516 = arith.constant 3 : i32
          %swap3A_517 = arith.index_cast %swap3A_516 : i32 to index
          %swap3A_518 = arith.index_cast %add3A_474 : i32 to index
          %swap3A_519 = arith.constant 48 : index
          %swap3A_520 = tpu.vector_load %arg8[%swap3A_517, %swap3A_518, %swap3A_519] {strides = array<i32>} : memref<6x100x128xf32, #tpu.memory_space<vmem>>, vector<1x1x16xf32>,
          %swap3A_521 = vector.shape_cast %swap3A_520 : vector<1x1x16xf32> to vector<16xf32>
          %swap3A_522 = vector.shape_cast %get3A_515 : vector<16xf32> to vector<1x1x16xf32>
          tpu.vector_store %arg8[%swap3A_517, %swap3A_518, %swap3A_519], %swap3A_522 {add = true, strides = array<i32>} : memref<6x100x128xf32, #tpu.memory_space<vmem>>, vector<1x1x16xf32>,
          %add3A_523 = arith.addi %select_n3A_228, %add3A_474 : i32
          %get3A_524 = arith.index_cast %add3A_523 : i32 to index
          %get3A_525 = arith.constant 64 : index
          %get3A_526 = tpu.vector_load %arg7[%get3A_524, %get3A_525] {strides = array<i32>} : memref<200x128xf32, #tpu.memory_space<vmem>>, vector<1x16xf32>,
          %get3A_527 = vector.shape_cast %get3A_526 : vector<1x16xf32> to vector<16xf32>
          %swap3A_528 = arith.constant 3 : i32
          %swap3A_529 = arith.index_cast %swap3A_528 : i32 to index
          %swap3A_530 = arith.index_cast %add3A_474 : i32 to index
          %swap3A_531 = arith.constant 64 : index
          %swap3A_532 = tpu.vector_load %arg8[%swap3A_529, %swap3A_530, %swap3A_531] {strides = array<i32>} : memref<6x100x128xf32, #tpu.memory_space<vmem>>, vector<1x1x16xf32>,
          %swap3A_533 = vector.shape_cast %swap3A_532 : vector<1x1x16xf32> to vector<16xf32>
          %swap3A_534 = vector.shape_cast %get3A_527 : vector<16xf32> to vector<1x1x16xf32>
          tpu.vector_store %arg8[%swap3A_529, %swap3A_530, %swap3A_531], %swap3A_534 {add = true, strides = array<i32>} : memref<6x100x128xf32, #tpu.memory_space<vmem>>, vector<1x1x16xf32>,
          %add3A_535 = arith.addi %select_n3A_228, %add3A_474 : i32
          %get3A_536 = arith.index_cast %add3A_535 : i32 to index
          %get3A_537 = arith.constant 80 : index
          %get3A_538 = tpu.vector_load %arg7[%get3A_536, %get3A_537] {strides = array<i32>} : memref<200x128xf32, #tpu.memory_space<vmem>>, vector<1x16xf32>,
          %get3A_539 = vector.shape_cast %get3A_538 : vector<1x16xf32> to vector<16xf32>
          %swap3A_540 = arith.constant 3 : i32
          %swap3A_541 = arith.index_cast %swap3A_540 : i32 to index
          %swap3A_542 = arith.index_cast %add3A_474 : i32 to index
          %swap3A_543 = arith.constant 80 : index
          %swap3A_544 = tpu.vector_load %arg8[%swap3A_541, %swap3A_542, %swap3A_543] {strides = array<i32>} : memref<6x100x128xf32, #tpu.memory_space<vmem>>, vector<1x1x16xf32>,
          %swap3A_545 = vector.shape_cast %swap3A_544 : vector<1x1x16xf32> to vector<16xf32>
          %swap3A_546 = vector.shape_cast %get3A_539 : vector<16xf32> to vector<1x1x16xf32>
          tpu.vector_store %arg8[%swap3A_541, %swap3A_542, %swap3A_543], %swap3A_546 {add = true, strides = array<i32>} : memref<6x100x128xf32, #tpu.memory_space<vmem>>, vector<1x1x16xf32>,
          %add3A_547 = arith.addi %select_n3A_228, %add3A_474 : i32
          %get3A_548 = arith.index_cast %add3A_547 : i32 to index
          %get3A_549 = arith.constant 96 : index
          %get3A_550 = tpu.vector_load %arg7[%get3A_548, %get3A_549] {strides = array<i32>} : memref<200x128xf32, #tpu.memory_space<vmem>>, vector<1x16xf32>,
          %get3A_551 = vector.shape_cast %get3A_550 : vector<1x16xf32> to vector<16xf32>
          %swap3A_552 = arith.constant 3 : i32
          %swap3A_553 = arith.index_cast %swap3A_552 : i32 to index
          %swap3A_554 = arith.index_cast %add3A_474 : i32 to index
          %swap3A_555 = arith.constant 96 : index
          %swap3A_556 = tpu.vector_load %arg8[%swap3A_553, %swap3A_554, %swap3A_555] {strides = array<i32>} : memref<6x100x128xf32, #tpu.memory_space<vmem>>, vector<1x1x16xf32>,
          %swap3A_557 = vector.shape_cast %swap3A_556 : vector<1x1x16xf32> to vector<16xf32>
          %swap3A_558 = vector.shape_cast %get3A_551 : vector<16xf32> to vector<1x1x16xf32>
          tpu.vector_store %arg8[%swap3A_553, %swap3A_554, %swap3A_555], %swap3A_558 {add = true, strides = array<i32>} : memref<6x100x128xf32, #tpu.memory_space<vmem>>, vector<1x1x16xf32>,
          %add3A_559 = arith.addi %select_n3A_228, %add3A_474 : i32
          %get3A_560 = arith.index_cast %add3A_559 : i32 to index
          %get3A_561 = arith.constant 112 : index
          %get3A_562 = tpu.vector_load %arg7[%get3A_560, %get3A_561] {strides = array<i32>} : memref<200x128xf32, #tpu.memory_space<vmem>>, vector<1x16xf32>,
          %get3A_563 = vector.shape_cast %get3A_562 : vector<1x16xf32> to vector<16xf32>
          %swap3A_564 = arith.constant 3 : i32
          %swap3A_565 = arith.index_cast %swap3A_564 : i32 to index
          %swap3A_566 = arith.index_cast %add3A_474 : i32 to index
          %swap3A_567 = arith.constant 112 : index
          %swap3A_568 = tpu.vector_load %arg8[%swap3A_565, %swap3A_566, %swap3A_567] {strides = array<i32>} : memref<6x100x128xf32, #tpu.memory_space<vmem>>, vector<1x1x16xf32>,
          %swap3A_569 = vector.shape_cast %swap3A_568 : vector<1x1x16xf32> to vector<16xf32>
          %swap3A_570 = vector.shape_cast %get3A_563 : vector<16xf32> to vector<1x1x16xf32>
          tpu.vector_store %arg8[%swap3A_565, %swap3A_566, %swap3A_567], %swap3A_570 {add = true, strides = array<i32>} : memref<6x100x128xf32, #tpu.memory_space<vmem>>, vector<1x1x16xf32>,
          %mul3A_571 = arith.constant 5 : i32
          %mul3A_572 = arith.muli %scan3A_271, %mul3A_571 : i32
          %add3A_573 = arith.constant 3 : i32
          %add3A_574 = arith.addi %mul3A_572, %add3A_573 : i32
          %add3A_575 = arith.addi %select_n3A_228, %add3A_574 : i32
          %get3A_576 = arith.index_cast %add3A_575 : i32 to index
          %get3A_577 = arith.constant 0 : index
          %get3A_578 = tpu.vector_load %arg7[%get3A_576, %get3A_577] {strides = array<i32>} : memref<200x128xf32, #tpu.memory_space<vmem>>, vector<1x16xf32>,
          %get3A_579 = vector.shape_cast %get3A_578 : vector<1x16xf32> to vector<16xf32>
          %swap3A_580 = arith.constant 3 : i32
          %swap3A_581 = arith.index_cast %swap3A_580 : i32 to index
          %swap3A_582 = arith.index_cast %add3A_574 : i32 to index
          %swap3A_583 = arith.constant 0 : index
          %swap3A_584 = tpu.vector_load %arg8[%swap3A_581, %swap3A_582, %swap3A_583] {strides = array<i32>} : memref<6x100x128xf32, #tpu.memory_space<vmem>>, vector<1x1x16xf32>,
          %swap3A_585 = vector.shape_cast %swap3A_584 : vector<1x1x16xf32> to vector<16xf32>
          %swap3A_586 = vector.shape_cast %get3A_579 : vector<16xf32> to vector<1x1x16xf32>
          tpu.vector_store %arg8[%swap3A_581, %swap3A_582, %swap3A_583], %swap3A_586 {add = true, strides = array<i32>} : memref<6x100x128xf32, #tpu.memory_space<vmem>>, vector<1x1x16xf32>,
          %add3A_587 = arith.addi %select_n3A_228, %add3A_574 : i32
          %get3A_588 = arith.index_cast %add3A_587 : i32 to index
          %get3A_589 = arith.constant 16 : index
          %get3A_590 = tpu.vector_load %arg7[%get3A_588, %get3A_589] {strides = array<i32>} : memref<200x128xf32, #tpu.memory_space<vmem>>, vector<1x16xf32>,
          %get3A_591 = vector.shape_cast %get3A_590 : vector<1x16xf32> to vector<16xf32>
          %swap3A_592 = arith.constant 3 : i32
          %swap3A_593 = arith.index_cast %swap3A_592 : i32 to index
          %swap3A_594 = arith.index_cast %add3A_574 : i32 to index
          %swap3A_595 = arith.constant 16 : index
          %swap3A_596 = tpu.vector_load %arg8[%swap3A_593, %swap3A_594, %swap3A_595] {strides = array<i32>} : memref<6x100x128xf32, #tpu.memory_space<vmem>>, vector<1x1x16xf32>,
          %swap3A_597 = vector.shape_cast %swap3A_596 : vector<1x1x16xf32> to vector<16xf32>
          %swap3A_598 = vector.shape_cast %get3A_591 : vector<16xf32> to vector<1x1x16xf32>
          tpu.vector_store %arg8[%swap3A_593, %swap3A_594, %swap3A_595], %swap3A_598 {add = true, strides = array<i32>} : memref<6x100x128xf32, #tpu.memory_space<vmem>>, vector<1x1x16xf32>,
          %add3A_599 = arith.addi %select_n3A_228, %add3A_574 : i32
          %get3A_600 = arith.index_cast %add3A_599 : i32 to index
          %get3A_601 = arith.constant 32 : index
          %get3A_602 = tpu.vector_load %arg7[%get3A_600, %get3A_601] {strides = array<i32>} : memref<200x128xf32, #tpu.memory_space<vmem>>, vector<1x16xf32>,
          %get3A_603 = vector.shape_cast %get3A_602 : vector<1x16xf32> to vector<16xf32>
          %swap3A_604 = arith.constant 3 : i32
          %swap3A_605 = arith.index_cast %swap3A_604 : i32 to index
          %swap3A_606 = arith.index_cast %add3A_574 : i32 to index
          %swap3A_607 = arith.constant 32 : index
          %swap3A_608 = tpu.vector_load %arg8[%swap3A_605, %swap3A_606, %swap3A_607] {strides = array<i32>} : memref<6x100x128xf32, #tpu.memory_space<vmem>>, vector<1x1x16xf32>,
          %swap3A_609 = vector.shape_cast %swap3A_608 : vector<1x1x16xf32> to vector<16xf32>
          %swap3A_610 = vector.shape_cast %get3A_603 : vector<16xf32> to vector<1x1x16xf32>
          tpu.vector_store %arg8[%swap3A_605, %swap3A_606, %swap3A_607], %swap3A_610 {add = true, strides = array<i32>} : memref<6x100x128xf32, #tpu.memory_space<vmem>>, vector<1x1x16xf32>,
          %add3A_611 = arith.addi %select_n3A_228, %add3A_574 : i32
          %get3A_612 = arith.index_cast %add3A_611 : i32 to index
          %get3A_613 = arith.constant 48 : index
          %get3A_614 = tpu.vector_load %arg7[%get3A_612, %get3A_613] {strides = array<i32>} : memref<200x128xf32, #tpu.memory_space<vmem>>, vector<1x16xf32>,
          %get3A_615 = vector.shape_cast %get3A_614 : vector<1x16xf32> to vector<16xf32>
          %swap3A_616 = arith.constant 3 : i32
          %swap3A_617 = arith.index_cast %swap3A_616 : i32 to index
          %swap3A_618 = arith.index_cast %add3A_574 : i32 to index
          %swap3A_619 = arith.constant 48 : index
          %swap3A_620 = tpu.vector_load %arg8[%swap3A_617, %swap3A_618, %swap3A_619] {strides = array<i32>} : memref<6x100x128xf32, #tpu.memory_space<vmem>>, vector<1x1x16xf32>,
          %swap3A_621 = vector.shape_cast %swap3A_620 : vector<1x1x16xf32> to vector<16xf32>
          %swap3A_622 = vector.shape_cast %get3A_615 : vector<16xf32> to vector<1x1x16xf32>
          tpu.vector_store %arg8[%swap3A_617, %swap3A_618, %swap3A_619], %swap3A_622 {add = true, strides = array<i32>} : memref<6x100x128xf32, #tpu.memory_space<vmem>>, vector<1x1x16xf32>,
          %add3A_623 = arith.addi %select_n3A_228, %add3A_574 : i32
          %get3A_624 = arith.index_cast %add3A_623 : i32 to index
          %get3A_625 = arith.constant 64 : index
          %get3A_626 = tpu.vector_load %arg7[%get3A_624, %get3A_625] {strides = array<i32>} : memref<200x128xf32, #tpu.memory_space<vmem>>, vector<1x16xf32>,
          %get3A_627 = vector.shape_cast %get3A_626 : vector<1x16xf32> to vector<16xf32>
          %swap3A_628 = arith.constant 3 : i32
          %swap3A_629 = arith.index_cast %swap3A_628 : i32 to index
          %swap3A_630 = arith.index_cast %add3A_574 : i32 to index
          %swap3A_631 = arith.constant 64 : index
          %swap3A_632 = tpu.vector_load %arg8[%swap3A_629, %swap3A_630, %swap3A_631] {strides = array<i32>} : memref<6x100x128xf32, #tpu.memory_space<vmem>>, vector<1x1x16xf32>,
          %swap3A_633 = vector.shape_cast %swap3A_632 : vector<1x1x16xf32> to vector<16xf32>
          %swap3A_634 = vector.shape_cast %get3A_627 : vector<16xf32> to vector<1x1x16xf32>
          tpu.vector_store %arg8[%swap3A_629, %swap3A_630, %swap3A_631], %swap3A_634 {add = true, strides = array<i32>} : memref<6x100x128xf32, #tpu.memory_space<vmem>>, vector<1x1x16xf32>,
          %add3A_635 = arith.addi %select_n3A_228, %add3A_574 : i32
          %get3A_636 = arith.index_cast %add3A_635 : i32 to index
          %get3A_637 = arith.constant 80 : index
          %get3A_638 = tpu.vector_load %arg7[%get3A_636, %get3A_637] {strides = array<i32>} : memref<200x128xf32, #tpu.memory_space<vmem>>, vector<1x16xf32>,
          %get3A_639 = vector.shape_cast %get3A_638 : vector<1x16xf32> to vector<16xf32>
          %swap3A_640 = arith.constant 3 : i32
          %swap3A_641 = arith.index_cast %swap3A_640 : i32 to index
          %swap3A_642 = arith.index_cast %add3A_574 : i32 to index
          %swap3A_643 = arith.constant 80 : index
          %swap3A_644 = tpu.vector_load %arg8[%swap3A_641, %swap3A_642, %swap3A_643] {strides = array<i32>} : memref<6x100x128xf32, #tpu.memory_space<vmem>>, vector<1x1x16xf32>,
          %swap3A_645 = vector.shape_cast %swap3A_644 : vector<1x1x16xf32> to vector<16xf32>
          %swap3A_646 = vector.shape_cast %get3A_639 : vector<16xf32> to vector<1x1x16xf32>
          tpu.vector_store %arg8[%swap3A_641, %swap3A_642, %swap3A_643], %swap3A_646 {add = true, strides = array<i32>} : memref<6x100x128xf32, #tpu.memory_space<vmem>>, vector<1x1x16xf32>,
          %add3A_647 = arith.addi %select_n3A_228, %add3A_574 : i32
          %get3A_648 = arith.index_cast %add3A_647 : i32 to index
          %get3A_649 = arith.constant 96 : index
          %get3A_650 = tpu.vector_load %arg7[%get3A_648, %get3A_649] {strides = array<i32>} : memref<200x128xf32, #tpu.memory_space<vmem>>, vector<1x16xf32>,
          %get3A_651 = vector.shape_cast %get3A_650 : vector<1x16xf32> to vector<16xf32>
          %swap3A_652 = arith.constant 3 : i32
          %swap3A_653 = arith.index_cast %swap3A_652 : i32 to index
          %swap3A_654 = arith.index_cast %add3A_574 : i32 to index
          %swap3A_655 = arith.constant 96 : index
          %swap3A_656 = tpu.vector_load %arg8[%swap3A_653, %swap3A_654, %swap3A_655] {strides = array<i32>} : memref<6x100x128xf32, #tpu.memory_space<vmem>>, vector<1x1x16xf32>,
          %swap3A_657 = vector.shape_cast %swap3A_656 : vector<1x1x16xf32> to vector<16xf32>
          %swap3A_658 = vector.shape_cast %get3A_651 : vector<16xf32> to vector<1x1x16xf32>
          tpu.vector_store %arg8[%swap3A_653, %swap3A_654, %swap3A_655], %swap3A_658 {add = true, strides = array<i32>} : memref<6x100x128xf32, #tpu.memory_space<vmem>>, vector<1x1x16xf32>,
          %add3A_659 = arith.addi %select_n3A_228, %add3A_574 : i32
          %get3A_660 = arith.index_cast %add3A_659 : i32 to index
          %get3A_661 = arith.constant 112 : index
          %get3A_662 = tpu.vector_load %arg7[%get3A_660, %get3A_661] {strides = array<i32>} : memref<200x128xf32, #tpu.memory_space<vmem>>, vector<1x16xf32>,
          %get3A_663 = vector.shape_cast %get3A_662 : vector<1x16xf32> to vector<16xf32>
          %swap3A_664 = arith.constant 3 : i32
          %swap3A_665 = arith.index_cast %swap3A_664 : i32 to index
          %swap3A_666 = arith.index_cast %add3A_574 : i32 to index
          %swap3A_667 = arith.constant 112 : index
          %swap3A_668 = tpu.vector_load %arg8[%swap3A_665, %swap3A_666, %swap3A_667] {strides = array<i32>} : memref<6x100x128xf32, #tpu.memory_space<vmem>>, vector<1x1x16xf32>,
          %swap3A_669 = vector.shape_cast %swap3A_668 : vector<1x1x16xf32> to vector<16xf32>
          %swap3A_670 = vector.shape_cast %get3A_663 : vector<16xf32> to vector<1x1x16xf32>
          tpu.vector_store %arg8[%swap3A_665, %swap3A_666, %swap3A_667], %swap3A_670 {add = true, strides = array<i32>} : memref<6x100x128xf32, #tpu.memory_space<vmem>>, vector<1x1x16xf32>,
          %mul3A_671 = arith.constant 5 : i32
          %mul3A_672 = arith.muli %scan3A_271, %mul3A_671 : i32
          %add3A_673 = arith.constant 4 : i32
          %add3A_674 = arith.addi %mul3A_672, %add3A_673 : i32
          %add3A_675 = arith.addi %select_n3A_228, %add3A_674 : i32
          %get3A_676 = arith.index_cast %add3A_675 : i32 to index
          %get3A_677 = arith.constant 0 : index
          %get3A_678 = tpu.vector_load %arg7[%get3A_676, %get3A_677] {strides = array<i32>} : memref<200x128xf32, #tpu.memory_space<vmem>>, vector<1x16xf32>,
          %get3A_679 = vector.shape_cast %get3A_678 : vector<1x16xf32> to vector<16xf32>
          %swap3A_680 = arith.constant 3 : i32
          %swap3A_681 = arith.index_cast %swap3A_680 : i32 to index
          %swap3A_682 = arith.index_cast %add3A_674 : i32 to index
          %swap3A_683 = arith.constant 0 : index
          %swap3A_684 = tpu.vector_load %arg8[%swap3A_681, %swap3A_682, %swap3A_683] {strides = array<i32>} : memref<6x100x128xf32, #tpu.memory_space<vmem>>, vector<1x1x16xf32>,
          %swap3A_685 = vector.shape_cast %swap3A_684 : vector<1x1x16xf32> to vector<16xf32>
          %swap3A_686 = vector.shape_cast %get3A_679 : vector<16xf32> to vector<1x1x16xf32>
          tpu.vector_store %arg8[%swap3A_681, %swap3A_682, %swap3A_683], %swap3A_686 {add = true, strides = array<i32>} : memref<6x100x128xf32, #tpu.memory_space<vmem>>, vector<1x1x16xf32>,
          %add3A_687 = arith.addi %select_n3A_228, %add3A_674 : i32
          %get3A_688 = arith.index_cast %add3A_687 : i32 to index
          %get3A_689 = arith.constant 16 : index
          %get3A_690 = tpu.vector_load %arg7[%get3A_688, %get3A_689] {strides = array<i32>} : memref<200x128xf32, #tpu.memory_space<vmem>>, vector<1x16xf32>,
          %get3A_691 = vector.shape_cast %get3A_690 : vector<1x16xf32> to vector<16xf32>
          %swap3A_692 = arith.constant 3 : i32
          %swap3A_693 = arith.index_cast %swap3A_692 : i32 to index
          %swap3A_694 = arith.index_cast %add3A_674 : i32 to index
          %swap3A_695 = arith.constant 16 : index
          %swap3A_696 = tpu.vector_load %arg8[%swap3A_693, %swap3A_694, %swap3A_695] {strides = array<i32>} : memref<6x100x128xf32, #tpu.memory_space<vmem>>, vector<1x1x16xf32>,
          %swap3A_697 = vector.shape_cast %swap3A_696 : vector<1x1x16xf32> to vector<16xf32>
          %swap3A_698 = vector.shape_cast %get3A_691 : vector<16xf32> to vector<1x1x16xf32>
          tpu.vector_store %arg8[%swap3A_693, %swap3A_694, %swap3A_695], %swap3A_698 {add = true, strides = array<i32>} : memref<6x100x128xf32, #tpu.memory_space<vmem>>, vector<1x1x16xf32>,
          %add3A_699 = arith.addi %select_n3A_228, %add3A_674 : i32
          %get3A_700 = arith.index_cast %add3A_699 : i32 to index
          %get3A_701 = arith.constant 32 : index
          %get3A_702 = tpu.vector_load %arg7[%get3A_700, %get3A_701] {strides = array<i32>} : memref<200x128xf32, #tpu.memory_space<vmem>>, vector<1x16xf32>,
          %get3A_703 = vector.shape_cast %get3A_702 : vector<1x16xf32> to vector<16xf32>
          %swap3A_704 = arith.constant 3 : i32
          %swap3A_705 = arith.index_cast %swap3A_704 : i32 to index
          %swap3A_706 = arith.index_cast %add3A_674 : i32 to index
          %swap3A_707 = arith.constant 32 : index
          %swap3A_708 = tpu.vector_load %arg8[%swap3A_705, %swap3A_706, %swap3A_707] {strides = array<i32>} : memref<6x100x128xf32, #tpu.memory_space<vmem>>, vector<1x1x16xf32>,
          %swap3A_709 = vector.shape_cast %swap3A_708 : vector<1x1x16xf32> to vector<16xf32>
          %swap3A_710 = vector.shape_cast %get3A_703 : vector<16xf32> to vector<1x1x16xf32>
          tpu.vector_store %arg8[%swap3A_705, %swap3A_706, %swap3A_707], %swap3A_710 {add = true, strides = array<i32>} : memref<6x100x128xf32, #tpu.memory_space<vmem>>, vector<1x1x16xf32>,
          %add3A_711 = arith.addi %select_n3A_228, %add3A_674 : i32
          %get3A_712 = arith.index_cast %add3A_711 : i32 to index
          %get3A_713 = arith.constant 48 : index
          %get3A_714 = tpu.vector_load %arg7[%get3A_712, %get3A_713] {strides = array<i32>} : memref<200x128xf32, #tpu.memory_space<vmem>>, vector<1x16xf32>,
          %get3A_715 = vector.shape_cast %get3A_714 : vector<1x16xf32> to vector<16xf32>
          %swap3A_716 = arith.constant 3 : i32
          %swap3A_717 = arith.index_cast %swap3A_716 : i32 to index
          %swap3A_718 = arith.index_cast %add3A_674 : i32 to index
          %swap3A_719 = arith.constant 48 : index
          %swap3A_720 = tpu.vector_load %arg8[%swap3A_717, %swap3A_718, %swap3A_719] {strides = array<i32>} : memref<6x100x128xf32, #tpu.memory_space<vmem>>, vector<1x1x16xf32>,
          %swap3A_721 = vector.shape_cast %swap3A_720 : vector<1x1x16xf32> to vector<16xf32>
          %swap3A_722 = vector.shape_cast %get3A_715 : vector<16xf32> to vector<1x1x16xf32>
          tpu.vector_store %arg8[%swap3A_717, %swap3A_718, %swap3A_719], %swap3A_722 {add = true, strides = array<i32>} : memref<6x100x128xf32, #tpu.memory_space<vmem>>, vector<1x1x16xf32>,
          %add3A_723 = arith.addi %select_n3A_228, %add3A_674 : i32
          %get3A_724 = arith.index_cast %add3A_723 : i32 to index
          %get3A_725 = arith.constant 64 : index
          %get3A_726 = tpu.vector_load %arg7[%get3A_724, %get3A_725] {strides = array<i32>} : memref<200x128xf32, #tpu.memory_space<vmem>>, vector<1x16xf32>,
          %get3A_727 = vector.shape_cast %get3A_726 : vector<1x16xf32> to vector<16xf32>
          %swap3A_728 = arith.constant 3 : i32
          %swap3A_729 = arith.index_cast %swap3A_728 : i32 to index
          %swap3A_730 = arith.index_cast %add3A_674 : i32 to index
          %swap3A_731 = arith.constant 64 : index
          %swap3A_732 = tpu.vector_load %arg8[%swap3A_729, %swap3A_730, %swap3A_731] {strides = array<i32>} : memref<6x100x128xf32, #tpu.memory_space<vmem>>, vector<1x1x16xf32>,
          %swap3A_733 = vector.shape_cast %swap3A_732 : vector<1x1x16xf32> to vector<16xf32>
          %swap3A_734 = vector.shape_cast %get3A_727 : vector<16xf32> to vector<1x1x16xf32>
          tpu.vector_store %arg8[%swap3A_729, %swap3A_730, %swap3A_731], %swap3A_734 {add = true, strides = array<i32>} : memref<6x100x128xf32, #tpu.memory_space<vmem>>, vector<1x1x16xf32>,
          %add3A_735 = arith.addi %select_n3A_228, %add3A_674 : i32
          %get3A_736 = arith.index_cast %add3A_735 : i32 to index
          %get3A_737 = arith.constant 80 : index
          %get3A_738 = tpu.vector_load %arg7[%get3A_736, %get3A_737] {strides = array<i32>} : memref<200x128xf32, #tpu.memory_space<vmem>>, vector<1x16xf32>,
          %get3A_739 = vector.shape_cast %get3A_738 : vector<1x16xf32> to vector<16xf32>
          %swap3A_740 = arith.constant 3 : i32
          %swap3A_741 = arith.index_cast %swap3A_740 : i32 to index
          %swap3A_742 = arith.index_cast %add3A_674 : i32 to index
          %swap3A_743 = arith.constant 80 : index
          %swap3A_744 = tpu.vector_load %arg8[%swap3A_741, %swap3A_742, %swap3A_743] {strides = array<i32>} : memref<6x100x128xf32, #tpu.memory_space<vmem>>, vector<1x1x16xf32>,
          %swap3A_745 = vector.shape_cast %swap3A_744 : vector<1x1x16xf32> to vector<16xf32>
          %swap3A_746 = vector.shape_cast %get3A_739 : vector<16xf32> to vector<1x1x16xf32>
          tpu.vector_store %arg8[%swap3A_741, %swap3A_742, %swap3A_743], %swap3A_746 {add = true, strides = array<i32>} : memref<6x100x128xf32, #tpu.memory_space<vmem>>, vector<1x1x16xf32>,
          %add3A_747 = arith.addi %select_n3A_228, %add3A_674 : i32
          %get3A_748 = arith.index_cast %add3A_747 : i32 to index
          %get3A_749 = arith.constant 96 : index
          %get3A_750 = tpu.vector_load %arg7[%get3A_748, %get3A_749] {strides = array<i32>} : memref<200x128xf32, #tpu.memory_space<vmem>>, vector<1x16xf32>,
          %get3A_751 = vector.shape_cast %get3A_750 : vector<1x16xf32> to vector<16xf32>
          %swap3A_752 = arith.constant 3 : i32
          %swap3A_753 = arith.index_cast %swap3A_752 : i32 to index
          %swap3A_754 = arith.index_cast %add3A_674 : i32 to index
          %swap3A_755 = arith.constant 96 : index
          %swap3A_756 = tpu.vector_load %arg8[%swap3A_753, %swap3A_754, %swap3A_755] {strides = array<i32>} : memref<6x100x128xf32, #tpu.memory_space<vmem>>, vector<1x1x16xf32>,
          %swap3A_757 = vector.shape_cast %swap3A_756 : vector<1x1x16xf32> to vector<16xf32>
          %swap3A_758 = vector.shape_cast %get3A_751 : vector<16xf32> to vector<1x1x16xf32>
          tpu.vector_store %arg8[%swap3A_753, %swap3A_754, %swap3A_755], %swap3A_758 {add = true, strides = array<i32>} : memref<6x100x128xf32, #tpu.memory_space<vmem>>, vector<1x1x16xf32>,
          %add3A_759 = arith.addi %select_n3A_228, %add3A_674 : i32
          %get3A_760 = arith.index_cast %add3A_759 : i32 to index
          %get3A_761 = arith.constant 112 : index
          %get3A_762 = tpu.vector_load %arg7[%get3A_760, %get3A_761] {strides = array<i32>} : memref<200x128xf32, #tpu.memory_space<vmem>>, vector<1x16xf32>,
          %get3A_763 = vector.shape_cast %get3A_762 : vector<1x16xf32> to vector<16xf32>
          %swap3A_764 = arith.constant 3 : i32
          %swap3A_765 = arith.index_cast %swap3A_764 : i32 to index
          %swap3A_766 = arith.index_cast %add3A_674 : i32 to index
          %swap3A_767 = arith.constant 112 : index
          %swap3A_768 = tpu.vector_load %arg8[%swap3A_765, %swap3A_766, %swap3A_767] {strides = array<i32>} : memref<6x100x128xf32, #tpu.memory_space<vmem>>, vector<1x1x16xf32>,
          %swap3A_769 = vector.shape_cast %swap3A_768 : vector<1x1x16xf32> to vector<16xf32>
          %swap3A_770 = vector.shape_cast %get3A_763 : vector<16xf32> to vector<1x1x16xf32>
          tpu.vector_store %arg8[%swap3A_765, %swap3A_766, %swap3A_767], %swap3A_770 {add = true, strides = array<i32>} : memref<6x100x128xf32, #tpu.memory_space<vmem>>, vector<1x1x16xf32>,
          %scan3A_771 = arith.constant 0 : i32
          scf.yield %scan3A_771 : i32
        }
        %scan3A_235 = arith.constant 20 : i32
        %mul3A_236 = arith.constant 100 : i32
        %mul3A_237 = arith.muli %add3A_177, %mul3A_236 : i32
        %add3A_238 = arith.addi %mul3A_2, %mul3A_237 : i32
        %dma_start3A_239 = arith.constant 3 : i32
        %dma_start3A_240 = arith.constant 3 : i32
        %dma_start3A_241 = arith.constant 0 : i32
        %dma_start3A_242 = arith.constant 0 : i32
        %dma_start3A_243 = tpu.memref_slice %arg8[%dma_start3A_239, %dma_start3A_241, %dma_start3A_242] : memref<6x100x128xf32, #tpu.memory_space<vmem>> -> memref<1x100x128xf32, #tpu.memory_space<vmem>>
        %dma_start3A_244 = tpu.memref_squeeze %dma_start3A_243 : memref<1x100x128xf32, #tpu.memory_space<vmem>> -> memref<100x128xf32, #tpu.memory_space<vmem>>
        %dma_start3A_245 = arith.constant 0 : i32
        %dma_start3A_246 = tpu.memref_slice %arg5[%add3A_238, %dma_start3A_245] : memref<204800x128xf32, #tpu.memory_space<hbm>> -> memref<100x128xf32, #tpu.memory_space<hbm>>
        %dma_start3A_247 = tpu.memref_slice %arg10[%dma_start3A_240] : memref<6x!tpu.dma_semaphore, #tpu.memory_space<semaphore_mem>> -> memref<1x!tpu.dma_semaphore, #tpu.memory_space<semaphore_mem>>
        %dma_start3A_248 = tpu.memref_squeeze %dma_start3A_247 : memref<1x!tpu.dma_semaphore, #tpu.memory_space<semaphore_mem>> -> memref<!tpu.dma_semaphore, #tpu.memory_space<semaphore_mem>>
        %dma_start3A_249 = arith.constant 0 : i32
        %dma_start3A_250 = tpu.memref_slice %arg5[%add3A_238, %dma_start3A_249] : memref<204800x128xf32, #tpu.memory_space<hbm>> -> memref<100x128xf32, #tpu.memory_space<hbm>>
        %dma_start3A_251 = arith.constant 0 : i32
        %dma_start3A_252 = arith.constant 0 : i32
        %dma_start3A_253 = tpu.memref_slice %arg8[%dma_start3A_239, %dma_start3A_251, %dma_start3A_252] : memref<6x100x128xf32, #tpu.memory_space<vmem>> -> memref<1x100x128xf32, #tpu.memory_space<vmem>>
        %dma_start3A_254 = tpu.memref_squeeze %dma_start3A_253 : memref<1x100x128xf32, #tpu.memory_space<vmem>> -> memref<100x128xf32, #tpu.memory_space<vmem>>
        tpu.enqueue_dma source(%dma_start3A_254 : memref<100x128xf32, #tpu.memory_space<vmem>>) target(%dma_start3A_250 : memref<100x128xf32, #tpu.memory_space<hbm>>) target_semaphore(%dma_start3A_248 : memref<!tpu.dma_semaphore, #tpu.memory_space<semaphore_mem>>)
        %ge3A = arith.constant 3 : i32
        %ge3A_255 = arith.cmpi sge, %add3A_177, %ge3A : i32
        %add3A_256 = arith.constant 3 : i32
        %add3A_257 = arith.addi %add3A_177, %add3A_256 : i32
        %lt3A_258 = arith.constant 64 : i32
        %lt3A_259 = arith.cmpi slt, %add3A_257, %lt3A_258 : i32
        %and3A_260 = arith.andi %ge3A_255, %lt3A_259 : i1
        %convert_element_type3A_261 = arith.extui %and3A_260 : i1 to i32
        %cond3A_262 = arith.constant 0 : i32
        %cond3A_263 = arith.cmpi ne, %convert_element_type3A_261, %cond3A_262 : i32
        scf.if %cond3A_263 {
          %dma_wait3A_271 = arith.constant 0 : i32
          %dma_wait3A_272 = arith.constant 0 : i32
          %dma_wait3A_273 = arith.constant 0 : i32
          %dma_wait3A_274 = arith.constant 0 : i32
          %dma_wait3A_275 = tpu.memref_slice %arg8[%dma_wait3A_271, %dma_wait3A_273, %dma_wait3A_274] : memref<6x100x128xf32, #tpu.memory_space<vmem>> -> memref<1x100x128xf32, #tpu.memory_space<vmem>>
          %dma_wait3A_276 = tpu.memref_squeeze %dma_wait3A_275 : memref<1x100x128xf32, #tpu.memory_space<vmem>> -> memref<100x128xf32, #tpu.memory_space<vmem>>
          %dma_wait3A_277 = arith.constant 0 : i32
          %dma_wait3A_278 = tpu.memref_slice %arg5[%mul3A_2, %dma_wait3A_277] : memref<204800x128xf32, #tpu.memory_space<hbm>> -> memref<100x128xf32, #tpu.memory_space<hbm>>
          %dma_wait3A_279 = tpu.memref_slice %arg10[%dma_wait3A_272] : memref<6x!tpu.dma_semaphore, #tpu.memory_space<semaphore_mem>> -> memref<1x!tpu.dma_semaphore, #tpu.memory_space<semaphore_mem>>
          %dma_wait3A_280 = tpu.memref_squeeze %dma_wait3A_279 : memref<1x!tpu.dma_semaphore, #tpu.memory_space<semaphore_mem>> -> memref<!tpu.dma_semaphore, #tpu.memory_space<semaphore_mem>>
          %dma_wait3A_281 = arith.constant 0 : i32
          %dma_wait3A_282 = tpu.memref_slice %arg5[%mul3A_2, %dma_wait3A_281] : memref<204800x128xf32, #tpu.memory_space<hbm>> -> memref<100x128xf32, #tpu.memory_space<hbm>>
          %dma_wait3A_283 = arith.constant 0 : i32
          %dma_wait3A_284 = arith.constant 0 : i32
          %dma_wait3A_285 = tpu.memref_slice %arg8[%dma_wait3A_271, %dma_wait3A_283, %dma_wait3A_284] : memref<6x100x128xf32, #tpu.memory_space<vmem>> -> memref<1x100x128xf32, #tpu.memory_space<vmem>>
          %dma_wait3A_286 = tpu.memref_squeeze %dma_wait3A_285 : memref<1x100x128xf32, #tpu.memory_space<vmem>> -> memref<100x128xf32, #tpu.memory_space<vmem>>
          tpu.wait_dma2 semaphore(%dma_wait3A_280 : memref<!tpu.dma_semaphore, #tpu.memory_space<semaphore_mem>>) src(%dma_wait3A_286 : memref<100x128xf32, #tpu.memory_space<vmem>>) dst(%dma_wait3A_282 : memref<100x128xf32, #tpu.memory_space<hbm>>)
        } else {
        }
        %add3A_264 = arith.constant 3 : i32
        %add3A_265 = arith.addi %add3A_177, %add3A_264 : i32
        %lt3A_266 = arith.constant 64 : i32
        %lt3A_267 = arith.cmpi slt, %add3A_265, %lt3A_266 : i32
        %convert_element_type3A_268 = arith.extui %lt3A_267 : i1 to i32
        %cond3A_269 = arith.constant 0 : i32
        %cond3A_270 = arith.cmpi ne, %convert_element_type3A_268, %cond3A_269 : i32
        scf.if %cond3A_270 {
          %add3A_271 = arith.constant 3 : i32
          %add3A_272 = arith.addi %add3A_177, %add3A_271 : i32
          %dma_start3A_273 = arith.constant 0 : i32
          %dma_start3A_274 = arith.constant 0 : i32
          %dma_start3A_275 = arith.constant 0 : i32
          %dma_start3A_276 = arith.constant 0 : i32
          %dma_start3A_277 = tpu.memref_slice %arg8[%dma_start3A_273, %dma_start3A_275, %dma_start3A_276] : memref<6x100x128xf32, #tpu.memory_space<vmem>> -> memref<1x100x128xf32, #tpu.memory_space<vmem>>
          %dma_start3A_278 = tpu.memref_squeeze %dma_start3A_277 : memref<1x100x128xf32, #tpu.memory_space<vmem>> -> memref<100x128xf32, #tpu.memory_space<vmem>>
          %dma_start3A_279 = arith.constant 0 : i32
          %dma_start3A_280 = tpu.memref_slice %arg6[%add3A_272, %dma_start3A_279] : memref<64x100xi32, #tpu.memory_space<vmem>> -> memref<1x100xi32, #tpu.memory_space<vmem>>
          %dma_start3A_281 = tpu.memref_squeeze %dma_start3A_280 : memref<1x100xi32, #tpu.memory_space<vmem>> -> memref<100xi32, #tpu.memory_space<vmem>>
          %dma_start3A_282 = arith.constant 0 : i32
          %dma_start3A_283 = arith.constant 0 : i32
          %dma_start3A_284 = tpu.memref_slice %arg3[%dma_start3A_282, %dma_start3A_283] : memref<100000x128xf32, #tpu.memory_space<hbm>> -> memref<100000x128xf32, #tpu.memory_space<hbm>>
          %dma_start3A_285 = tpu.memref_slice %arg9[%dma_start3A_274] : memref<6x!tpu.dma_semaphore, #tpu.memory_space<semaphore_mem>> -> memref<1x!tpu.dma_semaphore, #tpu.memory_space<semaphore_mem>>
          %dma_start3A_286 = tpu.memref_squeeze %dma_start3A_285 : memref<1x!tpu.dma_semaphore, #tpu.memory_space<semaphore_mem>> -> memref<!tpu.dma_semaphore, #tpu.memory_space<semaphore_mem>>
          tpu.enqueue_indirect_dma source(%dma_start3A_284 : memref<100000x128xf32, #tpu.memory_space<hbm>>) target(%dma_start3A_278 : memref<100x128xf32, #tpu.memory_space<vmem>>) offsets(%dma_start3A_281 : memref<100xi32, #tpu.memory_space<vmem>>) semaphore(%dma_start3A_286 : memref<!tpu.dma_semaphore, #tpu.memory_space<semaphore_mem>>)
        } else {
        }
      } else {
      }
      %mul3A_183 = arith.constant 6 : i32
      %mul3A_184 = arith.muli %scan3A_148, %mul3A_183 : i32
      %add3A_185 = arith.constant 4 : i32
      %add3A_186 = arith.addi %mul3A_184, %add3A_185 : i32
      %lt3A_187 = arith.constant 64 : i32
      %lt3A_188 = arith.cmpi slt, %add3A_186, %lt3A_187 : i32
      %convert_element_type3A_189 = arith.extui %lt3A_188 : i1 to i32
      %cond3A_190 = arith.constant 0 : i32
      %cond3A_191 = arith.cmpi ne, %convert_element_type3A_189, %cond3A_190 : i32
      scf.if %cond3A_191 {
        %dma_wait3A_202 = arith.constant 0 : i32
        %dma_wait3A_203 = arith.constant 4 : i32
        %dma_wait3A_204 = arith.constant 4 : i32
        %dma_wait3A_205 = arith.constant 0 : i32
        %dma_wait3A_206 = arith.constant 0 : i32
        %dma_wait3A_207 = tpu.memref_slice %arg8[%dma_wait3A_203, %dma_wait3A_205, %dma_wait3A_206] : memref<6x100x128xf32, #tpu.memory_space<vmem>> -> memref<1x100x128xf32, #tpu.memory_space<vmem>>
        %dma_wait3A_208 = tpu.memref_squeeze %dma_wait3A_207 : memref<1x100x128xf32, #tpu.memory_space<vmem>> -> memref<100x128xf32, #tpu.memory_space<vmem>>
        %dma_wait3A_209 = arith.constant 0 : i32
        %dma_wait3A_210 = tpu.memref_slice %arg6[%dma_wait3A_202, %dma_wait3A_209] : memref<64x100xi32, #tpu.memory_space<vmem>> -> memref<1x100xi32, #tpu.memory_space<vmem>>
        %dma_wait3A_211 = tpu.memref_squeeze %dma_wait3A_210 : memref<1x100xi32, #tpu.memory_space<vmem>> -> memref<100xi32, #tpu.memory_space<vmem>>
        %dma_wait3A_212 = arith.constant 0 : i32
        %dma_wait3A_213 = arith.constant 0 : i32
        %dma_wait3A_214 = tpu.memref_slice %arg3[%dma_wait3A_212, %dma_wait3A_213] : memref<100000x128xf32, #tpu.memory_space<hbm>> -> memref<100000x128xf32, #tpu.memory_space<hbm>>
        %dma_wait3A_215 = tpu.memref_slice %arg9[%dma_wait3A_204] : memref<6x!tpu.dma_semaphore, #tpu.memory_space<semaphore_mem>> -> memref<1x!tpu.dma_semaphore, #tpu.memory_space<semaphore_mem>>
        %dma_wait3A_216 = tpu.memref_squeeze %dma_wait3A_215 : memref<1x!tpu.dma_semaphore, #tpu.memory_space<semaphore_mem>> -> memref<!tpu.dma_semaphore, #tpu.memory_space<semaphore_mem>>
        tpu.wait_indirect_dma semaphore(%dma_wait3A_216 : memref<!tpu.dma_semaphore, #tpu.memory_space<semaphore_mem>>) src(%dma_wait3A_214 : memref<100000x128xf32, #tpu.memory_space<hbm>>) dst(%dma_wait3A_208 : memref<100x128xf32, #tpu.memory_space<vmem>>)
        %mul3A_217 = arith.constant 100 : i32
        %mul3A_218 = arith.muli %add3A_186, %mul3A_217 : i32
        %jit3A = arith.constant 200 : i32
        %eq3A = arith.constant 0 : i32
        %eq3A_219 = arith.cmpi eq, %jit3A, %eq3A : i32
        %jit3A_220 = arith.constant 1 : i32
        %select_n3A = arith.select %eq3A_219, %jit3A_220, %jit3A : i32
        %rem3A = arith.remsi %mul3A_218, %select_n3A : i32
        %ne3A = arith.constant 0 : i32
        %ne3A_221 = arith.cmpi ne, %rem3A, %ne3A : i32
        %lt3A_222 = arith.constant 0 : i32
        %lt3A_223 = arith.cmpi slt, %rem3A, %lt3A_222 : i32
        %lt3A_224 = arith.constant 0 : i32
        %lt3A_225 = arith.cmpi slt, %select_n3A, %lt3A_224 : i32
        %ne3A_226 = arith.xori %lt3A_223, %lt3A_225 : i1
        %and3A = arith.andi %ne3A_226, %ne3A_221 : i1
        %add3A_227 = arith.addi %rem3A, %select_n3A : i32
        %select_n3A_228 = arith.select %and3A, %add3A_227, %rem3A : i32
        %scan3A_229 = arith.constant 0 : i32
        %scan3A_230 = arith.constant 0 : i32
        %scan3A_231 = arith.constant 20 : i32
        %scan3A_232 = arith.addi %scan3A_230, %scan3A_231 : i32
        %scan3A_233 = arith.constant 1 : i32
        %scan3A_234 = scf.for %scan3A_271 = %scan3A_230 to %scan3A_232 step %scan3A_233 iter_args(%scan3A_272 = %scan3A_229) -> (i32)  : i32 {
          %mul3A_273 = arith.constant 5 : i32
          %mul3A_274 = arith.muli %scan3A_271, %mul3A_273 : i32
          %add3A_275 = arith.constant 0 : i32
          %add3A_276 = arith.addi %mul3A_274, %add3A_275 : i32
          %add3A_277 = arith.addi %select_n3A_228, %add3A_276 : i32
          %get3A = arith.index_cast %add3A_277 : i32 to index
          %get3A_278 = arith.constant 0 : index
          %get3A_279 = tpu.vector_load %arg7[%get3A, %get3A_278] {strides = array<i32>} : memref<200x128xf32, #tpu.memory_space<vmem>>, vector<1x16xf32>,
          %get3A_280 = vector.shape_cast %get3A_279 : vector<1x16xf32> to vector<16xf32>
          %swap3A = arith.constant 4 : i32
          %swap3A_281 = arith.index_cast %swap3A : i32 to index
          %swap3A_282 = arith.index_cast %add3A_276 : i32 to index
          %swap3A_283 = arith.constant 0 : index
          %swap3A_284 = tpu.vector_load %arg8[%swap3A_281, %swap3A_282, %swap3A_283] {strides = array<i32>} : memref<6x100x128xf32, #tpu.memory_space<vmem>>, vector<1x1x16xf32>,
          %swap3A_285 = vector.shape_cast %swap3A_284 : vector<1x1x16xf32> to vector<16xf32>
          %swap3A_286 = vector.shape_cast %get3A_280 : vector<16xf32> to vector<1x1x16xf32>
          tpu.vector_store %arg8[%swap3A_281, %swap3A_282, %swap3A_283], %swap3A_286 {add = true, strides = array<i32>} : memref<6x100x128xf32, #tpu.memory_space<vmem>>, vector<1x1x16xf32>,
          %add3A_287 = arith.addi %select_n3A_228, %add3A_276 : i32
          %get3A_288 = arith.index_cast %add3A_287 : i32 to index
          %get3A_289 = arith.constant 16 : index
          %get3A_290 = tpu.vector_load %arg7[%get3A_288, %get3A_289] {strides = array<i32>} : memref<200x128xf32, #tpu.memory_space<vmem>>, vector<1x16xf32>,
          %get3A_291 = vector.shape_cast %get3A_290 : vector<1x16xf32> to vector<16xf32>
          %swap3A_292 = arith.constant 4 : i32
          %swap3A_293 = arith.index_cast %swap3A_292 : i32 to index
          %swap3A_294 = arith.index_cast %add3A_276 : i32 to index
          %swap3A_295 = arith.constant 16 : index
          %swap3A_296 = tpu.vector_load %arg8[%swap3A_293, %swap3A_294, %swap3A_295] {strides = array<i32>} : memref<6x100x128xf32, #tpu.memory_space<vmem>>, vector<1x1x16xf32>,
          %swap3A_297 = vector.shape_cast %swap3A_296 : vector<1x1x16xf32> to vector<16xf32>
          %swap3A_298 = vector.shape_cast %get3A_291 : vector<16xf32> to vector<1x1x16xf32>
          tpu.vector_store %arg8[%swap3A_293, %swap3A_294, %swap3A_295], %swap3A_298 {add = true, strides = array<i32>} : memref<6x100x128xf32, #tpu.memory_space<vmem>>, vector<1x1x16xf32>,
          %add3A_299 = arith.addi %select_n3A_228, %add3A_276 : i32
          %get3A_300 = arith.index_cast %add3A_299 : i32 to index
          %get3A_301 = arith.constant 32 : index
          %get3A_302 = tpu.vector_load %arg7[%get3A_300, %get3A_301] {strides = array<i32>} : memref<200x128xf32, #tpu.memory_space<vmem>>, vector<1x16xf32>,
          %get3A_303 = vector.shape_cast %get3A_302 : vector<1x16xf32> to vector<16xf32>
          %swap3A_304 = arith.constant 4 : i32
          %swap3A_305 = arith.index_cast %swap3A_304 : i32 to index
          %swap3A_306 = arith.index_cast %add3A_276 : i32 to index
          %swap3A_307 = arith.constant 32 : index
          %swap3A_308 = tpu.vector_load %arg8[%swap3A_305, %swap3A_306, %swap3A_307] {strides = array<i32>} : memref<6x100x128xf32, #tpu.memory_space<vmem>>, vector<1x1x16xf32>,
          %swap3A_309 = vector.shape_cast %swap3A_308 : vector<1x1x16xf32> to vector<16xf32>
          %swap3A_310 = vector.shape_cast %get3A_303 : vector<16xf32> to vector<1x1x16xf32>
          tpu.vector_store %arg8[%swap3A_305, %swap3A_306, %swap3A_307], %swap3A_310 {add = true, strides = array<i32>} : memref<6x100x128xf32, #tpu.memory_space<vmem>>, vector<1x1x16xf32>,
          %add3A_311 = arith.addi %select_n3A_228, %add3A_276 : i32
          %get3A_312 = arith.index_cast %add3A_311 : i32 to index
          %get3A_313 = arith.constant 48 : index
          %get3A_314 = tpu.vector_load %arg7[%get3A_312, %get3A_313] {strides = array<i32>} : memref<200x128xf32, #tpu.memory_space<vmem>>, vector<1x16xf32>,
          %get3A_315 = vector.shape_cast %get3A_314 : vector<1x16xf32> to vector<16xf32>
          %swap3A_316 = arith.constant 4 : i32
          %swap3A_317 = arith.index_cast %swap3A_316 : i32 to index
          %swap3A_318 = arith.index_cast %add3A_276 : i32 to index
          %swap3A_319 = arith.constant 48 : index
          %swap3A_320 = tpu.vector_load %arg8[%swap3A_317, %swap3A_318, %swap3A_319] {strides = array<i32>} : memref<6x100x128xf32, #tpu.memory_space<vmem>>, vector<1x1x16xf32>,
          %swap3A_321 = vector.shape_cast %swap3A_320 : vector<1x1x16xf32> to vector<16xf32>
          %swap3A_322 = vector.shape_cast %get3A_315 : vector<16xf32> to vector<1x1x16xf32>
          tpu.vector_store %arg8[%swap3A_317, %swap3A_318, %swap3A_319], %swap3A_322 {add = true, strides = array<i32>} : memref<6x100x128xf32, #tpu.memory_space<vmem>>, vector<1x1x16xf32>,
          %add3A_323 = arith.addi %select_n3A_228, %add3A_276 : i32
          %get3A_324 = arith.index_cast %add3A_323 : i32 to index
          %get3A_325 = arith.constant 64 : index
          %get3A_326 = tpu.vector_load %arg7[%get3A_324, %get3A_325] {strides = array<i32>} : memref<200x128xf32, #tpu.memory_space<vmem>>, vector<1x16xf32>,
          %get3A_327 = vector.shape_cast %get3A_326 : vector<1x16xf32> to vector<16xf32>
          %swap3A_328 = arith.constant 4 : i32
          %swap3A_329 = arith.index_cast %swap3A_328 : i32 to index
          %swap3A_330 = arith.index_cast %add3A_276 : i32 to index
          %swap3A_331 = arith.constant 64 : index
          %swap3A_332 = tpu.vector_load %arg8[%swap3A_329, %swap3A_330, %swap3A_331] {strides = array<i32>} : memref<6x100x128xf32, #tpu.memory_space<vmem>>, vector<1x1x16xf32>,
          %swap3A_333 = vector.shape_cast %swap3A_332 : vector<1x1x16xf32> to vector<16xf32>
          %swap3A_334 = vector.shape_cast %get3A_327 : vector<16xf32> to vector<1x1x16xf32>
          tpu.vector_store %arg8[%swap3A_329, %swap3A_330, %swap3A_331], %swap3A_334 {add = true, strides = array<i32>} : memref<6x100x128xf32, #tpu.memory_space<vmem>>, vector<1x1x16xf32>,
          %add3A_335 = arith.addi %select_n3A_228, %add3A_276 : i32
          %get3A_336 = arith.index_cast %add3A_335 : i32 to index
          %get3A_337 = arith.constant 80 : index
          %get3A_338 = tpu.vector_load %arg7[%get3A_336, %get3A_337] {strides = array<i32>} : memref<200x128xf32, #tpu.memory_space<vmem>>, vector<1x16xf32>,
          %get3A_339 = vector.shape_cast %get3A_338 : vector<1x16xf32> to vector<16xf32>
          %swap3A_340 = arith.constant 4 : i32
          %swap3A_341 = arith.index_cast %swap3A_340 : i32 to index
          %swap3A_342 = arith.index_cast %add3A_276 : i32 to index
          %swap3A_343 = arith.constant 80 : index
          %swap3A_344 = tpu.vector_load %arg8[%swap3A_341, %swap3A_342, %swap3A_343] {strides = array<i32>} : memref<6x100x128xf32, #tpu.memory_space<vmem>>, vector<1x1x16xf32>,
          %swap3A_345 = vector.shape_cast %swap3A_344 : vector<1x1x16xf32> to vector<16xf32>
          %swap3A_346 = vector.shape_cast %get3A_339 : vector<16xf32> to vector<1x1x16xf32>
          tpu.vector_store %arg8[%swap3A_341, %swap3A_342, %swap3A_343], %swap3A_346 {add = true, strides = array<i32>} : memref<6x100x128xf32, #tpu.memory_space<vmem>>, vector<1x1x16xf32>,
          %add3A_347 = arith.addi %select_n3A_228, %add3A_276 : i32
          %get3A_348 = arith.index_cast %add3A_347 : i32 to index
          %get3A_349 = arith.constant 96 : index
          %get3A_350 = tpu.vector_load %arg7[%get3A_348, %get3A_349] {strides = array<i32>} : memref<200x128xf32, #tpu.memory_space<vmem>>, vector<1x16xf32>,
          %get3A_351 = vector.shape_cast %get3A_350 : vector<1x16xf32> to vector<16xf32>
          %swap3A_352 = arith.constant 4 : i32
          %swap3A_353 = arith.index_cast %swap3A_352 : i32 to index
          %swap3A_354 = arith.index_cast %add3A_276 : i32 to index
          %swap3A_355 = arith.constant 96 : index
          %swap3A_356 = tpu.vector_load %arg8[%swap3A_353, %swap3A_354, %swap3A_355] {strides = array<i32>} : memref<6x100x128xf32, #tpu.memory_space<vmem>>, vector<1x1x16xf32>,
          %swap3A_357 = vector.shape_cast %swap3A_356 : vector<1x1x16xf32> to vector<16xf32>
          %swap3A_358 = vector.shape_cast %get3A_351 : vector<16xf32> to vector<1x1x16xf32>
          tpu.vector_store %arg8[%swap3A_353, %swap3A_354, %swap3A_355], %swap3A_358 {add = true, strides = array<i32>} : memref<6x100x128xf32, #tpu.memory_space<vmem>>, vector<1x1x16xf32>,
          %add3A_359 = arith.addi %select_n3A_228, %add3A_276 : i32
          %get3A_360 = arith.index_cast %add3A_359 : i32 to index
          %get3A_361 = arith.constant 112 : index
          %get3A_362 = tpu.vector_load %arg7[%get3A_360, %get3A_361] {strides = array<i32>} : memref<200x128xf32, #tpu.memory_space<vmem>>, vector<1x16xf32>,
          %get3A_363 = vector.shape_cast %get3A_362 : vector<1x16xf32> to vector<16xf32>
          %swap3A_364 = arith.constant 4 : i32
          %swap3A_365 = arith.index_cast %swap3A_364 : i32 to index
          %swap3A_366 = arith.index_cast %add3A_276 : i32 to index
          %swap3A_367 = arith.constant 112 : index
          %swap3A_368 = tpu.vector_load %arg8[%swap3A_365, %swap3A_366, %swap3A_367] {strides = array<i32>} : memref<6x100x128xf32, #tpu.memory_space<vmem>>, vector<1x1x16xf32>,
          %swap3A_369 = vector.shape_cast %swap3A_368 : vector<1x1x16xf32> to vector<16xf32>
          %swap3A_370 = vector.shape_cast %get3A_363 : vector<16xf32> to vector<1x1x16xf32>
          tpu.vector_store %arg8[%swap3A_365, %swap3A_366, %swap3A_367], %swap3A_370 {add = true, strides = array<i32>} : memref<6x100x128xf32, #tpu.memory_space<vmem>>, vector<1x1x16xf32>,
          %mul3A_371 = arith.constant 5 : i32
          %mul3A_372 = arith.muli %scan3A_271, %mul3A_371 : i32
          %add3A_373 = arith.constant 1 : i32
          %add3A_374 = arith.addi %mul3A_372, %add3A_373 : i32
          %add3A_375 = arith.addi %select_n3A_228, %add3A_374 : i32
          %get3A_376 = arith.index_cast %add3A_375 : i32 to index
          %get3A_377 = arith.constant 0 : index
          %get3A_378 = tpu.vector_load %arg7[%get3A_376, %get3A_377] {strides = array<i32>} : memref<200x128xf32, #tpu.memory_space<vmem>>, vector<1x16xf32>,
          %get3A_379 = vector.shape_cast %get3A_378 : vector<1x16xf32> to vector<16xf32>
          %swap3A_380 = arith.constant 4 : i32
          %swap3A_381 = arith.index_cast %swap3A_380 : i32 to index
          %swap3A_382 = arith.index_cast %add3A_374 : i32 to index
          %swap3A_383 = arith.constant 0 : index
          %swap3A_384 = tpu.vector_load %arg8[%swap3A_381, %swap3A_382, %swap3A_383] {strides = array<i32>} : memref<6x100x128xf32, #tpu.memory_space<vmem>>, vector<1x1x16xf32>,
          %swap3A_385 = vector.shape_cast %swap3A_384 : vector<1x1x16xf32> to vector<16xf32>
          %swap3A_386 = vector.shape_cast %get3A_379 : vector<16xf32> to vector<1x1x16xf32>
          tpu.vector_store %arg8[%swap3A_381, %swap3A_382, %swap3A_383], %swap3A_386 {add = true, strides = array<i32>} : memref<6x100x128xf32, #tpu.memory_space<vmem>>, vector<1x1x16xf32>,
          %add3A_387 = arith.addi %select_n3A_228, %add3A_374 : i32
          %get3A_388 = arith.index_cast %add3A_387 : i32 to index
          %get3A_389 = arith.constant 16 : index
          %get3A_390 = tpu.vector_load %arg7[%get3A_388, %get3A_389] {strides = array<i32>} : memref<200x128xf32, #tpu.memory_space<vmem>>, vector<1x16xf32>,
          %get3A_391 = vector.shape_cast %get3A_390 : vector<1x16xf32> to vector<16xf32>
          %swap3A_392 = arith.constant 4 : i32
          %swap3A_393 = arith.index_cast %swap3A_392 : i32 to index
          %swap3A_394 = arith.index_cast %add3A_374 : i32 to index
          %swap3A_395 = arith.constant 16 : index
          %swap3A_396 = tpu.vector_load %arg8[%swap3A_393, %swap3A_394, %swap3A_395] {strides = array<i32>} : memref<6x100x128xf32, #tpu.memory_space<vmem>>, vector<1x1x16xf32>,
          %swap3A_397 = vector.shape_cast %swap3A_396 : vector<1x1x16xf32> to vector<16xf32>
          %swap3A_398 = vector.shape_cast %get3A_391 : vector<16xf32> to vector<1x1x16xf32>
          tpu.vector_store %arg8[%swap3A_393, %swap3A_394, %swap3A_395], %swap3A_398 {add = true, strides = array<i32>} : memref<6x100x128xf32, #tpu.memory_space<vmem>>, vector<1x1x16xf32>,
          %add3A_399 = arith.addi %select_n3A_228, %add3A_374 : i32
          %get3A_400 = arith.index_cast %add3A_399 : i32 to index
          %get3A_401 = arith.constant 32 : index
          %get3A_402 = tpu.vector_load %arg7[%get3A_400, %get3A_401] {strides = array<i32>} : memref<200x128xf32, #tpu.memory_space<vmem>>, vector<1x16xf32>,
          %get3A_403 = vector.shape_cast %get3A_402 : vector<1x16xf32> to vector<16xf32>
          %swap3A_404 = arith.constant 4 : i32
          %swap3A_405 = arith.index_cast %swap3A_404 : i32 to index
          %swap3A_406 = arith.index_cast %add3A_374 : i32 to index
          %swap3A_407 = arith.constant 32 : index
          %swap3A_408 = tpu.vector_load %arg8[%swap3A_405, %swap3A_406, %swap3A_407] {strides = array<i32>} : memref<6x100x128xf32, #tpu.memory_space<vmem>>, vector<1x1x16xf32>,
          %swap3A_409 = vector.shape_cast %swap3A_408 : vector<1x1x16xf32> to vector<16xf32>
          %swap3A_410 = vector.shape_cast %get3A_403 : vector<16xf32> to vector<1x1x16xf32>
          tpu.vector_store %arg8[%swap3A_405, %swap3A_406, %swap3A_407], %swap3A_410 {add = true, strides = array<i32>} : memref<6x100x128xf32, #tpu.memory_space<vmem>>, vector<1x1x16xf32>,
          %add3A_411 = arith.addi %select_n3A_228, %add3A_374 : i32
          %get3A_412 = arith.index_cast %add3A_411 : i32 to index
          %get3A_413 = arith.constant 48 : index
          %get3A_414 = tpu.vector_load %arg7[%get3A_412, %get3A_413] {strides = array<i32>} : memref<200x128xf32, #tpu.memory_space<vmem>>, vector<1x16xf32>,
          %get3A_415 = vector.shape_cast %get3A_414 : vector<1x16xf32> to vector<16xf32>
          %swap3A_416 = arith.constant 4 : i32
          %swap3A_417 = arith.index_cast %swap3A_416 : i32 to index
          %swap3A_418 = arith.index_cast %add3A_374 : i32 to index
          %swap3A_419 = arith.constant 48 : index
          %swap3A_420 = tpu.vector_load %arg8[%swap3A_417, %swap3A_418, %swap3A_419] {strides = array<i32>} : memref<6x100x128xf32, #tpu.memory_space<vmem>>, vector<1x1x16xf32>,
          %swap3A_421 = vector.shape_cast %swap3A_420 : vector<1x1x16xf32> to vector<16xf32>
          %swap3A_422 = vector.shape_cast %get3A_415 : vector<16xf32> to vector<1x1x16xf32>
          tpu.vector_store %arg8[%swap3A_417, %swap3A_418, %swap3A_419], %swap3A_422 {add = true, strides = array<i32>} : memref<6x100x128xf32, #tpu.memory_space<vmem>>, vector<1x1x16xf32>,
          %add3A_423 = arith.addi %select_n3A_228, %add3A_374 : i32
          %get3A_424 = arith.index_cast %add3A_423 : i32 to index
          %get3A_425 = arith.constant 64 : index
          %get3A_426 = tpu.vector_load %arg7[%get3A_424, %get3A_425] {strides = array<i32>} : memref<200x128xf32, #tpu.memory_space<vmem>>, vector<1x16xf32>,
          %get3A_427 = vector.shape_cast %get3A_426 : vector<1x16xf32> to vector<16xf32>
          %swap3A_428 = arith.constant 4 : i32
          %swap3A_429 = arith.index_cast %swap3A_428 : i32 to index
          %swap3A_430 = arith.index_cast %add3A_374 : i32 to index
          %swap3A_431 = arith.constant 64 : index
          %swap3A_432 = tpu.vector_load %arg8[%swap3A_429, %swap3A_430, %swap3A_431] {strides = array<i32>} : memref<6x100x128xf32, #tpu.memory_space<vmem>>, vector<1x1x16xf32>,
          %swap3A_433 = vector.shape_cast %swap3A_432 : vector<1x1x16xf32> to vector<16xf32>
          %swap3A_434 = vector.shape_cast %get3A_427 : vector<16xf32> to vector<1x1x16xf32>
          tpu.vector_store %arg8[%swap3A_429, %swap3A_430, %swap3A_431], %swap3A_434 {add = true, strides = array<i32>} : memref<6x100x128xf32, #tpu.memory_space<vmem>>, vector<1x1x16xf32>,
          %add3A_435 = arith.addi %select_n3A_228, %add3A_374 : i32
          %get3A_436 = arith.index_cast %add3A_435 : i32 to index
          %get3A_437 = arith.constant 80 : index
          %get3A_438 = tpu.vector_load %arg7[%get3A_436, %get3A_437] {strides = array<i32>} : memref<200x128xf32, #tpu.memory_space<vmem>>, vector<1x16xf32>,
          %get3A_439 = vector.shape_cast %get3A_438 : vector<1x16xf32> to vector<16xf32>
          %swap3A_440 = arith.constant 4 : i32
          %swap3A_441 = arith.index_cast %swap3A_440 : i32 to index
          %swap3A_442 = arith.index_cast %add3A_374 : i32 to index
          %swap3A_443 = arith.constant 80 : index
          %swap3A_444 = tpu.vector_load %arg8[%swap3A_441, %swap3A_442, %swap3A_443] {strides = array<i32>} : memref<6x100x128xf32, #tpu.memory_space<vmem>>, vector<1x1x16xf32>,
          %swap3A_445 = vector.shape_cast %swap3A_444 : vector<1x1x16xf32> to vector<16xf32>
          %swap3A_446 = vector.shape_cast %get3A_439 : vector<16xf32> to vector<1x1x16xf32>
          tpu.vector_store %arg8[%swap3A_441, %swap3A_442, %swap3A_443], %swap3A_446 {add = true, strides = array<i32>} : memref<6x100x128xf32, #tpu.memory_space<vmem>>, vector<1x1x16xf32>,
          %add3A_447 = arith.addi %select_n3A_228, %add3A_374 : i32
          %get3A_448 = arith.index_cast %add3A_447 : i32 to index
          %get3A_449 = arith.constant 96 : index
          %get3A_450 = tpu.vector_load %arg7[%get3A_448, %get3A_449] {strides = array<i32>} : memref<200x128xf32, #tpu.memory_space<vmem>>, vector<1x16xf32>,
          %get3A_451 = vector.shape_cast %get3A_450 : vector<1x16xf32> to vector<16xf32>
          %swap3A_452 = arith.constant 4 : i32
          %swap3A_453 = arith.index_cast %swap3A_452 : i32 to index
          %swap3A_454 = arith.index_cast %add3A_374 : i32 to index
          %swap3A_455 = arith.constant 96 : index
          %swap3A_456 = tpu.vector_load %arg8[%swap3A_453, %swap3A_454, %swap3A_455] {strides = array<i32>} : memref<6x100x128xf32, #tpu.memory_space<vmem>>, vector<1x1x16xf32>,
          %swap3A_457 = vector.shape_cast %swap3A_456 : vector<1x1x16xf32> to vector<16xf32>
          %swap3A_458 = vector.shape_cast %get3A_451 : vector<16xf32> to vector<1x1x16xf32>
          tpu.vector_store %arg8[%swap3A_453, %swap3A_454, %swap3A_455], %swap3A_458 {add = true, strides = array<i32>} : memref<6x100x128xf32, #tpu.memory_space<vmem>>, vector<1x1x16xf32>,
          %add3A_459 = arith.addi %select_n3A_228, %add3A_374 : i32
          %get3A_460 = arith.index_cast %add3A_459 : i32 to index
          %get3A_461 = arith.constant 112 : index
          %get3A_462 = tpu.vector_load %arg7[%get3A_460, %get3A_461] {strides = array<i32>} : memref<200x128xf32, #tpu.memory_space<vmem>>, vector<1x16xf32>,
          %get3A_463 = vector.shape_cast %get3A_462 : vector<1x16xf32> to vector<16xf32>
          %swap3A_464 = arith.constant 4 : i32
          %swap3A_465 = arith.index_cast %swap3A_464 : i32 to index
          %swap3A_466 = arith.index_cast %add3A_374 : i32 to index
          %swap3A_467 = arith.constant 112 : index
          %swap3A_468 = tpu.vector_load %arg8[%swap3A_465, %swap3A_466, %swap3A_467] {strides = array<i32>} : memref<6x100x128xf32, #tpu.memory_space<vmem>>, vector<1x1x16xf32>,
          %swap3A_469 = vector.shape_cast %swap3A_468 : vector<1x1x16xf32> to vector<16xf32>
          %swap3A_470 = vector.shape_cast %get3A_463 : vector<16xf32> to vector<1x1x16xf32>
          tpu.vector_store %arg8[%swap3A_465, %swap3A_466, %swap3A_467], %swap3A_470 {add = true, strides = array<i32>} : memref<6x100x128xf32, #tpu.memory_space<vmem>>, vector<1x1x16xf32>,
          %mul3A_471 = arith.constant 5 : i32
          %mul3A_472 = arith.muli %scan3A_271, %mul3A_471 : i32
          %add3A_473 = arith.constant 2 : i32
          %add3A_474 = arith.addi %mul3A_472, %add3A_473 : i32
          %add3A_475 = arith.addi %select_n3A_228, %add3A_474 : i32
          %get3A_476 = arith.index_cast %add3A_475 : i32 to index
          %get3A_477 = arith.constant 0 : index
          %get3A_478 = tpu.vector_load %arg7[%get3A_476, %get3A_477] {strides = array<i32>} : memref<200x128xf32, #tpu.memory_space<vmem>>, vector<1x16xf32>,
          %get3A_479 = vector.shape_cast %get3A_478 : vector<1x16xf32> to vector<16xf32>
          %swap3A_480 = arith.constant 4 : i32
          %swap3A_481 = arith.index_cast %swap3A_480 : i32 to index
          %swap3A_482 = arith.index_cast %add3A_474 : i32 to index
          %swap3A_483 = arith.constant 0 : index
          %swap3A_484 = tpu.vector_load %arg8[%swap3A_481, %swap3A_482, %swap3A_483] {strides = array<i32>} : memref<6x100x128xf32, #tpu.memory_space<vmem>>, vector<1x1x16xf32>,
          %swap3A_485 = vector.shape_cast %swap3A_484 : vector<1x1x16xf32> to vector<16xf32>
          %swap3A_486 = vector.shape_cast %get3A_479 : vector<16xf32> to vector<1x1x16xf32>
          tpu.vector_store %arg8[%swap3A_481, %swap3A_482, %swap3A_483], %swap3A_486 {add = true, strides = array<i32>} : memref<6x100x128xf32, #tpu.memory_space<vmem>>, vector<1x1x16xf32>,
          %add3A_487 = arith.addi %select_n3A_228, %add3A_474 : i32
          %get3A_488 = arith.index_cast %add3A_487 : i32 to index
          %get3A_489 = arith.constant 16 : index
          %get3A_490 = tpu.vector_load %arg7[%get3A_488, %get3A_489] {strides = array<i32>} : memref<200x128xf32, #tpu.memory_space<vmem>>, vector<1x16xf32>,
          %get3A_491 = vector.shape_cast %get3A_490 : vector<1x16xf32> to vector<16xf32>
          %swap3A_492 = arith.constant 4 : i32
          %swap3A_493 = arith.index_cast %swap3A_492 : i32 to index
          %swap3A_494 = arith.index_cast %add3A_474 : i32 to index
          %swap3A_495 = arith.constant 16 : index
          %swap3A_496 = tpu.vector_load %arg8[%swap3A_493, %swap3A_494, %swap3A_495] {strides = array<i32>} : memref<6x100x128xf32, #tpu.memory_space<vmem>>, vector<1x1x16xf32>,
          %swap3A_497 = vector.shape_cast %swap3A_496 : vector<1x1x16xf32> to vector<16xf32>
          %swap3A_498 = vector.shape_cast %get3A_491 : vector<16xf32> to vector<1x1x16xf32>
          tpu.vector_store %arg8[%swap3A_493, %swap3A_494, %swap3A_495], %swap3A_498 {add = true, strides = array<i32>} : memref<6x100x128xf32, #tpu.memory_space<vmem>>, vector<1x1x16xf32>,
          %add3A_499 = arith.addi %select_n3A_228, %add3A_474 : i32
          %get3A_500 = arith.index_cast %add3A_499 : i32 to index
          %get3A_501 = arith.constant 32 : index
          %get3A_502 = tpu.vector_load %arg7[%get3A_500, %get3A_501] {strides = array<i32>} : memref<200x128xf32, #tpu.memory_space<vmem>>, vector<1x16xf32>,
          %get3A_503 = vector.shape_cast %get3A_502 : vector<1x16xf32> to vector<16xf32>
          %swap3A_504 = arith.constant 4 : i32
          %swap3A_505 = arith.index_cast %swap3A_504 : i32 to index
          %swap3A_506 = arith.index_cast %add3A_474 : i32 to index
          %swap3A_507 = arith.constant 32 : index
          %swap3A_508 = tpu.vector_load %arg8[%swap3A_505, %swap3A_506, %swap3A_507] {strides = array<i32>} : memref<6x100x128xf32, #tpu.memory_space<vmem>>, vector<1x1x16xf32>,
          %swap3A_509 = vector.shape_cast %swap3A_508 : vector<1x1x16xf32> to vector<16xf32>
          %swap3A_510 = vector.shape_cast %get3A_503 : vector<16xf32> to vector<1x1x16xf32>
          tpu.vector_store %arg8[%swap3A_505, %swap3A_506, %swap3A_507], %swap3A_510 {add = true, strides = array<i32>} : memref<6x100x128xf32, #tpu.memory_space<vmem>>, vector<1x1x16xf32>,
          %add3A_511 = arith.addi %select_n3A_228, %add3A_474 : i32
          %get3A_512 = arith.index_cast %add3A_511 : i32 to index
          %get3A_513 = arith.constant 48 : index
          %get3A_514 = tpu.vector_load %arg7[%get3A_512, %get3A_513] {strides = array<i32>} : memref<200x128xf32, #tpu.memory_space<vmem>>, vector<1x16xf32>,
          %get3A_515 = vector.shape_cast %get3A_514 : vector<1x16xf32> to vector<16xf32>
          %swap3A_516 = arith.constant 4 : i32
          %swap3A_517 = arith.index_cast %swap3A_516 : i32 to index
          %swap3A_518 = arith.index_cast %add3A_474 : i32 to index
          %swap3A_519 = arith.constant 48 : index
          %swap3A_520 = tpu.vector_load %arg8[%swap3A_517, %swap3A_518, %swap3A_519] {strides = array<i32>} : memref<6x100x128xf32, #tpu.memory_space<vmem>>, vector<1x1x16xf32>,
          %swap3A_521 = vector.shape_cast %swap3A_520 : vector<1x1x16xf32> to vector<16xf32>
          %swap3A_522 = vector.shape_cast %get3A_515 : vector<16xf32> to vector<1x1x16xf32>
          tpu.vector_store %arg8[%swap3A_517, %swap3A_518, %swap3A_519], %swap3A_522 {add = true, strides = array<i32>} : memref<6x100x128xf32, #tpu.memory_space<vmem>>, vector<1x1x16xf32>,
          %add3A_523 = arith.addi %select_n3A_228, %add3A_474 : i32
          %get3A_524 = arith.index_cast %add3A_523 : i32 to index
          %get3A_525 = arith.constant 64 : index
          %get3A_526 = tpu.vector_load %arg7[%get3A_524, %get3A_525] {strides = array<i32>} : memref<200x128xf32, #tpu.memory_space<vmem>>, vector<1x16xf32>,
          %get3A_527 = vector.shape_cast %get3A_526 : vector<1x16xf32> to vector<16xf32>
          %swap3A_528 = arith.constant 4 : i32
          %swap3A_529 = arith.index_cast %swap3A_528 : i32 to index
          %swap3A_530 = arith.index_cast %add3A_474 : i32 to index
          %swap3A_531 = arith.constant 64 : index
          %swap3A_532 = tpu.vector_load %arg8[%swap3A_529, %swap3A_530, %swap3A_531] {strides = array<i32>} : memref<6x100x128xf32, #tpu.memory_space<vmem>>, vector<1x1x16xf32>,
          %swap3A_533 = vector.shape_cast %swap3A_532 : vector<1x1x16xf32> to vector<16xf32>
          %swap3A_534 = vector.shape_cast %get3A_527 : vector<16xf32> to vector<1x1x16xf32>
          tpu.vector_store %arg8[%swap3A_529, %swap3A_530, %swap3A_531], %swap3A_534 {add = true, strides = array<i32>} : memref<6x100x128xf32, #tpu.memory_space<vmem>>, vector<1x1x16xf32>,
          %add3A_535 = arith.addi %select_n3A_228, %add3A_474 : i32
          %get3A_536 = arith.index_cast %add3A_535 : i32 to index
          %get3A_537 = arith.constant 80 : index
          %get3A_538 = tpu.vector_load %arg7[%get3A_536, %get3A_537] {strides = array<i32>} : memref<200x128xf32, #tpu.memory_space<vmem>>, vector<1x16xf32>,
          %get3A_539 = vector.shape_cast %get3A_538 : vector<1x16xf32> to vector<16xf32>
          %swap3A_540 = arith.constant 4 : i32
          %swap3A_541 = arith.index_cast %swap3A_540 : i32 to index
          %swap3A_542 = arith.index_cast %add3A_474 : i32 to index
          %swap3A_543 = arith.constant 80 : index
          %swap3A_544 = tpu.vector_load %arg8[%swap3A_541, %swap3A_542, %swap3A_543] {strides = array<i32>} : memref<6x100x128xf32, #tpu.memory_space<vmem>>, vector<1x1x16xf32>,
          %swap3A_545 = vector.shape_cast %swap3A_544 : vector<1x1x16xf32> to vector<16xf32>
          %swap3A_546 = vector.shape_cast %get3A_539 : vector<16xf32> to vector<1x1x16xf32>
          tpu.vector_store %arg8[%swap3A_541, %swap3A_542, %swap3A_543], %swap3A_546 {add = true, strides = array<i32>} : memref<6x100x128xf32, #tpu.memory_space<vmem>>, vector<1x1x16xf32>,
          %add3A_547 = arith.addi %select_n3A_228, %add3A_474 : i32
          %get3A_548 = arith.index_cast %add3A_547 : i32 to index
          %get3A_549 = arith.constant 96 : index
          %get3A_550 = tpu.vector_load %arg7[%get3A_548, %get3A_549] {strides = array<i32>} : memref<200x128xf32, #tpu.memory_space<vmem>>, vector<1x16xf32>,
          %get3A_551 = vector.shape_cast %get3A_550 : vector<1x16xf32> to vector<16xf32>
          %swap3A_552 = arith.constant 4 : i32
          %swap3A_553 = arith.index_cast %swap3A_552 : i32 to index
          %swap3A_554 = arith.index_cast %add3A_474 : i32 to index
          %swap3A_555 = arith.constant 96 : index
          %swap3A_556 = tpu.vector_load %arg8[%swap3A_553, %swap3A_554, %swap3A_555] {strides = array<i32>} : memref<6x100x128xf32, #tpu.memory_space<vmem>>, vector<1x1x16xf32>,
          %swap3A_557 = vector.shape_cast %swap3A_556 : vector<1x1x16xf32> to vector<16xf32>
          %swap3A_558 = vector.shape_cast %get3A_551 : vector<16xf32> to vector<1x1x16xf32>
          tpu.vector_store %arg8[%swap3A_553, %swap3A_554, %swap3A_555], %swap3A_558 {add = true, strides = array<i32>} : memref<6x100x128xf32, #tpu.memory_space<vmem>>, vector<1x1x16xf32>,
          %add3A_559 = arith.addi %select_n3A_228, %add3A_474 : i32
          %get3A_560 = arith.index_cast %add3A_559 : i32 to index
          %get3A_561 = arith.constant 112 : index
          %get3A_562 = tpu.vector_load %arg7[%get3A_560, %get3A_561] {strides = array<i32>} : memref<200x128xf32, #tpu.memory_space<vmem>>, vector<1x16xf32>,
          %get3A_563 = vector.shape_cast %get3A_562 : vector<1x16xf32> to vector<16xf32>
          %swap3A_564 = arith.constant 4 : i32
          %swap3A_565 = arith.index_cast %swap3A_564 : i32 to index
          %swap3A_566 = arith.index_cast %add3A_474 : i32 to index
          %swap3A_567 = arith.constant 112 : index
          %swap3A_568 = tpu.vector_load %arg8[%swap3A_565, %swap3A_566, %swap3A_567] {strides = array<i32>} : memref<6x100x128xf32, #tpu.memory_space<vmem>>, vector<1x1x16xf32>,
          %swap3A_569 = vector.shape_cast %swap3A_568 : vector<1x1x16xf32> to vector<16xf32>
          %swap3A_570 = vector.shape_cast %get3A_563 : vector<16xf32> to vector<1x1x16xf32>
          tpu.vector_store %arg8[%swap3A_565, %swap3A_566, %swap3A_567], %swap3A_570 {add = true, strides = array<i32>} : memref<6x100x128xf32, #tpu.memory_space<vmem>>, vector<1x1x16xf32>,
          %mul3A_571 = arith.constant 5 : i32
          %mul3A_572 = arith.muli %scan3A_271, %mul3A_571 : i32
          %add3A_573 = arith.constant 3 : i32
          %add3A_574 = arith.addi %mul3A_572, %add3A_573 : i32
          %add3A_575 = arith.addi %select_n3A_228, %add3A_574 : i32
          %get3A_576 = arith.index_cast %add3A_575 : i32 to index
          %get3A_577 = arith.constant 0 : index
          %get3A_578 = tpu.vector_load %arg7[%get3A_576, %get3A_577] {strides = array<i32>} : memref<200x128xf32, #tpu.memory_space<vmem>>, vector<1x16xf32>,
          %get3A_579 = vector.shape_cast %get3A_578 : vector<1x16xf32> to vector<16xf32>
          %swap3A_580 = arith.constant 4 : i32
          %swap3A_581 = arith.index_cast %swap3A_580 : i32 to index
          %swap3A_582 = arith.index_cast %add3A_574 : i32 to index
          %swap3A_583 = arith.constant 0 : index
          %swap3A_584 = tpu.vector_load %arg8[%swap3A_581, %swap3A_582, %swap3A_583] {strides = array<i32>} : memref<6x100x128xf32, #tpu.memory_space<vmem>>, vector<1x1x16xf32>,
          %swap3A_585 = vector.shape_cast %swap3A_584 : vector<1x1x16xf32> to vector<16xf32>
          %swap3A_586 = vector.shape_cast %get3A_579 : vector<16xf32> to vector<1x1x16xf32>
          tpu.vector_store %arg8[%swap3A_581, %swap3A_582, %swap3A_583], %swap3A_586 {add = true, strides = array<i32>} : memref<6x100x128xf32, #tpu.memory_space<vmem>>, vector<1x1x16xf32>,
          %add3A_587 = arith.addi %select_n3A_228, %add3A_574 : i32
          %get3A_588 = arith.index_cast %add3A_587 : i32 to index
          %get3A_589 = arith.constant 16 : index
          %get3A_590 = tpu.vector_load %arg7[%get3A_588, %get3A_589] {strides = array<i32>} : memref<200x128xf32, #tpu.memory_space<vmem>>, vector<1x16xf32>,
          %get3A_591 = vector.shape_cast %get3A_590 : vector<1x16xf32> to vector<16xf32>
          %swap3A_592 = arith.constant 4 : i32
          %swap3A_593 = arith.index_cast %swap3A_592 : i32 to index
          %swap3A_594 = arith.index_cast %add3A_574 : i32 to index
          %swap3A_595 = arith.constant 16 : index
          %swap3A_596 = tpu.vector_load %arg8[%swap3A_593, %swap3A_594, %swap3A_595] {strides = array<i32>} : memref<6x100x128xf32, #tpu.memory_space<vmem>>, vector<1x1x16xf32>,
          %swap3A_597 = vector.shape_cast %swap3A_596 : vector<1x1x16xf32> to vector<16xf32>
          %swap3A_598 = vector.shape_cast %get3A_591 : vector<16xf32> to vector<1x1x16xf32>
          tpu.vector_store %arg8[%swap3A_593, %swap3A_594, %swap3A_595], %swap3A_598 {add = true, strides = array<i32>} : memref<6x100x128xf32, #tpu.memory_space<vmem>>, vector<1x1x16xf32>,
          %add3A_599 = arith.addi %select_n3A_228, %add3A_574 : i32
          %get3A_600 = arith.index_cast %add3A_599 : i32 to index
          %get3A_601 = arith.constant 32 : index
          %get3A_602 = tpu.vector_load %arg7[%get3A_600, %get3A_601] {strides = array<i32>} : memref<200x128xf32, #tpu.memory_space<vmem>>, vector<1x16xf32>,
          %get3A_603 = vector.shape_cast %get3A_602 : vector<1x16xf32> to vector<16xf32>
          %swap3A_604 = arith.constant 4 : i32
          %swap3A_605 = arith.index_cast %swap3A_604 : i32 to index
          %swap3A_606 = arith.index_cast %add3A_574 : i32 to index
          %swap3A_607 = arith.constant 32 : index
          %swap3A_608 = tpu.vector_load %arg8[%swap3A_605, %swap3A_606, %swap3A_607] {strides = array<i32>} : memref<6x100x128xf32, #tpu.memory_space<vmem>>, vector<1x1x16xf32>,
          %swap3A_609 = vector.shape_cast %swap3A_608 : vector<1x1x16xf32> to vector<16xf32>
          %swap3A_610 = vector.shape_cast %get3A_603 : vector<16xf32> to vector<1x1x16xf32>
          tpu.vector_store %arg8[%swap3A_605, %swap3A_606, %swap3A_607], %swap3A_610 {add = true, strides = array<i32>} : memref<6x100x128xf32, #tpu.memory_space<vmem>>, vector<1x1x16xf32>,
          %add3A_611 = arith.addi %select_n3A_228, %add3A_574 : i32
          %get3A_612 = arith.index_cast %add3A_611 : i32 to index
          %get3A_613 = arith.constant 48 : index
          %get3A_614 = tpu.vector_load %arg7[%get3A_612, %get3A_613] {strides = array<i32>} : memref<200x128xf32, #tpu.memory_space<vmem>>, vector<1x16xf32>,
          %get3A_615 = vector.shape_cast %get3A_614 : vector<1x16xf32> to vector<16xf32>
          %swap3A_616 = arith.constant 4 : i32
          %swap3A_617 = arith.index_cast %swap3A_616 : i32 to index
          %swap3A_618 = arith.index_cast %add3A_574 : i32 to index
          %swap3A_619 = arith.constant 48 : index
          %swap3A_620 = tpu.vector_load %arg8[%swap3A_617, %swap3A_618, %swap3A_619] {strides = array<i32>} : memref<6x100x128xf32, #tpu.memory_space<vmem>>, vector<1x1x16xf32>,
          %swap3A_621 = vector.shape_cast %swap3A_620 : vector<1x1x16xf32> to vector<16xf32>
          %swap3A_622 = vector.shape_cast %get3A_615 : vector<16xf32> to vector<1x1x16xf32>
          tpu.vector_store %arg8[%swap3A_617, %swap3A_618, %swap3A_619], %swap3A_622 {add = true, strides = array<i32>} : memref<6x100x128xf32, #tpu.memory_space<vmem>>, vector<1x1x16xf32>,
          %add3A_623 = arith.addi %select_n3A_228, %add3A_574 : i32
          %get3A_624 = arith.index_cast %add3A_623 : i32 to index
          %get3A_625 = arith.constant 64 : index
          %get3A_626 = tpu.vector_load %arg7[%get3A_624, %get3A_625] {strides = array<i32>} : memref<200x128xf32, #tpu.memory_space<vmem>>, vector<1x16xf32>,
          %get3A_627 = vector.shape_cast %get3A_626 : vector<1x16xf32> to vector<16xf32>
          %swap3A_628 = arith.constant 4 : i32
          %swap3A_629 = arith.index_cast %swap3A_628 : i32 to index
          %swap3A_630 = arith.index_cast %add3A_574 : i32 to index
          %swap3A_631 = arith.constant 64 : index
          %swap3A_632 = tpu.vector_load %arg8[%swap3A_629, %swap3A_630, %swap3A_631] {strides = array<i32>} : memref<6x100x128xf32, #tpu.memory_space<vmem>>, vector<1x1x16xf32>,
          %swap3A_633 = vector.shape_cast %swap3A_632 : vector<1x1x16xf32> to vector<16xf32>
          %swap3A_634 = vector.shape_cast %get3A_627 : vector<16xf32> to vector<1x1x16xf32>
          tpu.vector_store %arg8[%swap3A_629, %swap3A_630, %swap3A_631], %swap3A_634 {add = true, strides = array<i32>} : memref<6x100x128xf32, #tpu.memory_space<vmem>>, vector<1x1x16xf32>,
          %add3A_635 = arith.addi %select_n3A_228, %add3A_574 : i32
          %get3A_636 = arith.index_cast %add3A_635 : i32 to index
          %get3A_637 = arith.constant 80 : index
          %get3A_638 = tpu.vector_load %arg7[%get3A_636, %get3A_637] {strides = array<i32>} : memref<200x128xf32, #tpu.memory_space<vmem>>, vector<1x16xf32>,
          %get3A_639 = vector.shape_cast %get3A_638 : vector<1x16xf32> to vector<16xf32>
          %swap3A_640 = arith.constant 4 : i32
          %swap3A_641 = arith.index_cast %swap3A_640 : i32 to index
          %swap3A_642 = arith.index_cast %add3A_574 : i32 to index
          %swap3A_643 = arith.constant 80 : index
          %swap3A_644 = tpu.vector_load %arg8[%swap3A_641, %swap3A_642, %swap3A_643] {strides = array<i32>} : memref<6x100x128xf32, #tpu.memory_space<vmem>>, vector<1x1x16xf32>,
          %swap3A_645 = vector.shape_cast %swap3A_644 : vector<1x1x16xf32> to vector<16xf32>
          %swap3A_646 = vector.shape_cast %get3A_639 : vector<16xf32> to vector<1x1x16xf32>
          tpu.vector_store %arg8[%swap3A_641, %swap3A_642, %swap3A_643], %swap3A_646 {add = true, strides = array<i32>} : memref<6x100x128xf32, #tpu.memory_space<vmem>>, vector<1x1x16xf32>,
          %add3A_647 = arith.addi %select_n3A_228, %add3A_574 : i32
          %get3A_648 = arith.index_cast %add3A_647 : i32 to index
          %get3A_649 = arith.constant 96 : index
          %get3A_650 = tpu.vector_load %arg7[%get3A_648, %get3A_649] {strides = array<i32>} : memref<200x128xf32, #tpu.memory_space<vmem>>, vector<1x16xf32>,
          %get3A_651 = vector.shape_cast %get3A_650 : vector<1x16xf32> to vector<16xf32>
          %swap3A_652 = arith.constant 4 : i32
          %swap3A_653 = arith.index_cast %swap3A_652 : i32 to index
          %swap3A_654 = arith.index_cast %add3A_574 : i32 to index
          %swap3A_655 = arith.constant 96 : index
          %swap3A_656 = tpu.vector_load %arg8[%swap3A_653, %swap3A_654, %swap3A_655] {strides = array<i32>} : memref<6x100x128xf32, #tpu.memory_space<vmem>>, vector<1x1x16xf32>,
          %swap3A_657 = vector.shape_cast %swap3A_656 : vector<1x1x16xf32> to vector<16xf32>
          %swap3A_658 = vector.shape_cast %get3A_651 : vector<16xf32> to vector<1x1x16xf32>
          tpu.vector_store %arg8[%swap3A_653, %swap3A_654, %swap3A_655], %swap3A_658 {add = true, strides = array<i32>} : memref<6x100x128xf32, #tpu.memory_space<vmem>>, vector<1x1x16xf32>,
          %add3A_659 = arith.addi %select_n3A_228, %add3A_574 : i32
          %get3A_660 = arith.index_cast %add3A_659 : i32 to index
          %get3A_661 = arith.constant 112 : index
          %get3A_662 = tpu.vector_load %arg7[%get3A_660, %get3A_661] {strides = array<i32>} : memref<200x128xf32, #tpu.memory_space<vmem>>, vector<1x16xf32>,
          %get3A_663 = vector.shape_cast %get3A_662 : vector<1x16xf32> to vector<16xf32>
          %swap3A_664 = arith.constant 4 : i32
          %swap3A_665 = arith.index_cast %swap3A_664 : i32 to index
          %swap3A_666 = arith.index_cast %add3A_574 : i32 to index
          %swap3A_667 = arith.constant 112 : index
          %swap3A_668 = tpu.vector_load %arg8[%swap3A_665, %swap3A_666, %swap3A_667] {strides = array<i32>} : memref<6x100x128xf32, #tpu.memory_space<vmem>>, vector<1x1x16xf32>,
          %swap3A_669 = vector.shape_cast %swap3A_668 : vector<1x1x16xf32> to vector<16xf32>
          %swap3A_670 = vector.shape_cast %get3A_663 : vector<16xf32> to vector<1x1x16xf32>
          tpu.vector_store %arg8[%swap3A_665, %swap3A_666, %swap3A_667], %swap3A_670 {add = true, strides = array<i32>} : memref<6x100x128xf32, #tpu.memory_space<vmem>>, vector<1x1x16xf32>,
          %mul3A_671 = arith.constant 5 : i32
          %mul3A_672 = arith.muli %scan3A_271, %mul3A_671 : i32
          %add3A_673 = arith.constant 4 : i32
          %add3A_674 = arith.addi %mul3A_672, %add3A_673 : i32
          %add3A_675 = arith.addi %select_n3A_228, %add3A_674 : i32
          %get3A_676 = arith.index_cast %add3A_675 : i32 to index
          %get3A_677 = arith.constant 0 : index
          %get3A_678 = tpu.vector_load %arg7[%get3A_676, %get3A_677] {strides = array<i32>} : memref<200x128xf32, #tpu.memory_space<vmem>>, vector<1x16xf32>,
          %get3A_679 = vector.shape_cast %get3A_678 : vector<1x16xf32> to vector<16xf32>
          %swap3A_680 = arith.constant 4 : i32
          %swap3A_681 = arith.index_cast %swap3A_680 : i32 to index
          %swap3A_682 = arith.index_cast %add3A_674 : i32 to index
          %swap3A_683 = arith.constant 0 : index
          %swap3A_684 = tpu.vector_load %arg8[%swap3A_681, %swap3A_682, %swap3A_683] {strides = array<i32>} : memref<6x100x128xf32, #tpu.memory_space<vmem>>, vector<1x1x16xf32>,
          %swap3A_685 = vector.shape_cast %swap3A_684 : vector<1x1x16xf32> to vector<16xf32>
          %swap3A_686 = vector.shape_cast %get3A_679 : vector<16xf32> to vector<1x1x16xf32>
          tpu.vector_store %arg8[%swap3A_681, %swap3A_682, %swap3A_683], %swap3A_686 {add = true, strides = array<i32>} : memref<6x100x128xf32, #tpu.memory_space<vmem>>, vector<1x1x16xf32>,
          %add3A_687 = arith.addi %select_n3A_228, %add3A_674 : i32
          %get3A_688 = arith.index_cast %add3A_687 : i32 to index
          %get3A_689 = arith.constant 16 : index
          %get3A_690 = tpu.vector_load %arg7[%get3A_688, %get3A_689] {strides = array<i32>} : memref<200x128xf32, #tpu.memory_space<vmem>>, vector<1x16xf32>,
          %get3A_691 = vector.shape_cast %get3A_690 : vector<1x16xf32> to vector<16xf32>
          %swap3A_692 = arith.constant 4 : i32
          %swap3A_693 = arith.index_cast %swap3A_692 : i32 to index
          %swap3A_694 = arith.index_cast %add3A_674 : i32 to index
          %swap3A_695 = arith.constant 16 : index
          %swap3A_696 = tpu.vector_load %arg8[%swap3A_693, %swap3A_694, %swap3A_695] {strides = array<i32>} : memref<6x100x128xf32, #tpu.memory_space<vmem>>, vector<1x1x16xf32>,
          %swap3A_697 = vector.shape_cast %swap3A_696 : vector<1x1x16xf32> to vector<16xf32>
          %swap3A_698 = vector.shape_cast %get3A_691 : vector<16xf32> to vector<1x1x16xf32>
          tpu.vector_store %arg8[%swap3A_693, %swap3A_694, %swap3A_695], %swap3A_698 {add = true, strides = array<i32>} : memref<6x100x128xf32, #tpu.memory_space<vmem>>, vector<1x1x16xf32>,
          %add3A_699 = arith.addi %select_n3A_228, %add3A_674 : i32
          %get3A_700 = arith.index_cast %add3A_699 : i32 to index
          %get3A_701 = arith.constant 32 : index
          %get3A_702 = tpu.vector_load %arg7[%get3A_700, %get3A_701] {strides = array<i32>} : memref<200x128xf32, #tpu.memory_space<vmem>>, vector<1x16xf32>,
          %get3A_703 = vector.shape_cast %get3A_702 : vector<1x16xf32> to vector<16xf32>
          %swap3A_704 = arith.constant 4 : i32
          %swap3A_705 = arith.index_cast %swap3A_704 : i32 to index
          %swap3A_706 = arith.index_cast %add3A_674 : i32 to index
          %swap3A_707 = arith.constant 32 : index
          %swap3A_708 = tpu.vector_load %arg8[%swap3A_705, %swap3A_706, %swap3A_707] {strides = array<i32>} : memref<6x100x128xf32, #tpu.memory_space<vmem>>, vector<1x1x16xf32>,
          %swap3A_709 = vector.shape_cast %swap3A_708 : vector<1x1x16xf32> to vector<16xf32>
          %swap3A_710 = vector.shape_cast %get3A_703 : vector<16xf32> to vector<1x1x16xf32>
          tpu.vector_store %arg8[%swap3A_705, %swap3A_706, %swap3A_707], %swap3A_710 {add = true, strides = array<i32>} : memref<6x100x128xf32, #tpu.memory_space<vmem>>, vector<1x1x16xf32>,
          %add3A_711 = arith.addi %select_n3A_228, %add3A_674 : i32
          %get3A_712 = arith.index_cast %add3A_711 : i32 to index
          %get3A_713 = arith.constant 48 : index
          %get3A_714 = tpu.vector_load %arg7[%get3A_712, %get3A_713] {strides = array<i32>} : memref<200x128xf32, #tpu.memory_space<vmem>>, vector<1x16xf32>,
          %get3A_715 = vector.shape_cast %get3A_714 : vector<1x16xf32> to vector<16xf32>
          %swap3A_716 = arith.constant 4 : i32
          %swap3A_717 = arith.index_cast %swap3A_716 : i32 to index
          %swap3A_718 = arith.index_cast %add3A_674 : i32 to index
          %swap3A_719 = arith.constant 48 : index
          %swap3A_720 = tpu.vector_load %arg8[%swap3A_717, %swap3A_718, %swap3A_719] {strides = array<i32>} : memref<6x100x128xf32, #tpu.memory_space<vmem>>, vector<1x1x16xf32>,
          %swap3A_721 = vector.shape_cast %swap3A_720 : vector<1x1x16xf32> to vector<16xf32>
          %swap3A_722 = vector.shape_cast %get3A_715 : vector<16xf32> to vector<1x1x16xf32>
          tpu.vector_store %arg8[%swap3A_717, %swap3A_718, %swap3A_719], %swap3A_722 {add = true, strides = array<i32>} : memref<6x100x128xf32, #tpu.memory_space<vmem>>, vector<1x1x16xf32>,
          %add3A_723 = arith.addi %select_n3A_228, %add3A_674 : i32
          %get3A_724 = arith.index_cast %add3A_723 : i32 to index
          %get3A_725 = arith.constant 64 : index
          %get3A_726 = tpu.vector_load %arg7[%get3A_724, %get3A_725] {strides = array<i32>} : memref<200x128xf32, #tpu.memory_space<vmem>>, vector<1x16xf32>,
          %get3A_727 = vector.shape_cast %get3A_726 : vector<1x16xf32> to vector<16xf32>
          %swap3A_728 = arith.constant 4 : i32
          %swap3A_729 = arith.index_cast %swap3A_728 : i32 to index
          %swap3A_730 = arith.index_cast %add3A_674 : i32 to index
          %swap3A_731 = arith.constant 64 : index
          %swap3A_732 = tpu.vector_load %arg8[%swap3A_729, %swap3A_730, %swap3A_731] {strides = array<i32>} : memref<6x100x128xf32, #tpu.memory_space<vmem>>, vector<1x1x16xf32>,
          %swap3A_733 = vector.shape_cast %swap3A_732 : vector<1x1x16xf32> to vector<16xf32>
          %swap3A_734 = vector.shape_cast %get3A_727 : vector<16xf32> to vector<1x1x16xf32>
          tpu.vector_store %arg8[%swap3A_729, %swap3A_730, %swap3A_731], %swap3A_734 {add = true, strides = array<i32>} : memref<6x100x128xf32, #tpu.memory_space<vmem>>, vector<1x1x16xf32>,
          %add3A_735 = arith.addi %select_n3A_228, %add3A_674 : i32
          %get3A_736 = arith.index_cast %add3A_735 : i32 to index
          %get3A_737 = arith.constant 80 : index
          %get3A_738 = tpu.vector_load %arg7[%get3A_736, %get3A_737] {strides = array<i32>} : memref<200x128xf32, #tpu.memory_space<vmem>>, vector<1x16xf32>,
          %get3A_739 = vector.shape_cast %get3A_738 : vector<1x16xf32> to vector<16xf32>
          %swap3A_740 = arith.constant 4 : i32
          %swap3A_741 = arith.index_cast %swap3A_740 : i32 to index
          %swap3A_742 = arith.index_cast %add3A_674 : i32 to index
          %swap3A_743 = arith.constant 80 : index
          %swap3A_744 = tpu.vector_load %arg8[%swap3A_741, %swap3A_742, %swap3A_743] {strides = array<i32>} : memref<6x100x128xf32, #tpu.memory_space<vmem>>, vector<1x1x16xf32>,
          %swap3A_745 = vector.shape_cast %swap3A_744 : vector<1x1x16xf32> to vector<16xf32>
          %swap3A_746 = vector.shape_cast %get3A_739 : vector<16xf32> to vector<1x1x16xf32>
          tpu.vector_store %arg8[%swap3A_741, %swap3A_742, %swap3A_743], %swap3A_746 {add = true, strides = array<i32>} : memref<6x100x128xf32, #tpu.memory_space<vmem>>, vector<1x1x16xf32>,
          %add3A_747 = arith.addi %select_n3A_228, %add3A_674 : i32
          %get3A_748 = arith.index_cast %add3A_747 : i32 to index
          %get3A_749 = arith.constant 96 : index
          %get3A_750 = tpu.vector_load %arg7[%get3A_748, %get3A_749] {strides = array<i32>} : memref<200x128xf32, #tpu.memory_space<vmem>>, vector<1x16xf32>,
          %get3A_751 = vector.shape_cast %get3A_750 : vector<1x16xf32> to vector<16xf32>
          %swap3A_752 = arith.constant 4 : i32
          %swap3A_753 = arith.index_cast %swap3A_752 : i32 to index
          %swap3A_754 = arith.index_cast %add3A_674 : i32 to index
          %swap3A_755 = arith.constant 96 : index
          %swap3A_756 = tpu.vector_load %arg8[%swap3A_753, %swap3A_754, %swap3A_755] {strides = array<i32>} : memref<6x100x128xf32, #tpu.memory_space<vmem>>, vector<1x1x16xf32>,
          %swap3A_757 = vector.shape_cast %swap3A_756 : vector<1x1x16xf32> to vector<16xf32>
          %swap3A_758 = vector.shape_cast %get3A_751 : vector<16xf32> to vector<1x1x16xf32>
          tpu.vector_store %arg8[%swap3A_753, %swap3A_754, %swap3A_755], %swap3A_758 {add = true, strides = array<i32>} : memref<6x100x128xf32, #tpu.memory_space<vmem>>, vector<1x1x16xf32>,
          %add3A_759 = arith.addi %select_n3A_228, %add3A_674 : i32
          %get3A_760 = arith.index_cast %add3A_759 : i32 to index
          %get3A_761 = arith.constant 112 : index
          %get3A_762 = tpu.vector_load %arg7[%get3A_760, %get3A_761] {strides = array<i32>} : memref<200x128xf32, #tpu.memory_space<vmem>>, vector<1x16xf32>,
          %get3A_763 = vector.shape_cast %get3A_762 : vector<1x16xf32> to vector<16xf32>
          %swap3A_764 = arith.constant 4 : i32
          %swap3A_765 = arith.index_cast %swap3A_764 : i32 to index
          %swap3A_766 = arith.index_cast %add3A_674 : i32 to index
          %swap3A_767 = arith.constant 112 : index
          %swap3A_768 = tpu.vector_load %arg8[%swap3A_765, %swap3A_766, %swap3A_767] {strides = array<i32>} : memref<6x100x128xf32, #tpu.memory_space<vmem>>, vector<1x1x16xf32>,
          %swap3A_769 = vector.shape_cast %swap3A_768 : vector<1x1x16xf32> to vector<16xf32>
          %swap3A_770 = vector.shape_cast %get3A_763 : vector<16xf32> to vector<1x1x16xf32>
          tpu.vector_store %arg8[%swap3A_765, %swap3A_766, %swap3A_767], %swap3A_770 {add = true, strides = array<i32>} : memref<6x100x128xf32, #tpu.memory_space<vmem>>, vector<1x1x16xf32>,
          %scan3A_771 = arith.constant 0 : i32
          scf.yield %scan3A_771 : i32
        }
        %scan3A_235 = arith.constant 20 : i32
        %mul3A_236 = arith.constant 100 : i32
        %mul3A_237 = arith.muli %add3A_186, %mul3A_236 : i32
        %add3A_238 = arith.addi %mul3A_2, %mul3A_237 : i32
        %dma_start3A_239 = arith.constant 4 : i32
        %dma_start3A_240 = arith.constant 4 : i32
        %dma_start3A_241 = arith.constant 0 : i32
        %dma_start3A_242 = arith.constant 0 : i32
        %dma_start3A_243 = tpu.memref_slice %arg8[%dma_start3A_239, %dma_start3A_241, %dma_start3A_242] : memref<6x100x128xf32, #tpu.memory_space<vmem>> -> memref<1x100x128xf32, #tpu.memory_space<vmem>>
        %dma_start3A_244 = tpu.memref_squeeze %dma_start3A_243 : memref<1x100x128xf32, #tpu.memory_space<vmem>> -> memref<100x128xf32, #tpu.memory_space<vmem>>
        %dma_start3A_245 = arith.constant 0 : i32
        %dma_start3A_246 = tpu.memref_slice %arg5[%add3A_238, %dma_start3A_245] : memref<204800x128xf32, #tpu.memory_space<hbm>> -> memref<100x128xf32, #tpu.memory_space<hbm>>
        %dma_start3A_247 = tpu.memref_slice %arg10[%dma_start3A_240] : memref<6x!tpu.dma_semaphore, #tpu.memory_space<semaphore_mem>> -> memref<1x!tpu.dma_semaphore, #tpu.memory_space<semaphore_mem>>
        %dma_start3A_248 = tpu.memref_squeeze %dma_start3A_247 : memref<1x!tpu.dma_semaphore, #tpu.memory_space<semaphore_mem>> -> memref<!tpu.dma_semaphore, #tpu.memory_space<semaphore_mem>>
        %dma_start3A_249 = arith.constant 0 : i32
        %dma_start3A_250 = tpu.memref_slice %arg5[%add3A_238, %dma_start3A_249] : memref<204800x128xf32, #tpu.memory_space<hbm>> -> memref<100x128xf32, #tpu.memory_space<hbm>>
        %dma_start3A_251 = arith.constant 0 : i32
        %dma_start3A_252 = arith.constant 0 : i32
        %dma_start3A_253 = tpu.memref_slice %arg8[%dma_start3A_239, %dma_start3A_251, %dma_start3A_252] : memref<6x100x128xf32, #tpu.memory_space<vmem>> -> memref<1x100x128xf32, #tpu.memory_space<vmem>>
        %dma_start3A_254 = tpu.memref_squeeze %dma_start3A_253 : memref<1x100x128xf32, #tpu.memory_space<vmem>> -> memref<100x128xf32, #tpu.memory_space<vmem>>
        tpu.enqueue_dma source(%dma_start3A_254 : memref<100x128xf32, #tpu.memory_space<vmem>>) target(%dma_start3A_250 : memref<100x128xf32, #tpu.memory_space<hbm>>) target_semaphore(%dma_start3A_248 : memref<!tpu.dma_semaphore, #tpu.memory_space<semaphore_mem>>)
        %ge3A = arith.constant 3 : i32
        %ge3A_255 = arith.cmpi sge, %add3A_186, %ge3A : i32
        %add3A_256 = arith.constant 3 : i32
        %add3A_257 = arith.addi %add3A_186, %add3A_256 : i32
        %lt3A_258 = arith.constant 64 : i32
        %lt3A_259 = arith.cmpi slt, %add3A_257, %lt3A_258 : i32
        %and3A_260 = arith.andi %ge3A_255, %lt3A_259 : i1
        %convert_element_type3A_261 = arith.extui %and3A_260 : i1 to i32
        %cond3A_262 = arith.constant 0 : i32
        %cond3A_263 = arith.cmpi ne, %convert_element_type3A_261, %cond3A_262 : i32
        scf.if %cond3A_263 {
          %dma_wait3A_271 = arith.constant 1 : i32
          %dma_wait3A_272 = arith.constant 1 : i32
          %dma_wait3A_273 = arith.constant 0 : i32
          %dma_wait3A_274 = arith.constant 0 : i32
          %dma_wait3A_275 = tpu.memref_slice %arg8[%dma_wait3A_271, %dma_wait3A_273, %dma_wait3A_274] : memref<6x100x128xf32, #tpu.memory_space<vmem>> -> memref<1x100x128xf32, #tpu.memory_space<vmem>>
          %dma_wait3A_276 = tpu.memref_squeeze %dma_wait3A_275 : memref<1x100x128xf32, #tpu.memory_space<vmem>> -> memref<100x128xf32, #tpu.memory_space<vmem>>
          %dma_wait3A_277 = arith.constant 0 : i32
          %dma_wait3A_278 = tpu.memref_slice %arg5[%mul3A_2, %dma_wait3A_277] : memref<204800x128xf32, #tpu.memory_space<hbm>> -> memref<100x128xf32, #tpu.memory_space<hbm>>
          %dma_wait3A_279 = tpu.memref_slice %arg10[%dma_wait3A_272] : memref<6x!tpu.dma_semaphore, #tpu.memory_space<semaphore_mem>> -> memref<1x!tpu.dma_semaphore, #tpu.memory_space<semaphore_mem>>
          %dma_wait3A_280 = tpu.memref_squeeze %dma_wait3A_279 : memref<1x!tpu.dma_semaphore, #tpu.memory_space<semaphore_mem>> -> memref<!tpu.dma_semaphore, #tpu.memory_space<semaphore_mem>>
          %dma_wait3A_281 = arith.constant 0 : i32
          %dma_wait3A_282 = tpu.memref_slice %arg5[%mul3A_2, %dma_wait3A_281] : memref<204800x128xf32, #tpu.memory_space<hbm>> -> memref<100x128xf32, #tpu.memory_space<hbm>>
          %dma_wait3A_283 = arith.constant 0 : i32
          %dma_wait3A_284 = arith.constant 0 : i32
          %dma_wait3A_285 = tpu.memref_slice %arg8[%dma_wait3A_271, %dma_wait3A_283, %dma_wait3A_284] : memref<6x100x128xf32, #tpu.memory_space<vmem>> -> memref<1x100x128xf32, #tpu.memory_space<vmem>>
          %dma_wait3A_286 = tpu.memref_squeeze %dma_wait3A_285 : memref<1x100x128xf32, #tpu.memory_space<vmem>> -> memref<100x128xf32, #tpu.memory_space<vmem>>
          tpu.wait_dma2 semaphore(%dma_wait3A_280 : memref<!tpu.dma_semaphore, #tpu.memory_space<semaphore_mem>>) src(%dma_wait3A_286 : memref<100x128xf32, #tpu.memory_space<vmem>>) dst(%dma_wait3A_282 : memref<100x128xf32, #tpu.memory_space<hbm>>)
        } else {
        }
        %add3A_264 = arith.constant 3 : i32
        %add3A_265 = arith.addi %add3A_186, %add3A_264 : i32
        %lt3A_266 = arith.constant 64 : i32
        %lt3A_267 = arith.cmpi slt, %add3A_265, %lt3A_266 : i32
        %convert_element_type3A_268 = arith.extui %lt3A_267 : i1 to i32
        %cond3A_269 = arith.constant 0 : i32
        %cond3A_270 = arith.cmpi ne, %convert_element_type3A_268, %cond3A_269 : i32
        scf.if %cond3A_270 {
          %add3A_271 = arith.constant 3 : i32
          %add3A_272 = arith.addi %add3A_186, %add3A_271 : i32
          %dma_start3A_273 = arith.constant 1 : i32
          %dma_start3A_274 = arith.constant 1 : i32
          %dma_start3A_275 = arith.constant 0 : i32
          %dma_start3A_276 = arith.constant 0 : i32
          %dma_start3A_277 = tpu.memref_slice %arg8[%dma_start3A_273, %dma_start3A_275, %dma_start3A_276] : memref<6x100x128xf32, #tpu.memory_space<vmem>> -> memref<1x100x128xf32, #tpu.memory_space<vmem>>
          %dma_start3A_278 = tpu.memref_squeeze %dma_start3A_277 : memref<1x100x128xf32, #tpu.memory_space<vmem>> -> memref<100x128xf32, #tpu.memory_space<vmem>>
          %dma_start3A_279 = arith.constant 0 : i32
          %dma_start3A_280 = tpu.memref_slice %arg6[%add3A_272, %dma_start3A_279] : memref<64x100xi32, #tpu.memory_space<vmem>> -> memref<1x100xi32, #tpu.memory_space<vmem>>
          %dma_start3A_281 = tpu.memref_squeeze %dma_start3A_280 : memref<1x100xi32, #tpu.memory_space<vmem>> -> memref<100xi32, #tpu.memory_space<vmem>>
          %dma_start3A_282 = arith.constant 0 : i32
          %dma_start3A_283 = arith.constant 0 : i32
          %dma_start3A_284 = tpu.memref_slice %arg3[%dma_start3A_282, %dma_start3A_283] : memref<100000x128xf32, #tpu.memory_space<hbm>> -> memref<100000x128xf32, #tpu.memory_space<hbm>>
          %dma_start3A_285 = tpu.memref_slice %arg9[%dma_start3A_274] : memref<6x!tpu.dma_semaphore, #tpu.memory_space<semaphore_mem>> -> memref<1x!tpu.dma_semaphore, #tpu.memory_space<semaphore_mem>>
          %dma_start3A_286 = tpu.memref_squeeze %dma_start3A_285 : memref<1x!tpu.dma_semaphore, #tpu.memory_space<semaphore_mem>> -> memref<!tpu.dma_semaphore, #tpu.memory_space<semaphore_mem>>
          tpu.enqueue_indirect_dma source(%dma_start3A_284 : memref<100000x128xf32, #tpu.memory_space<hbm>>) target(%dma_start3A_278 : memref<100x128xf32, #tpu.memory_space<vmem>>) offsets(%dma_start3A_281 : memref<100xi32, #tpu.memory_space<vmem>>) semaphore(%dma_start3A_286 : memref<!tpu.dma_semaphore, #tpu.memory_space<semaphore_mem>>)
        } else {
        }
      } else {
      }
      %mul3A_192 = arith.constant 6 : i32
      %mul3A_193 = arith.muli %scan3A_148, %mul3A_192 : i32
      %add3A_194 = arith.constant 5 : i32
      %add3A_195 = arith.addi %mul3A_193, %add3A_194 : i32
      %lt3A_196 = arith.constant 64 : i32
      %lt3A_197 = arith.cmpi slt, %add3A_195, %lt3A_196 : i32
      %convert_element_type3A_198 = arith.extui %lt3A_197 : i1 to i32
      %cond3A_199 = arith.constant 0 : i32
      %cond3A_200 = arith.cmpi ne, %convert_element_type3A_198, %cond3A_199 : i32
      scf.if %cond3A_200 {
        %dma_wait3A_202 = arith.constant 0 : i32
        %dma_wait3A_203 = arith.constant 5 : i32
        %dma_wait3A_204 = arith.constant 5 : i32
        %dma_wait3A_205 = arith.constant 0 : i32
        %dma_wait3A_206 = arith.constant 0 : i32
        %dma_wait3A_207 = tpu.memref_slice %arg8[%dma_wait3A_203, %dma_wait3A_205, %dma_wait3A_206] : memref<6x100x128xf32, #tpu.memory_space<vmem>> -> memref<1x100x128xf32, #tpu.memory_space<vmem>>
        %dma_wait3A_208 = tpu.memref_squeeze %dma_wait3A_207 : memref<1x100x128xf32, #tpu.memory_space<vmem>> -> memref<100x128xf32, #tpu.memory_space<vmem>>
        %dma_wait3A_209 = arith.constant 0 : i32
        %dma_wait3A_210 = tpu.memref_slice %arg6[%dma_wait3A_202, %dma_wait3A_209] : memref<64x100xi32, #tpu.memory_space<vmem>> -> memref<1x100xi32, #tpu.memory_space<vmem>>
        %dma_wait3A_211 = tpu.memref_squeeze %dma_wait3A_210 : memref<1x100xi32, #tpu.memory_space<vmem>> -> memref<100xi32, #tpu.memory_space<vmem>>
        %dma_wait3A_212 = arith.constant 0 : i32
        %dma_wait3A_213 = arith.constant 0 : i32
        %dma_wait3A_214 = tpu.memref_slice %arg3[%dma_wait3A_212, %dma_wait3A_213] : memref<100000x128xf32, #tpu.memory_space<hbm>> -> memref<100000x128xf32, #tpu.memory_space<hbm>>
        %dma_wait3A_215 = tpu.memref_slice %arg9[%dma_wait3A_204] : memref<6x!tpu.dma_semaphore, #tpu.memory_space<semaphore_mem>> -> memref<1x!tpu.dma_semaphore, #tpu.memory_space<semaphore_mem>>
        %dma_wait3A_216 = tpu.memref_squeeze %dma_wait3A_215 : memref<1x!tpu.dma_semaphore, #tpu.memory_space<semaphore_mem>> -> memref<!tpu.dma_semaphore, #tpu.memory_space<semaphore_mem>>
        tpu.wait_indirect_dma semaphore(%dma_wait3A_216 : memref<!tpu.dma_semaphore, #tpu.memory_space<semaphore_mem>>) src(%dma_wait3A_214 : memref<100000x128xf32, #tpu.memory_space<hbm>>) dst(%dma_wait3A_208 : memref<100x128xf32, #tpu.memory_space<vmem>>)
        %mul3A_217 = arith.constant 100 : i32
        %mul3A_218 = arith.muli %add3A_195, %mul3A_217 : i32
        %jit3A = arith.constant 200 : i32
        %eq3A = arith.constant 0 : i32
        %eq3A_219 = arith.cmpi eq, %jit3A, %eq3A : i32
        %jit3A_220 = arith.constant 1 : i32
        %select_n3A = arith.select %eq3A_219, %jit3A_220, %jit3A : i32
        %rem3A = arith.remsi %mul3A_218, %select_n3A : i32
        %ne3A = arith.constant 0 : i32
        %ne3A_221 = arith.cmpi ne, %rem3A, %ne3A : i32
        %lt3A_222 = arith.constant 0 : i32
        %lt3A_223 = arith.cmpi slt, %rem3A, %lt3A_222 : i32
        %lt3A_224 = arith.constant 0 : i32
        %lt3A_225 = arith.cmpi slt, %select_n3A, %lt3A_224 : i32
        %ne3A_226 = arith.xori %lt3A_223, %lt3A_225 : i1
        %and3A = arith.andi %ne3A_226, %ne3A_221 : i1
        %add3A_227 = arith.addi %rem3A, %select_n3A : i32
        %select_n3A_228 = arith.select %and3A, %add3A_227, %rem3A : i32
        %scan3A_229 = arith.constant 0 : i32
        %scan3A_230 = arith.constant 0 : i32
        %scan3A_231 = arith.constant 20 : i32
        %scan3A_232 = arith.addi %scan3A_230, %scan3A_231 : i32
        %scan3A_233 = arith.constant 1 : i32
        %scan3A_234 = scf.for %scan3A_271 = %scan3A_230 to %scan3A_232 step %scan3A_233 iter_args(%scan3A_272 = %scan3A_229) -> (i32)  : i32 {
          %mul3A_273 = arith.constant 5 : i32
          %mul3A_274 = arith.muli %scan3A_271, %mul3A_273 : i32
          %add3A_275 = arith.constant 0 : i32
          %add3A_276 = arith.addi %mul3A_274, %add3A_275 : i32
          %add3A_277 = arith.addi %select_n3A_228, %add3A_276 : i32
          %get3A = arith.index_cast %add3A_277 : i32 to index
          %get3A_278 = arith.constant 0 : index
          %get3A_279 = tpu.vector_load %arg7[%get3A, %get3A_278] {strides = array<i32>} : memref<200x128xf32, #tpu.memory_space<vmem>>, vector<1x16xf32>,
          %get3A_280 = vector.shape_cast %get3A_279 : vector<1x16xf32> to vector<16xf32>
          %swap3A = arith.constant 5 : i32
          %swap3A_281 = arith.index_cast %swap3A : i32 to index
          %swap3A_282 = arith.index_cast %add3A_276 : i32 to index
          %swap3A_283 = arith.constant 0 : index
          %swap3A_284 = tpu.vector_load %arg8[%swap3A_281, %swap3A_282, %swap3A_283] {strides = array<i32>} : memref<6x100x128xf32, #tpu.memory_space<vmem>>, vector<1x1x16xf32>,
          %swap3A_285 = vector.shape_cast %swap3A_284 : vector<1x1x16xf32> to vector<16xf32>
          %swap3A_286 = vector.shape_cast %get3A_280 : vector<16xf32> to vector<1x1x16xf32>
          tpu.vector_store %arg8[%swap3A_281, %swap3A_282, %swap3A_283], %swap3A_286 {add = true, strides = array<i32>} : memref<6x100x128xf32, #tpu.memory_space<vmem>>, vector<1x1x16xf32>,
          %add3A_287 = arith.addi %select_n3A_228, %add3A_276 : i32
          %get3A_288 = arith.index_cast %add3A_287 : i32 to index
          %get3A_289 = arith.constant 16 : index
          %get3A_290 = tpu.vector_load %arg7[%get3A_288, %get3A_289] {strides = array<i32>} : memref<200x128xf32, #tpu.memory_space<vmem>>, vector<1x16xf32>,
          %get3A_291 = vector.shape_cast %get3A_290 : vector<1x16xf32> to vector<16xf32>
          %swap3A_292 = arith.constant 5 : i32
          %swap3A_293 = arith.index_cast %swap3A_292 : i32 to index
          %swap3A_294 = arith.index_cast %add3A_276 : i32 to index
          %swap3A_295 = arith.constant 16 : index
          %swap3A_296 = tpu.vector_load %arg8[%swap3A_293, %swap3A_294, %swap3A_295] {strides = array<i32>} : memref<6x100x128xf32, #tpu.memory_space<vmem>>, vector<1x1x16xf32>,
          %swap3A_297 = vector.shape_cast %swap3A_296 : vector<1x1x16xf32> to vector<16xf32>
          %swap3A_298 = vector.shape_cast %get3A_291 : vector<16xf32> to vector<1x1x16xf32>
          tpu.vector_store %arg8[%swap3A_293, %swap3A_294, %swap3A_295], %swap3A_298 {add = true, strides = array<i32>} : memref<6x100x128xf32, #tpu.memory_space<vmem>>, vector<1x1x16xf32>,
          %add3A_299 = arith.addi %select_n3A_228, %add3A_276 : i32
          %get3A_300 = arith.index_cast %add3A_299 : i32 to index
          %get3A_301 = arith.constant 32 : index
          %get3A_302 = tpu.vector_load %arg7[%get3A_300, %get3A_301] {strides = array<i32>} : memref<200x128xf32, #tpu.memory_space<vmem>>, vector<1x16xf32>,
          %get3A_303 = vector.shape_cast %get3A_302 : vector<1x16xf32> to vector<16xf32>
          %swap3A_304 = arith.constant 5 : i32
          %swap3A_305 = arith.index_cast %swap3A_304 : i32 to index
          %swap3A_306 = arith.index_cast %add3A_276 : i32 to index
          %swap3A_307 = arith.constant 32 : index
          %swap3A_308 = tpu.vector_load %arg8[%swap3A_305, %swap3A_306, %swap3A_307] {strides = array<i32>} : memref<6x100x128xf32, #tpu.memory_space<vmem>>, vector<1x1x16xf32>,
          %swap3A_309 = vector.shape_cast %swap3A_308 : vector<1x1x16xf32> to vector<16xf32>
          %swap3A_310 = vector.shape_cast %get3A_303 : vector<16xf32> to vector<1x1x16xf32>
          tpu.vector_store %arg8[%swap3A_305, %swap3A_306, %swap3A_307], %swap3A_310 {add = true, strides = array<i32>} : memref<6x100x128xf32, #tpu.memory_space<vmem>>, vector<1x1x16xf32>,
          %add3A_311 = arith.addi %select_n3A_228, %add3A_276 : i32
          %get3A_312 = arith.index_cast %add3A_311 : i32 to index
          %get3A_313 = arith.constant 48 : index
          %get3A_314 = tpu.vector_load %arg7[%get3A_312, %get3A_313] {strides = array<i32>} : memref<200x128xf32, #tpu.memory_space<vmem>>, vector<1x16xf32>,
          %get3A_315 = vector.shape_cast %get3A_314 : vector<1x16xf32> to vector<16xf32>
          %swap3A_316 = arith.constant 5 : i32
          %swap3A_317 = arith.index_cast %swap3A_316 : i32 to index
          %swap3A_318 = arith.index_cast %add3A_276 : i32 to index
          %swap3A_319 = arith.constant 48 : index
          %swap3A_320 = tpu.vector_load %arg8[%swap3A_317, %swap3A_318, %swap3A_319] {strides = array<i32>} : memref<6x100x128xf32, #tpu.memory_space<vmem>>, vector<1x1x16xf32>,
          %swap3A_321 = vector.shape_cast %swap3A_320 : vector<1x1x16xf32> to vector<16xf32>
          %swap3A_322 = vector.shape_cast %get3A_315 : vector<16xf32> to vector<1x1x16xf32>
          tpu.vector_store %arg8[%swap3A_317, %swap3A_318, %swap3A_319], %swap3A_322 {add = true, strides = array<i32>} : memref<6x100x128xf32, #tpu.memory_space<vmem>>, vector<1x1x16xf32>,
          %add3A_323 = arith.addi %select_n3A_228, %add3A_276 : i32
          %get3A_324 = arith.index_cast %add3A_323 : i32 to index
          %get3A_325 = arith.constant 64 : index
          %get3A_326 = tpu.vector_load %arg7[%get3A_324, %get3A_325] {strides = array<i32>} : memref<200x128xf32, #tpu.memory_space<vmem>>, vector<1x16xf32>,
          %get3A_327 = vector.shape_cast %get3A_326 : vector<1x16xf32> to vector<16xf32>
          %swap3A_328 = arith.constant 5 : i32
          %swap3A_329 = arith.index_cast %swap3A_328 : i32 to index
          %swap3A_330 = arith.index_cast %add3A_276 : i32 to index
          %swap3A_331 = arith.constant 64 : index
          %swap3A_332 = tpu.vector_load %arg8[%swap3A_329, %swap3A_330, %swap3A_331] {strides = array<i32>} : memref<6x100x128xf32, #tpu.memory_space<vmem>>, vector<1x1x16xf32>,
          %swap3A_333 = vector.shape_cast %swap3A_332 : vector<1x1x16xf32> to vector<16xf32>
          %swap3A_334 = vector.shape_cast %get3A_327 : vector<16xf32> to vector<1x1x16xf32>
          tpu.vector_store %arg8[%swap3A_329, %swap3A_330, %swap3A_331], %swap3A_334 {add = true, strides = array<i32>} : memref<6x100x128xf32, #tpu.memory_space<vmem>>, vector<1x1x16xf32>,
          %add3A_335 = arith.addi %select_n3A_228, %add3A_276 : i32
          %get3A_336 = arith.index_cast %add3A_335 : i32 to index
          %get3A_337 = arith.constant 80 : index
          %get3A_338 = tpu.vector_load %arg7[%get3A_336, %get3A_337] {strides = array<i32>} : memref<200x128xf32, #tpu.memory_space<vmem>>, vector<1x16xf32>,
          %get3A_339 = vector.shape_cast %get3A_338 : vector<1x16xf32> to vector<16xf32>
          %swap3A_340 = arith.constant 5 : i32
          %swap3A_341 = arith.index_cast %swap3A_340 : i32 to index
          %swap3A_342 = arith.index_cast %add3A_276 : i32 to index
          %swap3A_343 = arith.constant 80 : index
          %swap3A_344 = tpu.vector_load %arg8[%swap3A_341, %swap3A_342, %swap3A_343] {strides = array<i32>} : memref<6x100x128xf32, #tpu.memory_space<vmem>>, vector<1x1x16xf32>,
          %swap3A_345 = vector.shape_cast %swap3A_344 : vector<1x1x16xf32> to vector<16xf32>
          %swap3A_346 = vector.shape_cast %get3A_339 : vector<16xf32> to vector<1x1x16xf32>
          tpu.vector_store %arg8[%swap3A_341, %swap3A_342, %swap3A_343], %swap3A_346 {add = true, strides = array<i32>} : memref<6x100x128xf32, #tpu.memory_space<vmem>>, vector<1x1x16xf32>,
          %add3A_347 = arith.addi %select_n3A_228, %add3A_276 : i32
          %get3A_348 = arith.index_cast %add3A_347 : i32 to index
          %get3A_349 = arith.constant 96 : index
          %get3A_350 = tpu.vector_load %arg7[%get3A_348, %get3A_349] {strides = array<i32>} : memref<200x128xf32, #tpu.memory_space<vmem>>, vector<1x16xf32>,
          %get3A_351 = vector.shape_cast %get3A_350 : vector<1x16xf32> to vector<16xf32>
          %swap3A_352 = arith.constant 5 : i32
          %swap3A_353 = arith.index_cast %swap3A_352 : i32 to index
          %swap3A_354 = arith.index_cast %add3A_276 : i32 to index
          %swap3A_355 = arith.constant 96 : index
          %swap3A_356 = tpu.vector_load %arg8[%swap3A_353, %swap3A_354, %swap3A_355] {strides = array<i32>} : memref<6x100x128xf32, #tpu.memory_space<vmem>>, vector<1x1x16xf32>,
          %swap3A_357 = vector.shape_cast %swap3A_356 : vector<1x1x16xf32> to vector<16xf32>
          %swap3A_358 = vector.shape_cast %get3A_351 : vector<16xf32> to vector<1x1x16xf32>
          tpu.vector_store %arg8[%swap3A_353, %swap3A_354, %swap3A_355], %swap3A_358 {add = true, strides = array<i32>} : memref<6x100x128xf32, #tpu.memory_space<vmem>>, vector<1x1x16xf32>,
          %add3A_359 = arith.addi %select_n3A_228, %add3A_276 : i32
          %get3A_360 = arith.index_cast %add3A_359 : i32 to index
          %get3A_361 = arith.constant 112 : index
          %get3A_362 = tpu.vector_load %arg7[%get3A_360, %get3A_361] {strides = array<i32>} : memref<200x128xf32, #tpu.memory_space<vmem>>, vector<1x16xf32>,
          %get3A_363 = vector.shape_cast %get3A_362 : vector<1x16xf32> to vector<16xf32>
          %swap3A_364 = arith.constant 5 : i32
          %swap3A_365 = arith.index_cast %swap3A_364 : i32 to index
          %swap3A_366 = arith.index_cast %add3A_276 : i32 to index
          %swap3A_367 = arith.constant 112 : index
          %swap3A_368 = tpu.vector_load %arg8[%swap3A_365, %swap3A_366, %swap3A_367] {strides = array<i32>} : memref<6x100x128xf32, #tpu.memory_space<vmem>>, vector<1x1x16xf32>,
          %swap3A_369 = vector.shape_cast %swap3A_368 : vector<1x1x16xf32> to vector<16xf32>
          %swap3A_370 = vector.shape_cast %get3A_363 : vector<16xf32> to vector<1x1x16xf32>
          tpu.vector_store %arg8[%swap3A_365, %swap3A_366, %swap3A_367], %swap3A_370 {add = true, strides = array<i32>} : memref<6x100x128xf32, #tpu.memory_space<vmem>>, vector<1x1x16xf32>,
          %mul3A_371 = arith.constant 5 : i32
          %mul3A_372 = arith.muli %scan3A_271, %mul3A_371 : i32
          %add3A_373 = arith.constant 1 : i32
          %add3A_374 = arith.addi %mul3A_372, %add3A_373 : i32
          %add3A_375 = arith.addi %select_n3A_228, %add3A_374 : i32
          %get3A_376 = arith.index_cast %add3A_375 : i32 to index
          %get3A_377 = arith.constant 0 : index
          %get3A_378 = tpu.vector_load %arg7[%get3A_376, %get3A_377] {strides = array<i32>} : memref<200x128xf32, #tpu.memory_space<vmem>>, vector<1x16xf32>,
          %get3A_379 = vector.shape_cast %get3A_378 : vector<1x16xf32> to vector<16xf32>
          %swap3A_380 = arith.constant 5 : i32
          %swap3A_381 = arith.index_cast %swap3A_380 : i32 to index
          %swap3A_382 = arith.index_cast %add3A_374 : i32 to index
          %swap3A_383 = arith.constant 0 : index
          %swap3A_384 = tpu.vector_load %arg8[%swap3A_381, %swap3A_382, %swap3A_383] {strides = array<i32>} : memref<6x100x128xf32, #tpu.memory_space<vmem>>, vector<1x1x16xf32>,
          %swap3A_385 = vector.shape_cast %swap3A_384 : vector<1x1x16xf32> to vector<16xf32>
          %swap3A_386 = vector.shape_cast %get3A_379 : vector<16xf32> to vector<1x1x16xf32>
          tpu.vector_store %arg8[%swap3A_381, %swap3A_382, %swap3A_383], %swap3A_386 {add = true, strides = array<i32>} : memref<6x100x128xf32, #tpu.memory_space<vmem>>, vector<1x1x16xf32>,
          %add3A_387 = arith.addi %select_n3A_228, %add3A_374 : i32
          %get3A_388 = arith.index_cast %add3A_387 : i32 to index
          %get3A_389 = arith.constant 16 : index
          %get3A_390 = tpu.vector_load %arg7[%get3A_388, %get3A_389] {strides = array<i32>} : memref<200x128xf32, #tpu.memory_space<vmem>>, vector<1x16xf32>,
          %get3A_391 = vector.shape_cast %get3A_390 : vector<1x16xf32> to vector<16xf32>
          %swap3A_392 = arith.constant 5 : i32
          %swap3A_393 = arith.index_cast %swap3A_392 : i32 to index
          %swap3A_394 = arith.index_cast %add3A_374 : i32 to index
          %swap3A_395 = arith.constant 16 : index
          %swap3A_396 = tpu.vector_load %arg8[%swap3A_393, %swap3A_394, %swap3A_395] {strides = array<i32>} : memref<6x100x128xf32, #tpu.memory_space<vmem>>, vector<1x1x16xf32>,
          %swap3A_397 = vector.shape_cast %swap3A_396 : vector<1x1x16xf32> to vector<16xf32>
          %swap3A_398 = vector.shape_cast %get3A_391 : vector<16xf32> to vector<1x1x16xf32>
          tpu.vector_store %arg8[%swap3A_393, %swap3A_394, %swap3A_395], %swap3A_398 {add = true, strides = array<i32>} : memref<6x100x128xf32, #tpu.memory_space<vmem>>, vector<1x1x16xf32>,
          %add3A_399 = arith.addi %select_n3A_228, %add3A_374 : i32
          %get3A_400 = arith.index_cast %add3A_399 : i32 to index
          %get3A_401 = arith.constant 32 : index
          %get3A_402 = tpu.vector_load %arg7[%get3A_400, %get3A_401] {strides = array<i32>} : memref<200x128xf32, #tpu.memory_space<vmem>>, vector<1x16xf32>,
          %get3A_403 = vector.shape_cast %get3A_402 : vector<1x16xf32> to vector<16xf32>
          %swap3A_404 = arith.constant 5 : i32
          %swap3A_405 = arith.index_cast %swap3A_404 : i32 to index
          %swap3A_406 = arith.index_cast %add3A_374 : i32 to index
          %swap3A_407 = arith.constant 32 : index
          %swap3A_408 = tpu.vector_load %arg8[%swap3A_405, %swap3A_406, %swap3A_407] {strides = array<i32>} : memref<6x100x128xf32, #tpu.memory_space<vmem>>, vector<1x1x16xf32>,
          %swap3A_409 = vector.shape_cast %swap3A_408 : vector<1x1x16xf32> to vector<16xf32>
          %swap3A_410 = vector.shape_cast %get3A_403 : vector<16xf32> to vector<1x1x16xf32>
          tpu.vector_store %arg8[%swap3A_405, %swap3A_406, %swap3A_407], %swap3A_410 {add = true, strides = array<i32>} : memref<6x100x128xf32, #tpu.memory_space<vmem>>, vector<1x1x16xf32>,
          %add3A_411 = arith.addi %select_n3A_228, %add3A_374 : i32
          %get3A_412 = arith.index_cast %add3A_411 : i32 to index
          %get3A_413 = arith.constant 48 : index
          %get3A_414 = tpu.vector_load %arg7[%get3A_412, %get3A_413] {strides = array<i32>} : memref<200x128xf32, #tpu.memory_space<vmem>>, vector<1x16xf32>,
          %get3A_415 = vector.shape_cast %get3A_414 : vector<1x16xf32> to vector<16xf32>
          %swap3A_416 = arith.constant 5 : i32
          %swap3A_417 = arith.index_cast %swap3A_416 : i32 to index
          %swap3A_418 = arith.index_cast %add3A_374 : i32 to index
          %swap3A_419 = arith.constant 48 : index
          %swap3A_420 = tpu.vector_load %arg8[%swap3A_417, %swap3A_418, %swap3A_419] {strides = array<i32>} : memref<6x100x128xf32, #tpu.memory_space<vmem>>, vector<1x1x16xf32>,
          %swap3A_421 = vector.shape_cast %swap3A_420 : vector<1x1x16xf32> to vector<16xf32>
          %swap3A_422 = vector.shape_cast %get3A_415 : vector<16xf32> to vector<1x1x16xf32>
          tpu.vector_store %arg8[%swap3A_417, %swap3A_418, %swap3A_419], %swap3A_422 {add = true, strides = array<i32>} : memref<6x100x128xf32, #tpu.memory_space<vmem>>, vector<1x1x16xf32>,
          %add3A_423 = arith.addi %select_n3A_228, %add3A_374 : i32
          %get3A_424 = arith.index_cast %add3A_423 : i32 to index
          %get3A_425 = arith.constant 64 : index
          %get3A_426 = tpu.vector_load %arg7[%get3A_424, %get3A_425] {strides = array<i32>} : memref<200x128xf32, #tpu.memory_space<vmem>>, vector<1x16xf32>,
          %get3A_427 = vector.shape_cast %get3A_426 : vector<1x16xf32> to vector<16xf32>
          %swap3A_428 = arith.constant 5 : i32
          %swap3A_429 = arith.index_cast %swap3A_428 : i32 to index
          %swap3A_430 = arith.index_cast %add3A_374 : i32 to index
          %swap3A_431 = arith.constant 64 : index
          %swap3A_432 = tpu.vector_load %arg8[%swap3A_429, %swap3A_430, %swap3A_431] {strides = array<i32>} : memref<6x100x128xf32, #tpu.memory_space<vmem>>, vector<1x1x16xf32>,
          %swap3A_433 = vector.shape_cast %swap3A_432 : vector<1x1x16xf32> to vector<16xf32>
          %swap3A_434 = vector.shape_cast %get3A_427 : vector<16xf32> to vector<1x1x16xf32>
          tpu.vector_store %arg8[%swap3A_429, %swap3A_430, %swap3A_431], %swap3A_434 {add = true, strides = array<i32>} : memref<6x100x128xf32, #tpu.memory_space<vmem>>, vector<1x1x16xf32>,
          %add3A_435 = arith.addi %select_n3A_228, %add3A_374 : i32
          %get3A_436 = arith.index_cast %add3A_435 : i32 to index
          %get3A_437 = arith.constant 80 : index
          %get3A_438 = tpu.vector_load %arg7[%get3A_436, %get3A_437] {strides = array<i32>} : memref<200x128xf32, #tpu.memory_space<vmem>>, vector<1x16xf32>,
          %get3A_439 = vector.shape_cast %get3A_438 : vector<1x16xf32> to vector<16xf32>
          %swap3A_440 = arith.constant 5 : i32
          %swap3A_441 = arith.index_cast %swap3A_440 : i32 to index
          %swap3A_442 = arith.index_cast %add3A_374 : i32 to index
          %swap3A_443 = arith.constant 80 : index
          %swap3A_444 = tpu.vector_load %arg8[%swap3A_441, %swap3A_442, %swap3A_443] {strides = array<i32>} : memref<6x100x128xf32, #tpu.memory_space<vmem>>, vector<1x1x16xf32>,
          %swap3A_445 = vector.shape_cast %swap3A_444 : vector<1x1x16xf32> to vector<16xf32>
          %swap3A_446 = vector.shape_cast %get3A_439 : vector<16xf32> to vector<1x1x16xf32>
          tpu.vector_store %arg8[%swap3A_441, %swap3A_442, %swap3A_443], %swap3A_446 {add = true, strides = array<i32>} : memref<6x100x128xf32, #tpu.memory_space<vmem>>, vector<1x1x16xf32>,
          %add3A_447 = arith.addi %select_n3A_228, %add3A_374 : i32
          %get3A_448 = arith.index_cast %add3A_447 : i32 to index
          %get3A_449 = arith.constant 96 : index
          %get3A_450 = tpu.vector_load %arg7[%get3A_448, %get3A_449] {strides = array<i32>} : memref<200x128xf32, #tpu.memory_space<vmem>>, vector<1x16xf32>,
          %get3A_451 = vector.shape_cast %get3A_450 : vector<1x16xf32> to vector<16xf32>
          %swap3A_452 = arith.constant 5 : i32
          %swap3A_453 = arith.index_cast %swap3A_452 : i32 to index
          %swap3A_454 = arith.index_cast %add3A_374 : i32 to index
          %swap3A_455 = arith.constant 96 : index
          %swap3A_456 = tpu.vector_load %arg8[%swap3A_453, %swap3A_454, %swap3A_455] {strides = array<i32>} : memref<6x100x128xf32, #tpu.memory_space<vmem>>, vector<1x1x16xf32>,
          %swap3A_457 = vector.shape_cast %swap3A_456 : vector<1x1x16xf32> to vector<16xf32>
          %swap3A_458 = vector.shape_cast %get3A_451 : vector<16xf32> to vector<1x1x16xf32>
          tpu.vector_store %arg8[%swap3A_453, %swap3A_454, %swap3A_455], %swap3A_458 {add = true, strides = array<i32>} : memref<6x100x128xf32, #tpu.memory_space<vmem>>, vector<1x1x16xf32>,
          %add3A_459 = arith.addi %select_n3A_228, %add3A_374 : i32
          %get3A_460 = arith.index_cast %add3A_459 : i32 to index
          %get3A_461 = arith.constant 112 : index
          %get3A_462 = tpu.vector_load %arg7[%get3A_460, %get3A_461] {strides = array<i32>} : memref<200x128xf32, #tpu.memory_space<vmem>>, vector<1x16xf32>,
          %get3A_463 = vector.shape_cast %get3A_462 : vector<1x16xf32> to vector<16xf32>
          %swap3A_464 = arith.constant 5 : i32
          %swap3A_465 = arith.index_cast %swap3A_464 : i32 to index
          %swap3A_466 = arith.index_cast %add3A_374 : i32 to index
          %swap3A_467 = arith.constant 112 : index
          %swap3A_468 = tpu.vector_load %arg8[%swap3A_465, %swap3A_466, %swap3A_467] {strides = array<i32>} : memref<6x100x128xf32, #tpu.memory_space<vmem>>, vector<1x1x16xf32>,
          %swap3A_469 = vector.shape_cast %swap3A_468 : vector<1x1x16xf32> to vector<16xf32>
          %swap3A_470 = vector.shape_cast %get3A_463 : vector<16xf32> to vector<1x1x16xf32>
          tpu.vector_store %arg8[%swap3A_465, %swap3A_466, %swap3A_467], %swap3A_470 {add = true, strides = array<i32>} : memref<6x100x128xf32, #tpu.memory_space<vmem>>, vector<1x1x16xf32>,
          %mul3A_471 = arith.constant 5 : i32
          %mul3A_472 = arith.muli %scan3A_271, %mul3A_471 : i32
          %add3A_473 = arith.constant 2 : i32
          %add3A_474 = arith.addi %mul3A_472, %add3A_473 : i32
          %add3A_475 = arith.addi %select_n3A_228, %add3A_474 : i32
          %get3A_476 = arith.index_cast %add3A_475 : i32 to index
          %get3A_477 = arith.constant 0 : index
          %get3A_478 = tpu.vector_load %arg7[%get3A_476, %get3A_477] {strides = array<i32>} : memref<200x128xf32, #tpu.memory_space<vmem>>, vector<1x16xf32>,
          %get3A_479 = vector.shape_cast %get3A_478 : vector<1x16xf32> to vector<16xf32>
          %swap3A_480 = arith.constant 5 : i32
          %swap3A_481 = arith.index_cast %swap3A_480 : i32 to index
          %swap3A_482 = arith.index_cast %add3A_474 : i32 to index
          %swap3A_483 = arith.constant 0 : index
          %swap3A_484 = tpu.vector_load %arg8[%swap3A_481, %swap3A_482, %swap3A_483] {strides = array<i32>} : memref<6x100x128xf32, #tpu.memory_space<vmem>>, vector<1x1x16xf32>,
          %swap3A_485 = vector.shape_cast %swap3A_484 : vector<1x1x16xf32> to vector<16xf32>
          %swap3A_486 = vector.shape_cast %get3A_479 : vector<16xf32> to vector<1x1x16xf32>
          tpu.vector_store %arg8[%swap3A_481, %swap3A_482, %swap3A_483], %swap3A_486 {add = true, strides = array<i32>} : memref<6x100x128xf32, #tpu.memory_space<vmem>>, vector<1x1x16xf32>,
          %add3A_487 = arith.addi %select_n3A_228, %add3A_474 : i32
          %get3A_488 = arith.index_cast %add3A_487 : i32 to index
          %get3A_489 = arith.constant 16 : index
          %get3A_490 = tpu.vector_load %arg7[%get3A_488, %get3A_489] {strides = array<i32>} : memref<200x128xf32, #tpu.memory_space<vmem>>, vector<1x16xf32>,
          %get3A_491 = vector.shape_cast %get3A_490 : vector<1x16xf32> to vector<16xf32>
          %swap3A_492 = arith.constant 5 : i32
          %swap3A_493 = arith.index_cast %swap3A_492 : i32 to index
          %swap3A_494 = arith.index_cast %add3A_474 : i32 to index
          %swap3A_495 = arith.constant 16 : index
          %swap3A_496 = tpu.vector_load %arg8[%swap3A_493, %swap3A_494, %swap3A_495] {strides = array<i32>} : memref<6x100x128xf32, #tpu.memory_space<vmem>>, vector<1x1x16xf32>,
          %swap3A_497 = vector.shape_cast %swap3A_496 : vector<1x1x16xf32> to vector<16xf32>
          %swap3A_498 = vector.shape_cast %get3A_491 : vector<16xf32> to vector<1x1x16xf32>
          tpu.vector_store %arg8[%swap3A_493, %swap3A_494, %swap3A_495], %swap3A_498 {add = true, strides = array<i32>} : memref<6x100x128xf32, #tpu.memory_space<vmem>>, vector<1x1x16xf32>,
          %add3A_499 = arith.addi %select_n3A_228, %add3A_474 : i32
          %get3A_500 = arith.index_cast %add3A_499 : i32 to index
          %get3A_501 = arith.constant 32 : index
          %get3A_502 = tpu.vector_load %arg7[%get3A_500, %get3A_501] {strides = array<i32>} : memref<200x128xf32, #tpu.memory_space<vmem>>, vector<1x16xf32>,
          %get3A_503 = vector.shape_cast %get3A_502 : vector<1x16xf32> to vector<16xf32>
          %swap3A_504 = arith.constant 5 : i32
          %swap3A_505 = arith.index_cast %swap3A_504 : i32 to index
          %swap3A_506 = arith.index_cast %add3A_474 : i32 to index
          %swap3A_507 = arith.constant 32 : index
          %swap3A_508 = tpu.vector_load %arg8[%swap3A_505, %swap3A_506, %swap3A_507] {strides = array<i32>} : memref<6x100x128xf32, #tpu.memory_space<vmem>>, vector<1x1x16xf32>,
          %swap3A_509 = vector.shape_cast %swap3A_508 : vector<1x1x16xf32> to vector<16xf32>
          %swap3A_510 = vector.shape_cast %get3A_503 : vector<16xf32> to vector<1x1x16xf32>
          tpu.vector_store %arg8[%swap3A_505, %swap3A_506, %swap3A_507], %swap3A_510 {add = true, strides = array<i32>} : memref<6x100x128xf32, #tpu.memory_space<vmem>>, vector<1x1x16xf32>,
          %add3A_511 = arith.addi %select_n3A_228, %add3A_474 : i32
          %get3A_512 = arith.index_cast %add3A_511 : i32 to index
          %get3A_513 = arith.constant 48 : index
          %get3A_514 = tpu.vector_load %arg7[%get3A_512, %get3A_513] {strides = array<i32>} : memref<200x128xf32, #tpu.memory_space<vmem>>, vector<1x16xf32>,
          %get3A_515 = vector.shape_cast %get3A_514 : vector<1x16xf32> to vector<16xf32>
          %swap3A_516 = arith.constant 5 : i32
          %swap3A_517 = arith.index_cast %swap3A_516 : i32 to index
          %swap3A_518 = arith.index_cast %add3A_474 : i32 to index
          %swap3A_519 = arith.constant 48 : index
          %swap3A_520 = tpu.vector_load %arg8[%swap3A_517, %swap3A_518, %swap3A_519] {strides = array<i32>} : memref<6x100x128xf32, #tpu.memory_space<vmem>>, vector<1x1x16xf32>,
          %swap3A_521 = vector.shape_cast %swap3A_520 : vector<1x1x16xf32> to vector<16xf32>
          %swap3A_522 = vector.shape_cast %get3A_515 : vector<16xf32> to vector<1x1x16xf32>
          tpu.vector_store %arg8[%swap3A_517, %swap3A_518, %swap3A_519], %swap3A_522 {add = true, strides = array<i32>} : memref<6x100x128xf32, #tpu.memory_space<vmem>>, vector<1x1x16xf32>,
          %add3A_523 = arith.addi %select_n3A_228, %add3A_474 : i32
          %get3A_524 = arith.index_cast %add3A_523 : i32 to index
          %get3A_525 = arith.constant 64 : index
          %get3A_526 = tpu.vector_load %arg7[%get3A_524, %get3A_525] {strides = array<i32>} : memref<200x128xf32, #tpu.memory_space<vmem>>, vector<1x16xf32>,
          %get3A_527 = vector.shape_cast %get3A_526 : vector<1x16xf32> to vector<16xf32>
          %swap3A_528 = arith.constant 5 : i32
          %swap3A_529 = arith.index_cast %swap3A_528 : i32 to index
          %swap3A_530 = arith.index_cast %add3A_474 : i32 to index
          %swap3A_531 = arith.constant 64 : index
          %swap3A_532 = tpu.vector_load %arg8[%swap3A_529, %swap3A_530, %swap3A_531] {strides = array<i32>} : memref<6x100x128xf32, #tpu.memory_space<vmem>>, vector<1x1x16xf32>,
          %swap3A_533 = vector.shape_cast %swap3A_532 : vector<1x1x16xf32> to vector<16xf32>
          %swap3A_534 = vector.shape_cast %get3A_527 : vector<16xf32> to vector<1x1x16xf32>
          tpu.vector_store %arg8[%swap3A_529, %swap3A_530, %swap3A_531], %swap3A_534 {add = true, strides = array<i32>} : memref<6x100x128xf32, #tpu.memory_space<vmem>>, vector<1x1x16xf32>,
          %add3A_535 = arith.addi %select_n3A_228, %add3A_474 : i32
          %get3A_536 = arith.index_cast %add3A_535 : i32 to index
          %get3A_537 = arith.constant 80 : index
          %get3A_538 = tpu.vector_load %arg7[%get3A_536, %get3A_537] {strides = array<i32>} : memref<200x128xf32, #tpu.memory_space<vmem>>, vector<1x16xf32>,
          %get3A_539 = vector.shape_cast %get3A_538 : vector<1x16xf32> to vector<16xf32>
          %swap3A_540 = arith.constant 5 : i32
          %swap3A_541 = arith.index_cast %swap3A_540 : i32 to index
          %swap3A_542 = arith.index_cast %add3A_474 : i32 to index
          %swap3A_543 = arith.constant 80 : index
          %swap3A_544 = tpu.vector_load %arg8[%swap3A_541, %swap3A_542, %swap3A_543] {strides = array<i32>} : memref<6x100x128xf32, #tpu.memory_space<vmem>>, vector<1x1x16xf32>,
          %swap3A_545 = vector.shape_cast %swap3A_544 : vector<1x1x16xf32> to vector<16xf32>
          %swap3A_546 = vector.shape_cast %get3A_539 : vector<16xf32> to vector<1x1x16xf32>
          tpu.vector_store %arg8[%swap3A_541, %swap3A_542, %swap3A_543], %swap3A_546 {add = true, strides = array<i32>} : memref<6x100x128xf32, #tpu.memory_space<vmem>>, vector<1x1x16xf32>,
          %add3A_547 = arith.addi %select_n3A_228, %add3A_474 : i32
          %get3A_548 = arith.index_cast %add3A_547 : i32 to index
          %get3A_549 = arith.constant 96 : index
          %get3A_550 = tpu.vector_load %arg7[%get3A_548, %get3A_549] {strides = array<i32>} : memref<200x128xf32, #tpu.memory_space<vmem>>, vector<1x16xf32>,
          %get3A_551 = vector.shape_cast %get3A_550 : vector<1x16xf32> to vector<16xf32>
          %swap3A_552 = arith.constant 5 : i32
          %swap3A_553 = arith.index_cast %swap3A_552 : i32 to index
          %swap3A_554 = arith.index_cast %add3A_474 : i32 to index
          %swap3A_555 = arith.constant 96 : index
          %swap3A_556 = tpu.vector_load %arg8[%swap3A_553, %swap3A_554, %swap3A_555] {strides = array<i32>} : memref<6x100x128xf32, #tpu.memory_space<vmem>>, vector<1x1x16xf32>,
          %swap3A_557 = vector.shape_cast %swap3A_556 : vector<1x1x16xf32> to vector<16xf32>
          %swap3A_558 = vector.shape_cast %get3A_551 : vector<16xf32> to vector<1x1x16xf32>
          tpu.vector_store %arg8[%swap3A_553, %swap3A_554, %swap3A_555], %swap3A_558 {add = true, strides = array<i32>} : memref<6x100x128xf32, #tpu.memory_space<vmem>>, vector<1x1x16xf32>,
          %add3A_559 = arith.addi %select_n3A_228, %add3A_474 : i32
          %get3A_560 = arith.index_cast %add3A_559 : i32 to index
          %get3A_561 = arith.constant 112 : index
          %get3A_562 = tpu.vector_load %arg7[%get3A_560, %get3A_561] {strides = array<i32>} : memref<200x128xf32, #tpu.memory_space<vmem>>, vector<1x16xf32>,
          %get3A_563 = vector.shape_cast %get3A_562 : vector<1x16xf32> to vector<16xf32>
          %swap3A_564 = arith.constant 5 : i32
          %swap3A_565 = arith.index_cast %swap3A_564 : i32 to index
          %swap3A_566 = arith.index_cast %add3A_474 : i32 to index
          %swap3A_567 = arith.constant 112 : index
          %swap3A_568 = tpu.vector_load %arg8[%swap3A_565, %swap3A_566, %swap3A_567] {strides = array<i32>} : memref<6x100x128xf32, #tpu.memory_space<vmem>>, vector<1x1x16xf32>,
          %swap3A_569 = vector.shape_cast %swap3A_568 : vector<1x1x16xf32> to vector<16xf32>
          %swap3A_570 = vector.shape_cast %get3A_563 : vector<16xf32> to vector<1x1x16xf32>
          tpu.vector_store %arg8[%swap3A_565, %swap3A_566, %swap3A_567], %swap3A_570 {add = true, strides = array<i32>} : memref<6x100x128xf32, #tpu.memory_space<vmem>>, vector<1x1x16xf32>,
          %mul3A_571 = arith.constant 5 : i32
          %mul3A_572 = arith.muli %scan3A_271, %mul3A_571 : i32
          %add3A_573 = arith.constant 3 : i32
          %add3A_574 = arith.addi %mul3A_572, %add3A_573 : i32
          %add3A_575 = arith.addi %select_n3A_228, %add3A_574 : i32
          %get3A_576 = arith.index_cast %add3A_575 : i32 to index
          %get3A_577 = arith.constant 0 : index
          %get3A_578 = tpu.vector_load %arg7[%get3A_576, %get3A_577] {strides = array<i32>} : memref<200x128xf32, #tpu.memory_space<vmem>>, vector<1x16xf32>,
          %get3A_579 = vector.shape_cast %get3A_578 : vector<1x16xf32> to vector<16xf32>
          %swap3A_580 = arith.constant 5 : i32
          %swap3A_581 = arith.index_cast %swap3A_580 : i32 to index
          %swap3A_582 = arith.index_cast %add3A_574 : i32 to index
          %swap3A_583 = arith.constant 0 : index
          %swap3A_584 = tpu.vector_load %arg8[%swap3A_581, %swap3A_582, %swap3A_583] {strides = array<i32>} : memref<6x100x128xf32, #tpu.memory_space<vmem>>, vector<1x1x16xf32>,
          %swap3A_585 = vector.shape_cast %swap3A_584 : vector<1x1x16xf32> to vector<16xf32>
          %swap3A_586 = vector.shape_cast %get3A_579 : vector<16xf32> to vector<1x1x16xf32>
          tpu.vector_store %arg8[%swap3A_581, %swap3A_582, %swap3A_583], %swap3A_586 {add = true, strides = array<i32>} : memref<6x100x128xf32, #tpu.memory_space<vmem>>, vector<1x1x16xf32>,
          %add3A_587 = arith.addi %select_n3A_228, %add3A_574 : i32
          %get3A_588 = arith.index_cast %add3A_587 : i32 to index
          %get3A_589 = arith.constant 16 : index
          %get3A_590 = tpu.vector_load %arg7[%get3A_588, %get3A_589] {strides = array<i32>} : memref<200x128xf32, #tpu.memory_space<vmem>>, vector<1x16xf32>,
          %get3A_591 = vector.shape_cast %get3A_590 : vector<1x16xf32> to vector<16xf32>
          %swap3A_592 = arith.constant 5 : i32
          %swap3A_593 = arith.index_cast %swap3A_592 : i32 to index
          %swap3A_594 = arith.index_cast %add3A_574 : i32 to index
          %swap3A_595 = arith.constant 16 : index
          %swap3A_596 = tpu.vector_load %arg8[%swap3A_593, %swap3A_594, %swap3A_595] {strides = array<i32>} : memref<6x100x128xf32, #tpu.memory_space<vmem>>, vector<1x1x16xf32>,
          %swap3A_597 = vector.shape_cast %swap3A_596 : vector<1x1x16xf32> to vector<16xf32>
          %swap3A_598 = vector.shape_cast %get3A_591 : vector<16xf32> to vector<1x1x16xf32>
          tpu.vector_store %arg8[%swap3A_593, %swap3A_594, %swap3A_595], %swap3A_598 {add = true, strides = array<i32>} : memref<6x100x128xf32, #tpu.memory_space<vmem>>, vector<1x1x16xf32>,
          %add3A_599 = arith.addi %select_n3A_228, %add3A_574 : i32
          %get3A_600 = arith.index_cast %add3A_599 : i32 to index
          %get3A_601 = arith.constant 32 : index
          %get3A_602 = tpu.vector_load %arg7[%get3A_600, %get3A_601] {strides = array<i32>} : memref<200x128xf32, #tpu.memory_space<vmem>>, vector<1x16xf32>,
          %get3A_603 = vector.shape_cast %get3A_602 : vector<1x16xf32> to vector<16xf32>
          %swap3A_604 = arith.constant 5 : i32
          %swap3A_605 = arith.index_cast %swap3A_604 : i32 to index
          %swap3A_606 = arith.index_cast %add3A_574 : i32 to index
          %swap3A_607 = arith.constant 32 : index
          %swap3A_608 = tpu.vector_load %arg8[%swap3A_605, %swap3A_606, %swap3A_607] {strides = array<i32>} : memref<6x100x128xf32, #tpu.memory_space<vmem>>, vector<1x1x16xf32>,
          %swap3A_609 = vector.shape_cast %swap3A_608 : vector<1x1x16xf32> to vector<16xf32>
          %swap3A_610 = vector.shape_cast %get3A_603 : vector<16xf32> to vector<1x1x16xf32>
          tpu.vector_store %arg8[%swap3A_605, %swap3A_606, %swap3A_607], %swap3A_610 {add = true, strides = array<i32>} : memref<6x100x128xf32, #tpu.memory_space<vmem>>, vector<1x1x16xf32>,
          %add3A_611 = arith.addi %select_n3A_228, %add3A_574 : i32
          %get3A_612 = arith.index_cast %add3A_611 : i32 to index
          %get3A_613 = arith.constant 48 : index
          %get3A_614 = tpu.vector_load %arg7[%get3A_612, %get3A_613] {strides = array<i32>} : memref<200x128xf32, #tpu.memory_space<vmem>>, vector<1x16xf32>,
          %get3A_615 = vector.shape_cast %get3A_614 : vector<1x16xf32> to vector<16xf32>
          %swap3A_616 = arith.constant 5 : i32
          %swap3A_617 = arith.index_cast %swap3A_616 : i32 to index
          %swap3A_618 = arith.index_cast %add3A_574 : i32 to index
          %swap3A_619 = arith.constant 48 : index
          %swap3A_620 = tpu.vector_load %arg8[%swap3A_617, %swap3A_618, %swap3A_619] {strides = array<i32>} : memref<6x100x128xf32, #tpu.memory_space<vmem>>, vector<1x1x16xf32>,
          %swap3A_621 = vector.shape_cast %swap3A_620 : vector<1x1x16xf32> to vector<16xf32>
          %swap3A_622 = vector.shape_cast %get3A_615 : vector<16xf32> to vector<1x1x16xf32>
          tpu.vector_store %arg8[%swap3A_617, %swap3A_618, %swap3A_619], %swap3A_622 {add = true, strides = array<i32>} : memref<6x100x128xf32, #tpu.memory_space<vmem>>, vector<1x1x16xf32>,
          %add3A_623 = arith.addi %select_n3A_228, %add3A_574 : i32
          %get3A_624 = arith.index_cast %add3A_623 : i32 to index
          %get3A_625 = arith.constant 64 : index
          %get3A_626 = tpu.vector_load %arg7[%get3A_624, %get3A_625] {strides = array<i32>} : memref<200x128xf32, #tpu.memory_space<vmem>>, vector<1x16xf32>,
          %get3A_627 = vector.shape_cast %get3A_626 : vector<1x16xf32> to vector<16xf32>
          %swap3A_628 = arith.constant 5 : i32
          %swap3A_629 = arith.index_cast %swap3A_628 : i32 to index
          %swap3A_630 = arith.index_cast %add3A_574 : i32 to index
          %swap3A_631 = arith.constant 64 : index
          %swap3A_632 = tpu.vector_load %arg8[%swap3A_629, %swap3A_630, %swap3A_631] {strides = array<i32>} : memref<6x100x128xf32, #tpu.memory_space<vmem>>, vector<1x1x16xf32>,
          %swap3A_633 = vector.shape_cast %swap3A_632 : vector<1x1x16xf32> to vector<16xf32>
          %swap3A_634 = vector.shape_cast %get3A_627 : vector<16xf32> to vector<1x1x16xf32>
          tpu.vector_store %arg8[%swap3A_629, %swap3A_630, %swap3A_631], %swap3A_634 {add = true, strides = array<i32>} : memref<6x100x128xf32, #tpu.memory_space<vmem>>, vector<1x1x16xf32>,
          %add3A_635 = arith.addi %select_n3A_228, %add3A_574 : i32
          %get3A_636 = arith.index_cast %add3A_635 : i32 to index
          %get3A_637 = arith.constant 80 : index
          %get3A_638 = tpu.vector_load %arg7[%get3A_636, %get3A_637] {strides = array<i32>} : memref<200x128xf32, #tpu.memory_space<vmem>>, vector<1x16xf32>,
          %get3A_639 = vector.shape_cast %get3A_638 : vector<1x16xf32> to vector<16xf32>
          %swap3A_640 = arith.constant 5 : i32
          %swap3A_641 = arith.index_cast %swap3A_640 : i32 to index
          %swap3A_642 = arith.index_cast %add3A_574 : i32 to index
          %swap3A_643 = arith.constant 80 : index
          %swap3A_644 = tpu.vector_load %arg8[%swap3A_641, %swap3A_642, %swap3A_643] {strides = array<i32>} : memref<6x100x128xf32, #tpu.memory_space<vmem>>, vector<1x1x16xf32>,
          %swap3A_645 = vector.shape_cast %swap3A_644 : vector<1x1x16xf32> to vector<16xf32>
          %swap3A_646 = vector.shape_cast %get3A_639 : vector<16xf32> to vector<1x1x16xf32>
          tpu.vector_store %arg8[%swap3A_641, %swap3A_642, %swap3A_643], %swap3A_646 {add = true, strides = array<i32>} : memref<6x100x128xf32, #tpu.memory_space<vmem>>, vector<1x1x16xf32>,
          %add3A_647 = arith.addi %select_n3A_228, %add3A_574 : i32
          %get3A_648 = arith.index_cast %add3A_647 : i32 to index
          %get3A_649 = arith.constant 96 : index
          %get3A_650 = tpu.vector_load %arg7[%get3A_648, %get3A_649] {strides = array<i32>} : memref<200x128xf32, #tpu.memory_space<vmem>>, vector<1x16xf32>,
          %get3A_651 = vector.shape_cast %get3A_650 : vector<1x16xf32> to vector<16xf32>
          %swap3A_652 = arith.constant 5 : i32
          %swap3A_653 = arith.index_cast %swap3A_652 : i32 to index
          %swap3A_654 = arith.index_cast %add3A_574 : i32 to index
          %swap3A_655 = arith.constant 96 : index
          %swap3A_656 = tpu.vector_load %arg8[%swap3A_653, %swap3A_654, %swap3A_655] {strides = array<i32>} : memref<6x100x128xf32, #tpu.memory_space<vmem>>, vector<1x1x16xf32>,
          %swap3A_657 = vector.shape_cast %swap3A_656 : vector<1x1x16xf32> to vector<16xf32>
          %swap3A_658 = vector.shape_cast %get3A_651 : vector<16xf32> to vector<1x1x16xf32>
          tpu.vector_store %arg8[%swap3A_653, %swap3A_654, %swap3A_655], %swap3A_658 {add = true, strides = array<i32>} : memref<6x100x128xf32, #tpu.memory_space<vmem>>, vector<1x1x16xf32>,
          %add3A_659 = arith.addi %select_n3A_228, %add3A_574 : i32
          %get3A_660 = arith.index_cast %add3A_659 : i32 to index
          %get3A_661 = arith.constant 112 : index
          %get3A_662 = tpu.vector_load %arg7[%get3A_660, %get3A_661] {strides = array<i32>} : memref<200x128xf32, #tpu.memory_space<vmem>>, vector<1x16xf32>,
          %get3A_663 = vector.shape_cast %get3A_662 : vector<1x16xf32> to vector<16xf32>
          %swap3A_664 = arith.constant 5 : i32
          %swap3A_665 = arith.index_cast %swap3A_664 : i32 to index
          %swap3A_666 = arith.index_cast %add3A_574 : i32 to index
          %swap3A_667 = arith.constant 112 : index
          %swap3A_668 = tpu.vector_load %arg8[%swap3A_665, %swap3A_666, %swap3A_667] {strides = array<i32>} : memref<6x100x128xf32, #tpu.memory_space<vmem>>, vector<1x1x16xf32>,
          %swap3A_669 = vector.shape_cast %swap3A_668 : vector<1x1x16xf32> to vector<16xf32>
          %swap3A_670 = vector.shape_cast %get3A_663 : vector<16xf32> to vector<1x1x16xf32>
          tpu.vector_store %arg8[%swap3A_665, %swap3A_666, %swap3A_667], %swap3A_670 {add = true, strides = array<i32>} : memref<6x100x128xf32, #tpu.memory_space<vmem>>, vector<1x1x16xf32>,
          %mul3A_671 = arith.constant 5 : i32
          %mul3A_672 = arith.muli %scan3A_271, %mul3A_671 : i32
          %add3A_673 = arith.constant 4 : i32
          %add3A_674 = arith.addi %mul3A_672, %add3A_673 : i32
          %add3A_675 = arith.addi %select_n3A_228, %add3A_674 : i32
          %get3A_676 = arith.index_cast %add3A_675 : i32 to index
          %get3A_677 = arith.constant 0 : index
          %get3A_678 = tpu.vector_load %arg7[%get3A_676, %get3A_677] {strides = array<i32>} : memref<200x128xf32, #tpu.memory_space<vmem>>, vector<1x16xf32>,
          %get3A_679 = vector.shape_cast %get3A_678 : vector<1x16xf32> to vector<16xf32>
          %swap3A_680 = arith.constant 5 : i32
          %swap3A_681 = arith.index_cast %swap3A_680 : i32 to index
          %swap3A_682 = arith.index_cast %add3A_674 : i32 to index
          %swap3A_683 = arith.constant 0 : index
          %swap3A_684 = tpu.vector_load %arg8[%swap3A_681, %swap3A_682, %swap3A_683] {strides = array<i32>} : memref<6x100x128xf32, #tpu.memory_space<vmem>>, vector<1x1x16xf32>,
          %swap3A_685 = vector.shape_cast %swap3A_684 : vector<1x1x16xf32> to vector<16xf32>
          %swap3A_686 = vector.shape_cast %get3A_679 : vector<16xf32> to vector<1x1x16xf32>
          tpu.vector_store %arg8[%swap3A_681, %swap3A_682, %swap3A_683], %swap3A_686 {add = true, strides = array<i32>} : memref<6x100x128xf32, #tpu.memory_space<vmem>>, vector<1x1x16xf32>,
          %add3A_687 = arith.addi %select_n3A_228, %add3A_674 : i32
          %get3A_688 = arith.index_cast %add3A_687 : i32 to index
          %get3A_689 = arith.constant 16 : index
          %get3A_690 = tpu.vector_load %arg7[%get3A_688, %get3A_689] {strides = array<i32>} : memref<200x128xf32, #tpu.memory_space<vmem>>, vector<1x16xf32>,
          %get3A_691 = vector.shape_cast %get3A_690 : vector<1x16xf32> to vector<16xf32>
          %swap3A_692 = arith.constant 5 : i32
          %swap3A_693 = arith.index_cast %swap3A_692 : i32 to index
          %swap3A_694 = arith.index_cast %add3A_674 : i32 to index
          %swap3A_695 = arith.constant 16 : index
          %swap3A_696 = tpu.vector_load %arg8[%swap3A_693, %swap3A_694, %swap3A_695] {strides = array<i32>} : memref<6x100x128xf32, #tpu.memory_space<vmem>>, vector<1x1x16xf32>,
          %swap3A_697 = vector.shape_cast %swap3A_696 : vector<1x1x16xf32> to vector<16xf32>
          %swap3A_698 = vector.shape_cast %get3A_691 : vector<16xf32> to vector<1x1x16xf32>
          tpu.vector_store %arg8[%swap3A_693, %swap3A_694, %swap3A_695], %swap3A_698 {add = true, strides = array<i32>} : memref<6x100x128xf32, #tpu.memory_space<vmem>>, vector<1x1x16xf32>,
          %add3A_699 = arith.addi %select_n3A_228, %add3A_674 : i32
          %get3A_700 = arith.index_cast %add3A_699 : i32 to index
          %get3A_701 = arith.constant 32 : index
          %get3A_702 = tpu.vector_load %arg7[%get3A_700, %get3A_701] {strides = array<i32>} : memref<200x128xf32, #tpu.memory_space<vmem>>, vector<1x16xf32>,
          %get3A_703 = vector.shape_cast %get3A_702 : vector<1x16xf32> to vector<16xf32>
          %swap3A_704 = arith.constant 5 : i32
          %swap3A_705 = arith.index_cast %swap3A_704 : i32 to index
          %swap3A_706 = arith.index_cast %add3A_674 : i32 to index
          %swap3A_707 = arith.constant 32 : index
          %swap3A_708 = tpu.vector_load %arg8[%swap3A_705, %swap3A_706, %swap3A_707] {strides = array<i32>} : memref<6x100x128xf32, #tpu.memory_space<vmem>>, vector<1x1x16xf32>,
          %swap3A_709 = vector.shape_cast %swap3A_708 : vector<1x1x16xf32> to vector<16xf32>
          %swap3A_710 = vector.shape_cast %get3A_703 : vector<16xf32> to vector<1x1x16xf32>
          tpu.vector_store %arg8[%swap3A_705, %swap3A_706, %swap3A_707], %swap3A_710 {add = true, strides = array<i32>} : memref<6x100x128xf32, #tpu.memory_space<vmem>>, vector<1x1x16xf32>,
          %add3A_711 = arith.addi %select_n3A_228, %add3A_674 : i32
          %get3A_712 = arith.index_cast %add3A_711 : i32 to index
          %get3A_713 = arith.constant 48 : index
          %get3A_714 = tpu.vector_load %arg7[%get3A_712, %get3A_713] {strides = array<i32>} : memref<200x128xf32, #tpu.memory_space<vmem>>, vector<1x16xf32>,
          %get3A_715 = vector.shape_cast %get3A_714 : vector<1x16xf32> to vector<16xf32>
          %swap3A_716 = arith.constant 5 : i32
          %swap3A_717 = arith.index_cast %swap3A_716 : i32 to index
          %swap3A_718 = arith.index_cast %add3A_674 : i32 to index
          %swap3A_719 = arith.constant 48 : index
          %swap3A_720 = tpu.vector_load %arg8[%swap3A_717, %swap3A_718, %swap3A_719] {strides = array<i32>} : memref<6x100x128xf32, #tpu.memory_space<vmem>>, vector<1x1x16xf32>,
          %swap3A_721 = vector.shape_cast %swap3A_720 : vector<1x1x16xf32> to vector<16xf32>
          %swap3A_722 = vector.shape_cast %get3A_715 : vector<16xf32> to vector<1x1x16xf32>
          tpu.vector_store %arg8[%swap3A_717, %swap3A_718, %swap3A_719], %swap3A_722 {add = true, strides = array<i32>} : memref<6x100x128xf32, #tpu.memory_space<vmem>>, vector<1x1x16xf32>,
          %add3A_723 = arith.addi %select_n3A_228, %add3A_674 : i32
          %get3A_724 = arith.index_cast %add3A_723 : i32 to index
          %get3A_725 = arith.constant 64 : index
          %get3A_726 = tpu.vector_load %arg7[%get3A_724, %get3A_725] {strides = array<i32>} : memref<200x128xf32, #tpu.memory_space<vmem>>, vector<1x16xf32>,
          %get3A_727 = vector.shape_cast %get3A_726 : vector<1x16xf32> to vector<16xf32>
          %swap3A_728 = arith.constant 5 : i32
          %swap3A_729 = arith.index_cast %swap3A_728 : i32 to index
          %swap3A_730 = arith.index_cast %add3A_674 : i32 to index
          %swap3A_731 = arith.constant 64 : index
          %swap3A_732 = tpu.vector_load %arg8[%swap3A_729, %swap3A_730, %swap3A_731] {strides = array<i32>} : memref<6x100x128xf32, #tpu.memory_space<vmem>>, vector<1x1x16xf32>,
          %swap3A_733 = vector.shape_cast %swap3A_732 : vector<1x1x16xf32> to vector<16xf32>
          %swap3A_734 = vector.shape_cast %get3A_727 : vector<16xf32> to vector<1x1x16xf32>
          tpu.vector_store %arg8[%swap3A_729, %swap3A_730, %swap3A_731], %swap3A_734 {add = true, strides = array<i32>} : memref<6x100x128xf32, #tpu.memory_space<vmem>>, vector<1x1x16xf32>,
          %add3A_735 = arith.addi %select_n3A_228, %add3A_674 : i32
          %get3A_736 = arith.index_cast %add3A_735 : i32 to index
          %get3A_737 = arith.constant 80 : index
          %get3A_738 = tpu.vector_load %arg7[%get3A_736, %get3A_737] {strides = array<i32>} : memref<200x128xf32, #tpu.memory_space<vmem>>, vector<1x16xf32>,
          %get3A_739 = vector.shape_cast %get3A_738 : vector<1x16xf32> to vector<16xf32>
          %swap3A_740 = arith.constant 5 : i32
          %swap3A_741 = arith.index_cast %swap3A_740 : i32 to index
          %swap3A_742 = arith.index_cast %add3A_674 : i32 to index
          %swap3A_743 = arith.constant 80 : index
          %swap3A_744 = tpu.vector_load %arg8[%swap3A_741, %swap3A_742, %swap3A_743] {strides = array<i32>} : memref<6x100x128xf32, #tpu.memory_space<vmem>>, vector<1x1x16xf32>,
          %swap3A_745 = vector.shape_cast %swap3A_744 : vector<1x1x16xf32> to vector<16xf32>
          %swap3A_746 = vector.shape_cast %get3A_739 : vector<16xf32> to vector<1x1x16xf32>
          tpu.vector_store %arg8[%swap3A_741, %swap3A_742, %swap3A_743], %swap3A_746 {add = true, strides = array<i32>} : memref<6x100x128xf32, #tpu.memory_space<vmem>>, vector<1x1x16xf32>,
          %add3A_747 = arith.addi %select_n3A_228, %add3A_674 : i32
          %get3A_748 = arith.index_cast %add3A_747 : i32 to index
          %get3A_749 = arith.constant 96 : index
          %get3A_750 = tpu.vector_load %arg7[%get3A_748, %get3A_749] {strides = array<i32>} : memref<200x128xf32, #tpu.memory_space<vmem>>, vector<1x16xf32>,
          %get3A_751 = vector.shape_cast %get3A_750 : vector<1x16xf32> to vector<16xf32>
          %swap3A_752 = arith.constant 5 : i32
          %swap3A_753 = arith.index_cast %swap3A_752 : i32 to index
          %swap3A_754 = arith.index_cast %add3A_674 : i32 to index
          %swap3A_755 = arith.constant 96 : index
          %swap3A_756 = tpu.vector_load %arg8[%swap3A_753, %swap3A_754, %swap3A_755] {strides = array<i32>} : memref<6x100x128xf32, #tpu.memory_space<vmem>>, vector<1x1x16xf32>,
          %swap3A_757 = vector.shape_cast %swap3A_756 : vector<1x1x16xf32> to vector<16xf32>
          %swap3A_758 = vector.shape_cast %get3A_751 : vector<16xf32> to vector<1x1x16xf32>
          tpu.vector_store %arg8[%swap3A_753, %swap3A_754, %swap3A_755], %swap3A_758 {add = true, strides = array<i32>} : memref<6x100x128xf32, #tpu.memory_space<vmem>>, vector<1x1x16xf32>,
          %add3A_759 = arith.addi %select_n3A_228, %add3A_674 : i32
          %get3A_760 = arith.index_cast %add3A_759 : i32 to index
          %get3A_761 = arith.constant 112 : index
          %get3A_762 = tpu.vector_load %arg7[%get3A_760, %get3A_761] {strides = array<i32>} : memref<200x128xf32, #tpu.memory_space<vmem>>, vector<1x16xf32>,
          %get3A_763 = vector.shape_cast %get3A_762 : vector<1x16xf32> to vector<16xf32>
          %swap3A_764 = arith.constant 5 : i32
          %swap3A_765 = arith.index_cast %swap3A_764 : i32 to index
          %swap3A_766 = arith.index_cast %add3A_674 : i32 to index
          %swap3A_767 = arith.constant 112 : index
          %swap3A_768 = tpu.vector_load %arg8[%swap3A_765, %swap3A_766, %swap3A_767] {strides = array<i32>} : memref<6x100x128xf32, #tpu.memory_space<vmem>>, vector<1x1x16xf32>,
          %swap3A_769 = vector.shape_cast %swap3A_768 : vector<1x1x16xf32> to vector<16xf32>
          %swap3A_770 = vector.shape_cast %get3A_763 : vector<16xf32> to vector<1x1x16xf32>
          tpu.vector_store %arg8[%swap3A_765, %swap3A_766, %swap3A_767], %swap3A_770 {add = true, strides = array<i32>} : memref<6x100x128xf32, #tpu.memory_space<vmem>>, vector<1x1x16xf32>,
          %scan3A_771 = arith.constant 0 : i32
          scf.yield %scan3A_771 : i32
        }
        %scan3A_235 = arith.constant 20 : i32
        %mul3A_236 = arith.constant 100 : i32
        %mul3A_237 = arith.muli %add3A_195, %mul3A_236 : i32
        %add3A_238 = arith.addi %mul3A_2, %mul3A_237 : i32
        %dma_start3A_239 = arith.constant 5 : i32
        %dma_start3A_240 = arith.constant 5 : i32
        %dma_start3A_241 = arith.constant 0 : i32
        %dma_start3A_242 = arith.constant 0 : i32
        %dma_start3A_243 = tpu.memref_slice %arg8[%dma_start3A_239, %dma_start3A_241, %dma_start3A_242] : memref<6x100x128xf32, #tpu.memory_space<vmem>> -> memref<1x100x128xf32, #tpu.memory_space<vmem>>
        %dma_start3A_244 = tpu.memref_squeeze %dma_start3A_243 : memref<1x100x128xf32, #tpu.memory_space<vmem>> -> memref<100x128xf32, #tpu.memory_space<vmem>>
        %dma_start3A_245 = arith.constant 0 : i32
        %dma_start3A_246 = tpu.memref_slice %arg5[%add3A_238, %dma_start3A_245] : memref<204800x128xf32, #tpu.memory_space<hbm>> -> memref<100x128xf32, #tpu.memory_space<hbm>>
        %dma_start3A_247 = tpu.memref_slice %arg10[%dma_start3A_240] : memref<6x!tpu.dma_semaphore, #tpu.memory_space<semaphore_mem>> -> memref<1x!tpu.dma_semaphore, #tpu.memory_space<semaphore_mem>>
        %dma_start3A_248 = tpu.memref_squeeze %dma_start3A_247 : memref<1x!tpu.dma_semaphore, #tpu.memory_space<semaphore_mem>> -> memref<!tpu.dma_semaphore, #tpu.memory_space<semaphore_mem>>
        %dma_start3A_249 = arith.constant 0 : i32
        %dma_start3A_250 = tpu.memref_slice %arg5[%add3A_238, %dma_start3A_249] : memref<204800x128xf32, #tpu.memory_space<hbm>> -> memref<100x128xf32, #tpu.memory_space<hbm>>
        %dma_start3A_251 = arith.constant 0 : i32
        %dma_start3A_252 = arith.constant 0 : i32
        %dma_start3A_253 = tpu.memref_slice %arg8[%dma_start3A_239, %dma_start3A_251, %dma_start3A_252] : memref<6x100x128xf32, #tpu.memory_space<vmem>> -> memref<1x100x128xf32, #tpu.memory_space<vmem>>
        %dma_start3A_254 = tpu.memref_squeeze %dma_start3A_253 : memref<1x100x128xf32, #tpu.memory_space<vmem>> -> memref<100x128xf32, #tpu.memory_space<vmem>>
        tpu.enqueue_dma source(%dma_start3A_254 : memref<100x128xf32, #tpu.memory_space<vmem>>) target(%dma_start3A_250 : memref<100x128xf32, #tpu.memory_space<hbm>>) target_semaphore(%dma_start3A_248 : memref<!tpu.dma_semaphore, #tpu.memory_space<semaphore_mem>>)
        %ge3A = arith.constant 3 : i32
        %ge3A_255 = arith.cmpi sge, %add3A_195, %ge3A : i32
        %add3A_256 = arith.constant 3 : i32
        %add3A_257 = arith.addi %add3A_195, %add3A_256 : i32
        %lt3A_258 = arith.constant 64 : i32
        %lt3A_259 = arith.cmpi slt, %add3A_257, %lt3A_258 : i32
        %and3A_260 = arith.andi %ge3A_255, %lt3A_259 : i1
        %convert_element_type3A_261 = arith.extui %and3A_260 : i1 to i32
        %cond3A_262 = arith.constant 0 : i32
        %cond3A_263 = arith.cmpi ne, %convert_element_type3A_261, %cond3A_262 : i32
        scf.if %cond3A_263 {
          %dma_wait3A_271 = arith.constant 2 : i32
          %dma_wait3A_272 = arith.constant 2 : i32
          %dma_wait3A_273 = arith.constant 0 : i32
          %dma_wait3A_274 = arith.constant 0 : i32
          %dma_wait3A_275 = tpu.memref_slice %arg8[%dma_wait3A_271, %dma_wait3A_273, %dma_wait3A_274] : memref<6x100x128xf32, #tpu.memory_space<vmem>> -> memref<1x100x128xf32, #tpu.memory_space<vmem>>
          %dma_wait3A_276 = tpu.memref_squeeze %dma_wait3A_275 : memref<1x100x128xf32, #tpu.memory_space<vmem>> -> memref<100x128xf32, #tpu.memory_space<vmem>>
          %dma_wait3A_277 = arith.constant 0 : i32
          %dma_wait3A_278 = tpu.memref_slice %arg5[%mul3A_2, %dma_wait3A_277] : memref<204800x128xf32, #tpu.memory_space<hbm>> -> memref<100x128xf32, #tpu.memory_space<hbm>>
          %dma_wait3A_279 = tpu.memref_slice %arg10[%dma_wait3A_272] : memref<6x!tpu.dma_semaphore, #tpu.memory_space<semaphore_mem>> -> memref<1x!tpu.dma_semaphore, #tpu.memory_space<semaphore_mem>>
          %dma_wait3A_280 = tpu.memref_squeeze %dma_wait3A_279 : memref<1x!tpu.dma_semaphore, #tpu.memory_space<semaphore_mem>> -> memref<!tpu.dma_semaphore, #tpu.memory_space<semaphore_mem>>
          %dma_wait3A_281 = arith.constant 0 : i32
          %dma_wait3A_282 = tpu.memref_slice %arg5[%mul3A_2, %dma_wait3A_281] : memref<204800x128xf32, #tpu.memory_space<hbm>> -> memref<100x128xf32, #tpu.memory_space<hbm>>
          %dma_wait3A_283 = arith.constant 0 : i32
          %dma_wait3A_284 = arith.constant 0 : i32
          %dma_wait3A_285 = tpu.memref_slice %arg8[%dma_wait3A_271, %dma_wait3A_283, %dma_wait3A_284] : memref<6x100x128xf32, #tpu.memory_space<vmem>> -> memref<1x100x128xf32, #tpu.memory_space<vmem>>
          %dma_wait3A_286 = tpu.memref_squeeze %dma_wait3A_285 : memref<1x100x128xf32, #tpu.memory_space<vmem>> -> memref<100x128xf32, #tpu.memory_space<vmem>>
          tpu.wait_dma2 semaphore(%dma_wait3A_280 : memref<!tpu.dma_semaphore, #tpu.memory_space<semaphore_mem>>) src(%dma_wait3A_286 : memref<100x128xf32, #tpu.memory_space<vmem>>) dst(%dma_wait3A_282 : memref<100x128xf32, #tpu.memory_space<hbm>>)
        } else {
        }
        %add3A_264 = arith.constant 3 : i32
        %add3A_265 = arith.addi %add3A_195, %add3A_264 : i32
        %lt3A_266 = arith.constant 64 : i32
        %lt3A_267 = arith.cmpi slt, %add3A_265, %lt3A_266 : i32
        %convert_element_type3A_268 = arith.extui %lt3A_267 : i1 to i32
        %cond3A_269 = arith.constant 0 : i32
        %cond3A_270 = arith.cmpi ne, %convert_element_type3A_268, %cond3A_269 : i32
        scf.if %cond3A_270 {
          %add3A_271 = arith.constant 3 : i32
          %add3A_272 = arith.addi %add3A_195, %add3A_271 : i32
          %dma_start3A_273 = arith.constant 2 : i32
          %dma_start3A_274 = arith.constant 2 : i32
          %dma_start3A_275 = arith.constant 0 : i32
          %dma_start3A_276 = arith.constant 0 : i32
          %dma_start3A_277 = tpu.memref_slice %arg8[%dma_start3A_273, %dma_start3A_275, %dma_start3A_276] : memref<6x100x128xf32, #tpu.memory_space<vmem>> -> memref<1x100x128xf32, #tpu.memory_space<vmem>>
          %dma_start3A_278 = tpu.memref_squeeze %dma_start3A_277 : memref<1x100x128xf32, #tpu.memory_space<vmem>> -> memref<100x128xf32, #tpu.memory_space<vmem>>
          %dma_start3A_279 = arith.constant 0 : i32
          %dma_start3A_280 = tpu.memref_slice %arg6[%add3A_272, %dma_start3A_279] : memref<64x100xi32, #tpu.memory_space<vmem>> -> memref<1x100xi32, #tpu.memory_space<vmem>>
          %dma_start3A_281 = tpu.memref_squeeze %dma_start3A_280 : memref<1x100xi32, #tpu.memory_space<vmem>> -> memref<100xi32, #tpu.memory_space<vmem>>
          %dma_start3A_282 = arith.constant 0 : i32
          %dma_start3A_283 = arith.constant 0 : i32
          %dma_start3A_284 = tpu.memref_slice %arg3[%dma_start3A_282, %dma_start3A_283] : memref<100000x128xf32, #tpu.memory_space<hbm>> -> memref<100000x128xf32, #tpu.memory_space<hbm>>
          %dma_start3A_285 = tpu.memref_slice %arg9[%dma_start3A_274] : memref<6x!tpu.dma_semaphore, #tpu.memory_space<semaphore_mem>> -> memref<1x!tpu.dma_semaphore, #tpu.memory_space<semaphore_mem>>
          %dma_start3A_286 = tpu.memref_squeeze %dma_start3A_285 : memref<1x!tpu.dma_semaphore, #tpu.memory_space<semaphore_mem>> -> memref<!tpu.dma_semaphore, #tpu.memory_space<semaphore_mem>>
          tpu.enqueue_indirect_dma source(%dma_start3A_284 : memref<100000x128xf32, #tpu.memory_space<hbm>>) target(%dma_start3A_278 : memref<100x128xf32, #tpu.memory_space<vmem>>) offsets(%dma_start3A_281 : memref<100xi32, #tpu.memory_space<vmem>>) semaphore(%dma_start3A_286 : memref<!tpu.dma_semaphore, #tpu.memory_space<semaphore_mem>>)
        } else {
        }
      } else {
      }
      %scan3A_201 = arith.constant 0 : i32
      scf.yield %scan3A_201 : i32
    }
    %scan3A_52 = arith.constant 11 : i32
    %dma_wait3A = arith.constant 0 : i32
    %dma_wait3A_53 = arith.constant 0 : i32
    %dma_wait3A_54 = arith.constant 0 : i32
    %dma_wait3A_55 = arith.constant 0 : i32
    %dma_wait3A_56 = tpu.memref_slice %arg8[%dma_wait3A, %dma_wait3A_54, %dma_wait3A_55] : memref<6x100x128xf32, #tpu.memory_space<vmem>> -> memref<1x100x128xf32, #tpu.memory_space<vmem>>
    %dma_wait3A_57 = tpu.memref_squeeze %dma_wait3A_56 : memref<1x100x128xf32, #tpu.memory_space<vmem>> -> memref<100x128xf32, #tpu.memory_space<vmem>>
    %dma_wait3A_58 = arith.constant 0 : i32
    %dma_wait3A_59 = tpu.memref_slice %arg5[%mul3A_2, %dma_wait3A_58] : memref<204800x128xf32, #tpu.memory_space<hbm>> -> memref<100x128xf32, #tpu.memory_space<hbm>>
    %dma_wait3A_60 = tpu.memref_slice %arg10[%dma_wait3A_53] : memref<6x!tpu.dma_semaphore, #tpu.memory_space<semaphore_mem>> -> memref<1x!tpu.dma_semaphore, #tpu.memory_space<semaphore_mem>>
    %dma_wait3A_61 = tpu.memref_squeeze %dma_wait3A_60 : memref<1x!tpu.dma_semaphore, #tpu.memory_space<semaphore_mem>> -> memref<!tpu.dma_semaphore, #tpu.memory_space<semaphore_mem>>
    %dma_wait3A_62 = arith.constant 0 : i32
    %dma_wait3A_63 = tpu.memref_slice %arg5[%mul3A_2, %dma_wait3A_62] : memref<204800x128xf32, #tpu.memory_space<hbm>> -> memref<100x128xf32, #tpu.memory_space<hbm>>
    %dma_wait3A_64 = arith.constant 0 : i32
    %dma_wait3A_65 = arith.constant 0 : i32
    %dma_wait3A_66 = tpu.memref_slice %arg8[%dma_wait3A, %dma_wait3A_64, %dma_wait3A_65] : memref<6x100x128xf32, #tpu.memory_space<vmem>> -> memref<1x100x128xf32, #tpu.memory_space<vmem>>
    %dma_wait3A_67 = tpu.memref_squeeze %dma_wait3A_66 : memref<1x100x128xf32, #tpu.memory_space<vmem>> -> memref<100x128xf32, #tpu.memory_space<vmem>>
    tpu.wait_dma2 semaphore(%dma_wait3A_61 : memref<!tpu.dma_semaphore, #tpu.memory_space<semaphore_mem>>) src(%dma_wait3A_67 : memref<100x128xf32, #tpu.memory_space<vmem>>) dst(%dma_wait3A_63 : memref<100x128xf32, #tpu.memory_space<hbm>>)
    %dma_wait3A_68 = arith.constant 1 : i32
    %dma_wait3A_69 = arith.constant 1 : i32
    %dma_wait3A_70 = arith.constant 0 : i32
    %dma_wait3A_71 = arith.constant 0 : i32
    %dma_wait3A_72 = tpu.memref_slice %arg8[%dma_wait3A_68, %dma_wait3A_70, %dma_wait3A_71] : memref<6x100x128xf32, #tpu.memory_space<vmem>> -> memref<1x100x128xf32, #tpu.memory_space<vmem>>
    %dma_wait3A_73 = tpu.memref_squeeze %dma_wait3A_72 : memref<1x100x128xf32, #tpu.memory_space<vmem>> -> memref<100x128xf32, #tpu.memory_space<vmem>>
    %dma_wait3A_74 = arith.constant 0 : i32
    %dma_wait3A_75 = tpu.memref_slice %arg5[%mul3A_2, %dma_wait3A_74] : memref<204800x128xf32, #tpu.memory_space<hbm>> -> memref<100x128xf32, #tpu.memory_space<hbm>>
    %dma_wait3A_76 = tpu.memref_slice %arg10[%dma_wait3A_69] : memref<6x!tpu.dma_semaphore, #tpu.memory_space<semaphore_mem>> -> memref<1x!tpu.dma_semaphore, #tpu.memory_space<semaphore_mem>>
    %dma_wait3A_77 = tpu.memref_squeeze %dma_wait3A_76 : memref<1x!tpu.dma_semaphore, #tpu.memory_space<semaphore_mem>> -> memref<!tpu.dma_semaphore, #tpu.memory_space<semaphore_mem>>
    %dma_wait3A_78 = arith.constant 0 : i32
    %dma_wait3A_79 = tpu.memref_slice %arg5[%mul3A_2, %dma_wait3A_78] : memref<204800x128xf32, #tpu.memory_space<hbm>> -> memref<100x128xf32, #tpu.memory_space<hbm>>
    %dma_wait3A_80 = arith.constant 0 : i32
    %dma_wait3A_81 = arith.constant 0 : i32
    %dma_wait3A_82 = tpu.memref_slice %arg8[%dma_wait3A_68, %dma_wait3A_80, %dma_wait3A_81] : memref<6x100x128xf32, #tpu.memory_space<vmem>> -> memref<1x100x128xf32, #tpu.memory_space<vmem>>
    %dma_wait3A_83 = tpu.memref_squeeze %dma_wait3A_82 : memref<1x100x128xf32, #tpu.memory_space<vmem>> -> memref<100x128xf32, #tpu.memory_space<vmem>>
    tpu.wait_dma2 semaphore(%dma_wait3A_77 : memref<!tpu.dma_semaphore, #tpu.memory_space<semaphore_mem>>) src(%dma_wait3A_83 : memref<100x128xf32, #tpu.memory_space<vmem>>) dst(%dma_wait3A_79 : memref<100x128xf32, #tpu.memory_space<hbm>>)
    %dma_wait3A_84 = arith.constant 2 : i32
    %dma_wait3A_85 = arith.constant 2 : i32
    %dma_wait3A_86 = arith.constant 0 : i32
    %dma_wait3A_87 = arith.constant 0 : i32
    %dma_wait3A_88 = tpu.memref_slice %arg8[%dma_wait3A_84, %dma_wait3A_86, %dma_wait3A_87] : memref<6x100x128xf32, #tpu.memory_space<vmem>> -> memref<1x100x128xf32, #tpu.memory_space<vmem>>
    %dma_wait3A_89 = tpu.memref_squeeze %dma_wait3A_88 : memref<1x100x128xf32, #tpu.memory_space<vmem>> -> memref<100x128xf32, #tpu.memory_space<vmem>>
    %dma_wait3A_90 = arith.constant 0 : i32
    %dma_wait3A_91 = tpu.memref_slice %arg5[%mul3A_2, %dma_wait3A_90] : memref<204800x128xf32, #tpu.memory_space<hbm>> -> memref<100x128xf32, #tpu.memory_space<hbm>>
    %dma_wait3A_92 = tpu.memref_slice %arg10[%dma_wait3A_85] : memref<6x!tpu.dma_semaphore, #tpu.memory_space<semaphore_mem>> -> memref<1x!tpu.dma_semaphore, #tpu.memory_space<semaphore_mem>>
    %dma_wait3A_93 = tpu.memref_squeeze %dma_wait3A_92 : memref<1x!tpu.dma_semaphore, #tpu.memory_space<semaphore_mem>> -> memref<!tpu.dma_semaphore, #tpu.memory_space<semaphore_mem>>
    %dma_wait3A_94 = arith.constant 0 : i32
    %dma_wait3A_95 = tpu.memref_slice %arg5[%mul3A_2, %dma_wait3A_94] : memref<204800x128xf32, #tpu.memory_space<hbm>> -> memref<100x128xf32, #tpu.memory_space<hbm>>
    %dma_wait3A_96 = arith.constant 0 : i32
    %dma_wait3A_97 = arith.constant 0 : i32
    %dma_wait3A_98 = tpu.memref_slice %arg8[%dma_wait3A_84, %dma_wait3A_96, %dma_wait3A_97] : memref<6x100x128xf32, #tpu.memory_space<vmem>> -> memref<1x100x128xf32, #tpu.memory_space<vmem>>
    %dma_wait3A_99 = tpu.memref_squeeze %dma_wait3A_98 : memref<1x100x128xf32, #tpu.memory_space<vmem>> -> memref<100x128xf32, #tpu.memory_space<vmem>>
    tpu.wait_dma2 semaphore(%dma_wait3A_93 : memref<!tpu.dma_semaphore, #tpu.memory_space<semaphore_mem>>) src(%dma_wait3A_99 : memref<100x128xf32, #tpu.memory_space<vmem>>) dst(%dma_wait3A_95 : memref<100x128xf32, #tpu.memory_space<hbm>>)
    %dma_wait3A_100 = arith.constant 3 : i32
    %dma_wait3A_101 = arith.constant 3 : i32
    %dma_wait3A_102 = arith.constant 0 : i32
    %dma_wait3A_103 = arith.constant 0 : i32
    %dma_wait3A_104 = tpu.memref_slice %arg8[%dma_wait3A_100, %dma_wait3A_102, %dma_wait3A_103] : memref<6x100x128xf32, #tpu.memory_space<vmem>> -> memref<1x100x128xf32, #tpu.memory_space<vmem>>
    %dma_wait3A_105 = tpu.memref_squeeze %dma_wait3A_104 : memref<1x100x128xf32, #tpu.memory_space<vmem>> -> memref<100x128xf32, #tpu.memory_space<vmem>>
    %dma_wait3A_106 = arith.constant 0 : i32
    %dma_wait3A_107 = tpu.memref_slice %arg5[%mul3A_2, %dma_wait3A_106] : memref<204800x128xf32, #tpu.memory_space<hbm>> -> memref<100x128xf32, #tpu.memory_space<hbm>>
    %dma_wait3A_108 = tpu.memref_slice %arg10[%dma_wait3A_101] : memref<6x!tpu.dma_semaphore, #tpu.memory_space<semaphore_mem>> -> memref<1x!tpu.dma_semaphore, #tpu.memory_space<semaphore_mem>>
    %dma_wait3A_109 = tpu.memref_squeeze %dma_wait3A_108 : memref<1x!tpu.dma_semaphore, #tpu.memory_space<semaphore_mem>> -> memref<!tpu.dma_semaphore, #tpu.memory_space<semaphore_mem>>
    %dma_wait3A_110 = arith.constant 0 : i32
    %dma_wait3A_111 = tpu.memref_slice %arg5[%mul3A_2, %dma_wait3A_110] : memref<204800x128xf32, #tpu.memory_space<hbm>> -> memref<100x128xf32, #tpu.memory_space<hbm>>
    %dma_wait3A_112 = arith.constant 0 : i32
    %dma_wait3A_113 = arith.constant 0 : i32
    %dma_wait3A_114 = tpu.memref_slice %arg8[%dma_wait3A_100, %dma_wait3A_112, %dma_wait3A_113] : memref<6x100x128xf32, #tpu.memory_space<vmem>> -> memref<1x100x128xf32, #tpu.memory_space<vmem>>
    %dma_wait3A_115 = tpu.memref_squeeze %dma_wait3A_114 : memref<1x100x128xf32, #tpu.memory_space<vmem>> -> memref<100x128xf32, #tpu.memory_space<vmem>>
    tpu.wait_dma2 semaphore(%dma_wait3A_109 : memref<!tpu.dma_semaphore, #tpu.memory_space<semaphore_mem>>) src(%dma_wait3A_115 : memref<100x128xf32, #tpu.memory_space<vmem>>) dst(%dma_wait3A_111 : memref<100x128xf32, #tpu.memory_space<hbm>>)
    %dma_wait3A_116 = arith.constant 4 : i32
    %dma_wait3A_117 = arith.constant 4 : i32
    %dma_wait3A_118 = arith.constant 0 : i32
    %dma_wait3A_119 = arith.constant 0 : i32
    %dma_wait3A_120 = tpu.memref_slice %arg8[%dma_wait3A_116, %dma_wait3A_118, %dma_wait3A_119] : memref<6x100x128xf32, #tpu.memory_space<vmem>> -> memref<1x100x128xf32, #tpu.memory_space<vmem>>
    %dma_wait3A_121 = tpu.memref_squeeze %dma_wait3A_120 : memref<1x100x128xf32, #tpu.memory_space<vmem>> -> memref<100x128xf32, #tpu.memory_space<vmem>>
    %dma_wait3A_122 = arith.constant 0 : i32
    %dma_wait3A_123 = tpu.memref_slice %arg5[%mul3A_2, %dma_wait3A_122] : memref<204800x128xf32, #tpu.memory_space<hbm>> -> memref<100x128xf32, #tpu.memory_space<hbm>>
    %dma_wait3A_124 = tpu.memref_slice %arg10[%dma_wait3A_117] : memref<6x!tpu.dma_semaphore, #tpu.memory_space<semaphore_mem>> -> memref<1x!tpu.dma_semaphore, #tpu.memory_space<semaphore_mem>>
    %dma_wait3A_125 = tpu.memref_squeeze %dma_wait3A_124 : memref<1x!tpu.dma_semaphore, #tpu.memory_space<semaphore_mem>> -> memref<!tpu.dma_semaphore, #tpu.memory_space<semaphore_mem>>
    %dma_wait3A_126 = arith.constant 0 : i32
    %dma_wait3A_127 = tpu.memref_slice %arg5[%mul3A_2, %dma_wait3A_126] : memref<204800x128xf32, #tpu.memory_space<hbm>> -> memref<100x128xf32, #tpu.memory_space<hbm>>
    %dma_wait3A_128 = arith.constant 0 : i32
    %dma_wait3A_129 = arith.constant 0 : i32
    %dma_wait3A_130 = tpu.memref_slice %arg8[%dma_wait3A_116, %dma_wait3A_128, %dma_wait3A_129] : memref<6x100x128xf32, #tpu.memory_space<vmem>> -> memref<1x100x128xf32, #tpu.memory_space<vmem>>
    %dma_wait3A_131 = tpu.memref_squeeze %dma_wait3A_130 : memref<1x100x128xf32, #tpu.memory_space<vmem>> -> memref<100x128xf32, #tpu.memory_space<vmem>>
    tpu.wait_dma2 semaphore(%dma_wait3A_125 : memref<!tpu.dma_semaphore, #tpu.memory_space<semaphore_mem>>) src(%dma_wait3A_131 : memref<100x128xf32, #tpu.memory_space<vmem>>) dst(%dma_wait3A_127 : memref<100x128xf32, #tpu.memory_space<hbm>>)
    %dma_wait3A_132 = arith.constant 5 : i32
    %dma_wait3A_133 = arith.constant 5 : i32
    %dma_wait3A_134 = arith.constant 0 : i32
    %dma_wait3A_135 = arith.constant 0 : i32
    %dma_wait3A_136 = tpu.memref_slice %arg8[%dma_wait3A_132, %dma_wait3A_134, %dma_wait3A_135] : memref<6x100x128xf32, #tpu.memory_space<vmem>> -> memref<1x100x128xf32, #tpu.memory_space<vmem>>
    %dma_wait3A_137 = tpu.memref_squeeze %dma_wait3A_136 : memref<1x100x128xf32, #tpu.memory_space<vmem>> -> memref<100x128xf32, #tpu.memory_space<vmem>>
    %dma_wait3A_138 = arith.constant 0 : i32
    %dma_wait3A_139 = tpu.memref_slice %arg5[%mul3A_2, %dma_wait3A_138] : memref<204800x128xf32, #tpu.memory_space<hbm>> -> memref<100x128xf32, #tpu.memory_space<hbm>>
    %dma_wait3A_140 = tpu.memref_slice %arg10[%dma_wait3A_133] : memref<6x!tpu.dma_semaphore, #tpu.memory_space<semaphore_mem>> -> memref<1x!tpu.dma_semaphore, #tpu.memory_space<semaphore_mem>>
    %dma_wait3A_141 = tpu.memref_squeeze %dma_wait3A_140 : memref<1x!tpu.dma_semaphore, #tpu.memory_space<semaphore_mem>> -> memref<!tpu.dma_semaphore, #tpu.memory_space<semaphore_mem>>
    %dma_wait3A_142 = arith.constant 0 : i32
    %dma_wait3A_143 = tpu.memref_slice %arg5[%mul3A_2, %dma_wait3A_142] : memref<204800x128xf32, #tpu.memory_space<hbm>> -> memref<100x128xf32, #tpu.memory_space<hbm>>
    %dma_wait3A_144 = arith.constant 0 : i32
    %dma_wait3A_145 = arith.constant 0 : i32
    %dma_wait3A_146 = tpu.memref_slice %arg8[%dma_wait3A_132, %dma_wait3A_144, %dma_wait3A_145] : memref<6x100x128xf32, #tpu.memory_space<vmem>> -> memref<1x100x128xf32, #tpu.memory_space<vmem>>
    %dma_wait3A_147 = tpu.memref_squeeze %dma_wait3A_146 : memref<1x100x128xf32, #tpu.memory_space<vmem>> -> memref<100x128xf32, #tpu.memory_space<vmem>>
    tpu.wait_dma2 semaphore(%dma_wait3A_141 : memref<!tpu.dma_semaphore, #tpu.memory_space<semaphore_mem>>) src(%dma_wait3A_147 : memref<100x128xf32, #tpu.memory_space<vmem>>) dst(%dma_wait3A_143 : memref<100x128xf32, #tpu.memory_space<hbm>>)
    return
  }
}

</mosaic_0001>

<sc_bundles>
// kernel: kernel.3.cloned.1.call-start
scs
__scs_entry_jumppad:
0x0: {  	(pc) =	sbr.rel $0x88, $3  }
0x1: {  	(tag) =	ssettag $0x0;
	lr =	simm.s32 $0x1  }
0x2: {  	[smem:$0x3F9E] =	sst lr;
	_ =	strace $0xD0000000  }
0x3: {  	_ = 	snop  }
0x4: {  	_ = 	snop  }
0x5: {  	_ = 	snop  }
0x6: {  	_ = 	snop  }
0x7: {  	_ = 	snop  }
__scs_overlays_trampoline_lowered:
0x8: {  	[smem:$0x3FAD] =	sst s0  }
0x9: {  	[smem:$0x3FAE] =	sst s1  }
0xa: {  	[smem:$0x3FAF] =	sst s2  }
0xb: {  	[smem:$0x3FB0] =	sst s3  }
0xc: {  	[smem:$0x3FB1] =	sst s4  }
0xd: {  	[smem:$0x3FB2] =	sst s5  }
0xe: {  	[smem:$0x3FB3] =	sst s6  }
0xf: {  	[smem:$0x3FB4] =	sst s7  }
0x10: {  	[smem:$0x3FB5] =	sst s8  }
0x11: {  	[smem:$0x3FB6] =	sst s9;
	s0 =	simm.s32 @!p0 $0x0  }
0x12: {  	s1 =	sld [smem:$0x3F9C];
	s0 =	simm.s32 @p0 $0x1  }
0x13: {  	[smem:$0x3FB7] =	sst s0;
	s0 =	simm.s32 @!p1 $0x0  }
0x14: {  	s2 =	sld [smem:$0x3F9B];
	s0 =	simm.s32 @p1 $0x1  }
0x15: {  	[smem:$0x3FB8] =	sst s0;
	s0 =	simm.s32 @!p2 $0x0  }
0x16: {  	s3 =	sld [smem:$0x3FDB];
	s0 =	simm.s32 @p2 $0x1  }
0x17: {  	s4 =	simm.s32 $0x1BF5;
	[smem:$0x3FBA] =	sst s0  }
0x18: {  	s0 =	sld [smem:$0x3F9D];
	_ =	swait.ge [sflag:s4], $0x0  }
0x19: {  	s7 =	sld [smem:$0x3F9E]  }
0x1a: {  	s8 =	sadd.s32 $0xFFFFE003, lr  }
0x1b: {  	s9 =	sadd.s32 $0xFFFFFEF7, lr;
	s5 =	simm.s32 $0xFFFFFFFF;
	p2 =	slt.u32 s8, $0xFFFFF086  }
0x1c: {  	p1 =	slt.u32 s9, $0xF7A;
	s5 =	simm.s32 @!p2 $0x0  }
0x1d: {  	s5 =	simm.s32 @p1 $0x1;
	p0 =	seq.s32 s7, s2  }
0x1e: {  	s7 =	smul.u32 @!p0 $0xF7A, s2;
	p2 =	seq.s32 @!p0 s5, $0x0  }
0x1f: {  	s9 =	smul.u32 $0xF7A, s1;
	s8 =	simm.s32 @!p0 $0x1BF5;
	p2 =	por !p2, p0  }
0x20: {  	[sflag:s8] =	ssyncset.s32 @!p0 $0xFFFFF086;
	s6 =	sadd.s32 @!p0 s3, s7;
	s7 =	simm.s32 @!p0 $0x108  }
0x21: {  	s3 =	sadd.s32 s3, s9;
	s6 =	sadd.s32 @!p0 $0x88, s6;
	s7 =	simm.s32 @p2 $0x1082  }
0x22: {  	[simem:s7], [sflag:s8] =	dma.local @!p0 [hbm:s6], $0xF7A  }
0x23: {  	s9 =	sor.u32 $0xD0000000, s2;
	s6 =	simm.s32 $0x108;
	_ =	swait.ge @!p0 [sflag:s8], $0x0  }
0x24: {  	s3 =	sadd.s32 $0x88, s3;
	s6 =	simm.s32 @!p1 $0x1082;
	[sflag:s4] =	ssyncset.s32 $0xFFFFF086  }
0x25: {  	[simem:s6], [sflag:s4] =	dma.local [hbm:s3], $0xF7A  }
0x26: {  	[smem:$0x3F9E] =	sst s1;
	(tag) =	ssettag s2;
	_ =	strace s9  }
0x27: {  	s1 =	sld [smem:$0x3FAE]  }
0x28: {  	s2 =	sld [smem:$0x3FAF]  }
0x29: {  	s4 =	sld [smem:$0x3FB1]  }
0x2a: {  	p0 =	seq.s32 s5, $0x0;
	s5 =	sld [smem:$0x3FB2]  }
0x2b: {  	s6 =	sld [smem:$0x3FB3]  }
0x2c: {  	s7 =	sld [smem:$0x3FB4]  }
0x2d: {  	s3 =	simm.s32 $0x108;
	s8 =	sld [smem:$0x3FB5]  }
0x2e: {  	s3 =	simm.s32 @!p0 $0x1082;
	s9 =	sld [smem:$0x3FB6]  }
0x2f: {  	lr =	sadd.s32 s0, s3;
	s0 =	sld [smem:$0x3FAD]  }
0x30: {  	s3 =	sld [smem:$0x3FB0]  }
0x31: {  	[smem:$0x3FB9] =	sst s10  }
0x32: {  	s10 =	sld [smem:$0x3FB7];
	_ =	sdelay $0x3  }
0x33: {  	p0 =	seq.s32 s10, $0x1;
	s10 =	sld [smem:$0x3FB9];
	_ =	sdelay $0x3  }
0x34: {  	[smem:$0x3FB9] =	sst s10  }
0x35: {  	s10 =	sld [smem:$0x3FB8];
	_ =	sdelay $0x3  }
0x36: {  	p1 =	seq.s32 s10, $0x1;
	s10 =	sld [smem:$0x3FB9];
	_ =	sdelay $0x3  }
0x37: {  	[smem:$0x3FB9] =	sst s10  }
0x38: {  	s10 =	sld [smem:$0x3FBA]  }
0x39: {  	_ = 	snop;
	(pc) =	sbr.ind lr, $3  }
0x3a: {  	_ = 	snop  }
0x3b: {  	_ = 	snop  }
0x3c: {  	p2 =	seq.s32 s10, $0x1;
	s10 =	sld [smem:$0x3FB9]  }
0x3d: {  	_ =	shalt  }
0x3e: {  	_ =	shalt  }
0x3f: {  	_ =	shalt  }
0x40: {  	_ =	shalt  }
0x41: {  	_ =	shalt  }
0x42: {  	_ =	shalt  }
0x43: {  	_ =	shalt  }
0x44: {  	_ =	shalt  }
0x45: {  	_ =	shalt  }
0x46: {  	_ =	shalt  }
0x47: {  	_ =	shalt  }
0x48: {  	_ =	shalt  }
0x49: {  	_ =	shalt  }
0x4a: {  	_ =	shalt  }
0x4b: {  	_ =	shalt  }
0x4c: {  	_ =	shalt  }
0x4d: {  	_ =	shalt  }
0x4e: {  	_ =	shalt  }
0x4f: {  	_ =	shalt  }
0x50: {  	_ =	shalt  }
0x51: {  	_ =	shalt  }
0x52: {  	_ =	shalt  }
0x53: {  	_ =	shalt  }
0x54: {  	_ =	shalt  }
0x55: {  	_ =	shalt  }
0x56: {  	_ =	shalt  }
0x57: {  	_ =	shalt  }
0x58: {  	_ =	shalt  }
0x59: {  	_ =	shalt  }
0x5a: {  	_ =	shalt  }
0x5b: {  	_ =	shalt  }
0x5c: {  	_ =	shalt  }
0x5d: {  	_ =	shalt  }
0x5e: {  	_ =	shalt  }
0x5f: {  	_ =	shalt  }
0x60: {  	_ =	shalt  }
0x61: {  	_ =	shalt  }
0x62: {  	_ =	shalt  }
0x63: {  	_ =	shalt  }
0x64: {  	_ =	shalt  }
0x65: {  	_ =	shalt  }
0x66: {  	_ =	shalt  }
0x67: {  	_ =	shalt  }
0x68: {  	_ =	shalt  }
0x69: {  	_ =	shalt  }
0x6a: {  	_ =	shalt  }
0x6b: {  	_ =	shalt  }
0x6c: {  	_ =	shalt  }
0x6d: {  	_ =	shalt  }
0x6e: {  	_ =	shalt  }
0x6f: {  	_ =	shalt  }
0x70: {  	_ =	shalt  }
0x71: {  	_ =	shalt  }
0x72: {  	_ =	shalt  }
0x73: {  	_ =	shalt  }
0x74: {  	_ =	shalt  }
0x75: {  	_ =	shalt  }
0x76: {  	_ =	shalt  }
0x77: {  	_ =	shalt  }
0x78: {  	_ =	shalt  }
0x79: {  	_ =	shalt  }
0x7a: {  	_ =	shalt  }
0x7b: {  	_ =	shalt  }
0x7c: {  	_ =	shalt  }
0x7d: {  	_ =	shalt  }
0x7e: {  	_ =	shalt  }
0x7f: {  	_ =	shalt  }
0x80: {  	_ =	shalt  }
0x81: {  	_ =	shalt  }
0x82: {  	_ =	shalt  }
0x83: {  	_ =	shalt  }
0x84: {  	_ =	shalt  }
0x85: {  	_ =	shalt  }
0x86: {  	_ =	shalt  }
0x87: {  	_ =	shalt  }
.Lfunc_end0:
.L_simem_size_0:
called_computation_lowered:
.L_overlay_start_0:
0x88: {  	s2 =	sld [smem:$0x3FD9]  }
0x89: {  	s3 =	sld [smem:$0x3FFE];
	_ =	sdelay $0x1  }
0x8a: {  	s1 =	srdreg.scid  }
0x8b: {  	s0 =	sand.u32 $0x1, s1  }
0x8c: {  	s17 =	sshll.u32 s0, $0xA;
	s2 =	sadd.s32 s3, s2  }
0x8d: {  	s2 =	sadd.s32 s2, s17  }
0x8e: {  	[smem:$0x3FC5] =	sst s2  }
0x8f: {  	_ = 	snop  }
0x90: {  	s2 =	sld [smem:$0x3FC8]  }
0x91: {  	s18 =	sld [smem:$0x3FC7]  }
0x92: {  	s4 =	sld [smem:$0x3FD0];
	(tm) =	ssettm $0x1  }
0x93: {  	s5 =	sld [smem:$0x3FFB];
	_ =	sdelay $0x3  }
0x94: {  	_ =	strace s5  }
0x95: {  	s5 =	sld [smem:$0x3FFC];
	_ =	sdelay $0x3  }
0x96: {  	_ =	strace s5  }
0x97: {  	s5 =	sld [smem:$0x3FFD];
	_ =	sdelay $0x3  }
0x98: {  	_ =	strace s5  }
0x99: {  	_ =	strace $0x8FFFFFFF  }
0x9a: {  	s19 =	sld [smem:$0x3FDB];
	_ =	sdelay $0x1  }
0x9b: {  	s6 =	simm.s32 $_scs_section_size  }
0x9c: {  	s7 =	simm.s32 $_size__tile_overlayer_lowered;
	s8 =	simm.s32 $_tile_overlayer_lowered  }
0x9d: {  	s22 =	simm.s32 $0x1BFF;
	s21 =	sshll.u32 s8, $0x1;
	s5 =	sadd.s32 s6, s19  }
0x9e: {  	s9 =	simm.s32 $0x0;
	s20 =	sshll.u32 s7, $0x1;
	s7 =	sadd.s32 s21, s5  }
0x9f: {  	[timem:s9], [sflag:s22] =	dma.local [hbm:s7], s20  }
0xa0: {  	_ =	swait.ge [sflag:s22], s20  }
0xa1: {  	s6 =	ssub.s32 $0x0, s20;
	[sflag:s22] =	ssyncset.done $0x0  }
0xa2: {  	[sflag:s22] =	ssyncadd.s32 s6;
	_ =	sdelay $0x1  }
0xa3: {  	s23 =	simm.s32 $0x1B8B  }
0xa4: {  	_ =	swait.ge [sflag:s23], $0x1  }
0xa5: {  	[sflag:s23] =	ssyncset.done $0x0  }
0xa6: {  	s25 =	simm.s32 $0x1B8E;
	s24 =	sld [smem:$0x3FFE];
	[sflag:s23] =	ssyncadd.s32 $0xFFFFFFFF  }
0xa7: {  	s26 =	simm.s32 $execute0_lowered;
	[smem:$0x3FD2] =	sst s25  }
0xa8: {  	s7 =	sshll.u32 s26, $0x1;
	_ =	strace $0x80000046;
	[dreg:$0x1] =	wrdreg $0xFFFFFFFF  }
0xa9: {  	s28 =	simm.s32 $_size_execute0_lowered;
	s5 =	sadd.s32 s5, s7;
	[dreg:$0x0] =	wrdreg $0x0  }
0xaa: {  	s7 =	sshll.u32 s28, $0x1;
	[dreg:$0x2] =	wrdreg s5  }
0xab: {  	[dreg:$0x3] =	wrdreg s7  }
0xac: {  	[dreg:$0x4] =	wrdreg $0xC0  }
0xad: {  	_ =	task [dreg:s9], $0x5FFFF  }
0xae: {  	[dreg:$0x1] =	wrdreg $0xFFFFFFFF  }
0xaf: {  	[dreg:$0x0] =	wrdreg $0x60  }
0xb0: {  	[dreg:$0x2] =	wrdreg s24  }
0xb1: {  	[dreg:$0x3] =	wrdreg s2  }
0xb2: {  	[dreg:$0x4] =	wrdreg s18  }
0xb3: {  	[dreg:$0x5] =	wrdreg s4  }
0xb4: {  	[dreg:$0x6] =	wrdreg $0x9  }
0xb5: {  	_ =	task.clear_ibuf [dreg:s9], $0x7FFFF;
	_ =	strace $0x90000046  }
0xb6: {  	s29 =	simm.s32 $0x9;
	_ =	strace $0x80000048  }
0xb7: {  	_ =	swait.ge [sflag:s29], $0x1  }
0xb8: {  	[sflag:s29] =	ssyncadd.s32 $0xFFFFFFFF  }
0xb9: {  	_ =	strace $0x90000048  }
0xba: {  	_ =	sfence  }
0xbb: {  	s30 =	sld [smem:$0x0];
	_ =	sdelay $0x2  }
0xbc: {  	s31 =	sshll.u32 s1, $0xD;
	s1 =	sshrl.u32 s1, $0x2  }
0xbd: {  	s3 =	sand.u32 $0x4000, s31;
	s1 =	sadd.s32 s1, s30  }
0xbe: {  	s0 =	sor.u32 s3, s0;
	s1 =	sshll.u32 s1, $0x11  }
0xbf: {  	s0 =	sor.u32 s1, s0  }
0xc0: {  	s0 =	sadd.s32 $0x8F2B, s0  }
0xc1: {  	[sflag:s0] =	ssyncadd.remote.s32 $0x1  }
0xc2: {  	_ =	sfence.sel $0xFFFF  }
0xc3: {  	[dreg:$0x0] =	wrdreg $0xFFFFFFFF;
	(pc) =	sbr.abs _section_cstart, $3  }
0xc4: {  	[dreg:$0x1] =	wrdreg $0xFFFFFFFF  }
0xc5: {  	_ =	task.clear_ibuf [dreg:s9], $0x2FFFF;
	_ =	strace $0x9FFFFFFF  }
0xc6: {  	(tm) =	ssettm $0x7FFFFFFF  }
0xc7: {  	_ =	shalt  }
tec
execute0_lowered:
.L_overlay_start_1:
0x0: {  	(tag) =	ssettag $0x1  }
0x1: {  	s0 =	rddreg [dreg:$0x0]  }
0x2: {  	s1 =	rddreg [dreg:$0x1];
	s2 =	srdreg.scid  }
0x3: {  	s3 =	stileid.u32;
	s4 =	rddreg [dreg:$0x3];
	s5 =	simm.s32 $0x0  }
0x4: {  	s15 =	simm.s32 $0x64;
	s16 =	simm.s32 $0x7E00;
	s18 =	simm.s32 $0xB000  }
0x5: {  	s20 =	simm.s32 $0xE200;
	s22 =	simm.s32 $0x1;
	s23 =	simm.s32 $0x11400  }
0x6: {  	s24 =	simm.s32 $0x2;
	s25 =	simm.s32 $0x14600;
	s28 =	simm.s32 $0x17800  }
0x7: {  	s29 =	simm.s32 $0x4;
	s2 =	sand.u32 $0x1, s2;
	s3 =	sshll.u32 s3, $0x1  }
0x8: {  	s30 =	simm.s32 $0x7;
	s31 =	simm.s32 $0x8;
	s3 =	sor.u32 s2, s3  }
0x9: {  	s17 =	simm.s32 $0xC;
	s19 =	simm.s32 $0x5;
	s6 =	smul.u32 $0x340, s3  }
0xa: {  	s21 =	simm.s32 $0x6;
	[smem:$0x7FF] =	sst s5;
	s2 =	ssub.s32 $0x2, s2  }
0xb: {  	s7 =	sshrl.u32 s2, $0x1;
	s0 =	sadd.s32 s6, s0;
	s6 =	smul.u32 $0x1900, s3  }
.Ltmp0:
0xc: {  	_ =	strace $0x80000047;
	s2 =	ssub.s32 s2, s7;
	(pc) =	sbr.rel .LBB2_1-.Ltmp0, $4  }
0xd: {  	s26 =	smax.u32 s2, $0x1;
	s2 =	simm.s32 $0x9;
	s3 =	simm.s32 $0x0  }
0xe: {  	s0 =	sadd.s32 $0x400, s0;
	[dreg:$0x6] =	wrdreg s26;
	s26 =	simm.s32 $0x3  }
0xf: {  	[dreg:$0x5] =	wrdreg s0;
	s9 =	sor.u32 $0x64, s6;
	s10 =	sor.u32 $0xC8, s6  }
0x10: {  	s11 =	sadd.s32 $0x12C, s6;
	s12 =	sadd.s32 $0x190, s6;
	s13 =	sadd.s32 $0x1F4, s6  }
.LBB2_24:
0x11: {  	_ =	swait.ge [sflag:s31], $0x3200  }
0x12: {  	[sflag:s31] =	ssyncset.done $0x0  }
0x13: {  	[sflag:s31] =	ssyncadd.s32 $0xFFFFCE00  }
0x14: {  	_ =	swait.ge [sflag:s2], $0x3200  }
0x15: {  	[sflag:s2] =	ssyncset.done $0x0  }
0x16: {  	s0 =	simm.s32 $0xA;
	[sflag:s2] =	ssyncadd.s32 $0xFFFFCE00  }
0x17: {  	_ =	swait.ge [sflag:s0], $0x3200  }
0x18: {  	[sflag:s0] =	ssyncset.done $0x0  }
0x19: {  	s8 =	simm.s32 $0xB;
	[sflag:s0] =	ssyncadd.s32 $0xFFFFCE00  }
0x1a: {  	_ =	swait.ge [sflag:s8], $0x3200  }
0x1b: {  	[sflag:s8] =	ssyncset.done $0x0  }
0x1c: {  	[sflag:s8] =	ssyncadd.s32 $0xFFFFCE00  }
0x1d: {  	_ =	swait.ge [sflag:s17], $0x3200  }
0x1e: {  	s3 =	rddreg [dreg:$0x7]  }
0x1f: {  	s14 =	rddreg [dreg:$0x6];
	s3 =	sadd.s32 $0x1, s3  }
0x20: {  	p0 =	sne.s32 s3, s14  }
.Ltmp1:
0x21: {  	_ = 	snop;
	(pc) =	sbr.rel @!p0 .LBB2_25-.Ltmp1, $3  }
0x22: {  	_ =	sdelay $0x1  }
0x23: {  	[sflag:s17] =	ssyncset.done $0x0  }
0x24: {  	[sflag:s17] =	ssyncadd.s32 $0xFFFFCE00  }
.LBB2_1:
0x25: {  	[dreg:$0x7] =	wrdreg s3  }
0x26: {  	s0 =	rddreg [dreg:$0x5];
	s3 =	simm.s32 $0xD  }
0x27: {  	[tilespmem:s5], [sflag:$0xD] =	stream.linear.gather [hbm4b:s0+s5], $0x1A00, $0x38;
	[tilespmem:$0x1AA00] =	vst v63  }
0x28: {  	_ =	swait.ge [sflag:s3], $0x1A00  }
0x29: {  	[sflag:s3] =	ssyncset.done $0x0  }
0x2a: {  	[sflag:s3] =	ssyncadd.s32 $0xFFFFE600  }
0x2b: {  	[tilespmem:s16], [sflag:$0x1] =	stream.indirect.gather [hbm4b:s1+s15], $0x80, s5, s15, $0xb8;
	[tilespmem:$0x1AA00] =	vst v63  }
0x2c: {  	s7 =	simm.s32 $0x68  }
0x2d: {  	[tilespmem:s18], [sflag:$0x2] =	stream.indirect.gather [hbm4b:s1+s15], $0x80, s7, s15, $0xb8;
	[tilespmem:$0x1AA00] =	vst v63  }
0x2e: {  	s8 =	simm.s32 $0xD0  }
0x2f: {  	[tilespmem:s20], [sflag:$0x3] =	stream.indirect.gather [hbm4b:s1+s15], $0x80, s8, s15, $0xb8;
	[tilespmem:$0x1AA00] =	vst v63  }
0x30: {  	s14 =	rddreg [dreg:$0x2];
	s7 =	simm.s32 $0x1A00  }
0x31: {  	[tilespmem:s7], [sflag:$0xD] =	stream.linear.gather [hbm4b:s14+s5], $0x6400, $0x38;
	[tilespmem:$0x1AA00] =	vst v63  }
0x32: {  	_ =	swait.ge [sflag:s3], $0x6400  }
0x33: {  	[sflag:s3] =	ssyncset.done $0x0  }
0x34: {  	s8 =	simm.s32 $0x0;
	[sflag:s3] =	ssyncadd.s32 $0xFFFF9C00  }
.LBB2_2:
0x35: {  	_ =	swait.ge [sflag:s22], $0x3200  }
0x36: {  	[sflag:s22] =	ssyncset.done $0x0  }
0x37: {  	s14 =	simm.s32 $0x0;
	s0 =	simm.s32 $0xA00;
	[sflag:s22] =	ssyncadd.s32 $0xFFFFCE00  }
.LBB2_3:
0x38: {  	p0 =	sne.s32 s0, $0xBE00;
	v0 =	vld [tilespmem:s14+$0x1C70]  }
0x39: {  	v1 =	vld [tilespmem:s14+$0x1A00]  }
0x3a: {  	v2 =	vld [tilespmem:s14+$0x1A10]  }
0x3b: {  	v3 =	vld [tilespmem:s14+$0x1A20]  }
0x3c: {  	v4 =	vld [tilespmem:s14+$0x1A30]  }
0x3d: {  	[tilespmem:s14+$0x8070] =	vst.add.f32.msk $0xffff, v0  }
0x3e: {  	v0 =	vld [tilespmem:s14+$0x1A40]  }
0x3f: {  	v5 =	vld [tilespmem:s14+$0x1A50]  }
0x40: {  	v6 =	vld [tilespmem:s14+$0x1A60]  }
0x41: {  	v7 =	vld [tilespmem:s14+$0x1A70]  }
0x42: {  	v8 =	vld [tilespmem:s14+$0x1A80]  }
0x43: {  	v9 =	vld [tilespmem:s14+$0x1A90]  }
0x44: {  	v10 =	vld [tilespmem:s14+$0x1AA0]  }
0x45: {  	v11 =	vld [tilespmem:s14+$0x1AB0]  }
0x46: {  	v12 =	vld [tilespmem:s14+$0x1AC0]  }
0x47: {  	v13 =	vld [tilespmem:s14+$0x1AD0]  }
0x48: {  	v14 =	vld [tilespmem:s14+$0x1AE0]  }
0x49: {  	v15 =	vld [tilespmem:s14+$0x1AF0]  }
0x4a: {  	v16 =	vld [tilespmem:s14+$0x1B00]  }
0x4b: {  	v17 =	vld [tilespmem:s14+$0x1B10]  }
0x4c: {  	v18 =	vld [tilespmem:s14+$0x1B20]  }
0x4d: {  	v19 =	vld [tilespmem:s14+$0x1B30]  }
0x4e: {  	v20 =	vld [tilespmem:s14+$0x1B40]  }
0x4f: {  	v21 =	vld [tilespmem:s14+$0x1B50]  }
0x50: {  	v22 =	vld [tilespmem:s14+$0x1B60]  }
0x51: {  	v23 =	vld [tilespmem:s14+$0x1B70]  }
0x52: {  	v24 =	vld [tilespmem:s14+$0x1B80]  }
0x53: {  	v25 =	vld [tilespmem:s14+$0x1B90]  }
0x54: {  	v26 =	vld [tilespmem:s14+$0x1BA0]  }
0x55: {  	v27 =	vld [tilespmem:s14+$0x1BB0]  }
0x56: {  	v28 =	vld [tilespmem:s14+$0x1BC0]  }
0x57: {  	v29 =	vld [tilespmem:s14+$0x1BD0]  }
0x58: {  	v30 =	vld [tilespmem:s14+$0x1BE0]  }
0x59: {  	v31 =	vld [tilespmem:s14+$0x1BF0]  }
0x5a: {  	v32 =	vld [tilespmem:s14+$0x1C00]  }
0x5b: {  	v33 =	vld [tilespmem:s14+$0x1C10]  }
0x5c: {  	v34 =	vld [tilespmem:s14+$0x1C20]  }
0x5d: {  	v35 =	vld [tilespmem:s14+$0x1C30]  }
0x5e: {  	v36 =	vld [tilespmem:s14+$0x1C40]  }
0x5f: {  	v37 =	vld [tilespmem:s14+$0x1C50]  }
0x60: {  	v38 =	vld [tilespmem:s14+$0x1C60]  }
0x61: {  	[tilespmem:s14+$0x7E00] =	vst.add.f32.msk $0xffff, v1  }
0x62: {  	[tilespmem:s14+$0x7E10] =	vst.add.f32.msk $0xffff, v2  }
0x63: {  	[tilespmem:s14+$0x7E20] =	vst.add.f32.msk $0xffff, v3  }
0x64: {  	[tilespmem:s14+$0x7E30] =	vst.add.f32.msk $0xffff, v4  }
0x65: {  	[tilespmem:s14+$0x7E40] =	vst.add.f32.msk $0xffff, v0  }
0x66: {  	[tilespmem:s14+$0x7E50] =	vst.add.f32.msk $0xffff, v5  }
0x67: {  	[tilespmem:s14+$0x7E60] =	vst.add.f32.msk $0xffff, v6  }
0x68: {  	[tilespmem:s14+$0x7E70] =	vst.add.f32.msk $0xffff, v7  }
0x69: {  	[tilespmem:s14+$0x7E80] =	vst.add.f32.msk $0xffff, v8  }
0x6a: {  	[tilespmem:s14+$0x7E90] =	vst.add.f32.msk $0xffff, v9  }
0x6b: {  	[tilespmem:s14+$0x7EA0] =	vst.add.f32.msk $0xffff, v10  }
0x6c: {  	[tilespmem:s14+$0x7EB0] =	vst.add.f32.msk $0xffff, v11  }
0x6d: {  	[tilespmem:s14+$0x7EC0] =	vst.add.f32.msk $0xffff, v12  }
0x6e: {  	[tilespmem:s14+$0x7ED0] =	vst.add.f32.msk $0xffff, v13  }
0x6f: {  	[tilespmem:s14+$0x7EE0] =	vst.add.f32.msk $0xffff, v14  }
0x70: {  	[tilespmem:s14+$0x7EF0] =	vst.add.f32.msk $0xffff, v15  }
0x71: {  	[tilespmem:s14+$0x7F00] =	vst.add.f32.msk $0xffff, v16  }
0x72: {  	[tilespmem:s14+$0x7F10] =	vst.add.f32.msk $0xffff, v17  }
0x73: {  	[tilespmem:s14+$0x7F20] =	vst.add.f32.msk $0xffff, v18  }
0x74: {  	[tilespmem:s14+$0x7F30] =	vst.add.f32.msk $0xffff, v19  }
0x75: {  	[tilespmem:s14+$0x7F40] =	vst.add.f32.msk $0xffff, v20  }
0x76: {  	[tilespmem:s14+$0x7F50] =	vst.add.f32.msk $0xffff, v21  }
0x77: {  	[tilespmem:s14+$0x7F60] =	vst.add.f32.msk $0xffff, v22  }
0x78: {  	[tilespmem:s14+$0x7F70] =	vst.add.f32.msk $0xffff, v23  }
0x79: {  	[tilespmem:s14+$0x7F80] =	vst.add.f32.msk $0xffff, v24  }
0x7a: {  	[tilespmem:s14+$0x7F90] =	vst.add.f32.msk $0xffff, v25  }
0x7b: {  	[tilespmem:s14+$0x7FA0] =	vst.add.f32.msk $0xffff, v26  }
0x7c: {  	[tilespmem:s14+$0x7FB0] =	vst.add.f32.msk $0xffff, v27  }
0x7d: {  	[tilespmem:s14+$0x7FC0] =	vst.add.f32.msk $0xffff, v28  }
0x7e: {  	[tilespmem:s14+$0x7FD0] =	vst.add.f32.msk $0xffff, v29  }
0x7f: {  	[tilespmem:s14+$0x7FE0] =	vst.add.f32.msk $0xffff, v30  }
0x80: {  	[tilespmem:s14+$0x7FF0] =	vst.add.f32.msk $0xffff, v31  }
0x81: {  	[tilespmem:s14+$0x8000] =	vst.add.f32.msk $0xffff, v32  }
0x82: {  	[tilespmem:s14+$0x8010] =	vst.add.f32.msk $0xffff, v33  }
.Ltmp2:
0x83: {  	[tilespmem:s14+$0x8020] =	vst.add.f32.msk $0xffff, v34;
	(pc) =	sbr.rel @p0 .LBB2_3-.Ltmp2, $4  }
0x84: {  	[tilespmem:s14+$0x8030] =	vst.add.f32.msk $0xffff, v35  }
0x85: {  	[tilespmem:s14+$0x8040] =	vst.add.f32.msk $0xffff, v36  }
0x86: {  	[tilespmem:s14+$0x8050] =	vst.add.f32.msk $0xffff, v37  }
0x87: {  	[tilespmem:s14+$0x8060] =	vst.add.f32.msk $0xffff, v38;
	s14 =	sshra.s32 s0, $0x2;
	s0 =	sadd.s32 $0xA00, s0  }
0x88: {  	v0 =	vld [tilespmem:s14+$0x1C70]  }
0x89: {  	v1 =	vld [tilespmem:s14+$0x1A00]  }
0x8a: {  	v2 =	vld [tilespmem:s14+$0x1A10]  }
0x8b: {  	v3 =	vld [tilespmem:s14+$0x1A20]  }
0x8c: {  	v4 =	vld [tilespmem:s14+$0x1A30]  }
0x8d: {  	v63 =	vld [tilespmem:s14+$0x1A40]  }
0x8e: {  	v5 =	vld [tilespmem:s14+$0x1A50]  }
0x8f: {  	v6 =	vld [tilespmem:s14+$0x1A60]  }
0x90: {  	v7 =	vld [tilespmem:s14+$0x1A70]  }
0x91: {  	v8 =	vld [tilespmem:s14+$0x1A80]  }
0x92: {  	v9 =	vld [tilespmem:s14+$0x1A90]  }
0x93: {  	v10 =	vld [tilespmem:s14+$0x1AA0]  }
0x94: {  	v11 =	vld [tilespmem:s14+$0x1AB0]  }
0x95: {  	v12 =	vld [tilespmem:s14+$0x1AC0]  }
0x96: {  	v13 =	vld [tilespmem:s14+$0x1AD0]  }
0x97: {  	v14 =	vld [tilespmem:s14+$0x1AE0]  }
0x98: {  	v15 =	vld [tilespmem:s14+$0x1AF0]  }
0x99: {  	v16 =	vld [tilespmem:s14+$0x1B00]  }
0x9a: {  	v17 =	vld [tilespmem:s14+$0x1B10]  }
0x9b: {  	v18 =	vld [tilespmem:s14+$0x1B20]  }
0x9c: {  	v19 =	vld [tilespmem:s14+$0x1B30]  }
0x9d: {  	v20 =	vld [tilespmem:s14+$0x1B40]  }
0x9e: {  	v21 =	vld [tilespmem:s14+$0x1B50]  }
0x9f: {  	v22 =	vld [tilespmem:s14+$0x1B60]  }
0xa0: {  	v23 =	vld [tilespmem:s14+$0x1B70]  }
0xa1: {  	v24 =	vld [tilespmem:s14+$0x1B80]  }
0xa2: {  	v25 =	vld [tilespmem:s14+$0x1B90]  }
0xa3: {  	v26 =	vld [tilespmem:s14+$0x1BA0]  }
0xa4: {  	v27 =	vld [tilespmem:s14+$0x1BB0]  }
0xa5: {  	v28 =	vld [tilespmem:s14+$0x1BC0]  }
0xa6: {  	v29 =	vld [tilespmem:s14+$0x1BD0]  }
0xa7: {  	v30 =	vld [tilespmem:s14+$0x1BE0]  }
0xa8: {  	v31 =	vld [tilespmem:s14+$0x1BF0]  }
0xa9: {  	v32 =	vld [tilespmem:s14+$0x1C00]  }
0xaa: {  	v33 =	vld [tilespmem:s14+$0x1C10]  }
0xab: {  	v34 =	vld [tilespmem:s14+$0x1C20]  }
0xac: {  	v35 =	vld [tilespmem:s14+$0x1C30]  }
0xad: {  	v36 =	vld [tilespmem:s14+$0x1C40]  }
0xae: {  	v37 =	vld [tilespmem:s14+$0x1C50]  }
0xaf: {  	v38 =	vld [tilespmem:s14+$0x1C60]  }
0xb0: {  	[tilespmem:s14+$0x8070] =	vst.add.f32.msk $0xffff, v0  }
0xb1: {  	[tilespmem:s14+$0x7E00] =	vst.add.f32.msk $0xffff, v1  }
0xb2: {  	[tilespmem:s14+$0x7E10] =	vst.add.f32.msk $0xffff, v2  }
0xb3: {  	[tilespmem:s14+$0x7E20] =	vst.add.f32.msk $0xffff, v3  }
0xb4: {  	[tilespmem:s14+$0x7E30] =	vst.add.f32.msk $0xffff, v4  }
0xb5: {  	[tilespmem:s14+$0x7E40] =	vst.add.f32.msk $0xffff, v63  }
0xb6: {  	[tilespmem:s14+$0x7E50] =	vst.add.f32.msk $0xffff, v5  }
0xb7: {  	[tilespmem:s14+$0x7E60] =	vst.add.f32.msk $0xffff, v6  }
0xb8: {  	[tilespmem:s14+$0x7E70] =	vst.add.f32.msk $0xffff, v7  }
0xb9: {  	[tilespmem:s14+$0x7E80] =	vst.add.f32.msk $0xffff, v8  }
0xba: {  	[tilespmem:s14+$0x7E90] =	vst.add.f32.msk $0xffff, v9  }
0xbb: {  	[tilespmem:s14+$0x7EA0] =	vst.add.f32.msk $0xffff, v10  }
0xbc: {  	[tilespmem:s14+$0x7EB0] =	vst.add.f32.msk $0xffff, v11  }
0xbd: {  	[tilespmem:s14+$0x7EC0] =	vst.add.f32.msk $0xffff, v12  }
0xbe: {  	[tilespmem:s14+$0x7ED0] =	vst.add.f32.msk $0xffff, v13  }
0xbf: {  	[tilespmem:s14+$0x7EE0] =	vst.add.f32.msk $0xffff, v14  }
0xc0: {  	[tilespmem:s14+$0x7EF0] =	vst.add.f32.msk $0xffff, v15  }
0xc1: {  	[tilespmem:s14+$0x7F00] =	vst.add.f32.msk $0xffff, v16  }
0xc2: {  	[tilespmem:s14+$0x7F10] =	vst.add.f32.msk $0xffff, v17  }
0xc3: {  	[tilespmem:s14+$0x7F20] =	vst.add.f32.msk $0xffff, v18  }
0xc4: {  	[tilespmem:s14+$0x7F30] =	vst.add.f32.msk $0xffff, v19  }
0xc5: {  	[tilespmem:s14+$0x7F40] =	vst.add.f32.msk $0xffff, v20  }
0xc6: {  	[tilespmem:s14+$0x7F50] =	vst.add.f32.msk $0xffff, v21  }
0xc7: {  	[tilespmem:s14+$0x7F60] =	vst.add.f32.msk $0xffff, v22  }
0xc8: {  	[tilespmem:s14+$0x7F70] =	vst.add.f32.msk $0xffff, v23  }
0xc9: {  	[tilespmem:s14+$0x7F80] =	vst.add.f32.msk $0xffff, v24  }
0xca: {  	[tilespmem:s14+$0x7F90] =	vst.add.f32.msk $0xffff, v25  }
0xcb: {  	[tilespmem:s14+$0x7FA0] =	vst.add.f32.msk $0xffff, v26  }
0xcc: {  	[tilespmem:s14+$0x7FB0] =	vst.add.f32.msk $0xffff, v27  }
0xcd: {  	[tilespmem:s14+$0x7FC0] =	vst.add.f32.msk $0xffff, v28  }
0xce: {  	[tilespmem:s14+$0x7FD0] =	vst.add.f32.msk $0xffff, v29  }
0xcf: {  	[tilespmem:s14+$0x7FE0] =	vst.add.f32.msk $0xffff, v30  }
0xd0: {  	[tilespmem:s14+$0x7FF0] =	vst.add.f32.msk $0xffff, v31  }
0xd1: {  	[tilespmem:s14+$0x8000] =	vst.add.f32.msk $0xffff, v32  }
0xd2: {  	[tilespmem:s14+$0x8010] =	vst.add.f32.msk $0xffff, v33  }
0xd3: {  	s0 =	smul.u32 $0x258, s8;
	[tilespmem:s14+$0x8020] =	vst.add.f32.msk $0xffff, v34  }
0xd4: {  	[tilespmem:s14+$0x8030] =	vst.add.f32.msk $0xffff, v35  }
0xd5: {  	s3 =	sadd.s32 s6, s0;
	[tilespmem:s14+$0x8040] =	vst.add.f32.msk $0xffff, v36  }
0xd6: {  	s3 =	sshll.u32 s3, $0x4;
	[tilespmem:s14+$0x8050] =	vst.add.f32.msk $0xffff, v37  }
0xd7: {  	p0 =	seq.s32 s8, $0x0;
	s3 =	sadd.s32 s4, s3;
	[tilespmem:s14+$0x8060] =	vst.add.f32.msk $0xffff, v38  }
0xd8: {  	[hbm4b:s3+s5] =	stream.linear.scatter [tilespmem:s16], [sflag:$0x7], $0x3200, $0x38;
	[tilespmem:$0x1AA00] =	vst v63  }
0xd9: {  	s7 =	smul.u32 $0x9C0, s8;
	s3 =	simm.s32 @!p0 $0xA  }
0xda: {  	_ =	swait.ge @!p0 [sflag:s3], $0x3200  }
0xdb: {  	s14 =	sshra.s32 s7, $0x2;
	[sflag:s3] =	ssyncset.done @!p0 $0x0  }
0xdc: {  	s7 =	sadd.s32 $0x138, s14;
	[sflag:s3] =	ssyncadd.s32 @!p0 $0xFFFFCE00  }
0xdd: {  	[tilespmem:s23], [sflag:$0x4] =	stream.indirect.gather [hbm4b:s1+s15], $0x80, s7, s15, $0xb8;
	[tilespmem:$0x1AA00] =	vst v63  }
0xde: {  	_ =	swait.ge [sflag:s24], $0x3200  }
0xdf: {  	[sflag:s24] =	ssyncset.done $0x0  }
0xe0: {  	s3 =	simm.s32 $0xA00;
	s7 =	simm.s32 $0x0;
	[sflag:s24] =	ssyncadd.s32 $0xFFFFCE00  }
.LBB2_5:
0xe1: {  	p1 =	sne.s32 s3, $0xBE00;
	v0 =	vld [tilespmem:s7+$0x4E70]  }
0xe2: {  	v1 =	vld [tilespmem:s7+$0x4C00]  }
0xe3: {  	v2 =	vld [tilespmem:s7+$0x4C10]  }
0xe4: {  	v3 =	vld [tilespmem:s7+$0x4C20]  }
0xe5: {  	v4 =	vld [tilespmem:s7+$0x4C30]  }
0xe6: {  	[tilespmem:s7+$0xB270] =	vst.add.f32.msk $0xffff, v0  }
0xe7: {  	v0 =	vld [tilespmem:s7+$0x4C40]  }
0xe8: {  	v5 =	vld [tilespmem:s7+$0x4C50]  }
0xe9: {  	v6 =	vld [tilespmem:s7+$0x4C60]  }
0xea: {  	v7 =	vld [tilespmem:s7+$0x4C70]  }
0xeb: {  	v8 =	vld [tilespmem:s7+$0x4C80]  }
0xec: {  	v9 =	vld [tilespmem:s7+$0x4C90]  }
0xed: {  	v10 =	vld [tilespmem:s7+$0x4CA0]  }
0xee: {  	v11 =	vld [tilespmem:s7+$0x4CB0]  }
0xef: {  	v12 =	vld [tilespmem:s7+$0x4CC0]  }
0xf0: {  	v13 =	vld [tilespmem:s7+$0x4CD0]  }
0xf1: {  	v14 =	vld [tilespmem:s7+$0x4CE0]  }
0xf2: {  	v15 =	vld [tilespmem:s7+$0x4CF0]  }
0xf3: {  	v16 =	vld [tilespmem:s7+$0x4D00]  }
0xf4: {  	v17 =	vld [tilespmem:s7+$0x4D10]  }
0xf5: {  	v18 =	vld [tilespmem:s7+$0x4D20]  }
0xf6: {  	v19 =	vld [tilespmem:s7+$0x4D30]  }
0xf7: {  	v20 =	vld [tilespmem:s7+$0x4D40]  }
0xf8: {  	v21 =	vld [tilespmem:s7+$0x4D50]  }
0xf9: {  	v22 =	vld [tilespmem:s7+$0x4D60]  }
0xfa: {  	v23 =	vld [tilespmem:s7+$0x4D70]  }
0xfb: {  	v24 =	vld [tilespmem:s7+$0x4D80]  }
0xfc: {  	v25 =	vld [tilespmem:s7+$0x4D90]  }
0xfd: {  	v26 =	vld [tilespmem:s7+$0x4DA0]  }
0xfe: {  	v27 =	vld [tilespmem:s7+$0x4DB0]  }
0xff: {  	v28 =	vld [tilespmem:s7+$0x4DC0]  }
0x100: {  	v29 =	vld [tilespmem:s7+$0x4DD0]  }
0x101: {  	v30 =	vld [tilespmem:s7+$0x4DE0]  }
0x102: {  	v31 =	vld [tilespmem:s7+$0x4DF0]  }
0x103: {  	v32 =	vld [tilespmem:s7+$0x4E00]  }
0x104: {  	v33 =	vld [tilespmem:s7+$0x4E10]  }
0x105: {  	v34 =	vld [tilespmem:s7+$0x4E20]  }
0x106: {  	v35 =	vld [tilespmem:s7+$0x4E30]  }
0x107: {  	v36 =	vld [tilespmem:s7+$0x4E40]  }
0x108: {  	v37 =	vld [tilespmem:s7+$0x4E50]  }
0x109: {  	v38 =	vld [tilespmem:s7+$0x4E60]  }
0x10a: {  	[tilespmem:s7+$0xB000] =	vst.add.f32.msk $0xffff, v1  }
0x10b: {  	[tilespmem:s7+$0xB010] =	vst.add.f32.msk $0xffff, v2  }
0x10c: {  	[tilespmem:s7+$0xB020] =	vst.add.f32.msk $0xffff, v3  }
0x10d: {  	[tilespmem:s7+$0xB030] =	vst.add.f32.msk $0xffff, v4  }
0x10e: {  	[tilespmem:s7+$0xB040] =	vst.add.f32.msk $0xffff, v0  }
0x10f: {  	[tilespmem:s7+$0xB050] =	vst.add.f32.msk $0xffff, v5  }
0x110: {  	[tilespmem:s7+$0xB060] =	vst.add.f32.msk $0xffff, v6  }
0x111: {  	[tilespmem:s7+$0xB070] =	vst.add.f32.msk $0xffff, v7  }
0x112: {  	[tilespmem:s7+$0xB080] =	vst.add.f32.msk $0xffff, v8  }
0x113: {  	[tilespmem:s7+$0xB090] =	vst.add.f32.msk $0xffff, v9  }
0x114: {  	[tilespmem:s7+$0xB0A0] =	vst.add.f32.msk $0xffff, v10  }
0x115: {  	[tilespmem:s7+$0xB0B0] =	vst.add.f32.msk $0xffff, v11  }
0x116: {  	[tilespmem:s7+$0xB0C0] =	vst.add.f32.msk $0xffff, v12  }
0x117: {  	[tilespmem:s7+$0xB0D0] =	vst.add.f32.msk $0xffff, v13  }
0x118: {  	[tilespmem:s7+$0xB0E0] =	vst.add.f32.msk $0xffff, v14  }
0x119: {  	[tilespmem:s7+$0xB0F0] =	vst.add.f32.msk $0xffff, v15  }
0x11a: {  	[tilespmem:s7+$0xB100] =	vst.add.f32.msk $0xffff, v16  }
0x11b: {  	[tilespmem:s7+$0xB110] =	vst.add.f32.msk $0xffff, v17  }
0x11c: {  	[tilespmem:s7+$0xB120] =	vst.add.f32.msk $0xffff, v18  }
0x11d: {  	[tilespmem:s7+$0xB130] =	vst.add.f32.msk $0xffff, v19  }
0x11e: {  	[tilespmem:s7+$0xB140] =	vst.add.f32.msk $0xffff, v20  }
0x11f: {  	[tilespmem:s7+$0xB150] =	vst.add.f32.msk $0xffff, v21  }
0x120: {  	[tilespmem:s7+$0xB160] =	vst.add.f32.msk $0xffff, v22  }
0x121: {  	[tilespmem:s7+$0xB170] =	vst.add.f32.msk $0xffff, v23  }
0x122: {  	[tilespmem:s7+$0xB180] =	vst.add.f32.msk $0xffff, v24  }
0x123: {  	[tilespmem:s7+$0xB190] =	vst.add.f32.msk $0xffff, v25  }
0x124: {  	[tilespmem:s7+$0xB1A0] =	vst.add.f32.msk $0xffff, v26  }
0x125: {  	[tilespmem:s7+$0xB1B0] =	vst.add.f32.msk $0xffff, v27  }
0x126: {  	[tilespmem:s7+$0xB1C0] =	vst.add.f32.msk $0xffff, v28  }
0x127: {  	[tilespmem:s7+$0xB1D0] =	vst.add.f32.msk $0xffff, v29  }
0x128: {  	[tilespmem:s7+$0xB1E0] =	vst.add.f32.msk $0xffff, v30  }
0x129: {  	[tilespmem:s7+$0xB1F0] =	vst.add.f32.msk $0xffff, v31  }
0x12a: {  	[tilespmem:s7+$0xB200] =	vst.add.f32.msk $0xffff, v32  }
0x12b: {  	[tilespmem:s7+$0xB210] =	vst.add.f32.msk $0xffff, v33  }
.Ltmp3:
0x12c: {  	[tilespmem:s7+$0xB220] =	vst.add.f32.msk $0xffff, v34;
	(pc) =	sbr.rel @p1 .LBB2_5-.Ltmp3, $4  }
0x12d: {  	[tilespmem:s7+$0xB230] =	vst.add.f32.msk $0xffff, v35  }
0x12e: {  	[tilespmem:s7+$0xB240] =	vst.add.f32.msk $0xffff, v36  }
0x12f: {  	[tilespmem:s7+$0xB250] =	vst.add.f32.msk $0xffff, v37  }
0x130: {  	[tilespmem:s7+$0xB260] =	vst.add.f32.msk $0xffff, v38;
	s7 =	sshra.s32 s3, $0x2;
	s3 =	sadd.s32 $0xA00, s3  }
0x131: {  	v0 =	vld [tilespmem:s7+$0x4E70]  }
0x132: {  	v1 =	vld [tilespmem:s7+$0x4C00]  }
0x133: {  	v2 =	vld [tilespmem:s7+$0x4C10]  }
0x134: {  	v3 =	vld [tilespmem:s7+$0x4C20]  }
0x135: {  	v4 =	vld [tilespmem:s7+$0x4C30]  }
0x136: {  	v63 =	vld [tilespmem:s7+$0x4C40]  }
0x137: {  	v5 =	vld [tilespmem:s7+$0x4C50]  }
0x138: {  	v6 =	vld [tilespmem:s7+$0x4C60]  }
0x139: {  	v7 =	vld [tilespmem:s7+$0x4C70]  }
0x13a: {  	v8 =	vld [tilespmem:s7+$0x4C80]  }
0x13b: {  	v9 =	vld [tilespmem:s7+$0x4C90]  }
0x13c: {  	v10 =	vld [tilespmem:s7+$0x4CA0]  }
0x13d: {  	v11 =	vld [tilespmem:s7+$0x4CB0]  }
0x13e: {  	v12 =	vld [tilespmem:s7+$0x4CC0]  }
0x13f: {  	v13 =	vld [tilespmem:s7+$0x4CD0]  }
0x140: {  	v14 =	vld [tilespmem:s7+$0x4CE0]  }
0x141: {  	v15 =	vld [tilespmem:s7+$0x4CF0]  }
0x142: {  	v16 =	vld [tilespmem:s7+$0x4D00]  }
0x143: {  	v17 =	vld [tilespmem:s7+$0x4D10]  }
0x144: {  	v18 =	vld [tilespmem:s7+$0x4D20]  }
0x145: {  	v19 =	vld [tilespmem:s7+$0x4D30]  }
0x146: {  	v20 =	vld [tilespmem:s7+$0x4D40]  }
0x147: {  	v21 =	vld [tilespmem:s7+$0x4D50]  }
0x148: {  	v22 =	vld [tilespmem:s7+$0x4D60]  }
0x149: {  	v23 =	vld [tilespmem:s7+$0x4D70]  }
0x14a: {  	v24 =	vld [tilespmem:s7+$0x4D80]  }
0x14b: {  	v25 =	vld [tilespmem:s7+$0x4D90]  }
0x14c: {  	v26 =	vld [tilespmem:s7+$0x4DA0]  }
0x14d: {  	v27 =	vld [tilespmem:s7+$0x4DB0]  }
0x14e: {  	v28 =	vld [tilespmem:s7+$0x4DC0]  }
0x14f: {  	v29 =	vld [tilespmem:s7+$0x4DD0]  }
0x150: {  	v30 =	vld [tilespmem:s7+$0x4DE0]  }
0x151: {  	v31 =	vld [tilespmem:s7+$0x4DF0]  }
0x152: {  	v32 =	vld [tilespmem:s7+$0x4E00]  }
0x153: {  	v33 =	vld [tilespmem:s7+$0x4E10]  }
0x154: {  	v34 =	vld [tilespmem:s7+$0x4E20]  }
0x155: {  	v35 =	vld [tilespmem:s7+$0x4E30]  }
0x156: {  	v36 =	vld [tilespmem:s7+$0x4E40]  }
0x157: {  	v37 =	vld [tilespmem:s7+$0x4E50]  }
0x158: {  	v38 =	vld [tilespmem:s7+$0x4E60]  }
0x159: {  	[tilespmem:s7+$0xB270] =	vst.add.f32.msk $0xffff, v0  }
0x15a: {  	[tilespmem:s7+$0xB000] =	vst.add.f32.msk $0xffff, v1  }
0x15b: {  	[tilespmem:s7+$0xB010] =	vst.add.f32.msk $0xffff, v2  }
0x15c: {  	[tilespmem:s7+$0xB020] =	vst.add.f32.msk $0xffff, v3  }
0x15d: {  	[tilespmem:s7+$0xB030] =	vst.add.f32.msk $0xffff, v4  }
0x15e: {  	[tilespmem:s7+$0xB040] =	vst.add.f32.msk $0xffff, v63  }
0x15f: {  	[tilespmem:s7+$0xB050] =	vst.add.f32.msk $0xffff, v5  }
0x160: {  	[tilespmem:s7+$0xB060] =	vst.add.f32.msk $0xffff, v6  }
0x161: {  	[tilespmem:s7+$0xB070] =	vst.add.f32.msk $0xffff, v7  }
0x162: {  	[tilespmem:s7+$0xB080] =	vst.add.f32.msk $0xffff, v8  }
0x163: {  	[tilespmem:s7+$0xB090] =	vst.add.f32.msk $0xffff, v9  }
0x164: {  	[tilespmem:s7+$0xB0A0] =	vst.add.f32.msk $0xffff, v10  }
0x165: {  	[tilespmem:s7+$0xB0B0] =	vst.add.f32.msk $0xffff, v11  }
0x166: {  	[tilespmem:s7+$0xB0C0] =	vst.add.f32.msk $0xffff, v12  }
0x167: {  	[tilespmem:s7+$0xB0D0] =	vst.add.f32.msk $0xffff, v13  }
0x168: {  	[tilespmem:s7+$0xB0E0] =	vst.add.f32.msk $0xffff, v14  }
0x169: {  	[tilespmem:s7+$0xB0F0] =	vst.add.f32.msk $0xffff, v15  }
0x16a: {  	[tilespmem:s7+$0xB100] =	vst.add.f32.msk $0xffff, v16  }
0x16b: {  	[tilespmem:s7+$0xB110] =	vst.add.f32.msk $0xffff, v17  }
0x16c: {  	[tilespmem:s7+$0xB120] =	vst.add.f32.msk $0xffff, v18  }
0x16d: {  	[tilespmem:s7+$0xB130] =	vst.add.f32.msk $0xffff, v19  }
0x16e: {  	[tilespmem:s7+$0xB140] =	vst.add.f32.msk $0xffff, v20  }
0x16f: {  	[tilespmem:s7+$0xB150] =	vst.add.f32.msk $0xffff, v21  }
0x170: {  	[tilespmem:s7+$0xB160] =	vst.add.f32.msk $0xffff, v22  }
0x171: {  	[tilespmem:s7+$0xB170] =	vst.add.f32.msk $0xffff, v23  }
0x172: {  	[tilespmem:s7+$0xB180] =	vst.add.f32.msk $0xffff, v24  }
0x173: {  	[tilespmem:s7+$0xB190] =	vst.add.f32.msk $0xffff, v25  }
0x174: {  	[tilespmem:s7+$0xB1A0] =	vst.add.f32.msk $0xffff, v26  }
0x175: {  	[tilespmem:s7+$0xB1B0] =	vst.add.f32.msk $0xffff, v27  }
0x176: {  	[tilespmem:s7+$0xB1C0] =	vst.add.f32.msk $0xffff, v28  }
0x177: {  	[tilespmem:s7+$0xB1D0] =	vst.add.f32.msk $0xffff, v29  }
0x178: {  	[tilespmem:s7+$0xB1E0] =	vst.add.f32.msk $0xffff, v30  }
0x179: {  	[tilespmem:s7+$0xB1F0] =	vst.add.f32.msk $0xffff, v31  }
0x17a: {  	[tilespmem:s7+$0xB200] =	vst.add.f32.msk $0xffff, v32  }
0x17b: {  	[tilespmem:s7+$0xB210] =	vst.add.f32.msk $0xffff, v33  }
0x17c: {  	[tilespmem:s7+$0xB220] =	vst.add.f32.msk $0xffff, v34  }
.Ltmp4:
0x17d: {  	s3 =	sadd.s32 s9, s0;
	[tilespmem:s7+$0xB230] =	vst.add.f32.msk $0xffff, v35;
	(pc) =	sbr.rel @p0 .LBB2_9-.Ltmp4, $4  }
0x17e: {  	s3 =	sshll.u32 s3, $0x4;
	[tilespmem:s7+$0xB240] =	vst.add.f32.msk $0xffff, v36  }
0x17f: {  	s3 =	sand.u32 $0x1FFFFFC0, s3;
	[tilespmem:s7+$0xB250] =	vst.add.f32.msk $0xffff, v37  }
0x180: {  	s3 =	sadd.s32 s4, s3;
	[tilespmem:s7+$0xB260] =	vst.add.f32.msk $0xffff, v38  }
0x181: {  	[hbm4b:s3+s5] =	stream.linear.scatter [tilespmem:s18], [sflag:$0x8], $0x3200, $0x38;
	[tilespmem:$0x1AA00] =	vst v63  }
0x182: {  	p1 =	seq.s32 s8, $0xA  }
.Ltmp5:
0x183: {  	_ = 	snop;
	(pc) =	sbr.rel @p1 .LBB2_10-.Ltmp5, $1  }
0x184: {  	_ =	sdelay $0x3  }
0x185: {  	s3 =	simm.s32 $0xB  }
0x186: {  	_ =	swait.ge [sflag:s3], $0x3200  }
0x187: {  	[sflag:s3] =	ssyncset.done $0x0  }
0x188: {  	[sflag:s3] =	ssyncadd.s32 $0xFFFFCE00  }
.LBB2_9:
0x189: {  	s3 =	sadd.s32 $0x1A0, s14  }
0x18a: {  	[tilespmem:s25], [sflag:$0x5] =	stream.indirect.gather [hbm4b:s1+s15], $0x80, s3, s15, $0xb8;
	[tilespmem:$0x1AA00] =	vst v63  }
.LBB2_10:
0x18b: {  	_ =	swait.ge [sflag:s26], $0x3200  }
0x18c: {  	[sflag:s26] =	ssyncset.done $0x0  }
0x18d: {  	s7 =	simm.s32 $0x0;
	s3 =	simm.s32 $0xA00;
	[sflag:s26] =	ssyncadd.s32 $0xFFFFCE00  }
.LBB2_11:
0x18e: {  	p1 =	sne.s32 s3, $0xBE00;
	v0 =	vld [tilespmem:s7+$0x1C70]  }
0x18f: {  	v1 =	vld [tilespmem:s7+$0x1A00]  }
0x190: {  	v2 =	vld [tilespmem:s7+$0x1A10]  }
0x191: {  	v3 =	vld [tilespmem:s7+$0x1A20]  }
0x192: {  	v4 =	vld [tilespmem:s7+$0x1A30]  }
0x193: {  	[tilespmem:s7+$0xE470] =	vst.add.f32.msk $0xffff, v0  }
0x194: {  	v0 =	vld [tilespmem:s7+$0x1A40]  }
0x195: {  	v5 =	vld [tilespmem:s7+$0x1A50]  }
0x196: {  	v6 =	vld [tilespmem:s7+$0x1A60]  }
0x197: {  	v7 =	vld [tilespmem:s7+$0x1A70]  }
0x198: {  	v8 =	vld [tilespmem:s7+$0x1A80]  }
0x199: {  	v9 =	vld [tilespmem:s7+$0x1A90]  }
0x19a: {  	v10 =	vld [tilespmem:s7+$0x1AA0]  }
0x19b: {  	v11 =	vld [tilespmem:s7+$0x1AB0]  }
0x19c: {  	v12 =	vld [tilespmem:s7+$0x1AC0]  }
0x19d: {  	v13 =	vld [tilespmem:s7+$0x1AD0]  }
0x19e: {  	v14 =	vld [tilespmem:s7+$0x1AE0]  }
0x19f: {  	v15 =	vld [tilespmem:s7+$0x1AF0]  }
0x1a0: {  	v16 =	vld [tilespmem:s7+$0x1B00]  }
0x1a1: {  	v17 =	vld [tilespmem:s7+$0x1B10]  }
0x1a2: {  	v18 =	vld [tilespmem:s7+$0x1B20]  }
0x1a3: {  	v19 =	vld [tilespmem:s7+$0x1B30]  }
0x1a4: {  	v20 =	vld [tilespmem:s7+$0x1B40]  }
0x1a5: {  	v21 =	vld [tilespmem:s7+$0x1B50]  }
0x1a6: {  	v22 =	vld [tilespmem:s7+$0x1B60]  }
0x1a7: {  	v23 =	vld [tilespmem:s7+$0x1B70]  }
0x1a8: {  	v24 =	vld [tilespmem:s7+$0x1B80]  }
0x1a9: {  	v25 =	vld [tilespmem:s7+$0x1B90]  }
0x1aa: {  	v26 =	vld [tilespmem:s7+$0x1BA0]  }
0x1ab: {  	v27 =	vld [tilespmem:s7+$0x1BB0]  }
0x1ac: {  	v28 =	vld [tilespmem:s7+$0x1BC0]  }
0x1ad: {  	v29 =	vld [tilespmem:s7+$0x1BD0]  }
0x1ae: {  	v30 =	vld [tilespmem:s7+$0x1BE0]  }
0x1af: {  	v31 =	vld [tilespmem:s7+$0x1BF0]  }
0x1b0: {  	v32 =	vld [tilespmem:s7+$0x1C00]  }
0x1b1: {  	v33 =	vld [tilespmem:s7+$0x1C10]  }
0x1b2: {  	v34 =	vld [tilespmem:s7+$0x1C20]  }
0x1b3: {  	v35 =	vld [tilespmem:s7+$0x1C30]  }
0x1b4: {  	v36 =	vld [tilespmem:s7+$0x1C40]  }
0x1b5: {  	v37 =	vld [tilespmem:s7+$0x1C50]  }
0x1b6: {  	v38 =	vld [tilespmem:s7+$0x1C60]  }
0x1b7: {  	[tilespmem:s7+$0xE200] =	vst.add.f32.msk $0xffff, v1  }
0x1b8: {  	[tilespmem:s7+$0xE210] =	vst.add.f32.msk $0xffff, v2  }
0x1b9: {  	[tilespmem:s7+$0xE220] =	vst.add.f32.msk $0xffff, v3  }
0x1ba: {  	[tilespmem:s7+$0xE230] =	vst.add.f32.msk $0xffff, v4  }
0x1bb: {  	[tilespmem:s7+$0xE240] =	vst.add.f32.msk $0xffff, v0  }
0x1bc: {  	[tilespmem:s7+$0xE250] =	vst.add.f32.msk $0xffff, v5  }
0x1bd: {  	[tilespmem:s7+$0xE260] =	vst.add.f32.msk $0xffff, v6  }
0x1be: {  	[tilespmem:s7+$0xE270] =	vst.add.f32.msk $0xffff, v7  }
0x1bf: {  	[tilespmem:s7+$0xE280] =	vst.add.f32.msk $0xffff, v8  }
0x1c0: {  	[tilespmem:s7+$0xE290] =	vst.add.f32.msk $0xffff, v9  }
0x1c1: {  	[tilespmem:s7+$0xE2A0] =	vst.add.f32.msk $0xffff, v10  }
0x1c2: {  	[tilespmem:s7+$0xE2B0] =	vst.add.f32.msk $0xffff, v11  }
0x1c3: {  	[tilespmem:s7+$0xE2C0] =	vst.add.f32.msk $0xffff, v12  }
0x1c4: {  	[tilespmem:s7+$0xE2D0] =	vst.add.f32.msk $0xffff, v13  }
0x1c5: {  	[tilespmem:s7+$0xE2E0] =	vst.add.f32.msk $0xffff, v14  }
0x1c6: {  	[tilespmem:s7+$0xE2F0] =	vst.add.f32.msk $0xffff, v15  }
0x1c7: {  	[tilespmem:s7+$0xE300] =	vst.add.f32.msk $0xffff, v16  }
0x1c8: {  	[tilespmem:s7+$0xE310] =	vst.add.f32.msk $0xffff, v17  }
0x1c9: {  	[tilespmem:s7+$0xE320] =	vst.add.f32.msk $0xffff, v18  }
0x1ca: {  	[tilespmem:s7+$0xE330] =	vst.add.f32.msk $0xffff, v19  }
0x1cb: {  	[tilespmem:s7+$0xE340] =	vst.add.f32.msk $0xffff, v20  }
0x1cc: {  	[tilespmem:s7+$0xE350] =	vst.add.f32.msk $0xffff, v21  }
0x1cd: {  	[tilespmem:s7+$0xE360] =	vst.add.f32.msk $0xffff, v22  }
0x1ce: {  	[tilespmem:s7+$0xE370] =	vst.add.f32.msk $0xffff, v23  }
0x1cf: {  	[tilespmem:s7+$0xE380] =	vst.add.f32.msk $0xffff, v24  }
0x1d0: {  	[tilespmem:s7+$0xE390] =	vst.add.f32.msk $0xffff, v25  }
0x1d1: {  	[tilespmem:s7+$0xE3A0] =	vst.add.f32.msk $0xffff, v26  }
0x1d2: {  	[tilespmem:s7+$0xE3B0] =	vst.add.f32.msk $0xffff, v27  }
0x1d3: {  	[tilespmem:s7+$0xE3C0] =	vst.add.f32.msk $0xffff, v28  }
0x1d4: {  	[tilespmem:s7+$0xE3D0] =	vst.add.f32.msk $0xffff, v29  }
0x1d5: {  	[tilespmem:s7+$0xE3E0] =	vst.add.f32.msk $0xffff, v30  }
0x1d6: {  	[tilespmem:s7+$0xE3F0] =	vst.add.f32.msk $0xffff, v31  }
0x1d7: {  	[tilespmem:s7+$0xE400] =	vst.add.f32.msk $0xffff, v32  }
0x1d8: {  	[tilespmem:s7+$0xE410] =	vst.add.f32.msk $0xffff, v33  }
.Ltmp6:
0x1d9: {  	[tilespmem:s7+$0xE420] =	vst.add.f32.msk $0xffff, v34;
	(pc) =	sbr.rel @p1 .LBB2_11-.Ltmp6, $4  }
0x1da: {  	[tilespmem:s7+$0xE430] =	vst.add.f32.msk $0xffff, v35  }
0x1db: {  	[tilespmem:s7+$0xE440] =	vst.add.f32.msk $0xffff, v36  }
0x1dc: {  	[tilespmem:s7+$0xE450] =	vst.add.f32.msk $0xffff, v37  }
0x1dd: {  	[tilespmem:s7+$0xE460] =	vst.add.f32.msk $0xffff, v38;
	s7 =	sshra.s32 s3, $0x2;
	s3 =	sadd.s32 $0xA00, s3  }
0x1de: {  	v0 =	vld [tilespmem:s7+$0x1C70]  }
0x1df: {  	v1 =	vld [tilespmem:s7+$0x1A00]  }
0x1e0: {  	v2 =	vld [tilespmem:s7+$0x1A10]  }
0x1e1: {  	v3 =	vld [tilespmem:s7+$0x1A20]  }
0x1e2: {  	v4 =	vld [tilespmem:s7+$0x1A30]  }
0x1e3: {  	v63 =	vld [tilespmem:s7+$0x1A40]  }
0x1e4: {  	v5 =	vld [tilespmem:s7+$0x1A50]  }
0x1e5: {  	v6 =	vld [tilespmem:s7+$0x1A60]  }
0x1e6: {  	v7 =	vld [tilespmem:s7+$0x1A70]  }
0x1e7: {  	v8 =	vld [tilespmem:s7+$0x1A80]  }
0x1e8: {  	v9 =	vld [tilespmem:s7+$0x1A90]  }
0x1e9: {  	v10 =	vld [tilespmem:s7+$0x1AA0]  }
0x1ea: {  	v11 =	vld [tilespmem:s7+$0x1AB0]  }
0x1eb: {  	v12 =	vld [tilespmem:s7+$0x1AC0]  }
0x1ec: {  	v13 =	vld [tilespmem:s7+$0x1AD0]  }
0x1ed: {  	v14 =	vld [tilespmem:s7+$0x1AE0]  }
0x1ee: {  	v15 =	vld [tilespmem:s7+$0x1AF0]  }
0x1ef: {  	v16 =	vld [tilespmem:s7+$0x1B00]  }
0x1f0: {  	v17 =	vld [tilespmem:s7+$0x1B10]  }
0x1f1: {  	v18 =	vld [tilespmem:s7+$0x1B20]  }
0x1f2: {  	v19 =	vld [tilespmem:s7+$0x1B30]  }
0x1f3: {  	v20 =	vld [tilespmem:s7+$0x1B40]  }
0x1f4: {  	v21 =	vld [tilespmem:s7+$0x1B50]  }
0x1f5: {  	v22 =	vld [tilespmem:s7+$0x1B60]  }
0x1f6: {  	v23 =	vld [tilespmem:s7+$0x1B70]  }
0x1f7: {  	v24 =	vld [tilespmem:s7+$0x1B80]  }
0x1f8: {  	v25 =	vld [tilespmem:s7+$0x1B90]  }
0x1f9: {  	v26 =	vld [tilespmem:s7+$0x1BA0]  }
0x1fa: {  	v27 =	vld [tilespmem:s7+$0x1BB0]  }
0x1fb: {  	v28 =	vld [tilespmem:s7+$0x1BC0]  }
0x1fc: {  	v29 =	vld [tilespmem:s7+$0x1BD0]  }
0x1fd: {  	v30 =	vld [tilespmem:s7+$0x1BE0]  }
0x1fe: {  	v31 =	vld [tilespmem:s7+$0x1BF0]  }
0x1ff: {  	v32 =	vld [tilespmem:s7+$0x1C00]  }
0x200: {  	v33 =	vld [tilespmem:s7+$0x1C10]  }
0x201: {  	v34 =	vld [tilespmem:s7+$0x1C20]  }
0x202: {  	v35 =	vld [tilespmem:s7+$0x1C30]  }
0x203: {  	v36 =	vld [tilespmem:s7+$0x1C40]  }
0x204: {  	v37 =	vld [tilespmem:s7+$0x1C50]  }
0x205: {  	v38 =	vld [tilespmem:s7+$0x1C60]  }
0x206: {  	[tilespmem:s7+$0xE470] =	vst.add.f32.msk $0xffff, v0  }
0x207: {  	[tilespmem:s7+$0xE200] =	vst.add.f32.msk $0xffff, v1  }
0x208: {  	[tilespmem:s7+$0xE210] =	vst.add.f32.msk $0xffff, v2  }
0x209: {  	[tilespmem:s7+$0xE220] =	vst.add.f32.msk $0xffff, v3  }
0x20a: {  	[tilespmem:s7+$0xE230] =	vst.add.f32.msk $0xffff, v4  }
0x20b: {  	[tilespmem:s7+$0xE240] =	vst.add.f32.msk $0xffff, v63  }
0x20c: {  	[tilespmem:s7+$0xE250] =	vst.add.f32.msk $0xffff, v5  }
0x20d: {  	[tilespmem:s7+$0xE260] =	vst.add.f32.msk $0xffff, v6  }
0x20e: {  	[tilespmem:s7+$0xE270] =	vst.add.f32.msk $0xffff, v7  }
0x20f: {  	[tilespmem:s7+$0xE280] =	vst.add.f32.msk $0xffff, v8  }
0x210: {  	[tilespmem:s7+$0xE290] =	vst.add.f32.msk $0xffff, v9  }
0x211: {  	[tilespmem:s7+$0xE2A0] =	vst.add.f32.msk $0xffff, v10  }
0x212: {  	[tilespmem:s7+$0xE2B0] =	vst.add.f32.msk $0xffff, v11  }
0x213: {  	[tilespmem:s7+$0xE2C0] =	vst.add.f32.msk $0xffff, v12  }
0x214: {  	[tilespmem:s7+$0xE2D0] =	vst.add.f32.msk $0xffff, v13  }
0x215: {  	[tilespmem:s7+$0xE2E0] =	vst.add.f32.msk $0xffff, v14  }
0x216: {  	[tilespmem:s7+$0xE2F0] =	vst.add.f32.msk $0xffff, v15  }
0x217: {  	[tilespmem:s7+$0xE300] =	vst.add.f32.msk $0xffff, v16  }
0x218: {  	[tilespmem:s7+$0xE310] =	vst.add.f32.msk $0xffff, v17  }
0x219: {  	[tilespmem:s7+$0xE320] =	vst.add.f32.msk $0xffff, v18  }
0x21a: {  	[tilespmem:s7+$0xE330] =	vst.add.f32.msk $0xffff, v19  }
0x21b: {  	[tilespmem:s7+$0xE340] =	vst.add.f32.msk $0xffff, v20  }
0x21c: {  	[tilespmem:s7+$0xE350] =	vst.add.f32.msk $0xffff, v21  }
0x21d: {  	[tilespmem:s7+$0xE360] =	vst.add.f32.msk $0xffff, v22  }
0x21e: {  	[tilespmem:s7+$0xE370] =	vst.add.f32.msk $0xffff, v23  }
0x21f: {  	[tilespmem:s7+$0xE380] =	vst.add.f32.msk $0xffff, v24  }
0x220: {  	[tilespmem:s7+$0xE390] =	vst.add.f32.msk $0xffff, v25  }
0x221: {  	[tilespmem:s7+$0xE3A0] =	vst.add.f32.msk $0xffff, v26  }
0x222: {  	[tilespmem:s7+$0xE3B0] =	vst.add.f32.msk $0xffff, v27  }
0x223: {  	[tilespmem:s7+$0xE3C0] =	vst.add.f32.msk $0xffff, v28  }
0x224: {  	[tilespmem:s7+$0xE3D0] =	vst.add.f32.msk $0xffff, v29  }
0x225: {  	[tilespmem:s7+$0xE3E0] =	vst.add.f32.msk $0xffff, v30  }
0x226: {  	[tilespmem:s7+$0xE3F0] =	vst.add.f32.msk $0xffff, v31  }
0x227: {  	[tilespmem:s7+$0xE400] =	vst.add.f32.msk $0xffff, v32  }
0x228: {  	[tilespmem:s7+$0xE410] =	vst.add.f32.msk $0xffff, v33  }
0x229: {  	[tilespmem:s7+$0xE420] =	vst.add.f32.msk $0xffff, v34  }
.Ltmp7:
0x22a: {  	s3 =	sadd.s32 s10, s0;
	[tilespmem:s7+$0xE430] =	vst.add.f32.msk $0xffff, v35;
	(pc) =	sbr.rel @p0 .LBB2_15-.Ltmp7, $4  }
0x22b: {  	s3 =	sshll.u32 s3, $0x4;
	[tilespmem:s7+$0xE440] =	vst.add.f32.msk $0xffff, v36  }
0x22c: {  	s3 =	sand.u32 $0x1FFFFF80, s3;
	[tilespmem:s7+$0xE450] =	vst.add.f32.msk $0xffff, v37  }
0x22d: {  	s3 =	sadd.s32 s4, s3;
	[tilespmem:s7+$0xE460] =	vst.add.f32.msk $0xffff, v38  }
0x22e: {  	[hbm4b:s3+s5] =	stream.linear.scatter [tilespmem:s20], [sflag:$0x9], $0x3200, $0x38;
	[tilespmem:$0x1AA00] =	vst v63  }
0x22f: {  	p0 =	seq.s32 s8, $0xA  }
.Ltmp8:
0x230: {  	_ = 	snop;
	(pc) =	sbr.rel @p0 .LBB2_16-.Ltmp8, $1  }
0x231: {  	_ =	sdelay $0x3  }
0x232: {  	_ =	swait.ge [sflag:s17], $0x3200  }
0x233: {  	[sflag:s17] =	ssyncset.done $0x0  }
0x234: {  	[sflag:s17] =	ssyncadd.s32 $0xFFFFCE00  }
.LBB2_15:
0x235: {  	s3 =	sadd.s32 $0x208, s14  }
0x236: {  	[tilespmem:s28], [sflag:$0x6] =	stream.indirect.gather [hbm4b:s1+s15], $0x80, s3, s15, $0xb8;
	[tilespmem:$0x1AA00] =	vst v63  }
.LBB2_16:
0x237: {  	_ =	swait.ge [sflag:s29], $0x3200  }
0x238: {  	[sflag:s29] =	ssyncset.done $0x0  }
0x239: {  	s7 =	simm.s32 $0x0;
	s3 =	simm.s32 $0xA00;
	[sflag:s29] =	ssyncadd.s32 $0xFFFFCE00  }
.LBB2_17:
0x23a: {  	p0 =	sne.s32 s3, $0xBE00;
	v0 =	vld [tilespmem:s7+$0x4E70]  }
0x23b: {  	v1 =	vld [tilespmem:s7+$0x4C00]  }
0x23c: {  	v2 =	vld [tilespmem:s7+$0x4C10]  }
0x23d: {  	v3 =	vld [tilespmem:s7+$0x4C20]  }
0x23e: {  	v4 =	vld [tilespmem:s7+$0x4C30]  }
0x23f: {  	[tilespmem:s7+$0x11670] =	vst.add.f32.msk $0xffff, v0  }
0x240: {  	v0 =	vld [tilespmem:s7+$0x4C40]  }
0x241: {  	v5 =	vld [tilespmem:s7+$0x4C50]  }
0x242: {  	v6 =	vld [tilespmem:s7+$0x4C60]  }
0x243: {  	v7 =	vld [tilespmem:s7+$0x4C70]  }
0x244: {  	v8 =	vld [tilespmem:s7+$0x4C80]  }
0x245: {  	v9 =	vld [tilespmem:s7+$0x4C90]  }
0x246: {  	v10 =	vld [tilespmem:s7+$0x4CA0]  }
0x247: {  	v11 =	vld [tilespmem:s7+$0x4CB0]  }
0x248: {  	v12 =	vld [tilespmem:s7+$0x4CC0]  }
0x249: {  	v13 =	vld [tilespmem:s7+$0x4CD0]  }
0x24a: {  	v14 =	vld [tilespmem:s7+$0x4CE0]  }
0x24b: {  	v15 =	vld [tilespmem:s7+$0x4CF0]  }
0x24c: {  	v16 =	vld [tilespmem:s7+$0x4D00]  }
0x24d: {  	v17 =	vld [tilespmem:s7+$0x4D10]  }
0x24e: {  	v18 =	vld [tilespmem:s7+$0x4D20]  }
0x24f: {  	v19 =	vld [tilespmem:s7+$0x4D30]  }
0x250: {  	v20 =	vld [tilespmem:s7+$0x4D40]  }
0x251: {  	v21 =	vld [tilespmem:s7+$0x4D50]  }
0x252: {  	v22 =	vld [tilespmem:s7+$0x4D60]  }
0x253: {  	v23 =	vld [tilespmem:s7+$0x4D70]  }
0x254: {  	v24 =	vld [tilespmem:s7+$0x4D80]  }
0x255: {  	v25 =	vld [tilespmem:s7+$0x4D90]  }
0x256: {  	v26 =	vld [tilespmem:s7+$0x4DA0]  }
0x257: {  	v27 =	vld [tilespmem:s7+$0x4DB0]  }
0x258: {  	v28 =	vld [tilespmem:s7+$0x4DC0]  }
0x259: {  	v29 =	vld [tilespmem:s7+$0x4DD0]  }
0x25a: {  	v30 =	vld [tilespmem:s7+$0x4DE0]  }
0x25b: {  	v31 =	vld [tilespmem:s7+$0x4DF0]  }
0x25c: {  	v32 =	vld [tilespmem:s7+$0x4E00]  }
0x25d: {  	v33 =	vld [tilespmem:s7+$0x4E10]  }
0x25e: {  	v34 =	vld [tilespmem:s7+$0x4E20]  }
0x25f: {  	v35 =	vld [tilespmem:s7+$0x4E30]  }
0x260: {  	v36 =	vld [tilespmem:s7+$0x4E40]  }
0x261: {  	v37 =	vld [tilespmem:s7+$0x4E50]  }
0x262: {  	v38 =	vld [tilespmem:s7+$0x4E60]  }
0x263: {  	[tilespmem:s7+$0x11400] =	vst.add.f32.msk $0xffff, v1  }
0x264: {  	[tilespmem:s7+$0x11410] =	vst.add.f32.msk $0xffff, v2  }
0x265: {  	[tilespmem:s7+$0x11420] =	vst.add.f32.msk $0xffff, v3  }
0x266: {  	[tilespmem:s7+$0x11430] =	vst.add.f32.msk $0xffff, v4  }
0x267: {  	[tilespmem:s7+$0x11440] =	vst.add.f32.msk $0xffff, v0  }
0x268: {  	[tilespmem:s7+$0x11450] =	vst.add.f32.msk $0xffff, v5  }
0x269: {  	[tilespmem:s7+$0x11460] =	vst.add.f32.msk $0xffff, v6  }
0x26a: {  	[tilespmem:s7+$0x11470] =	vst.add.f32.msk $0xffff, v7  }
0x26b: {  	[tilespmem:s7+$0x11480] =	vst.add.f32.msk $0xffff, v8  }
0x26c: {  	[tilespmem:s7+$0x11490] =	vst.add.f32.msk $0xffff, v9  }
0x26d: {  	[tilespmem:s7+$0x114A0] =	vst.add.f32.msk $0xffff, v10  }
0x26e: {  	[tilespmem:s7+$0x114B0] =	vst.add.f32.msk $0xffff, v11  }
0x26f: {  	[tilespmem:s7+$0x114C0] =	vst.add.f32.msk $0xffff, v12  }
0x270: {  	[tilespmem:s7+$0x114D0] =	vst.add.f32.msk $0xffff, v13  }
0x271: {  	[tilespmem:s7+$0x114E0] =	vst.add.f32.msk $0xffff, v14  }
0x272: {  	[tilespmem:s7+$0x114F0] =	vst.add.f32.msk $0xffff, v15  }
0x273: {  	[tilespmem:s7+$0x11500] =	vst.add.f32.msk $0xffff, v16  }
0x274: {  	[tilespmem:s7+$0x11510] =	vst.add.f32.msk $0xffff, v17  }
0x275: {  	[tilespmem:s7+$0x11520] =	vst.add.f32.msk $0xffff, v18  }
0x276: {  	[tilespmem:s7+$0x11530] =	vst.add.f32.msk $0xffff, v19  }
0x277: {  	[tilespmem:s7+$0x11540] =	vst.add.f32.msk $0xffff, v20  }
0x278: {  	[tilespmem:s7+$0x11550] =	vst.add.f32.msk $0xffff, v21  }
0x279: {  	[tilespmem:s7+$0x11560] =	vst.add.f32.msk $0xffff, v22  }
0x27a: {  	[tilespmem:s7+$0x11570] =	vst.add.f32.msk $0xffff, v23  }
0x27b: {  	[tilespmem:s7+$0x11580] =	vst.add.f32.msk $0xffff, v24  }
0x27c: {  	[tilespmem:s7+$0x11590] =	vst.add.f32.msk $0xffff, v25  }
0x27d: {  	[tilespmem:s7+$0x115A0] =	vst.add.f32.msk $0xffff, v26  }
0x27e: {  	[tilespmem:s7+$0x115B0] =	vst.add.f32.msk $0xffff, v27  }
0x27f: {  	[tilespmem:s7+$0x115C0] =	vst.add.f32.msk $0xffff, v28  }
0x280: {  	[tilespmem:s7+$0x115D0] =	vst.add.f32.msk $0xffff, v29  }
0x281: {  	[tilespmem:s7+$0x115E0] =	vst.add.f32.msk $0xffff, v30  }
0x282: {  	[tilespmem:s7+$0x115F0] =	vst.add.f32.msk $0xffff, v31  }
0x283: {  	[tilespmem:s7+$0x11600] =	vst.add.f32.msk $0xffff, v32  }
0x284: {  	[tilespmem:s7+$0x11610] =	vst.add.f32.msk $0xffff, v33  }
.Ltmp9:
0x285: {  	[tilespmem:s7+$0x11620] =	vst.add.f32.msk $0xffff, v34;
	(pc) =	sbr.rel @p0 .LBB2_17-.Ltmp9, $4  }
0x286: {  	[tilespmem:s7+$0x11630] =	vst.add.f32.msk $0xffff, v35  }
0x287: {  	[tilespmem:s7+$0x11640] =	vst.add.f32.msk $0xffff, v36  }
0x288: {  	[tilespmem:s7+$0x11650] =	vst.add.f32.msk $0xffff, v37  }
0x289: {  	[tilespmem:s7+$0x11660] =	vst.add.f32.msk $0xffff, v38;
	s7 =	sshra.s32 s3, $0x2;
	s3 =	sadd.s32 $0xA00, s3  }
0x28a: {  	v0 =	vld [tilespmem:s7+$0x4E70]  }
0x28b: {  	v1 =	vld [tilespmem:s7+$0x4C00]  }
0x28c: {  	v2 =	vld [tilespmem:s7+$0x4C10]  }
0x28d: {  	v3 =	vld [tilespmem:s7+$0x4C20]  }
0x28e: {  	v4 =	vld [tilespmem:s7+$0x4C30]  }
0x28f: {  	v63 =	vld [tilespmem:s7+$0x4C40]  }
0x290: {  	v5 =	vld [tilespmem:s7+$0x4C50]  }
0x291: {  	v6 =	vld [tilespmem:s7+$0x4C60]  }
0x292: {  	v7 =	vld [tilespmem:s7+$0x4C70]  }
0x293: {  	v8 =	vld [tilespmem:s7+$0x4C80]  }
0x294: {  	v9 =	vld [tilespmem:s7+$0x4C90]  }
0x295: {  	v10 =	vld [tilespmem:s7+$0x4CA0]  }
0x296: {  	v11 =	vld [tilespmem:s7+$0x4CB0]  }
0x297: {  	v12 =	vld [tilespmem:s7+$0x4CC0]  }
0x298: {  	v13 =	vld [tilespmem:s7+$0x4CD0]  }
0x299: {  	v14 =	vld [tilespmem:s7+$0x4CE0]  }
0x29a: {  	v15 =	vld [tilespmem:s7+$0x4CF0]  }
0x29b: {  	v16 =	vld [tilespmem:s7+$0x4D00]  }
0x29c: {  	v17 =	vld [tilespmem:s7+$0x4D10]  }
0x29d: {  	v18 =	vld [tilespmem:s7+$0x4D20]  }
0x29e: {  	v19 =	vld [tilespmem:s7+$0x4D30]  }
0x29f: {  	v20 =	vld [tilespmem:s7+$0x4D40]  }
0x2a0: {  	v21 =	vld [tilespmem:s7+$0x4D50]  }
0x2a1: {  	v22 =	vld [tilespmem:s7+$0x4D60]  }
0x2a2: {  	v23 =	vld [tilespmem:s7+$0x4D70]  }
0x2a3: {  	v24 =	vld [tilespmem:s7+$0x4D80]  }
0x2a4: {  	v25 =	vld [tilespmem:s7+$0x4D90]  }
0x2a5: {  	v26 =	vld [tilespmem:s7+$0x4DA0]  }
0x2a6: {  	v27 =	vld [tilespmem:s7+$0x4DB0]  }
0x2a7: {  	v28 =	vld [tilespmem:s7+$0x4DC0]  }
0x2a8: {  	v29 =	vld [tilespmem:s7+$0x4DD0]  }
0x2a9: {  	v30 =	vld [tilespmem:s7+$0x4DE0]  }
0x2aa: {  	v31 =	vld [tilespmem:s7+$0x4DF0]  }
0x2ab: {  	v32 =	vld [tilespmem:s7+$0x4E00]  }
0x2ac: {  	v33 =	vld [tilespmem:s7+$0x4E10]  }
0x2ad: {  	v34 =	vld [tilespmem:s7+$0x4E20]  }
0x2ae: {  	v35 =	vld [tilespmem:s7+$0x4E30]  }
0x2af: {  	v36 =	vld [tilespmem:s7+$0x4E40]  }
0x2b0: {  	v37 =	vld [tilespmem:s7+$0x4E50]  }
0x2b1: {  	v38 =	vld [tilespmem:s7+$0x4E60]  }
0x2b2: {  	[tilespmem:s7+$0x11670] =	vst.add.f32.msk $0xffff, v0  }
0x2b3: {  	[tilespmem:s7+$0x11400] =	vst.add.f32.msk $0xffff, v1  }
0x2b4: {  	[tilespmem:s7+$0x11410] =	vst.add.f32.msk $0xffff, v2  }
0x2b5: {  	[tilespmem:s7+$0x11420] =	vst.add.f32.msk $0xffff, v3  }
0x2b6: {  	[tilespmem:s7+$0x11430] =	vst.add.f32.msk $0xffff, v4  }
0x2b7: {  	[tilespmem:s7+$0x11440] =	vst.add.f32.msk $0xffff, v63  }
0x2b8: {  	[tilespmem:s7+$0x11450] =	vst.add.f32.msk $0xffff, v5  }
0x2b9: {  	[tilespmem:s7+$0x11460] =	vst.add.f32.msk $0xffff, v6  }
0x2ba: {  	[tilespmem:s7+$0x11470] =	vst.add.f32.msk $0xffff, v7  }
0x2bb: {  	[tilespmem:s7+$0x11480] =	vst.add.f32.msk $0xffff, v8  }
0x2bc: {  	[tilespmem:s7+$0x11490] =	vst.add.f32.msk $0xffff, v9  }
0x2bd: {  	[tilespmem:s7+$0x114A0] =	vst.add.f32.msk $0xffff, v10  }
0x2be: {  	[tilespmem:s7+$0x114B0] =	vst.add.f32.msk $0xffff, v11  }
0x2bf: {  	[tilespmem:s7+$0x114C0] =	vst.add.f32.msk $0xffff, v12  }
0x2c0: {  	[tilespmem:s7+$0x114D0] =	vst.add.f32.msk $0xffff, v13  }
0x2c1: {  	[tilespmem:s7+$0x114E0] =	vst.add.f32.msk $0xffff, v14  }
0x2c2: {  	[tilespmem:s7+$0x114F0] =	vst.add.f32.msk $0xffff, v15  }
0x2c3: {  	[tilespmem:s7+$0x11500] =	vst.add.f32.msk $0xffff, v16  }
0x2c4: {  	[tilespmem:s7+$0x11510] =	vst.add.f32.msk $0xffff, v17  }
0x2c5: {  	[tilespmem:s7+$0x11520] =	vst.add.f32.msk $0xffff, v18  }
0x2c6: {  	[tilespmem:s7+$0x11530] =	vst.add.f32.msk $0xffff, v19  }
0x2c7: {  	[tilespmem:s7+$0x11540] =	vst.add.f32.msk $0xffff, v20  }
0x2c8: {  	[tilespmem:s7+$0x11550] =	vst.add.f32.msk $0xffff, v21  }
0x2c9: {  	[tilespmem:s7+$0x11560] =	vst.add.f32.msk $0xffff, v22  }
0x2ca: {  	[tilespmem:s7+$0x11570] =	vst.add.f32.msk $0xffff, v23  }
0x2cb: {  	[tilespmem:s7+$0x11580] =	vst.add.f32.msk $0xffff, v24  }
0x2cc: {  	[tilespmem:s7+$0x11590] =	vst.add.f32.msk $0xffff, v25  }
0x2cd: {  	[tilespmem:s7+$0x115A0] =	vst.add.f32.msk $0xffff, v26  }
0x2ce: {  	[tilespmem:s7+$0x115B0] =	vst.add.f32.msk $0xffff, v27  }
0x2cf: {  	[tilespmem:s7+$0x115C0] =	vst.add.f32.msk $0xffff, v28  }
0x2d0: {  	[tilespmem:s7+$0x115D0] =	vst.add.f32.msk $0xffff, v29  }
0x2d1: {  	[tilespmem:s7+$0x115E0] =	vst.add.f32.msk $0xffff, v30  }
0x2d2: {  	[tilespmem:s7+$0x115F0] =	vst.add.f32.msk $0xffff, v31  }
0x2d3: {  	[tilespmem:s7+$0x11600] =	vst.add.f32.msk $0xffff, v32  }
0x2d4: {  	[tilespmem:s7+$0x11610] =	vst.add.f32.msk $0xffff, v33  }
0x2d5: {  	[tilespmem:s7+$0x11620] =	vst.add.f32.msk $0xffff, v34  }
0x2d6: {  	s3 =	sadd.s32 s11, s0;
	[tilespmem:s7+$0x11630] =	vst.add.f32.msk $0xffff, v35  }
0x2d7: {  	s3 =	sshll.u32 s3, $0x4;
	[tilespmem:s7+$0x11640] =	vst.add.f32.msk $0xffff, v36  }
0x2d8: {  	p0 =	seq.s32 s8, $0xA;
	s3 =	sand.u32 $0x1FFFFFC0, s3;
	[tilespmem:s7+$0x11650] =	vst.add.f32.msk $0xffff, v37  }
.Ltmp10:
0x2d9: {  	s3 =	sadd.s32 s4, s3;
	[tilespmem:s7+$0x11660] =	vst.add.f32.msk $0xffff, v38;
	(pc) =	sbr.rel @p0 .LBB2_24-.Ltmp10, $4  }
0x2da: {  	[hbm4b:s3+s5] =	stream.linear.scatter [tilespmem:s23], [sflag:$0xA], $0x3200, $0x38;
	[tilespmem:$0x1AA00] =	vst v63  }
0x2db: {  	_ =	swait.ge [sflag:s30], $0x3200  }
0x2dc: {  	[sflag:s30] =	ssyncset.done $0x0  }
0x2dd: {  	[sflag:s30] =	ssyncadd.s32 $0xFFFFCE00  }
0x2de: {  	s3 =	sadd.s32 $0x270, s14  }
0x2df: {  	[tilespmem:s16], [sflag:$0x1] =	stream.indirect.gather [hbm4b:s1+s15], $0x80, s3, s15, $0xb8;
	[tilespmem:$0x1AA00] =	vst v63  }
0x2e0: {  	_ =	swait.ge [sflag:s19], $0x3200  }
0x2e1: {  	[sflag:s19] =	ssyncset.done $0x0  }
0x2e2: {  	s7 =	simm.s32 $0x0;
	s3 =	simm.s32 $0xA00;
	[sflag:s19] =	ssyncadd.s32 $0xFFFFCE00  }
.LBB2_20:
0x2e3: {  	p0 =	sne.s32 s3, $0xBE00;
	v0 =	vld [tilespmem:s7+$0x1C70]  }
0x2e4: {  	v1 =	vld [tilespmem:s7+$0x1A00]  }
0x2e5: {  	v2 =	vld [tilespmem:s7+$0x1A10]  }
0x2e6: {  	v3 =	vld [tilespmem:s7+$0x1A20]  }
0x2e7: {  	v4 =	vld [tilespmem:s7+$0x1A30]  }
0x2e8: {  	[tilespmem:s7+$0x14870] =	vst.add.f32.msk $0xffff, v0  }
0x2e9: {  	v0 =	vld [tilespmem:s7+$0x1A40]  }
0x2ea: {  	v5 =	vld [tilespmem:s7+$0x1A50]  }
0x2eb: {  	v6 =	vld [tilespmem:s7+$0x1A60]  }
0x2ec: {  	v7 =	vld [tilespmem:s7+$0x1A70]  }
0x2ed: {  	v8 =	vld [tilespmem:s7+$0x1A80]  }
0x2ee: {  	v9 =	vld [tilespmem:s7+$0x1A90]  }
0x2ef: {  	v10 =	vld [tilespmem:s7+$0x1AA0]  }
0x2f0: {  	v11 =	vld [tilespmem:s7+$0x1AB0]  }
0x2f1: {  	v12 =	vld [tilespmem:s7+$0x1AC0]  }
0x2f2: {  	v13 =	vld [tilespmem:s7+$0x1AD0]  }
0x2f3: {  	v14 =	vld [tilespmem:s7+$0x1AE0]  }
0x2f4: {  	v15 =	vld [tilespmem:s7+$0x1AF0]  }
0x2f5: {  	v16 =	vld [tilespmem:s7+$0x1B00]  }
0x2f6: {  	v17 =	vld [tilespmem:s7+$0x1B10]  }
0x2f7: {  	v18 =	vld [tilespmem:s7+$0x1B20]  }
0x2f8: {  	v19 =	vld [tilespmem:s7+$0x1B30]  }
0x2f9: {  	v20 =	vld [tilespmem:s7+$0x1B40]  }
0x2fa: {  	v21 =	vld [tilespmem:s7+$0x1B50]  }
0x2fb: {  	v22 =	vld [tilespmem:s7+$0x1B60]  }
0x2fc: {  	v23 =	vld [tilespmem:s7+$0x1B70]  }
0x2fd: {  	v24 =	vld [tilespmem:s7+$0x1B80]  }
0x2fe: {  	v25 =	vld [tilespmem:s7+$0x1B90]  }
0x2ff: {  	v26 =	vld [tilespmem:s7+$0x1BA0]  }
0x300: {  	v27 =	vld [tilespmem:s7+$0x1BB0]  }
0x301: {  	v28 =	vld [tilespmem:s7+$0x1BC0]  }
0x302: {  	v29 =	vld [tilespmem:s7+$0x1BD0]  }
0x303: {  	v30 =	vld [tilespmem:s7+$0x1BE0]  }
0x304: {  	v31 =	vld [tilespmem:s7+$0x1BF0]  }
0x305: {  	v32 =	vld [tilespmem:s7+$0x1C00]  }
0x306: {  	v33 =	vld [tilespmem:s7+$0x1C10]  }
0x307: {  	v34 =	vld [tilespmem:s7+$0x1C20]  }
0x308: {  	v35 =	vld [tilespmem:s7+$0x1C30]  }
0x309: {  	v36 =	vld [tilespmem:s7+$0x1C40]  }
0x30a: {  	v37 =	vld [tilespmem:s7+$0x1C50]  }
0x30b: {  	v38 =	vld [tilespmem:s7+$0x1C60]  }
0x30c: {  	[tilespmem:s7+$0x14600] =	vst.add.f32.msk $0xffff, v1  }
0x30d: {  	[tilespmem:s7+$0x14610] =	vst.add.f32.msk $0xffff, v2  }
0x30e: {  	[tilespmem:s7+$0x14620] =	vst.add.f32.msk $0xffff, v3  }
0x30f: {  	[tilespmem:s7+$0x14630] =	vst.add.f32.msk $0xffff, v4  }
0x310: {  	[tilespmem:s7+$0x14640] =	vst.add.f32.msk $0xffff, v0  }
0x311: {  	[tilespmem:s7+$0x14650] =	vst.add.f32.msk $0xffff, v5  }
0x312: {  	[tilespmem:s7+$0x14660] =	vst.add.f32.msk $0xffff, v6  }
0x313: {  	[tilespmem:s7+$0x14670] =	vst.add.f32.msk $0xffff, v7  }
0x314: {  	[tilespmem:s7+$0x14680] =	vst.add.f32.msk $0xffff, v8  }
0x315: {  	[tilespmem:s7+$0x14690] =	vst.add.f32.msk $0xffff, v9  }
0x316: {  	[tilespmem:s7+$0x146A0] =	vst.add.f32.msk $0xffff, v10  }
0x317: {  	[tilespmem:s7+$0x146B0] =	vst.add.f32.msk $0xffff, v11  }
0x318: {  	[tilespmem:s7+$0x146C0] =	vst.add.f32.msk $0xffff, v12  }
0x319: {  	[tilespmem:s7+$0x146D0] =	vst.add.f32.msk $0xffff, v13  }
0x31a: {  	[tilespmem:s7+$0x146E0] =	vst.add.f32.msk $0xffff, v14  }
0x31b: {  	[tilespmem:s7+$0x146F0] =	vst.add.f32.msk $0xffff, v15  }
0x31c: {  	[tilespmem:s7+$0x14700] =	vst.add.f32.msk $0xffff, v16  }
0x31d: {  	[tilespmem:s7+$0x14710] =	vst.add.f32.msk $0xffff, v17  }
0x31e: {  	[tilespmem:s7+$0x14720] =	vst.add.f32.msk $0xffff, v18  }
0x31f: {  	[tilespmem:s7+$0x14730] =	vst.add.f32.msk $0xffff, v19  }
0x320: {  	[tilespmem:s7+$0x14740] =	vst.add.f32.msk $0xffff, v20  }
0x321: {  	[tilespmem:s7+$0x14750] =	vst.add.f32.msk $0xffff, v21  }
0x322: {  	[tilespmem:s7+$0x14760] =	vst.add.f32.msk $0xffff, v22  }
0x323: {  	[tilespmem:s7+$0x14770] =	vst.add.f32.msk $0xffff, v23  }
0x324: {  	[tilespmem:s7+$0x14780] =	vst.add.f32.msk $0xffff, v24  }
0x325: {  	[tilespmem:s7+$0x14790] =	vst.add.f32.msk $0xffff, v25  }
0x326: {  	[tilespmem:s7+$0x147A0] =	vst.add.f32.msk $0xffff, v26  }
0x327: {  	[tilespmem:s7+$0x147B0] =	vst.add.f32.msk $0xffff, v27  }
0x328: {  	[tilespmem:s7+$0x147C0] =	vst.add.f32.msk $0xffff, v28  }
0x329: {  	[tilespmem:s7+$0x147D0] =	vst.add.f32.msk $0xffff, v29  }
0x32a: {  	[tilespmem:s7+$0x147E0] =	vst.add.f32.msk $0xffff, v30  }
0x32b: {  	[tilespmem:s7+$0x147F0] =	vst.add.f32.msk $0xffff, v31  }
0x32c: {  	[tilespmem:s7+$0x14800] =	vst.add.f32.msk $0xffff, v32  }
0x32d: {  	[tilespmem:s7+$0x14810] =	vst.add.f32.msk $0xffff, v33  }
.Ltmp11:
0x32e: {  	[tilespmem:s7+$0x14820] =	vst.add.f32.msk $0xffff, v34;
	(pc) =	sbr.rel @p0 .LBB2_20-.Ltmp11, $4  }
0x32f: {  	[tilespmem:s7+$0x14830] =	vst.add.f32.msk $0xffff, v35  }
0x330: {  	[tilespmem:s7+$0x14840] =	vst.add.f32.msk $0xffff, v36  }
0x331: {  	[tilespmem:s7+$0x14850] =	vst.add.f32.msk $0xffff, v37  }
0x332: {  	[tilespmem:s7+$0x14860] =	vst.add.f32.msk $0xffff, v38;
	s7 =	sshra.s32 s3, $0x2;
	s3 =	sadd.s32 $0xA00, s3  }
0x333: {  	v0 =	vld [tilespmem:s7+$0x1C70]  }
0x334: {  	v1 =	vld [tilespmem:s7+$0x1A00]  }
0x335: {  	v2 =	vld [tilespmem:s7+$0x1A10]  }
0x336: {  	v3 =	vld [tilespmem:s7+$0x1A20]  }
0x337: {  	v4 =	vld [tilespmem:s7+$0x1A30]  }
0x338: {  	v63 =	vld [tilespmem:s7+$0x1A40]  }
0x339: {  	v5 =	vld [tilespmem:s7+$0x1A50]  }
0x33a: {  	v6 =	vld [tilespmem:s7+$0x1A60]  }
0x33b: {  	v7 =	vld [tilespmem:s7+$0x1A70]  }
0x33c: {  	v8 =	vld [tilespmem:s7+$0x1A80]  }
0x33d: {  	v9 =	vld [tilespmem:s7+$0x1A90]  }
0x33e: {  	v10 =	vld [tilespmem:s7+$0x1AA0]  }
0x33f: {  	v11 =	vld [tilespmem:s7+$0x1AB0]  }
0x340: {  	v12 =	vld [tilespmem:s7+$0x1AC0]  }
0x341: {  	v13 =	vld [tilespmem:s7+$0x1AD0]  }
0x342: {  	v14 =	vld [tilespmem:s7+$0x1AE0]  }
0x343: {  	v15 =	vld [tilespmem:s7+$0x1AF0]  }
0x344: {  	v16 =	vld [tilespmem:s7+$0x1B00]  }
0x345: {  	v17 =	vld [tilespmem:s7+$0x1B10]  }
0x346: {  	v18 =	vld [tilespmem:s7+$0x1B20]  }
0x347: {  	v19 =	vld [tilespmem:s7+$0x1B30]  }
0x348: {  	v20 =	vld [tilespmem:s7+$0x1B40]  }
0x349: {  	v21 =	vld [tilespmem:s7+$0x1B50]  }
0x34a: {  	v22 =	vld [tilespmem:s7+$0x1B60]  }
0x34b: {  	v23 =	vld [tilespmem:s7+$0x1B70]  }
0x34c: {  	v24 =	vld [tilespmem:s7+$0x1B80]  }
0x34d: {  	v25 =	vld [tilespmem:s7+$0x1B90]  }
0x34e: {  	v26 =	vld [tilespmem:s7+$0x1BA0]  }
0x34f: {  	v27 =	vld [tilespmem:s7+$0x1BB0]  }
0x350: {  	v28 =	vld [tilespmem:s7+$0x1BC0]  }
0x351: {  	v29 =	vld [tilespmem:s7+$0x1BD0]  }
0x352: {  	v30 =	vld [tilespmem:s7+$0x1BE0]  }
0x353: {  	v31 =	vld [tilespmem:s7+$0x1BF0]  }
0x354: {  	v32 =	vld [tilespmem:s7+$0x1C00]  }
0x355: {  	v33 =	vld [tilespmem:s7+$0x1C10]  }
0x356: {  	v34 =	vld [tilespmem:s7+$0x1C20]  }
0x357: {  	v35 =	vld [tilespmem:s7+$0x1C30]  }
0x358: {  	v36 =	vld [tilespmem:s7+$0x1C40]  }
0x359: {  	v37 =	vld [tilespmem:s7+$0x1C50]  }
0x35a: {  	v38 =	vld [tilespmem:s7+$0x1C60]  }
0x35b: {  	[tilespmem:s7+$0x14870] =	vst.add.f32.msk $0xffff, v0  }
0x35c: {  	[tilespmem:s7+$0x14600] =	vst.add.f32.msk $0xffff, v1  }
0x35d: {  	[tilespmem:s7+$0x14610] =	vst.add.f32.msk $0xffff, v2  }
0x35e: {  	[tilespmem:s7+$0x14620] =	vst.add.f32.msk $0xffff, v3  }
0x35f: {  	[tilespmem:s7+$0x14630] =	vst.add.f32.msk $0xffff, v4  }
0x360: {  	[tilespmem:s7+$0x14640] =	vst.add.f32.msk $0xffff, v63  }
0x361: {  	[tilespmem:s7+$0x14650] =	vst.add.f32.msk $0xffff, v5  }
0x362: {  	[tilespmem:s7+$0x14660] =	vst.add.f32.msk $0xffff, v6  }
0x363: {  	[tilespmem:s7+$0x14670] =	vst.add.f32.msk $0xffff, v7  }
0x364: {  	[tilespmem:s7+$0x14680] =	vst.add.f32.msk $0xffff, v8  }
0x365: {  	[tilespmem:s7+$0x14690] =	vst.add.f32.msk $0xffff, v9  }
0x366: {  	[tilespmem:s7+$0x146A0] =	vst.add.f32.msk $0xffff, v10  }
0x367: {  	[tilespmem:s7+$0x146B0] =	vst.add.f32.msk $0xffff, v11  }
0x368: {  	[tilespmem:s7+$0x146C0] =	vst.add.f32.msk $0xffff, v12  }
0x369: {  	[tilespmem:s7+$0x146D0] =	vst.add.f32.msk $0xffff, v13  }
0x36a: {  	[tilespmem:s7+$0x146E0] =	vst.add.f32.msk $0xffff, v14  }
0x36b: {  	[tilespmem:s7+$0x146F0] =	vst.add.f32.msk $0xffff, v15  }
0x36c: {  	[tilespmem:s7+$0x14700] =	vst.add.f32.msk $0xffff, v16  }
0x36d: {  	[tilespmem:s7+$0x14710] =	vst.add.f32.msk $0xffff, v17  }
0x36e: {  	[tilespmem:s7+$0x14720] =	vst.add.f32.msk $0xffff, v18  }
0x36f: {  	[tilespmem:s7+$0x14730] =	vst.add.f32.msk $0xffff, v19  }
0x370: {  	[tilespmem:s7+$0x14740] =	vst.add.f32.msk $0xffff, v20  }
0x371: {  	[tilespmem:s7+$0x14750] =	vst.add.f32.msk $0xffff, v21  }
0x372: {  	[tilespmem:s7+$0x14760] =	vst.add.f32.msk $0xffff, v22  }
0x373: {  	[tilespmem:s7+$0x14770] =	vst.add.f32.msk $0xffff, v23  }
0x374: {  	[tilespmem:s7+$0x14780] =	vst.add.f32.msk $0xffff, v24  }
0x375: {  	[tilespmem:s7+$0x14790] =	vst.add.f32.msk $0xffff, v25  }
0x376: {  	[tilespmem:s7+$0x147A0] =	vst.add.f32.msk $0xffff, v26  }
0x377: {  	[tilespmem:s7+$0x147B0] =	vst.add.f32.msk $0xffff, v27  }
0x378: {  	[tilespmem:s7+$0x147C0] =	vst.add.f32.msk $0xffff, v28  }
0x379: {  	[tilespmem:s7+$0x147D0] =	vst.add.f32.msk $0xffff, v29  }
0x37a: {  	[tilespmem:s7+$0x147E0] =	vst.add.f32.msk $0xffff, v30  }
0x37b: {  	[tilespmem:s7+$0x147F0] =	vst.add.f32.msk $0xffff, v31  }
0x37c: {  	[tilespmem:s7+$0x14800] =	vst.add.f32.msk $0xffff, v32  }
0x37d: {  	[tilespmem:s7+$0x14810] =	vst.add.f32.msk $0xffff, v33  }
0x37e: {  	[tilespmem:s7+$0x14820] =	vst.add.f32.msk $0xffff, v34  }
0x37f: {  	s3 =	sadd.s32 s12, s0;
	[tilespmem:s7+$0x14830] =	vst.add.f32.msk $0xffff, v35  }
0x380: {  	s3 =	sshll.u32 s3, $0x4;
	[tilespmem:s7+$0x14840] =	vst.add.f32.msk $0xffff, v36  }
0x381: {  	s3 =	sand.u32 $0x1FFFFF80, s3;
	[tilespmem:s7+$0x14850] =	vst.add.f32.msk $0xffff, v37  }
0x382: {  	s3 =	sadd.s32 s4, s3;
	[tilespmem:s7+$0x14860] =	vst.add.f32.msk $0xffff, v38;
	s7 =	simm.s32 $0x0  }
0x383: {  	[hbm4b:s3+s7] =	stream.linear.scatter [tilespmem:s25], [sflag:$0xB], $0x3200, $0x38;
	[tilespmem:$0x1AA00] =	vst v63  }
0x384: {  	_ =	swait.ge [sflag:s31], $0x3200  }
0x385: {  	[sflag:s31] =	ssyncset.done $0x0  }
0x386: {  	s7 =	sadd.s32 $0x2D8, s14;
	[sflag:s31] =	ssyncadd.s32 $0xFFFFCE00  }
0x387: {  	[tilespmem:s18], [sflag:$0x2] =	stream.indirect.gather [hbm4b:s1+s15], $0x80, s7, s15, $0xb8;
	[tilespmem:$0x1AA00] =	vst v63  }
0x388: {  	_ =	swait.ge [sflag:s21], $0x3200  }
0x389: {  	[sflag:s21] =	ssyncset.done $0x0  }
0x38a: {  	s3 =	simm.s32 $0xA00;
	s7 =	simm.s32 $0x0;
	[sflag:s21] =	ssyncadd.s32 $0xFFFFCE00  }
.LBB2_22:
0x38b: {  	p0 =	sne.s32 s3, $0xBE00;
	v0 =	vld [tilespmem:s7+$0x4E70]  }
0x38c: {  	v1 =	vld [tilespmem:s7+$0x4C00]  }
0x38d: {  	v2 =	vld [tilespmem:s7+$0x4C10]  }
0x38e: {  	v3 =	vld [tilespmem:s7+$0x4C20]  }
0x38f: {  	v4 =	vld [tilespmem:s7+$0x4C30]  }
0x390: {  	[tilespmem:s7+$0x17A70] =	vst.add.f32.msk $0xffff, v0  }
0x391: {  	v0 =	vld [tilespmem:s7+$0x4C40]  }
0x392: {  	v5 =	vld [tilespmem:s7+$0x4C50]  }
0x393: {  	v6 =	vld [tilespmem:s7+$0x4C60]  }
0x394: {  	v7 =	vld [tilespmem:s7+$0x4C70]  }
0x395: {  	v8 =	vld [tilespmem:s7+$0x4C80]  }
0x396: {  	v9 =	vld [tilespmem:s7+$0x4C90]  }
0x397: {  	v10 =	vld [tilespmem:s7+$0x4CA0]  }
0x398: {  	v11 =	vld [tilespmem:s7+$0x4CB0]  }
0x399: {  	v12 =	vld [tilespmem:s7+$0x4CC0]  }
0x39a: {  	v13 =	vld [tilespmem:s7+$0x4CD0]  }
0x39b: {  	v14 =	vld [tilespmem:s7+$0x4CE0]  }
0x39c: {  	v15 =	vld [tilespmem:s7+$0x4CF0]  }
0x39d: {  	v16 =	vld [tilespmem:s7+$0x4D00]  }
0x39e: {  	v17 =	vld [tilespmem:s7+$0x4D10]  }
0x39f: {  	v18 =	vld [tilespmem:s7+$0x4D20]  }
0x3a0: {  	v19 =	vld [tilespmem:s7+$0x4D30]  }
0x3a1: {  	v20 =	vld [tilespmem:s7+$0x4D40]  }
0x3a2: {  	v21 =	vld [tilespmem:s7+$0x4D50]  }
0x3a3: {  	v22 =	vld [tilespmem:s7+$0x4D60]  }
0x3a4: {  	v23 =	vld [tilespmem:s7+$0x4D70]  }
0x3a5: {  	v24 =	vld [tilespmem:s7+$0x4D80]  }
0x3a6: {  	v25 =	vld [tilespmem:s7+$0x4D90]  }
0x3a7: {  	v26 =	vld [tilespmem:s7+$0x4DA0]  }
0x3a8: {  	v27 =	vld [tilespmem:s7+$0x4DB0]  }
0x3a9: {  	v28 =	vld [tilespmem:s7+$0x4DC0]  }
0x3aa: {  	v29 =	vld [tilespmem:s7+$0x4DD0]  }
0x3ab: {  	v30 =	vld [tilespmem:s7+$0x4DE0]  }
0x3ac: {  	v31 =	vld [tilespmem:s7+$0x4DF0]  }
0x3ad: {  	v32 =	vld [tilespmem:s7+$0x4E00]  }
0x3ae: {  	v33 =	vld [tilespmem:s7+$0x4E10]  }
0x3af: {  	v34 =	vld [tilespmem:s7+$0x4E20]  }
0x3b0: {  	v35 =	vld [tilespmem:s7+$0x4E30]  }
0x3b1: {  	v36 =	vld [tilespmem:s7+$0x4E40]  }
0x3b2: {  	v37 =	vld [tilespmem:s7+$0x4E50]  }
0x3b3: {  	v38 =	vld [tilespmem:s7+$0x4E60]  }
0x3b4: {  	[tilespmem:s7+$0x17800] =	vst.add.f32.msk $0xffff, v1  }
0x3b5: {  	[tilespmem:s7+$0x17810] =	vst.add.f32.msk $0xffff, v2  }
0x3b6: {  	[tilespmem:s7+$0x17820] =	vst.add.f32.msk $0xffff, v3  }
0x3b7: {  	[tilespmem:s7+$0x17830] =	vst.add.f32.msk $0xffff, v4  }
0x3b8: {  	[tilespmem:s7+$0x17840] =	vst.add.f32.msk $0xffff, v0  }
0x3b9: {  	[tilespmem:s7+$0x17850] =	vst.add.f32.msk $0xffff, v5  }
0x3ba: {  	[tilespmem:s7+$0x17860] =	vst.add.f32.msk $0xffff, v6  }
0x3bb: {  	[tilespmem:s7+$0x17870] =	vst.add.f32.msk $0xffff, v7  }
0x3bc: {  	[tilespmem:s7+$0x17880] =	vst.add.f32.msk $0xffff, v8  }
0x3bd: {  	[tilespmem:s7+$0x17890] =	vst.add.f32.msk $0xffff, v9  }
0x3be: {  	[tilespmem:s7+$0x178A0] =	vst.add.f32.msk $0xffff, v10  }
0x3bf: {  	[tilespmem:s7+$0x178B0] =	vst.add.f32.msk $0xffff, v11  }
0x3c0: {  	[tilespmem:s7+$0x178C0] =	vst.add.f32.msk $0xffff, v12  }
0x3c1: {  	[tilespmem:s7+$0x178D0] =	vst.add.f32.msk $0xffff, v13  }
0x3c2: {  	[tilespmem:s7+$0x178E0] =	vst.add.f32.msk $0xffff, v14  }
0x3c3: {  	[tilespmem:s7+$0x178F0] =	vst.add.f32.msk $0xffff, v15  }
0x3c4: {  	[tilespmem:s7+$0x17900] =	vst.add.f32.msk $0xffff, v16  }
0x3c5: {  	[tilespmem:s7+$0x17910] =	vst.add.f32.msk $0xffff, v17  }
0x3c6: {  	[tilespmem:s7+$0x17920] =	vst.add.f32.msk $0xffff, v18  }
0x3c7: {  	[tilespmem:s7+$0x17930] =	vst.add.f32.msk $0xffff, v19  }
0x3c8: {  	[tilespmem:s7+$0x17940] =	vst.add.f32.msk $0xffff, v20  }
0x3c9: {  	[tilespmem:s7+$0x17950] =	vst.add.f32.msk $0xffff, v21  }
0x3ca: {  	[tilespmem:s7+$0x17960] =	vst.add.f32.msk $0xffff, v22  }
0x3cb: {  	[tilespmem:s7+$0x17970] =	vst.add.f32.msk $0xffff, v23  }
0x3cc: {  	[tilespmem:s7+$0x17980] =	vst.add.f32.msk $0xffff, v24  }
0x3cd: {  	[tilespmem:s7+$0x17990] =	vst.add.f32.msk $0xffff, v25  }
0x3ce: {  	[tilespmem:s7+$0x179A0] =	vst.add.f32.msk $0xffff, v26  }
0x3cf: {  	[tilespmem:s7+$0x179B0] =	vst.add.f32.msk $0xffff, v27  }
0x3d0: {  	[tilespmem:s7+$0x179C0] =	vst.add.f32.msk $0xffff, v28  }
0x3d1: {  	[tilespmem:s7+$0x179D0] =	vst.add.f32.msk $0xffff, v29  }
0x3d2: {  	[tilespmem:s7+$0x179E0] =	vst.add.f32.msk $0xffff, v30  }
0x3d3: {  	[tilespmem:s7+$0x179F0] =	vst.add.f32.msk $0xffff, v31  }
0x3d4: {  	[tilespmem:s7+$0x17A00] =	vst.add.f32.msk $0xffff, v32  }
0x3d5: {  	[tilespmem:s7+$0x17A10] =	vst.add.f32.msk $0xffff, v33  }
.Ltmp12:
0x3d6: {  	[tilespmem:s7+$0x17A20] =	vst.add.f32.msk $0xffff, v34;
	(pc) =	sbr.rel @p0 .LBB2_22-.Ltmp12, $4  }
0x3d7: {  	[tilespmem:s7+$0x17A30] =	vst.add.f32.msk $0xffff, v35  }
0x3d8: {  	[tilespmem:s7+$0x17A40] =	vst.add.f32.msk $0xffff, v36  }
0x3d9: {  	[tilespmem:s7+$0x17A50] =	vst.add.f32.msk $0xffff, v37  }
0x3da: {  	[tilespmem:s7+$0x17A60] =	vst.add.f32.msk $0xffff, v38;
	s7 =	sshra.s32 s3, $0x2;
	s3 =	sadd.s32 $0xA00, s3  }
0x3db: {  	v0 =	vld [tilespmem:s7+$0x4E70]  }
0x3dc: {  	v1 =	vld [tilespmem:s7+$0x4C00]  }
0x3dd: {  	v2 =	vld [tilespmem:s7+$0x4C10]  }
0x3de: {  	v3 =	vld [tilespmem:s7+$0x4C20]  }
0x3df: {  	v4 =	vld [tilespmem:s7+$0x4C30]  }
0x3e0: {  	v63 =	vld [tilespmem:s7+$0x4C40]  }
0x3e1: {  	v5 =	vld [tilespmem:s7+$0x4C50]  }
0x3e2: {  	v6 =	vld [tilespmem:s7+$0x4C60]  }
0x3e3: {  	v7 =	vld [tilespmem:s7+$0x4C70]  }
0x3e4: {  	v8 =	vld [tilespmem:s7+$0x4C80]  }
0x3e5: {  	v9 =	vld [tilespmem:s7+$0x4C90]  }
0x3e6: {  	v10 =	vld [tilespmem:s7+$0x4CA0]  }
0x3e7: {  	v11 =	vld [tilespmem:s7+$0x4CB0]  }
0x3e8: {  	v12 =	vld [tilespmem:s7+$0x4CC0]  }
0x3e9: {  	v13 =	vld [tilespmem:s7+$0x4CD0]  }
0x3ea: {  	v14 =	vld [tilespmem:s7+$0x4CE0]  }
0x3eb: {  	v15 =	vld [tilespmem:s7+$0x4CF0]  }
0x3ec: {  	v16 =	vld [tilespmem:s7+$0x4D00]  }
0x3ed: {  	v17 =	vld [tilespmem:s7+$0x4D10]  }
0x3ee: {  	v18 =	vld [tilespmem:s7+$0x4D20]  }
0x3ef: {  	v19 =	vld [tilespmem:s7+$0x4D30]  }
0x3f0: {  	v20 =	vld [tilespmem:s7+$0x4D40]  }
0x3f1: {  	v21 =	vld [tilespmem:s7+$0x4D50]  }
0x3f2: {  	v22 =	vld [tilespmem:s7+$0x4D60]  }
0x3f3: {  	v23 =	vld [tilespmem:s7+$0x4D70]  }
0x3f4: {  	v24 =	vld [tilespmem:s7+$0x4D80]  }
0x3f5: {  	v25 =	vld [tilespmem:s7+$0x4D90]  }
0x3f6: {  	v26 =	vld [tilespmem:s7+$0x4DA0]  }
0x3f7: {  	v27 =	vld [tilespmem:s7+$0x4DB0]  }
0x3f8: {  	v28 =	vld [tilespmem:s7+$0x4DC0]  }
0x3f9: {  	v29 =	vld [tilespmem:s7+$0x4DD0]  }
0x3fa: {  	v30 =	vld [tilespmem:s7+$0x4DE0]  }
0x3fb: {  	v31 =	vld [tilespmem:s7+$0x4DF0]  }
0x3fc: {  	v32 =	vld [tilespmem:s7+$0x4E00]  }
0x3fd: {  	v33 =	vld [tilespmem:s7+$0x4E10]  }
0x3fe: {  	v34 =	vld [tilespmem:s7+$0x4E20]  }
0x3ff: {  	v35 =	vld [tilespmem:s7+$0x4E30]  }
0x400: {  	v36 =	vld [tilespmem:s7+$0x4E40]  }
0x401: {  	v37 =	vld [tilespmem:s7+$0x4E50]  }
0x402: {  	v38 =	vld [tilespmem:s7+$0x4E60]  }
0x403: {  	[tilespmem:s7+$0x17A70] =	vst.add.f32.msk $0xffff, v0  }
0x404: {  	[tilespmem:s7+$0x17800] =	vst.add.f32.msk $0xffff, v1  }
0x405: {  	[tilespmem:s7+$0x17810] =	vst.add.f32.msk $0xffff, v2  }
0x406: {  	[tilespmem:s7+$0x17820] =	vst.add.f32.msk $0xffff, v3  }
0x407: {  	[tilespmem:s7+$0x17830] =	vst.add.f32.msk $0xffff, v4  }
0x408: {  	[tilespmem:s7+$0x17840] =	vst.add.f32.msk $0xffff, v63  }
0x409: {  	[tilespmem:s7+$0x17850] =	vst.add.f32.msk $0xffff, v5  }
0x40a: {  	[tilespmem:s7+$0x17860] =	vst.add.f32.msk $0xffff, v6  }
0x40b: {  	[tilespmem:s7+$0x17870] =	vst.add.f32.msk $0xffff, v7  }
0x40c: {  	[tilespmem:s7+$0x17880] =	vst.add.f32.msk $0xffff, v8  }
0x40d: {  	[tilespmem:s7+$0x17890] =	vst.add.f32.msk $0xffff, v9  }
0x40e: {  	[tilespmem:s7+$0x178A0] =	vst.add.f32.msk $0xffff, v10  }
0x40f: {  	[tilespmem:s7+$0x178B0] =	vst.add.f32.msk $0xffff, v11  }
0x410: {  	[tilespmem:s7+$0x178C0] =	vst.add.f32.msk $0xffff, v12  }
0x411: {  	[tilespmem:s7+$0x178D0] =	vst.add.f32.msk $0xffff, v13  }
0x412: {  	[tilespmem:s7+$0x178E0] =	vst.add.f32.msk $0xffff, v14  }
0x413: {  	[tilespmem:s7+$0x178F0] =	vst.add.f32.msk $0xffff, v15  }
0x414: {  	[tilespmem:s7+$0x17900] =	vst.add.f32.msk $0xffff, v16  }
0x415: {  	[tilespmem:s7+$0x17910] =	vst.add.f32.msk $0xffff, v17  }
0x416: {  	[tilespmem:s7+$0x17920] =	vst.add.f32.msk $0xffff, v18  }
0x417: {  	[tilespmem:s7+$0x17930] =	vst.add.f32.msk $0xffff, v19  }
0x418: {  	[tilespmem:s7+$0x17940] =	vst.add.f32.msk $0xffff, v20  }
0x419: {  	[tilespmem:s7+$0x17950] =	vst.add.f32.msk $0xffff, v21  }
0x41a: {  	[tilespmem:s7+$0x17960] =	vst.add.f32.msk $0xffff, v22  }
0x41b: {  	[tilespmem:s7+$0x17970] =	vst.add.f32.msk $0xffff, v23  }
0x41c: {  	[tilespmem:s7+$0x17980] =	vst.add.f32.msk $0xffff, v24  }
0x41d: {  	[tilespmem:s7+$0x17990] =	vst.add.f32.msk $0xffff, v25  }
0x41e: {  	[tilespmem:s7+$0x179A0] =	vst.add.f32.msk $0xffff, v26  }
0x41f: {  	[tilespmem:s7+$0x179B0] =	vst.add.f32.msk $0xffff, v27  }
0x420: {  	[tilespmem:s7+$0x179C0] =	vst.add.f32.msk $0xffff, v28  }
0x421: {  	[tilespmem:s7+$0x179D0] =	vst.add.f32.msk $0xffff, v29  }
0x422: {  	[tilespmem:s7+$0x179E0] =	vst.add.f32.msk $0xffff, v30  }
0x423: {  	[tilespmem:s7+$0x179F0] =	vst.add.f32.msk $0xffff, v31  }
0x424: {  	[tilespmem:s7+$0x17A00] =	vst.add.f32.msk $0xffff, v32  }
0x425: {  	[tilespmem:s7+$0x17A10] =	vst.add.f32.msk $0xffff, v33  }
0x426: {  	[tilespmem:s7+$0x17A20] =	vst.add.f32.msk $0xffff, v34  }
0x427: {  	s0 =	sadd.s32 s13, s0;
	[tilespmem:s7+$0x17A30] =	vst.add.f32.msk $0xffff, v35  }
0x428: {  	s0 =	sshll.u32 s0, $0x4;
	[tilespmem:s7+$0x17A40] =	vst.add.f32.msk $0xffff, v36  }
0x429: {  	s0 =	sand.u32 $0x1FFFFFC0, s0;
	[tilespmem:s7+$0x17A50] =	vst.add.f32.msk $0xffff, v37  }
0x42a: {  	s0 =	sadd.s32 s4, s0;
	[tilespmem:s7+$0x17A60] =	vst.add.f32.msk $0xffff, v38  }
0x42b: {  	[hbm4b:s0+s5] =	stream.linear.scatter [tilespmem:s28], [sflag:$0xC], $0x3200, $0x38;
	[tilespmem:$0x1AA00] =	vst v63  }
.Ltmp13:
0x42c: {  	_ = 	snop;
	(pc) =	sbr.rel .LBB2_2-.Ltmp13, $4  }
0x42d: {  	_ =	swait.ge [sflag:s2], $0x3200  }
0x42e: {  	[sflag:s2] =	ssyncset.done $0x0  }
0x42f: {  	s14 =	sadd.s32 $0x340, s14;
	s8 =	sadd.s32 $0x1, s8;
	[sflag:s2] =	ssyncadd.s32 $0xFFFFCE00  }
0x430: {  	[tilespmem:s20], [sflag:$0x3] =	stream.indirect.gather [hbm4b:s1+s15], $0x80, s14, s15, $0xb8;
	[tilespmem:$0x1AA00] =	vst v63  }
.LBB2_25:
0x431: {  	_ =	sfence.sel $0x180000  }
0x432: {  	[bflag:$0x0] =	sbarrier.arrive $0xFFFF  }
0x433: {  	_ =	strace $0x90000047  }
0x434: {  	s0 =	stileid.u32;
	[bflag:$0x2] =	sbarrier.arrive $0xFFFF  }
0x435: {  	p0 =	sne.s32 s0, $0x0;
	s0 =	rddreg [dreg:$0x4]  }
0x436: {  	s0 =	sadd.s32 @!p0 $0x100000, s0  }
0x437: {  	[sflag:s0] =	ssyncadd.tile.s32 @!p0 $0x1;
	_ =	shalt  }
.Lfunc_end2:
_tile_overlayer_lowered:
.L_overlay_start_2:
0x438: {  	(tag) =	ssettag $0x2  }
0x439: {  	s0 =	rddreg [dreg:$0x0];
	s2 =	stileid.u32  }
0x43a: {  	s1 =	rddreg [dreg:$0x1];
	p0 =	sne.s32 s2, $0x0  }
0x43b: {  	s3 =	rddreg [dreg:$0x2];
	[bflag:$0x3] =	sbarrier.arrive $0xFFFF;
	s2 =	simm.s32 @!p0 $0x1C0D  }
0x43c: {  	[timem:s3], [sflag:s2] =	dma.local @!p0 [hbm:s0], s1  }
0x43d: {  	s0 =	simm.s32 @!p0 $0xD  }
0x43e: {  	_ =	swait.ge @!p0 [sflag:s0], s1  }
0x43f: {  	s1 =	ssub.s32 @!p0 $0x0, s1;
	[sflag:s0] =	ssyncset.done @!p0 $0x0  }
0x440: {  	[sflag:s0] =	ssyncadd.s32 @!p0 s1  }
0x441: {  	[bflag:$0x3] =	sbarrier.arrive $0xFFFF  }
0x442: {  	_ =	shalt  }

</sc_bundles>
